<compile_context>
chip_gen: v7x
topology: tpu7x:2x2x1
jax: 0.10.2.dev20260603
libtpu: 0.0.44.dev20260713+nightly
codegen_flags: <defaults>
</compile_context>

<pallas_src>
import functools

import numpy as np
import jax
import jax.numpy as jnp
from jax import lax
from jax.experimental import pallas as pl
from jax.experimental.pallas import tpu as pltpu
from jax.experimental.pallas import tpu_sc as plsc

_NUM_CLASSES = 80
_NUM_FG = 128
_NUM_BG = 384
_P = 20000
_G = 64
_NW = 16
_PP = 20480
_CHUNK = _PP // _NW
_VPC = _CHUNK // 16
_ROWS = _PP // 128
_TC_TILE = 40
_DUMP = _NUM_FG + _NUM_BG


def _rotl(x, r):
    return ((x << np.uint32(r)) | (x >> np.uint32(32 - r))) & np.uint32(0xFFFFFFFF)


def _threefry2x32(key0, key1, x0, x1):
    ks0 = np.uint32(key0)
    ks1 = np.uint32(key1)
    ks2 = ks0 ^ ks1 ^ np.uint32(0x1BD11BDA)
    x0 = (x0 + ks0).astype(np.uint32)
    x1 = (x1 + ks1).astype(np.uint32)
    rots = ([13, 15, 26, 6], [17, 29, 16, 24])
    inj = [(ks1, ks2), (ks2, ks0), (ks0, ks1), (ks1, ks2), (ks2, ks0)]
    for i in range(5):
        for r in rots[i % 2]:
            x0 = (x0 + x1).astype(np.uint32)
            x1 = _rotl(x1, r)
            x1 = x1 ^ x0
        a, b = inj[i]
        x0 = (x0 + a).astype(np.uint32)
        x1 = (x1 + b + np.uint32(i + 1)).astype(np.uint32)
    return x0, x1


def _fry_uniform(key, n):
    o0, o1 = _threefry2x32(key[0], key[1],
                           np.zeros(n, np.uint32), np.arange(n, dtype=np.uint32))
    bits = o0 ^ o1
    return ((bits >> np.uint32(9)) | np.uint32(0x3F800000)).view(np.float32) \
        - np.float32(1.0)


@functools.cache
def _perm_consts():
    o0, o1 = _threefry2x32(np.uint32(0), np.uint32(1),
                           np.zeros(2, np.uint32), np.arange(2, dtype=np.uint32))
    u1 = _fry_uniform((o0[0], o1[0]), _P)
    u2 = _fry_uniform((o0[1], o1[1]), _P)
    keys = [
        (np.float32(1.0) + u1),
        u1,
        (np.float32(1.0) + u2),
        u2,
    ]
    pad = np.arange(_P, _PP, dtype=np.int32)
    return [np.concatenate([np.argsort(-k, kind="stable").astype(np.int32), pad])
            for k in keys]


def _iou_body(pbt_ref, gt_ref, vals_ref, idxs_ref, lab_ref):
    x0 = pbt_ref[0]
    y0 = pbt_ref[1]
    x1 = pbt_ref[2]
    y1 = pbt_ref[3]
    area2 = (x1 - x0) * (y1 - y0)

    vals = jnp.zeros(x0.shape, jnp.float32)
    idxs = jnp.zeros(x0.shape, jnp.int32)
    for g in range(_G):
        gx0 = gt_ref[g, 0]
        gy0 = gt_ref[g, 1]
        gx1 = gt_ref[g, 2]
        gy1 = gt_ref[g, 3]
        a1 = (gx1 - gx0) * (gy1 - gy0)
        w = jnp.maximum(jnp.minimum(gx1, x1) - jnp.maximum(gx0, x0), 0.0)
        h = jnp.maximum(jnp.minimum(gy1, y1) - jnp.maximum(gy0, y0), 0.0)
        inter = w * h
        iou = inter / ((a1 + area2) - inter)
        better = iou > vals
        vals = jnp.where(better, iou, vals)
        idxs = jnp.where(better, g, idxs)
    vals_ref[...] = vals
    idxs_ref[...] = idxs
    r = lax.broadcasted_iota(jnp.int32, x0.shape, 0)
    c = lax.broadcasted_iota(jnp.int32, x0.shape, 1)
    gidx = (pl.program_id(0) * _TC_TILE + r) * 128 + c
    fg = (vals >= 0.5).astype(jnp.int32)
    lab_ref[...] = jnp.where(gidx < _P, fg, -1)


def _iou_call(pbt, gt_boxes):
    n_steps = _ROWS // _TC_TILE
    return pl.pallas_call(
        _iou_body,
        grid=(n_steps,),
        in_specs=[
            pl.BlockSpec((4, _TC_TILE, 128), lambda i: (0, i, 0)),
            pl.BlockSpec(memory_space=pltpu.SMEM),
        ],
        out_specs=[
            pl.BlockSpec((_TC_TILE, 128), lambda i: (i, 0)),
            pl.BlockSpec((_TC_TILE, 128), lambda i: (i, 0)),
            pl.BlockSpec((_TC_TILE, 128), lambda i: (i, 0)),
        ],
        out_shape=[
            jax.ShapeDtypeStruct((_ROWS, 128), jnp.float32),
            jax.ShapeDtypeStruct((_ROWS, 128), jnp.int32),
            jax.ShapeDtypeStruct((_ROWS, 128), jnp.int32),
        ],
    )(pbt, gt_boxes)


_STREAMS = (
    (1, _NUM_FG, 0),
    (0, _NUM_FG, 0),
    (0, _NUM_BG, _NUM_FG),
    (1, _NUM_BG, _NUM_FG),
)


def _lane(v, s):
    return jnp.sum(jnp.where(lax.iota(jnp.int32, 16) == s, v, 0))


def _first(v):
    return lax.squeeze(lax.slice(v, (0,), (1,)), (0,))


def _sc_body(vals_hbm, idxs_hbm, lab_hbm, perm_hbm,
             pb0_hbm, pb1_hbm, pb2_hbm, pb3_hbm,
             gt0_hbm, gt1_hbm, gt2_hbm, gt3_hbm, gtc_hbm,
             out_hbm, cls_hbm,
             label_v, perm0_v, perm1_v, perm2_v, perm3_v,
             lst0, lst1, lst2, lst3,
             pos0, pos1, pos2, pos3,
             cnt_v, allc_v,
             sidx_v, sp0_v, sp1_v, sp2_v, sp3_v, sv_v, mi_v,
             sg0_v, sg1_v, sg2_v, sg3_v, sc_v, outbuf, cls_v,
             counts_sh, sidx_sh, sem):
    wid = lax.axis_index("s")
    lane = lax.iota(jnp.int32, 16)

    perm_vs = (perm0_v, perm1_v, perm2_v, perm3_v)
    lsts = (lst0, lst1, lst2, lst3)
    poss = (pos0, pos1, pos2, pos3)
    descs = [pltpu.async_copy(lab_hbm, label_v, sem)]
    for s in range(4):
        descs.append(pltpu.async_copy(
            perm_hbm.at[pl.ds(s * _PP + wid * _CHUNK, _CHUNK)], perm_vs[s], sem))
    for d in descs:
        d.wait()

    def scan_one(s, cnt, j):
        target, cap, _ = _STREAMS[s]
        idxv = perm_vs[s][pl.ds(j * 16, 16)]
        labv = plsc.load_gather(label_v, [idxv])
        m = labv == target
        off = jnp.minimum(cnt, cap)
        plsc.store_compressed(lsts[s].at[pl.ds(off, 16)], idxv, mask=m)
        return cnt + _first(plsc.all_reduce_population_count(m))

    def cbody(j, cnts):
        cA1, cA2 = cnts
        for u in range(2):
            cA1 = scan_one(0, cA1, j * 2 + u)
            cA2 = scan_one(2, cA2, j * 2 + u)
        return cA1, cA2

    cA1, cA2 = lax.fori_loop(0, _VPC // 2, cbody, (jnp.int32(0),) * 2)

    cnt_v[...] = jnp.where(lane == 0, cA1, 0) + jnp.where(lane == 2, cA2, 0)
    pltpu.sync_copy(cnt_v, counts_sh.at[wid])
    plsc.subcore_barrier()
    pltpu.sync_copy(counts_sh, allc_v)
    base_vec = jnp.zeros((16,), jnp.int32)
    tot_vec = jnp.zeros((16,), jnp.int32)
    for w2 in range(_NW):
        row = allc_v[w2]
        base_vec = base_vec + jnp.where(jnp.int32(w2) < wid, row, 0)
        tot_vec = tot_vec + row
    baseA1 = _lane(base_vec, 0)
    baseA2 = _lane(base_vec, 2)
    tot_fg = _lane(tot_vec, 0)
    tot_bg = _lane(tot_vec, 2)

    def build_pos(s, base, c_self, shift):
        _, cap, out_off = _STREAMS[s]
        for k in range(cap // 128):
            for jj in range(8):
                jvec = k * 128 + jj * 16 + lane
                gpos = shift + base + jvec
                m = (jvec < c_self) & (gpos < cap)
                poss[s][k, pl.ds(jj * 16, 16)] = \
                    jnp.where(m, gpos + out_off, _DUMP)

    def fire_scatter(s):
        _, cap, _ = _STREAMS[s]
        return [pltpu.async_copy(lsts[s].at[pl.ds(k * 128, 128)],
                                 sidx_sh.at[poss[s].at[k]], sem)
                for k in range(cap // 128)]

    build_pos(0, baseA1, cA1, 0)
    build_pos(2, baseA2, cA2, 0)
    descs = fire_scatter(0) + fire_scatter(2)

    def fill_pass(s, lane_id, total):
        cB = lax.fori_loop(0, _VPC, lambda j, c: scan_one(s, c, j),
                           jnp.int32(0))
        plsc.subcore_barrier()
        cnt_v[...] = jnp.where(lane == lane_id, cB, 0)
        pltpu.sync_copy(cnt_v, counts_sh.at[wid])
        plsc.subcore_barrier()
        pltpu.sync_copy(counts_sh, allc_v)
        bv = jnp.zeros((16,), jnp.int32)
        for w2 in range(_NW):
            bv = bv + jnp.where(jnp.int32(w2) < wid, allc_v[w2], 0)
        build_pos(s, _lane(bv, lane_id), cB, total)
        for d in fire_scatter(s):
            d.wait()

    @pl.when(tot_fg < _NUM_FG)
    def _():
        fill_pass(1, 1, tot_fg)

    @pl.when(tot_bg < _NUM_BG)
    def _():
        fill_pass(3, 3, tot_bg)

    for d in descs:
        d.wait()
    plsc.subcore_barrier()

    nslot = (_NUM_FG + _NUM_BG) // _NW
    pltpu.sync_copy(sidx_sh.at[pl.ds(wid * nslot, nslot)], sidx_v)
    sps = (sp0_v, sp1_v, sp2_v, sp3_v)
    sgs = (sg0_v, sg1_v, sg2_v, sg3_v)
    descs = [pltpu.async_copy(vals_hbm.at[sidx_v], sv_v, sem),
             pltpu.async_copy(idxs_hbm.at[sidx_v], mi_v, sem)]
    for c, t in enumerate((pb0_hbm, pb1_hbm, pb2_hbm, pb3_hbm)):
        descs.append(pltpu.async_copy(t.at[sidx_v], sps[c], sem))
    for d in descs:
        d.wait()
    descs = [pltpu.async_copy(gtc_hbm.at[mi_v], sc_v, sem)]
    for c, t in enumerate((gt0_hbm, gt1_hbm, gt2_hbm, gt3_hbm)):
        descs.append(pltpu.async_copy(t.at[mi_v], sgs[c], sem))
    for d in descs:
        d.wait()

    for k in range(nslot // 16):
        rvec = k * 16 + lane
        for c in range(4):
            csplat = jnp.broadcast_to(jnp.int32(c), (16,))
            plsc.store_scatter(outbuf, [rvec, csplat], sps[c][pl.ds(k * 16, 16)])
            plsc.store_scatter(outbuf, [rvec, csplat + 4], sgs[c][pl.ds(k * 16, 16)])
        svv = sv_v[pl.ds(k * 16, 16)]
        plsc.store_scatter(outbuf, [rvec, jnp.broadcast_to(jnp.int32(8), (16,))], svv)
        gtcv = sc_v[pl.ds(k * 16, 16)]
        cls_v[pl.ds(k * 16, 16)] = jnp.where(svv >= 0.5, gtcv, _NUM_CLASSES)

    pltpu.sync_copy(outbuf, out_hbm.at[pl.ds(wid * nslot, nslot)])
    pltpu.sync_copy(cls_v, cls_hbm.at[pl.ds(wid * nslot, nslot)])


def _sc_call():
    mesh = plsc.VectorSubcoreMesh(core_axis_name="c", subcore_axis_name="s",
                                  num_cores=1)
    nslot = (_NUM_FG + _NUM_BG) // _NW
    return pl.kernel(
        _sc_body,
        out_type=[
            jax.ShapeDtypeStruct((_NUM_FG + _NUM_BG, 9), jnp.float32),
            jax.ShapeDtypeStruct((_NUM_FG + _NUM_BG,), jnp.int32),
        ],
        mesh=mesh,
        compiler_params=pltpu.CompilerParams(needs_layout_passes=False,
                                             use_tc_tiling_on_sc=False),
        scratch_types=[
            pltpu.VMEM((_PP,), jnp.int32),
            pltpu.VMEM((_CHUNK,), jnp.int32),
            pltpu.VMEM((_CHUNK,), jnp.int32),
            pltpu.VMEM((_CHUNK,), jnp.int32),
            pltpu.VMEM((_CHUNK,), jnp.int32),
            pltpu.VMEM((_NUM_FG + 16,), jnp.int32),
            pltpu.VMEM((_NUM_FG + 16,), jnp.int32),
            pltpu.VMEM((_NUM_BG + 16,), jnp.int32),
            pltpu.VMEM((_NUM_BG + 16,), jnp.int32),
            pltpu.VMEM((1, 128), jnp.int32),
            pltpu.VMEM((1, 128), jnp.int32),
            pltpu.VMEM((3, 128), jnp.int32),
            pltpu.VMEM((3, 128), jnp.int32),
            pltpu.VMEM((16,), jnp.int32),
            pltpu.VMEM((_NW, 16), jnp.int32),
            pltpu.VMEM((nslot,), jnp.int32),
            pltpu.VMEM((nslot,), jnp.float32),
            pltpu.VMEM((nslot,), jnp.float32),
            pltpu.VMEM((nslot,), jnp.float32),
            pltpu.VMEM((nslot,), jnp.float32),
            pltpu.VMEM((nslot,), jnp.float32),
            pltpu.VMEM((nslot,), jnp.int32),
            pltpu.VMEM((nslot,), jnp.float32),
            pltpu.VMEM((nslot,), jnp.float32),
            pltpu.VMEM((nslot,), jnp.float32),
            pltpu.VMEM((nslot,), jnp.float32),
            pltpu.VMEM((nslot,), jnp.int32),
            pltpu.VMEM((nslot, 9), jnp.float32),
            pltpu.VMEM((nslot,), jnp.int32),
            pltpu.VMEM_SHARED((_NW, 16), jnp.int32),
            pltpu.VMEM_SHARED((_DUMP + 16,), jnp.int32),
            pltpu.SemaphoreType.DMA,
        ],
    )


def kernel(proposal_boxes, gt_boxes, gt_classes):
    perms = [jnp.asarray(p) for p in _perm_consts()]
    pb_pad = jnp.concatenate(
        [proposal_boxes, jnp.zeros((_PP - _P, 4), jnp.float32)], axis=0)
    pbt4 = pb_pad.T
    pbt = pbt4.reshape(4, _ROWS, 128)
    vals, idxs, lab = _iou_call(pbt, gt_boxes)
    gtt = gt_boxes.T
    out, cls = _sc_call()(
        vals.reshape(_PP), idxs.reshape(_PP), lab.reshape(_PP),
        jnp.concatenate(perms),
        pbt4[0], pbt4[1], pbt4[2], pbt4[3],
        gtt[0], gtt[1], gtt[2], gtt[3], gt_classes.astype(jnp.int32))
    return out, cls

# --- scband reference (transcript-rebuilt; emitter-appended) ---
"""Pipeline reference for scband-roiheads-1898375545647 (READ-ONLY COPY).

The authoritative reference and input builder live on the scoring server;
editing this copy changes nothing except your own understanding.
"""

import jax, jax.numpy as jnp
import numpy as np

NUM_CLASSES = 80
BSPI = 512
POS_FRAC = 0.25
IOU_THRESH = 0.5
NUM_FG = int(BSPI * POS_FRAC)
NUM_BG = BSPI - NUM_FG
N_PROP = 20000
N_GT = 64


def _make_boxes(key, n, img=1024.0, max_wh=256.0):
    k1, k2 = jax.random.split(key)
    xy = jax.random.uniform(k1, (n, 2), dtype=jnp.float32) * (img - max_wh)
    wh = jax.random.uniform(k2, (n, 2), dtype=jnp.float32) * (max_wh - 1.0) + 1.0
    return jnp.concatenate([xy, xy + wh], axis=1)


def setup_inputs(seed: int = 0) -> dict:
    key = jax.random.key(seed)
    kp, kg, kc = jax.random.split(key, 3)
    proposal_boxes = _make_boxes(kp, N_PROP)
    gt_boxes = _make_boxes(kg, N_GT)
    gt_classes = jax.random.randint(kc, (N_GT,), 0, NUM_CLASSES)
    return {"proposal_boxes": proposal_boxes, "gt_boxes": gt_boxes, "gt_classes": gt_classes}


def pairwise_iou(boxes1, boxes2):
    # boxes1: [G,4], boxes2: [P,4] in xyxy -> [G,P]
    area1 = (boxes1[:, 2] - boxes1[:, 0]) * (boxes1[:, 3] - boxes1[:, 1])
    area2 = (boxes2[:, 2] - boxes2[:, 0]) * (boxes2[:, 3] - boxes2[:, 1])
    lt = jnp.maximum(boxes1[:, None, :2], boxes2[None, :, :2])
    rb = jnp.minimum(boxes1[:, None, 2:], boxes2[None, :, 2:])
    wh = jnp.clip(rb - lt, 0.0)
    inter = wh[..., 0] * wh[..., 1]
    union = area1[:, None] + area2[None, :] - inter
    return jnp.where(inter > 0, inter / union, 0.0)


def reference(proposal_boxes, gt_boxes, gt_classes):
    # match quality matrix: [G, P]
    iou = pairwise_iou(gt_boxes, proposal_boxes)
    # Matcher with single threshold 0.5, labels [0, 1], no low-quality matches
    matched_vals = jnp.max(iou, axis=0)
    matched_idxs = jnp.argmax(iou, axis=0)
    matched_labels = (matched_vals >= IOU_THRESH).astype(jnp.int32)
    # _sample_proposals: gt class per proposal; background gets num_classes
    cls_per_prop = jnp.where(matched_labels == 1, gt_classes[matched_idxs], NUM_CLASSES)
    # fixed-size fg/bg random subsampling (top_k over randomized priority scores)
    P = proposal_boxes.shape[0]
    ks = jax.random.key(1)
    k1, k2 = jax.random.split(ks)
    u1 = jax.random.uniform(k1, (P,), dtype=jnp.float32)
    u2 = jax.random.uniform(k2, (P,), dtype=jnp.float32)
    fg_score = jnp.where(matched_labels == 1, 1.0 + u1, u1)
    bg_score = jnp.where(matched_labels == 0, 1.0 + u2, u2)
    _, fg_idx = jax.lax.top_k(fg_score, NUM_FG)
    _, bg_idx = jax.lax.top_k(bg_score, NUM_BG)
    sampled_idxs = jnp.concatenate([fg_idx, bg_idx], axis=0)
    # gather sampled proposal boxes, assigned gt boxes, matched IoU, gt classes
    sp = proposal_boxes[sampled_idxs]
    sg = gt_boxes[matched_idxs[sampled_idxs]]
    sv = matched_vals[sampled_idxs]
    out = jnp.concatenate([sp, sg, sv[:, None]], axis=1)  # [BSPI, 9]
    sampled_classes = cls_per_prop[sampled_idxs]
    return out, sampled_classes

if __name__ == "__main__":
    import jax
    _d = setup_inputs()
    print(jax.jit(kernel)(*tuple(_d.values())))

</pallas_src>

<mosaic_0001>
#map = affine_map<(d0, d1) -> (0)>
#map1 = affine_map<(d0, d1) -> (0, 0)>
module attributes {stable_mosaic.version = 14 : i64} {
  func.func @_sc_body(%arg0: i32, %arg1: i32, %arg2: memref<20480xf32, #tpu.memory_space<hbm>>, %arg3: memref<20480xi32, #tpu.memory_space<hbm>>, %arg4: memref<20480xi32, #tpu.memory_space<hbm>>, %arg5: memref<81920xi32, #tpu.memory_space<hbm>>, %arg6: memref<20480xf32, #tpu.memory_space<hbm>>, %arg7: memref<20480xf32, #tpu.memory_space<hbm>>, %arg8: memref<20480xf32, #tpu.memory_space<hbm>>, %arg9: memref<20480xf32, #tpu.memory_space<hbm>>, %arg10: memref<64xf32, #tpu.memory_space<hbm>>, %arg11: memref<64xf32, #tpu.memory_space<hbm>>, %arg12: memref<64xf32, #tpu.memory_space<hbm>>, %arg13: memref<64xf32, #tpu.memory_space<hbm>>, %arg14: memref<64xi32, #tpu.memory_space<hbm>>, %arg15: memref<512x9xf32, #tpu.memory_space<hbm>>, %arg16: memref<512xi32, #tpu.memory_space<hbm>>, %arg17: memref<20480xi32, #tpu.memory_space<vmem>>, %arg18: memref<1280xi32, #tpu.memory_space<vmem>>, %arg19: memref<1280xi32, #tpu.memory_space<vmem>>, %arg20: memref<1280xi32, #tpu.memory_space<vmem>>, %arg21: memref<1280xi32, #tpu.memory_space<vmem>>, %arg22: memref<144xi32, #tpu.memory_space<vmem>>, %arg23: memref<144xi32, #tpu.memory_space<vmem>>, %arg24: memref<400xi32, #tpu.memory_space<vmem>>, %arg25: memref<400xi32, #tpu.memory_space<vmem>>, %arg26: memref<1x128xi32, #tpu.memory_space<vmem>>, %arg27: memref<1x128xi32, #tpu.memory_space<vmem>>, %arg28: memref<3x128xi32, #tpu.memory_space<vmem>>, %arg29: memref<3x128xi32, #tpu.memory_space<vmem>>, %arg30: memref<16xi32, #tpu.memory_space<vmem>>, %arg31: memref<16x16xi32, #tpu.memory_space<vmem>>, %arg32: memref<32xi32, #tpu.memory_space<vmem>>, %arg33: memref<32xf32, #tpu.memory_space<vmem>>, %arg34: memref<32xf32, #tpu.memory_space<vmem>>, %arg35: memref<32xf32, #tpu.memory_space<vmem>>, %arg36: memref<32xf32, #tpu.memory_space<vmem>>, %arg37: memref<32xf32, #tpu.memory_space<vmem>>, %arg38: memref<32xi32, #tpu.memory_space<vmem>>, %arg39: memref<32xf32, #tpu.memory_space<vmem>>, %arg40: memref<32xf32, #tpu.memory_space<vmem>>, %arg41: memref<32xf32, #tpu.memory_space<vmem>>, %arg42: memref<32xf32, #tpu.memory_space<vmem>>, %arg43: memref<32xi32, #tpu.memory_space<vmem>>, %arg44: memref<32x9xf32, #tpu.memory_space<vmem>>, %arg45: memref<32xi32, #tpu.memory_space<vmem>>, %arg46: memref<16x16xi32, #tpu.memory_space<vmem_shared>>, %arg47: memref<528xi32, #tpu.memory_space<vmem_shared>>, %arg48: memref<!tpu.dma_semaphore, #tpu.memory_space<semaphore_mem>>) attributes {dimension_semantics = [#tpu.dimension_semantics<core_parallel>, #tpu.dimension_semantics<subcore_parallel>], iteration_bounds = array<i64: 1, 16>, scalar_prefetch = 0 : i64, scratch_operands = 32 : i64, tpu.core_type = #tpu.core_type<sc_vector_subcore>, window_params = [{transform_indices = #map}, {transform_indices = #map}, {transform_indices = #map}, {transform_indices = #map}, {transform_indices = #map}, {transform_indices = #map}, {transform_indices = #map}, {transform_indices = #map}, {transform_indices = #map}, {transform_indices = #map}, {transform_indices = #map}, {transform_indices = #map}, {transform_indices = #map}, {transform_indices = #map1}, {transform_indices = #map}]} {
    %iota3A = tpu.iota {dimensions = array<i32: 0>} : vector<16xi32>
    tpu.enqueue_dma source(%arg4 : memref<20480xi32, #tpu.memory_space<hbm>>) target(%arg17 : memref<20480xi32, #tpu.memory_space<vmem>>) target_semaphore(%arg48 : memref<!tpu.dma_semaphore, #tpu.memory_space<semaphore_mem>>)
    %mul3A = arith.constant 1280 : i32
    %mul3A_0 = arith.muli %arg1, %mul3A : i32
    %add3A = arith.constant 0 : i32
    %add3A_1 = arith.addi %add3A, %mul3A_0 : i32
    %dma_start3A = tpu.memref_slice %arg5[%add3A_1] : memref<81920xi32, #tpu.memory_space<hbm>> -> memref<1280xi32, #tpu.memory_space<hbm>>
    %dma_start3A_2 = tpu.memref_slice %arg5[%add3A_1] : memref<81920xi32, #tpu.memory_space<hbm>> -> memref<1280xi32, #tpu.memory_space<hbm>>
    tpu.enqueue_dma source(%dma_start3A_2 : memref<1280xi32, #tpu.memory_space<hbm>>) target(%arg18 : memref<1280xi32, #tpu.memory_space<vmem>>) target_semaphore(%arg48 : memref<!tpu.dma_semaphore, #tpu.memory_space<semaphore_mem>>)
    %mul3A_3 = arith.constant 1280 : i32
    %mul3A_4 = arith.muli %arg1, %mul3A_3 : i32
    %add3A_5 = arith.constant 20480 : i32
    %add3A_6 = arith.addi %add3A_5, %mul3A_4 : i32
    %dma_start3A_7 = tpu.memref_slice %arg5[%add3A_6] : memref<81920xi32, #tpu.memory_space<hbm>> -> memref<1280xi32, #tpu.memory_space<hbm>>
    %dma_start3A_8 = tpu.memref_slice %arg5[%add3A_6] : memref<81920xi32, #tpu.memory_space<hbm>> -> memref<1280xi32, #tpu.memory_space<hbm>>
    tpu.enqueue_dma source(%dma_start3A_8 : memref<1280xi32, #tpu.memory_space<hbm>>) target(%arg19 : memref<1280xi32, #tpu.memory_space<vmem>>) target_semaphore(%arg48 : memref<!tpu.dma_semaphore, #tpu.memory_space<semaphore_mem>>)
    %mul3A_9 = arith.constant 1280 : i32
    %mul3A_10 = arith.muli %arg1, %mul3A_9 : i32
    %add3A_11 = arith.constant 40960 : i32
    %add3A_12 = arith.addi %add3A_11, %mul3A_10 : i32
    %dma_start3A_13 = tpu.memref_slice %arg5[%add3A_12] : memref<81920xi32, #tpu.memory_space<hbm>> -> memref<1280xi32, #tpu.memory_space<hbm>>
    %dma_start3A_14 = tpu.memref_slice %arg5[%add3A_12] : memref<81920xi32, #tpu.memory_space<hbm>> -> memref<1280xi32, #tpu.memory_space<hbm>>
    tpu.enqueue_dma source(%dma_start3A_14 : memref<1280xi32, #tpu.memory_space<hbm>>) target(%arg20 : memref<1280xi32, #tpu.memory_space<vmem>>) target_semaphore(%arg48 : memref<!tpu.dma_semaphore, #tpu.memory_space<semaphore_mem>>)
    %mul3A_15 = arith.constant 1280 : i32
    %mul3A_16 = arith.muli %arg1, %mul3A_15 : i32
    %add3A_17 = arith.constant 61440 : i32
    %add3A_18 = arith.addi %add3A_17, %mul3A_16 : i32
    %dma_start3A_19 = tpu.memref_slice %arg5[%add3A_18] : memref<81920xi32, #tpu.memory_space<hbm>> -> memref<1280xi32, #tpu.memory_space<hbm>>
    %dma_start3A_20 = tpu.memref_slice %arg5[%add3A_18] : memref<81920xi32, #tpu.memory_space<hbm>> -> memref<1280xi32, #tpu.memory_space<hbm>>
    tpu.enqueue_dma source(%dma_start3A_20 : memref<1280xi32, #tpu.memory_space<hbm>>) target(%arg21 : memref<1280xi32, #tpu.memory_space<vmem>>) target_semaphore(%arg48 : memref<!tpu.dma_semaphore, #tpu.memory_space<semaphore_mem>>)
    tpu.wait_dma2 semaphore(%arg48 : memref<!tpu.dma_semaphore, #tpu.memory_space<semaphore_mem>>) src(%arg4 : memref<20480xi32, #tpu.memory_space<hbm>>) dst(%arg17 : memref<20480xi32, #tpu.memory_space<vmem>>)
    %dma_wait3A = tpu.memref_slice %arg5[%add3A_1] : memref<81920xi32, #tpu.memory_space<hbm>> -> memref<1280xi32, #tpu.memory_space<hbm>>
    %dma_wait3A_21 = tpu.memref_slice %arg5[%add3A_1] : memref<81920xi32, #tpu.memory_space<hbm>> -> memref<1280xi32, #tpu.memory_space<hbm>>
    tpu.wait_dma2 semaphore(%arg48 : memref<!tpu.dma_semaphore, #tpu.memory_space<semaphore_mem>>) src(%dma_wait3A_21 : memref<1280xi32, #tpu.memory_space<hbm>>) dst(%arg18 : memref<1280xi32, #tpu.memory_space<vmem>>)
    %dma_wait3A_22 = tpu.memref_slice %arg5[%add3A_6] : memref<81920xi32, #tpu.memory_space<hbm>> -> memref<1280xi32, #tpu.memory_space<hbm>>
    %dma_wait3A_23 = tpu.memref_slice %arg5[%add3A_6] : memref<81920xi32, #tpu.memory_space<hbm>> -> memref<1280xi32, #tpu.memory_space<hbm>>
    tpu.wait_dma2 semaphore(%arg48 : memref<!tpu.dma_semaphore, #tpu.memory_space<semaphore_mem>>) src(%dma_wait3A_23 : memref<1280xi32, #tpu.memory_space<hbm>>) dst(%arg19 : memref<1280xi32, #tpu.memory_space<vmem>>)
    %dma_wait3A_24 = tpu.memref_slice %arg5[%add3A_12] : memref<81920xi32, #tpu.memory_space<hbm>> -> memref<1280xi32, #tpu.memory_space<hbm>>
    %dma_wait3A_25 = tpu.memref_slice %arg5[%add3A_12] : memref<81920xi32, #tpu.memory_space<hbm>> -> memref<1280xi32, #tpu.memory_space<hbm>>
    tpu.wait_dma2 semaphore(%arg48 : memref<!tpu.dma_semaphore, #tpu.memory_space<semaphore_mem>>) src(%dma_wait3A_25 : memref<1280xi32, #tpu.memory_space<hbm>>) dst(%arg20 : memref<1280xi32, #tpu.memory_space<vmem>>)
    %dma_wait3A_26 = tpu.memref_slice %arg5[%add3A_18] : memref<81920xi32, #tpu.memory_space<hbm>> -> memref<1280xi32, #tpu.memory_space<hbm>>
    %dma_wait3A_27 = tpu.memref_slice %arg5[%add3A_18] : memref<81920xi32, #tpu.memory_space<hbm>> -> memref<1280xi32, #tpu.memory_space<hbm>>
    tpu.wait_dma2 semaphore(%arg48 : memref<!tpu.dma_semaphore, #tpu.memory_space<semaphore_mem>>) src(%dma_wait3A_27 : memref<1280xi32, #tpu.memory_space<hbm>>) dst(%arg21 : memref<1280xi32, #tpu.memory_space<vmem>>)
    %scan3A = arith.constant 0 : i32
    %scan3A_28 = arith.constant 0 : i32
    %scan3A_29 = arith.constant 0 : i32
    %scan3A_30 = arith.constant 40 : i32
    %scan3A_31 = arith.addi %scan3A_29, %scan3A_30 : i32
    %scan3A_32 = arith.constant 1 : i32
    %scan3A_33:2 = scf.for %scan3A_1231 = %scan3A_29 to %scan3A_31 step %scan3A_32 iter_args(%scan3A_1232 = %scan3A, %scan3A_1233 = %scan3A_28) -> (i32, i32)  : i32 {
      %mul3A_1234 = arith.constant 2 : i32
      %mul3A_1235 = arith.muli %scan3A_1231, %mul3A_1234 : i32
      %add3A_1236 = arith.constant 0 : i32
      %add3A_1237 = arith.addi %mul3A_1235, %add3A_1236 : i32
      %mul3A_1238 = arith.constant 16 : i32
      %mul3A_1239 = arith.muli %add3A_1237, %mul3A_1238 : i32
      %get3A_1240 = arith.index_cast %mul3A_1239 : i32 to index
      %get3A_1241 = tpu.vector_load %arg18[%get3A_1240] {strides = array<i32>} : memref<1280xi32, #tpu.memory_space<vmem>>, vector<16xi32>,
      %gather3A = tpu.vector_load_idx %arg17[%get3A_1241] : memref<20480xi32, #tpu.memory_space<vmem>>[vector<16xi32>], vector<16xi32>,
      %eq3A_1242 = arith.constant 1 : i32
      %eq3A_1243 = vector.broadcast %eq3A_1242 : i32 to vector<16xi32>
      %eq3A_1244 = arith.cmpi eq, %gather3A, %eq3A_1243 : vector<16xi32>
      %min3A = arith.constant 128 : i32
      %min3A_1245 = arith.minsi %scan3A_1232, %min3A : i32
      %swap3A_1246 = arith.index_cast %min3A_1245 : i32 to index
      %swap3A_1247 = tpu.vector_load %arg22[%swap3A_1246] masked %eq3A_1244 {strides = array<i32>} : memref<144xi32, #tpu.memory_space<vmem>>, vector<16xi32>, vector<16xi1>
      tpu.vector_store %arg22[%swap3A_1246], %get3A_1241 masked %eq3A_1244 {strides = array<i32>} : memref<144xi32, #tpu.memory_space<vmem>>, vector<16xi32>, vector<16xi1>
      %all_reduce_population_count3A = tpu.all_reduce %eq3A_1244 {dim = 0 : i64, kind = #tpu.reduction_kind<sum>} : vector<16xi1> -> vector<16xi32>
      %slice3A = vector.extract_strided_slice %all_reduce_population_count3A {offsets = [0], sizes = [1], strides = [1]} : vector<16xi32> to vector<1xi32>
      %squeeze3A = vector.extract %slice3A[0] : i32 from vector<1xi32>
      %add3A_1248 = arith.addi %scan3A_1232, %squeeze3A : i32
      %mul3A_1249 = arith.constant 2 : i32
      %mul3A_1250 = arith.muli %scan3A_1231, %mul3A_1249 : i32
      %add3A_1251 = arith.constant 0 : i32
      %add3A_1252 = arith.addi %mul3A_1250, %add3A_1251 : i32
      %mul3A_1253 = arith.constant 16 : i32
      %mul3A_1254 = arith.muli %add3A_1252, %mul3A_1253 : i32
      %get3A_1255 = arith.index_cast %mul3A_1254 : i32 to index
      %get3A_1256 = tpu.vector_load %arg20[%get3A_1255] {strides = array<i32>} : memref<1280xi32, #tpu.memory_space<vmem>>, vector<16xi32>,
      %gather3A_1257 = tpu.vector_load_idx %arg17[%get3A_1256] : memref<20480xi32, #tpu.memory_space<vmem>>[vector<16xi32>], vector<16xi32>,
      %eq3A_1258 = arith.constant 0 : i32
      %eq3A_1259 = vector.broadcast %eq3A_1258 : i32 to vector<16xi32>
      %eq3A_1260 = arith.cmpi eq, %gather3A_1257, %eq3A_1259 : vector<16xi32>
      %min3A_1261 = arith.constant 384 : i32
      %min3A_1262 = arith.minsi %scan3A_1233, %min3A_1261 : i32
      %swap3A_1263 = arith.index_cast %min3A_1262 : i32 to index
      %swap3A_1264 = tpu.vector_load %arg24[%swap3A_1263] masked %eq3A_1260 {strides = array<i32>} : memref<400xi32, #tpu.memory_space<vmem>>, vector<16xi32>, vector<16xi1>
      tpu.vector_store %arg24[%swap3A_1263], %get3A_1256 masked %eq3A_1260 {strides = array<i32>} : memref<400xi32, #tpu.memory_space<vmem>>, vector<16xi32>, vector<16xi1>
      %all_reduce_population_count3A_1265 = tpu.all_reduce %eq3A_1260 {dim = 0 : i64, kind = #tpu.reduction_kind<sum>} : vector<16xi1> -> vector<16xi32>
      %slice3A_1266 = vector.extract_strided_slice %all_reduce_population_count3A_1265 {offsets = [0], sizes = [1], strides = [1]} : vector<16xi32> to vector<1xi32>
      %squeeze3A_1267 = vector.extract %slice3A_1266[0] : i32 from vector<1xi32>
      %add3A_1268 = arith.addi %scan3A_1233, %squeeze3A_1267 : i32
      %mul3A_1269 = arith.constant 2 : i32
      %mul3A_1270 = arith.muli %scan3A_1231, %mul3A_1269 : i32
      %add3A_1271 = arith.constant 1 : i32
      %add3A_1272 = arith.addi %mul3A_1270, %add3A_1271 : i32
      %mul3A_1273 = arith.constant 16 : i32
      %mul3A_1274 = arith.muli %add3A_1272, %mul3A_1273 : i32
      %get3A_1275 = arith.index_cast %mul3A_1274 : i32 to index
      %get3A_1276 = tpu.vector_load %arg18[%get3A_1275] {strides = array<i32>} : memref<1280xi32, #tpu.memory_space<vmem>>, vector<16xi32>,
      %gather3A_1277 = tpu.vector_load_idx %arg17[%get3A_1276] : memref<20480xi32, #tpu.memory_space<vmem>>[vector<16xi32>], vector<16xi32>,
      %eq3A_1278 = arith.constant 1 : i32
      %eq3A_1279 = vector.broadcast %eq3A_1278 : i32 to vector<16xi32>
      %eq3A_1280 = arith.cmpi eq, %gather3A_1277, %eq3A_1279 : vector<16xi32>
      %min3A_1281 = arith.constant 128 : i32
      %min3A_1282 = arith.minsi %add3A_1248, %min3A_1281 : i32
      %swap3A_1283 = arith.index_cast %min3A_1282 : i32 to index
      %swap3A_1284 = tpu.vector_load %arg22[%swap3A_1283] masked %eq3A_1280 {strides = array<i32>} : memref<144xi32, #tpu.memory_space<vmem>>, vector<16xi32>, vector<16xi1>
      tpu.vector_store %arg22[%swap3A_1283], %get3A_1276 masked %eq3A_1280 {strides = array<i32>} : memref<144xi32, #tpu.memory_space<vmem>>, vector<16xi32>, vector<16xi1>
      %all_reduce_population_count3A_1285 = tpu.all_reduce %eq3A_1280 {dim = 0 : i64, kind = #tpu.reduction_kind<sum>} : vector<16xi1> -> vector<16xi32>
      %slice3A_1286 = vector.extract_strided_slice %all_reduce_population_count3A_1285 {offsets = [0], sizes = [1], strides = [1]} : vector<16xi32> to vector<1xi32>
      %squeeze3A_1287 = vector.extract %slice3A_1286[0] : i32 from vector<1xi32>
      %add3A_1288 = arith.addi %add3A_1248, %squeeze3A_1287 : i32
      %mul3A_1289 = arith.constant 2 : i32
      %mul3A_1290 = arith.muli %scan3A_1231, %mul3A_1289 : i32
      %add3A_1291 = arith.constant 1 : i32
      %add3A_1292 = arith.addi %mul3A_1290, %add3A_1291 : i32
      %mul3A_1293 = arith.constant 16 : i32
      %mul3A_1294 = arith.muli %add3A_1292, %mul3A_1293 : i32
      %get3A_1295 = arith.index_cast %mul3A_1294 : i32 to index
      %get3A_1296 = tpu.vector_load %arg20[%get3A_1295] {strides = array<i32>} : memref<1280xi32, #tpu.memory_space<vmem>>, vector<16xi32>,
      %gather3A_1297 = tpu.vector_load_idx %arg17[%get3A_1296] : memref<20480xi32, #tpu.memory_space<vmem>>[vector<16xi32>], vector<16xi32>,
      %eq3A_1298 = arith.constant 0 : i32
      %eq3A_1299 = vector.broadcast %eq3A_1298 : i32 to vector<16xi32>
      %eq3A_1300 = arith.cmpi eq, %gather3A_1297, %eq3A_1299 : vector<16xi32>
      %min3A_1301 = arith.constant 384 : i32
      %min3A_1302 = arith.minsi %add3A_1268, %min3A_1301 : i32
      %swap3A_1303 = arith.index_cast %min3A_1302 : i32 to index
      %swap3A_1304 = tpu.vector_load %arg24[%swap3A_1303] masked %eq3A_1300 {strides = array<i32>} : memref<400xi32, #tpu.memory_space<vmem>>, vector<16xi32>, vector<16xi1>
      tpu.vector_store %arg24[%swap3A_1303], %get3A_1296 masked %eq3A_1300 {strides = array<i32>} : memref<400xi32, #tpu.memory_space<vmem>>, vector<16xi32>, vector<16xi1>
      %all_reduce_population_count3A_1305 = tpu.all_reduce %eq3A_1300 {dim = 0 : i64, kind = #tpu.reduction_kind<sum>} : vector<16xi1> -> vector<16xi32>
      %slice3A_1306 = vector.extract_strided_slice %all_reduce_population_count3A_1305 {offsets = [0], sizes = [1], strides = [1]} : vector<16xi32> to vector<1xi32>
      %squeeze3A_1307 = vector.extract %slice3A_1306[0] : i32 from vector<1xi32>
      %add3A_1308 = arith.addi %add3A_1268, %squeeze3A_1307 : i32
      scf.yield %add3A_1288, %add3A_1308 : i32, i32
    }
    %scan3A_34 = arith.constant 40 : i32
    %eq3A = arith.constant 0 : i32
    %eq3A_35 = vector.broadcast %eq3A : i32 to vector<16xi32>
    %eq3A_36 = arith.cmpi eq, %iota3A, %eq3A_35 : vector<16xi32>
    %jit3A = arith.constant 0 : i32
    %broadcast_in_dim3A = vector.broadcast %scan3A_33#0 : i32 to vector<16xi32>
    %broadcast_in_dim3A_37 = vector.broadcast %jit3A : i32 to vector<16xi32>
    %select_n3A = arith.select %eq3A_36, %broadcast_in_dim3A, %broadcast_in_dim3A_37 : vector<16xi1>, vector<16xi32>
    %eq3A_38 = arith.constant 2 : i32
    %eq3A_39 = vector.broadcast %eq3A_38 : i32 to vector<16xi32>
    %eq3A_40 = arith.cmpi eq, %iota3A, %eq3A_39 : vector<16xi32>
    %jit3A_41 = arith.constant 0 : i32
    %broadcast_in_dim3A_42 = vector.broadcast %scan3A_33#1 : i32 to vector<16xi32>
    %broadcast_in_dim3A_43 = vector.broadcast %jit3A_41 : i32 to vector<16xi32>
    %select_n3A_44 = arith.select %eq3A_40, %broadcast_in_dim3A_42, %broadcast_in_dim3A_43 : vector<16xi1>, vector<16xi32>
    %add3A_45 = arith.addi %select_n3A, %select_n3A_44 : vector<16xi32>
    %swap3A = arith.constant 0 : index
    %swap3A_46 = tpu.vector_load %arg30[%swap3A] {strides = array<i32>} : memref<16xi32, #tpu.memory_space<vmem>>, vector<16xi32>,
    tpu.vector_store %arg30[%swap3A], %add3A_45 {strides = array<i32>} : memref<16xi32, #tpu.memory_space<vmem>>, vector<16xi32>,
    "tpu.region"() ({
      %run_scoped3A = tpu.sem_alloc : memref<!tpu.dma_semaphore, #tpu.memory_space<semaphore_mem>>
      %dma_start3A_1231 = arith.constant 0 : i32
      %dma_start3A_1232 = tpu.memref_slice %arg46[%arg1, %dma_start3A_1231] : memref<16x16xi32, #tpu.memory_space<vmem_shared>> -> memref<1x16xi32, #tpu.memory_space<vmem_shared>>
      %dma_start3A_1233 = tpu.memref_squeeze %dma_start3A_1232 : memref<1x16xi32, #tpu.memory_space<vmem_shared>> -> memref<16xi32, #tpu.memory_space<vmem_shared>>
      %dma_start3A_1234 = arith.constant 0 : i32
      %dma_start3A_1235 = tpu.memref_slice %arg46[%arg1, %dma_start3A_1234] : memref<16x16xi32, #tpu.memory_space<vmem_shared>> -> memref<1x16xi32, #tpu.memory_space<vmem_shared>>
      %dma_start3A_1236 = tpu.memref_squeeze %dma_start3A_1235 : memref<1x16xi32, #tpu.memory_space<vmem_shared>> -> memref<16xi32, #tpu.memory_space<vmem_shared>>
      tpu.enqueue_dma source(%arg30 : memref<16xi32, #tpu.memory_space<vmem>>) target(%dma_start3A_1236 : memref<16xi32, #tpu.memory_space<vmem_shared>>) target_semaphore(%run_scoped3A : memref<!tpu.dma_semaphore, #tpu.memory_space<semaphore_mem>>)
      %dma_wait3A_1237 = arith.constant 0 : i32
      %dma_wait3A_1238 = tpu.memref_slice %arg46[%arg1, %dma_wait3A_1237] : memref<16x16xi32, #tpu.memory_space<vmem_shared>> -> memref<1x16xi32, #tpu.memory_space<vmem_shared>>
      %dma_wait3A_1239 = tpu.memref_squeeze %dma_wait3A_1238 : memref<1x16xi32, #tpu.memory_space<vmem_shared>> -> memref<16xi32, #tpu.memory_space<vmem_shared>>
      %dma_wait3A_1240 = arith.constant 0 : i32
      %dma_wait3A_1241 = tpu.memref_slice %arg46[%arg1, %dma_wait3A_1240] : memref<16x16xi32, #tpu.memory_space<vmem_shared>> -> memref<1x16xi32, #tpu.memory_space<vmem_shared>>
      %dma_wait3A_1242 = tpu.memref_squeeze %dma_wait3A_1241 : memref<1x16xi32, #tpu.memory_space<vmem_shared>> -> memref<16xi32, #tpu.memory_space<vmem_shared>>
      tpu.wait_dma2 semaphore(%run_scoped3A : memref<!tpu.dma_semaphore, #tpu.memory_space<semaphore_mem>>) src(%arg30 : memref<16xi32, #tpu.memory_space<vmem>>) dst(%dma_wait3A_1242 : memref<16xi32, #tpu.memory_space<vmem_shared>>)
      tpu.yield
    }) : () -> ()
    %barrier3A = arith.constant 0 : index
    tpu.barrier barrier_id(%barrier3A)
    "tpu.region"() ({
      %run_scoped3A = tpu.sem_alloc : memref<!tpu.dma_semaphore, #tpu.memory_space<semaphore_mem>>
      tpu.enqueue_dma source(%arg46 : memref<16x16xi32, #tpu.memory_space<vmem_shared>>) target(%arg31 : memref<16x16xi32, #tpu.memory_space<vmem>>) target_semaphore(%run_scoped3A : memref<!tpu.dma_semaphore, #tpu.memory_space<semaphore_mem>>)
      tpu.wait_dma2 semaphore(%run_scoped3A : memref<!tpu.dma_semaphore, #tpu.memory_space<semaphore_mem>>) src(%arg46 : memref<16x16xi32, #tpu.memory_space<vmem_shared>>) dst(%arg31 : memref<16x16xi32, #tpu.memory_space<vmem>>)
      tpu.yield
    }) : () -> ()
    %broadcast_in_dim3A_47 = arith.constant 0 : i32
    %broadcast_in_dim3A_48 = vector.broadcast %broadcast_in_dim3A_47 : i32 to vector<16xi32>
    %broadcast_in_dim3A_49 = arith.constant 0 : i32
    %broadcast_in_dim3A_50 = vector.broadcast %broadcast_in_dim3A_49 : i32 to vector<16xi32>
    %get3A = arith.constant 0 : i32
    %get3A_51 = arith.index_cast %get3A : i32 to index
    %get3A_52 = arith.constant 0 : index
    %get3A_53 = tpu.vector_load %arg31[%get3A_51, %get3A_52] {strides = array<i32>} : memref<16x16xi32, #tpu.memory_space<vmem>>, vector<16xi32>,
    %lt3A = arith.constant 0 : i32
    %lt3A_54 = arith.cmpi slt, %lt3A, %arg1 : i32
    %jit3A_55 = arith.constant 0 : i32
    %broadcast_in_dim3A_56 = vector.broadcast %jit3A_55 : i32 to vector<16xi32>
    %select_n3A_57 = arith.select %lt3A_54, %get3A_53, %broadcast_in_dim3A_56 : vector<16xi32>
    %add3A_58 = arith.addi %broadcast_in_dim3A_48, %select_n3A_57 : vector<16xi32>
    %add3A_59 = arith.addi %broadcast_in_dim3A_50, %get3A_53 : vector<16xi32>
    %get3A_60 = arith.constant 1 : i32
    %get3A_61 = arith.index_cast %get3A_60 : i32 to index
    %get3A_62 = arith.constant 0 : index
    %get3A_63 = tpu.vector_load %arg31[%get3A_61, %get3A_62] {strides = array<i32>} : memref<16x16xi32, #tpu.memory_space<vmem>>, vector<16xi32>,
    %lt3A_64 = arith.constant 1 : i32
    %lt3A_65 = arith.cmpi slt, %lt3A_64, %arg1 : i32
    %jit3A_66 = arith.constant 0 : i32
    %broadcast_in_dim3A_67 = vector.broadcast %jit3A_66 : i32 to vector<16xi32>
    %select_n3A_68 = arith.select %lt3A_65, %get3A_63, %broadcast_in_dim3A_67 : vector<16xi32>
    %add3A_69 = arith.addi %add3A_58, %select_n3A_68 : vector<16xi32>
    %add3A_70 = arith.addi %add3A_59, %get3A_63 : vector<16xi32>
    %get3A_71 = arith.constant 2 : i32
    %get3A_72 = arith.index_cast %get3A_71 : i32 to index
    %get3A_73 = arith.constant 0 : index
    %get3A_74 = tpu.vector_load %arg31[%get3A_72, %get3A_73] {strides = array<i32>} : memref<16x16xi32, #tpu.memory_space<vmem>>, vector<16xi32>,
    %lt3A_75 = arith.constant 2 : i32
    %lt3A_76 = arith.cmpi slt, %lt3A_75, %arg1 : i32
    %jit3A_77 = arith.constant 0 : i32
    %broadcast_in_dim3A_78 = vector.broadcast %jit3A_77 : i32 to vector<16xi32>
    %select_n3A_79 = arith.select %lt3A_76, %get3A_74, %broadcast_in_dim3A_78 : vector<16xi32>
    %add3A_80 = arith.addi %add3A_69, %select_n3A_79 : vector<16xi32>
    %add3A_81 = arith.addi %add3A_70, %get3A_74 : vector<16xi32>
    %get3A_82 = arith.constant 3 : i32
    %get3A_83 = arith.index_cast %get3A_82 : i32 to index
    %get3A_84 = arith.constant 0 : index
    %get3A_85 = tpu.vector_load %arg31[%get3A_83, %get3A_84] {strides = array<i32>} : memref<16x16xi32, #tpu.memory_space<vmem>>, vector<16xi32>,
    %lt3A_86 = arith.constant 3 : i32
    %lt3A_87 = arith.cmpi slt, %lt3A_86, %arg1 : i32
    %jit3A_88 = arith.constant 0 : i32
    %broadcast_in_dim3A_89 = vector.broadcast %jit3A_88 : i32 to vector<16xi32>
    %select_n3A_90 = arith.select %lt3A_87, %get3A_85, %broadcast_in_dim3A_89 : vector<16xi32>
    %add3A_91 = arith.addi %add3A_80, %select_n3A_90 : vector<16xi32>
    %add3A_92 = arith.addi %add3A_81, %get3A_85 : vector<16xi32>
    %get3A_93 = arith.constant 4 : i32
    %get3A_94 = arith.index_cast %get3A_93 : i32 to index
    %get3A_95 = arith.constant 0 : index
    %get3A_96 = tpu.vector_load %arg31[%get3A_94, %get3A_95] {strides = array<i32>} : memref<16x16xi32, #tpu.memory_space<vmem>>, vector<16xi32>,
    %lt3A_97 = arith.constant 4 : i32
    %lt3A_98 = arith.cmpi slt, %lt3A_97, %arg1 : i32
    %jit3A_99 = arith.constant 0 : i32
    %broadcast_in_dim3A_100 = vector.broadcast %jit3A_99 : i32 to vector<16xi32>
    %select_n3A_101 = arith.select %lt3A_98, %get3A_96, %broadcast_in_dim3A_100 : vector<16xi32>
    %add3A_102 = arith.addi %add3A_91, %select_n3A_101 : vector<16xi32>
    %add3A_103 = arith.addi %add3A_92, %get3A_96 : vector<16xi32>
    %get3A_104 = arith.constant 5 : i32
    %get3A_105 = arith.index_cast %get3A_104 : i32 to index
    %get3A_106 = arith.constant 0 : index
    %get3A_107 = tpu.vector_load %arg31[%get3A_105, %get3A_106] {strides = array<i32>} : memref<16x16xi32, #tpu.memory_space<vmem>>, vector<16xi32>,
    %lt3A_108 = arith.constant 5 : i32
    %lt3A_109 = arith.cmpi slt, %lt3A_108, %arg1 : i32
    %jit3A_110 = arith.constant 0 : i32
    %broadcast_in_dim3A_111 = vector.broadcast %jit3A_110 : i32 to vector<16xi32>
    %select_n3A_112 = arith.select %lt3A_109, %get3A_107, %broadcast_in_dim3A_111 : vector<16xi32>
    %add3A_113 = arith.addi %add3A_102, %select_n3A_112 : vector<16xi32>
    %add3A_114 = arith.addi %add3A_103, %get3A_107 : vector<16xi32>
    %get3A_115 = arith.constant 6 : i32
    %get3A_116 = arith.index_cast %get3A_115 : i32 to index
    %get3A_117 = arith.constant 0 : index
    %get3A_118 = tpu.vector_load %arg31[%get3A_116, %get3A_117] {strides = array<i32>} : memref<16x16xi32, #tpu.memory_space<vmem>>, vector<16xi32>,
    %lt3A_119 = arith.constant 6 : i32
    %lt3A_120 = arith.cmpi slt, %lt3A_119, %arg1 : i32
    %jit3A_121 = arith.constant 0 : i32
    %broadcast_in_dim3A_122 = vector.broadcast %jit3A_121 : i32 to vector<16xi32>
    %select_n3A_123 = arith.select %lt3A_120, %get3A_118, %broadcast_in_dim3A_122 : vector<16xi32>
    %add3A_124 = arith.addi %add3A_113, %select_n3A_123 : vector<16xi32>
    %add3A_125 = arith.addi %add3A_114, %get3A_118 : vector<16xi32>
    %get3A_126 = arith.constant 7 : i32
    %get3A_127 = arith.index_cast %get3A_126 : i32 to index
    %get3A_128 = arith.constant 0 : index
    %get3A_129 = tpu.vector_load %arg31[%get3A_127, %get3A_128] {strides = array<i32>} : memref<16x16xi32, #tpu.memory_space<vmem>>, vector<16xi32>,
    %lt3A_130 = arith.constant 7 : i32
    %lt3A_131 = arith.cmpi slt, %lt3A_130, %arg1 : i32
    %jit3A_132 = arith.constant 0 : i32
    %broadcast_in_dim3A_133 = vector.broadcast %jit3A_132 : i32 to vector<16xi32>
    %select_n3A_134 = arith.select %lt3A_131, %get3A_129, %broadcast_in_dim3A_133 : vector<16xi32>
    %add3A_135 = arith.addi %add3A_124, %select_n3A_134 : vector<16xi32>
    %add3A_136 = arith.addi %add3A_125, %get3A_129 : vector<16xi32>
    %get3A_137 = arith.constant 8 : i32
    %get3A_138 = arith.index_cast %get3A_137 : i32 to index
    %get3A_139 = arith.constant 0 : index
    %get3A_140 = tpu.vector_load %arg31[%get3A_138, %get3A_139] {strides = array<i32>} : memref<16x16xi32, #tpu.memory_space<vmem>>, vector<16xi32>,
    %lt3A_141 = arith.constant 8 : i32
    %lt3A_142 = arith.cmpi slt, %lt3A_141, %arg1 : i32
    %jit3A_143 = arith.constant 0 : i32
    %broadcast_in_dim3A_144 = vector.broadcast %jit3A_143 : i32 to vector<16xi32>
    %select_n3A_145 = arith.select %lt3A_142, %get3A_140, %broadcast_in_dim3A_144 : vector<16xi32>
    %add3A_146 = arith.addi %add3A_135, %select_n3A_145 : vector<16xi32>
    %add3A_147 = arith.addi %add3A_136, %get3A_140 : vector<16xi32>
    %get3A_148 = arith.constant 9 : i32
    %get3A_149 = arith.index_cast %get3A_148 : i32 to index
    %get3A_150 = arith.constant 0 : index
    %get3A_151 = tpu.vector_load %arg31[%get3A_149, %get3A_150] {strides = array<i32>} : memref<16x16xi32, #tpu.memory_space<vmem>>, vector<16xi32>,
    %lt3A_152 = arith.constant 9 : i32
    %lt3A_153 = arith.cmpi slt, %lt3A_152, %arg1 : i32
    %jit3A_154 = arith.constant 0 : i32
    %broadcast_in_dim3A_155 = vector.broadcast %jit3A_154 : i32 to vector<16xi32>
    %select_n3A_156 = arith.select %lt3A_153, %get3A_151, %broadcast_in_dim3A_155 : vector<16xi32>
    %add3A_157 = arith.addi %add3A_146, %select_n3A_156 : vector<16xi32>
    %add3A_158 = arith.addi %add3A_147, %get3A_151 : vector<16xi32>
    %get3A_159 = arith.constant 10 : i32
    %get3A_160 = arith.index_cast %get3A_159 : i32 to index
    %get3A_161 = arith.constant 0 : index
    %get3A_162 = tpu.vector_load %arg31[%get3A_160, %get3A_161] {strides = array<i32>} : memref<16x16xi32, #tpu.memory_space<vmem>>, vector<16xi32>,
    %lt3A_163 = arith.constant 10 : i32
    %lt3A_164 = arith.cmpi slt, %lt3A_163, %arg1 : i32
    %jit3A_165 = arith.constant 0 : i32
    %broadcast_in_dim3A_166 = vector.broadcast %jit3A_165 : i32 to vector<16xi32>
    %select_n3A_167 = arith.select %lt3A_164, %get3A_162, %broadcast_in_dim3A_166 : vector<16xi32>
    %add3A_168 = arith.addi %add3A_157, %select_n3A_167 : vector<16xi32>
    %add3A_169 = arith.addi %add3A_158, %get3A_162 : vector<16xi32>
    %get3A_170 = arith.constant 11 : i32
    %get3A_171 = arith.index_cast %get3A_170 : i32 to index
    %get3A_172 = arith.constant 0 : index
    %get3A_173 = tpu.vector_load %arg31[%get3A_171, %get3A_172] {strides = array<i32>} : memref<16x16xi32, #tpu.memory_space<vmem>>, vector<16xi32>,
    %lt3A_174 = arith.constant 11 : i32
    %lt3A_175 = arith.cmpi slt, %lt3A_174, %arg1 : i32
    %jit3A_176 = arith.constant 0 : i32
    %broadcast_in_dim3A_177 = vector.broadcast %jit3A_176 : i32 to vector<16xi32>
    %select_n3A_178 = arith.select %lt3A_175, %get3A_173, %broadcast_in_dim3A_177 : vector<16xi32>
    %add3A_179 = arith.addi %add3A_168, %select_n3A_178 : vector<16xi32>
    %add3A_180 = arith.addi %add3A_169, %get3A_173 : vector<16xi32>
    %get3A_181 = arith.constant 12 : i32
    %get3A_182 = arith.index_cast %get3A_181 : i32 to index
    %get3A_183 = arith.constant 0 : index
    %get3A_184 = tpu.vector_load %arg31[%get3A_182, %get3A_183] {strides = array<i32>} : memref<16x16xi32, #tpu.memory_space<vmem>>, vector<16xi32>,
    %lt3A_185 = arith.constant 12 : i32
    %lt3A_186 = arith.cmpi slt, %lt3A_185, %arg1 : i32
    %jit3A_187 = arith.constant 0 : i32
    %broadcast_in_dim3A_188 = vector.broadcast %jit3A_187 : i32 to vector<16xi32>
    %select_n3A_189 = arith.select %lt3A_186, %get3A_184, %broadcast_in_dim3A_188 : vector<16xi32>
    %add3A_190 = arith.addi %add3A_179, %select_n3A_189 : vector<16xi32>
    %add3A_191 = arith.addi %add3A_180, %get3A_184 : vector<16xi32>
    %get3A_192 = arith.constant 13 : i32
    %get3A_193 = arith.index_cast %get3A_192 : i32 to index
    %get3A_194 = arith.constant 0 : index
    %get3A_195 = tpu.vector_load %arg31[%get3A_193, %get3A_194] {strides = array<i32>} : memref<16x16xi32, #tpu.memory_space<vmem>>, vector<16xi32>,
    %lt3A_196 = arith.constant 13 : i32
    %lt3A_197 = arith.cmpi slt, %lt3A_196, %arg1 : i32
    %jit3A_198 = arith.constant 0 : i32
    %broadcast_in_dim3A_199 = vector.broadcast %jit3A_198 : i32 to vector<16xi32>
    %select_n3A_200 = arith.select %lt3A_197, %get3A_195, %broadcast_in_dim3A_199 : vector<16xi32>
    %add3A_201 = arith.addi %add3A_190, %select_n3A_200 : vector<16xi32>
    %add3A_202 = arith.addi %add3A_191, %get3A_195 : vector<16xi32>
    %get3A_203 = arith.constant 14 : i32
    %get3A_204 = arith.index_cast %get3A_203 : i32 to index
    %get3A_205 = arith.constant 0 : index
    %get3A_206 = tpu.vector_load %arg31[%get3A_204, %get3A_205] {strides = array<i32>} : memref<16x16xi32, #tpu.memory_space<vmem>>, vector<16xi32>,
    %lt3A_207 = arith.constant 14 : i32
    %lt3A_208 = arith.cmpi slt, %lt3A_207, %arg1 : i32
    %jit3A_209 = arith.constant 0 : i32
    %broadcast_in_dim3A_210 = vector.broadcast %jit3A_209 : i32 to vector<16xi32>
    %select_n3A_211 = arith.select %lt3A_208, %get3A_206, %broadcast_in_dim3A_210 : vector<16xi32>
    %add3A_212 = arith.addi %add3A_201, %select_n3A_211 : vector<16xi32>
    %add3A_213 = arith.addi %add3A_202, %get3A_206 : vector<16xi32>
    %get3A_214 = arith.constant 15 : i32
    %get3A_215 = arith.index_cast %get3A_214 : i32 to index
    %get3A_216 = arith.constant 0 : index
    %get3A_217 = tpu.vector_load %arg31[%get3A_215, %get3A_216] {strides = array<i32>} : memref<16x16xi32, #tpu.memory_space<vmem>>, vector<16xi32>,
    %lt3A_218 = arith.constant 15 : i32
    %lt3A_219 = arith.cmpi slt, %lt3A_218, %arg1 : i32
    %jit3A_220 = arith.constant 0 : i32
    %broadcast_in_dim3A_221 = vector.broadcast %jit3A_220 : i32 to vector<16xi32>
    %select_n3A_222 = arith.select %lt3A_219, %get3A_217, %broadcast_in_dim3A_221 : vector<16xi32>
    %add3A_223 = arith.addi %add3A_212, %select_n3A_222 : vector<16xi32>
    %add3A_224 = arith.addi %add3A_213, %get3A_217 : vector<16xi32>
    %iota3A_225 = tpu.iota {dimensions = array<i32: 0>} : vector<16xi32>
    %eq3A_226 = arith.constant 0 : i32
    %eq3A_227 = vector.broadcast %eq3A_226 : i32 to vector<16xi32>
    %eq3A_228 = arith.cmpi eq, %iota3A_225, %eq3A_227 : vector<16xi32>
    %jit3A_229 = arith.constant 0 : i32
    %broadcast_in_dim3A_230 = vector.broadcast %jit3A_229 : i32 to vector<16xi32>
    %select_n3A_231 = arith.select %eq3A_228, %add3A_223, %broadcast_in_dim3A_230 : vector<16xi1>, vector<16xi32>
    %reduce_sum3A = arith.constant true
    %reduce_sum3A_232 = vector.broadcast %reduce_sum3A : i1 to vector<16xi1>
    %reduce_sum3A_233 = tpu.scan <sum>, %select_n3A_231 masked %reduce_sum3A_232 : vector<16xi32>, vector<16xi1> -> vector<16xi32>
    %reduce_sum3A_234 = vector.extract %reduce_sum3A_233[15] : i32 from vector<16xi32>
    %iota3A_235 = tpu.iota {dimensions = array<i32: 0>} : vector<16xi32>
    %eq3A_236 = arith.constant 2 : i32
    %eq3A_237 = vector.broadcast %eq3A_236 : i32 to vector<16xi32>
    %eq3A_238 = arith.cmpi eq, %iota3A_235, %eq3A_237 : vector<16xi32>
    %jit3A_239 = arith.constant 0 : i32
    %broadcast_in_dim3A_240 = vector.broadcast %jit3A_239 : i32 to vector<16xi32>
    %select_n3A_241 = arith.select %eq3A_238, %add3A_223, %broadcast_in_dim3A_240 : vector<16xi1>, vector<16xi32>
    %reduce_sum3A_242 = arith.constant true
    %reduce_sum3A_243 = vector.broadcast %reduce_sum3A_242 : i1 to vector<16xi1>
    %reduce_sum3A_244 = tpu.scan <sum>, %select_n3A_241 masked %reduce_sum3A_243 : vector<16xi32>, vector<16xi1> -> vector<16xi32>
    %reduce_sum3A_245 = vector.extract %reduce_sum3A_244[15] : i32 from vector<16xi32>
    %iota3A_246 = tpu.iota {dimensions = array<i32: 0>} : vector<16xi32>
    %eq3A_247 = arith.constant 0 : i32
    %eq3A_248 = vector.broadcast %eq3A_247 : i32 to vector<16xi32>
    %eq3A_249 = arith.cmpi eq, %iota3A_246, %eq3A_248 : vector<16xi32>
    %jit3A_250 = arith.constant 0 : i32
    %broadcast_in_dim3A_251 = vector.broadcast %jit3A_250 : i32 to vector<16xi32>
    %select_n3A_252 = arith.select %eq3A_249, %add3A_224, %broadcast_in_dim3A_251 : vector<16xi1>, vector<16xi32>
    %reduce_sum3A_253 = arith.constant true
    %reduce_sum3A_254 = vector.broadcast %reduce_sum3A_253 : i1 to vector<16xi1>
    %reduce_sum3A_255 = tpu.scan <sum>, %select_n3A_252 masked %reduce_sum3A_254 : vector<16xi32>, vector<16xi1> -> vector<16xi32>
    %reduce_sum3A_256 = vector.extract %reduce_sum3A_255[15] : i32 from vector<16xi32>
    %iota3A_257 = tpu.iota {dimensions = array<i32: 0>} : vector<16xi32>
    %eq3A_258 = arith.constant 2 : i32
    %eq3A_259 = vector.broadcast %eq3A_258 : i32 to vector<16xi32>
    %eq3A_260 = arith.cmpi eq, %iota3A_257, %eq3A_259 : vector<16xi32>
    %jit3A_261 = arith.constant 0 : i32
    %broadcast_in_dim3A_262 = vector.broadcast %jit3A_261 : i32 to vector<16xi32>
    %select_n3A_263 = arith.select %eq3A_260, %add3A_224, %broadcast_in_dim3A_262 : vector<16xi1>, vector<16xi32>
    %reduce_sum3A_264 = arith.constant true
    %reduce_sum3A_265 = vector.broadcast %reduce_sum3A_264 : i1 to vector<16xi1>
    %reduce_sum3A_266 = tpu.scan <sum>, %select_n3A_263 masked %reduce_sum3A_265 : vector<16xi32>, vector<16xi1> -> vector<16xi32>
    %reduce_sum3A_267 = vector.extract %reduce_sum3A_266[15] : i32 from vector<16xi32>
    %add3A_268 = arith.constant 0 : i32
    %add3A_269 = vector.broadcast %add3A_268 : i32 to vector<16xi32>
    %add3A_270 = arith.addi %add3A_269, %iota3A : vector<16xi32>
    %add3A_271 = arith.constant 0 : i32
    %add3A_272 = arith.addi %add3A_271, %reduce_sum3A_234 : i32
    %add3A_273 = vector.broadcast %add3A_272 : i32 to vector<16xi32>
    %add3A_274 = arith.addi %add3A_273, %add3A_270 : vector<16xi32>
    %lt3A_275 = vector.broadcast %scan3A_33#0 : i32 to vector<16xi32>
    %lt3A_276 = arith.cmpi slt, %add3A_270, %lt3A_275 : vector<16xi32>
    %lt3A_277 = arith.constant 128 : i32
    %lt3A_278 = vector.broadcast %lt3A_277 : i32 to vector<16xi32>
    %lt3A_279 = arith.cmpi slt, %add3A_274, %lt3A_278 : vector<16xi32>
    %and3A = arith.andi %lt3A_276, %lt3A_279 : vector<16xi1>
    %add3A_280 = arith.constant 0 : i32
    %add3A_281 = vector.broadcast %add3A_280 : i32 to vector<16xi32>
    %add3A_282 = arith.addi %add3A_274, %add3A_281 : vector<16xi32>
    %jit3A_283 = arith.constant 512 : i32
    %broadcast_in_dim3A_284 = vector.broadcast %jit3A_283 : i32 to vector<16xi32>
    %select_n3A_285 = arith.select %and3A, %add3A_282, %broadcast_in_dim3A_284 : vector<16xi1>, vector<16xi32>
    %swap3A_286 = arith.constant 0 : i32
    %swap3A_287 = arith.index_cast %swap3A_286 : i32 to index
    %swap3A_288 = arith.constant 0 : index
    %swap3A_289 = tpu.vector_load %arg26[%swap3A_287, %swap3A_288] {strides = array<i32>} : memref<1x128xi32, #tpu.memory_space<vmem>>, vector<16xi32>,
    tpu.vector_store %arg26[%swap3A_287, %swap3A_288], %select_n3A_285 {strides = array<i32>} : memref<1x128xi32, #tpu.memory_space<vmem>>, vector<16xi32>,
    %add3A_290 = arith.constant 16 : i32
    %add3A_291 = vector.broadcast %add3A_290 : i32 to vector<16xi32>
    %add3A_292 = arith.addi %add3A_291, %iota3A : vector<16xi32>
    %add3A_293 = arith.constant 0 : i32
    %add3A_294 = arith.addi %add3A_293, %reduce_sum3A_234 : i32
    %add3A_295 = vector.broadcast %add3A_294 : i32 to vector<16xi32>
    %add3A_296 = arith.addi %add3A_295, %add3A_292 : vector<16xi32>
    %lt3A_297 = vector.broadcast %scan3A_33#0 : i32 to vector<16xi32>
    %lt3A_298 = arith.cmpi slt, %add3A_292, %lt3A_297 : vector<16xi32>
    %lt3A_299 = arith.constant 128 : i32
    %lt3A_300 = vector.broadcast %lt3A_299 : i32 to vector<16xi32>
    %lt3A_301 = arith.cmpi slt, %add3A_296, %lt3A_300 : vector<16xi32>
    %and3A_302 = arith.andi %lt3A_298, %lt3A_301 : vector<16xi1>
    %add3A_303 = arith.constant 0 : i32
    %add3A_304 = vector.broadcast %add3A_303 : i32 to vector<16xi32>
    %add3A_305 = arith.addi %add3A_296, %add3A_304 : vector<16xi32>
    %jit3A_306 = arith.constant 512 : i32
    %broadcast_in_dim3A_307 = vector.broadcast %jit3A_306 : i32 to vector<16xi32>
    %select_n3A_308 = arith.select %and3A_302, %add3A_305, %broadcast_in_dim3A_307 : vector<16xi1>, vector<16xi32>
    %swap3A_309 = arith.constant 0 : i32
    %swap3A_310 = arith.index_cast %swap3A_309 : i32 to index
    %swap3A_311 = arith.constant 16 : index
    %swap3A_312 = tpu.vector_load %arg26[%swap3A_310, %swap3A_311] {strides = array<i32>} : memref<1x128xi32, #tpu.memory_space<vmem>>, vector<16xi32>,
    tpu.vector_store %arg26[%swap3A_310, %swap3A_311], %select_n3A_308 {strides = array<i32>} : memref<1x128xi32, #tpu.memory_space<vmem>>, vector<16xi32>,
    %add3A_313 = arith.constant 32 : i32
    %add3A_314 = vector.broadcast %add3A_313 : i32 to vector<16xi32>
    %add3A_315 = arith.addi %add3A_314, %iota3A : vector<16xi32>
    %add3A_316 = arith.constant 0 : i32
    %add3A_317 = arith.addi %add3A_316, %reduce_sum3A_234 : i32
    %add3A_318 = vector.broadcast %add3A_317 : i32 to vector<16xi32>
    %add3A_319 = arith.addi %add3A_318, %add3A_315 : vector<16xi32>
    %lt3A_320 = vector.broadcast %scan3A_33#0 : i32 to vector<16xi32>
    %lt3A_321 = arith.cmpi slt, %add3A_315, %lt3A_320 : vector<16xi32>
    %lt3A_322 = arith.constant 128 : i32
    %lt3A_323 = vector.broadcast %lt3A_322 : i32 to vector<16xi32>
    %lt3A_324 = arith.cmpi slt, %add3A_319, %lt3A_323 : vector<16xi32>
    %and3A_325 = arith.andi %lt3A_321, %lt3A_324 : vector<16xi1>
    %add3A_326 = arith.constant 0 : i32
    %add3A_327 = vector.broadcast %add3A_326 : i32 to vector<16xi32>
    %add3A_328 = arith.addi %add3A_319, %add3A_327 : vector<16xi32>
    %jit3A_329 = arith.constant 512 : i32
    %broadcast_in_dim3A_330 = vector.broadcast %jit3A_329 : i32 to vector<16xi32>
    %select_n3A_331 = arith.select %and3A_325, %add3A_328, %broadcast_in_dim3A_330 : vector<16xi1>, vector<16xi32>
    %swap3A_332 = arith.constant 0 : i32
    %swap3A_333 = arith.index_cast %swap3A_332 : i32 to index
    %swap3A_334 = arith.constant 32 : index
    %swap3A_335 = tpu.vector_load %arg26[%swap3A_333, %swap3A_334] {strides = array<i32>} : memref<1x128xi32, #tpu.memory_space<vmem>>, vector<16xi32>,
    tpu.vector_store %arg26[%swap3A_333, %swap3A_334], %select_n3A_331 {strides = array<i32>} : memref<1x128xi32, #tpu.memory_space<vmem>>, vector<16xi32>,
    %add3A_336 = arith.constant 48 : i32
    %add3A_337 = vector.broadcast %add3A_336 : i32 to vector<16xi32>
    %add3A_338 = arith.addi %add3A_337, %iota3A : vector<16xi32>
    %add3A_339 = arith.constant 0 : i32
    %add3A_340 = arith.addi %add3A_339, %reduce_sum3A_234 : i32
    %add3A_341 = vector.broadcast %add3A_340 : i32 to vector<16xi32>
    %add3A_342 = arith.addi %add3A_341, %add3A_338 : vector<16xi32>
    %lt3A_343 = vector.broadcast %scan3A_33#0 : i32 to vector<16xi32>
    %lt3A_344 = arith.cmpi slt, %add3A_338, %lt3A_343 : vector<16xi32>
    %lt3A_345 = arith.constant 128 : i32
    %lt3A_346 = vector.broadcast %lt3A_345 : i32 to vector<16xi32>
    %lt3A_347 = arith.cmpi slt, %add3A_342, %lt3A_346 : vector<16xi32>
    %and3A_348 = arith.andi %lt3A_344, %lt3A_347 : vector<16xi1>
    %add3A_349 = arith.constant 0 : i32
    %add3A_350 = vector.broadcast %add3A_349 : i32 to vector<16xi32>
    %add3A_351 = arith.addi %add3A_342, %add3A_350 : vector<16xi32>
    %jit3A_352 = arith.constant 512 : i32
    %broadcast_in_dim3A_353 = vector.broadcast %jit3A_352 : i32 to vector<16xi32>
    %select_n3A_354 = arith.select %and3A_348, %add3A_351, %broadcast_in_dim3A_353 : vector<16xi1>, vector<16xi32>
    %swap3A_355 = arith.constant 0 : i32
    %swap3A_356 = arith.index_cast %swap3A_355 : i32 to index
    %swap3A_357 = arith.constant 48 : index
    %swap3A_358 = tpu.vector_load %arg26[%swap3A_356, %swap3A_357] {strides = array<i32>} : memref<1x128xi32, #tpu.memory_space<vmem>>, vector<16xi32>,
    tpu.vector_store %arg26[%swap3A_356, %swap3A_357], %select_n3A_354 {strides = array<i32>} : memref<1x128xi32, #tpu.memory_space<vmem>>, vector<16xi32>,
    %add3A_359 = arith.constant 64 : i32
    %add3A_360 = vector.broadcast %add3A_359 : i32 to vector<16xi32>
    %add3A_361 = arith.addi %add3A_360, %iota3A : vector<16xi32>
    %add3A_362 = arith.constant 0 : i32
    %add3A_363 = arith.addi %add3A_362, %reduce_sum3A_234 : i32
    %add3A_364 = vector.broadcast %add3A_363 : i32 to vector<16xi32>
    %add3A_365 = arith.addi %add3A_364, %add3A_361 : vector<16xi32>
    %lt3A_366 = vector.broadcast %scan3A_33#0 : i32 to vector<16xi32>
    %lt3A_367 = arith.cmpi slt, %add3A_361, %lt3A_366 : vector<16xi32>
    %lt3A_368 = arith.constant 128 : i32
    %lt3A_369 = vector.broadcast %lt3A_368 : i32 to vector<16xi32>
    %lt3A_370 = arith.cmpi slt, %add3A_365, %lt3A_369 : vector<16xi32>
    %and3A_371 = arith.andi %lt3A_367, %lt3A_370 : vector<16xi1>
    %add3A_372 = arith.constant 0 : i32
    %add3A_373 = vector.broadcast %add3A_372 : i32 to vector<16xi32>
    %add3A_374 = arith.addi %add3A_365, %add3A_373 : vector<16xi32>
    %jit3A_375 = arith.constant 512 : i32
    %broadcast_in_dim3A_376 = vector.broadcast %jit3A_375 : i32 to vector<16xi32>
    %select_n3A_377 = arith.select %and3A_371, %add3A_374, %broadcast_in_dim3A_376 : vector<16xi1>, vector<16xi32>
    %swap3A_378 = arith.constant 0 : i32
    %swap3A_379 = arith.index_cast %swap3A_378 : i32 to index
    %swap3A_380 = arith.constant 64 : index
    %swap3A_381 = tpu.vector_load %arg26[%swap3A_379, %swap3A_380] {strides = array<i32>} : memref<1x128xi32, #tpu.memory_space<vmem>>, vector<16xi32>,
    tpu.vector_store %arg26[%swap3A_379, %swap3A_380], %select_n3A_377 {strides = array<i32>} : memref<1x128xi32, #tpu.memory_space<vmem>>, vector<16xi32>,
    %add3A_382 = arith.constant 80 : i32
    %add3A_383 = vector.broadcast %add3A_382 : i32 to vector<16xi32>
    %add3A_384 = arith.addi %add3A_383, %iota3A : vector<16xi32>
    %add3A_385 = arith.constant 0 : i32
    %add3A_386 = arith.addi %add3A_385, %reduce_sum3A_234 : i32
    %add3A_387 = vector.broadcast %add3A_386 : i32 to vector<16xi32>
    %add3A_388 = arith.addi %add3A_387, %add3A_384 : vector<16xi32>
    %lt3A_389 = vector.broadcast %scan3A_33#0 : i32 to vector<16xi32>
    %lt3A_390 = arith.cmpi slt, %add3A_384, %lt3A_389 : vector<16xi32>
    %lt3A_391 = arith.constant 128 : i32
    %lt3A_392 = vector.broadcast %lt3A_391 : i32 to vector<16xi32>
    %lt3A_393 = arith.cmpi slt, %add3A_388, %lt3A_392 : vector<16xi32>
    %and3A_394 = arith.andi %lt3A_390, %lt3A_393 : vector<16xi1>
    %add3A_395 = arith.constant 0 : i32
    %add3A_396 = vector.broadcast %add3A_395 : i32 to vector<16xi32>
    %add3A_397 = arith.addi %add3A_388, %add3A_396 : vector<16xi32>
    %jit3A_398 = arith.constant 512 : i32
    %broadcast_in_dim3A_399 = vector.broadcast %jit3A_398 : i32 to vector<16xi32>
    %select_n3A_400 = arith.select %and3A_394, %add3A_397, %broadcast_in_dim3A_399 : vector<16xi1>, vector<16xi32>
    %swap3A_401 = arith.constant 0 : i32
    %swap3A_402 = arith.index_cast %swap3A_401 : i32 to index
    %swap3A_403 = arith.constant 80 : index
    %swap3A_404 = tpu.vector_load %arg26[%swap3A_402, %swap3A_403] {strides = array<i32>} : memref<1x128xi32, #tpu.memory_space<vmem>>, vector<16xi32>,
    tpu.vector_store %arg26[%swap3A_402, %swap3A_403], %select_n3A_400 {strides = array<i32>} : memref<1x128xi32, #tpu.memory_space<vmem>>, vector<16xi32>,
    %add3A_405 = arith.constant 96 : i32
    %add3A_406 = vector.broadcast %add3A_405 : i32 to vector<16xi32>
    %add3A_407 = arith.addi %add3A_406, %iota3A : vector<16xi32>
    %add3A_408 = arith.constant 0 : i32
    %add3A_409 = arith.addi %add3A_408, %reduce_sum3A_234 : i32
    %add3A_410 = vector.broadcast %add3A_409 : i32 to vector<16xi32>
    %add3A_411 = arith.addi %add3A_410, %add3A_407 : vector<16xi32>
    %lt3A_412 = vector.broadcast %scan3A_33#0 : i32 to vector<16xi32>
    %lt3A_413 = arith.cmpi slt, %add3A_407, %lt3A_412 : vector<16xi32>
    %lt3A_414 = arith.constant 128 : i32
    %lt3A_415 = vector.broadcast %lt3A_414 : i32 to vector<16xi32>
    %lt3A_416 = arith.cmpi slt, %add3A_411, %lt3A_415 : vector<16xi32>
    %and3A_417 = arith.andi %lt3A_413, %lt3A_416 : vector<16xi1>
    %add3A_418 = arith.constant 0 : i32
    %add3A_419 = vector.broadcast %add3A_418 : i32 to vector<16xi32>
    %add3A_420 = arith.addi %add3A_411, %add3A_419 : vector<16xi32>
    %jit3A_421 = arith.constant 512 : i32
    %broadcast_in_dim3A_422 = vector.broadcast %jit3A_421 : i32 to vector<16xi32>
    %select_n3A_423 = arith.select %and3A_417, %add3A_420, %broadcast_in_dim3A_422 : vector<16xi1>, vector<16xi32>
    %swap3A_424 = arith.constant 0 : i32
    %swap3A_425 = arith.index_cast %swap3A_424 : i32 to index
    %swap3A_426 = arith.constant 96 : index
    %swap3A_427 = tpu.vector_load %arg26[%swap3A_425, %swap3A_426] {strides = array<i32>} : memref<1x128xi32, #tpu.memory_space<vmem>>, vector<16xi32>,
    tpu.vector_store %arg26[%swap3A_425, %swap3A_426], %select_n3A_423 {strides = array<i32>} : memref<1x128xi32, #tpu.memory_space<vmem>>, vector<16xi32>,
    %add3A_428 = arith.constant 112 : i32
    %add3A_429 = vector.broadcast %add3A_428 : i32 to vector<16xi32>
    %add3A_430 = arith.addi %add3A_429, %iota3A : vector<16xi32>
    %add3A_431 = arith.constant 0 : i32
    %add3A_432 = arith.addi %add3A_431, %reduce_sum3A_234 : i32
    %add3A_433 = vector.broadcast %add3A_432 : i32 to vector<16xi32>
    %add3A_434 = arith.addi %add3A_433, %add3A_430 : vector<16xi32>
    %lt3A_435 = vector.broadcast %scan3A_33#0 : i32 to vector<16xi32>
    %lt3A_436 = arith.cmpi slt, %add3A_430, %lt3A_435 : vector<16xi32>
    %lt3A_437 = arith.constant 128 : i32
    %lt3A_438 = vector.broadcast %lt3A_437 : i32 to vector<16xi32>
    %lt3A_439 = arith.cmpi slt, %add3A_434, %lt3A_438 : vector<16xi32>
    %and3A_440 = arith.andi %lt3A_436, %lt3A_439 : vector<16xi1>
    %add3A_441 = arith.constant 0 : i32
    %add3A_442 = vector.broadcast %add3A_441 : i32 to vector<16xi32>
    %add3A_443 = arith.addi %add3A_434, %add3A_442 : vector<16xi32>
    %jit3A_444 = arith.constant 512 : i32
    %broadcast_in_dim3A_445 = vector.broadcast %jit3A_444 : i32 to vector<16xi32>
    %select_n3A_446 = arith.select %and3A_440, %add3A_443, %broadcast_in_dim3A_445 : vector<16xi1>, vector<16xi32>
    %swap3A_447 = arith.constant 0 : i32
    %swap3A_448 = arith.index_cast %swap3A_447 : i32 to index
    %swap3A_449 = arith.constant 112 : index
    %swap3A_450 = tpu.vector_load %arg26[%swap3A_448, %swap3A_449] {strides = array<i32>} : memref<1x128xi32, #tpu.memory_space<vmem>>, vector<16xi32>,
    tpu.vector_store %arg26[%swap3A_448, %swap3A_449], %select_n3A_446 {strides = array<i32>} : memref<1x128xi32, #tpu.memory_space<vmem>>, vector<16xi32>,
    %add3A_451 = arith.constant 0 : i32
    %add3A_452 = vector.broadcast %add3A_451 : i32 to vector<16xi32>
    %add3A_453 = arith.addi %add3A_452, %iota3A : vector<16xi32>
    %add3A_454 = arith.constant 0 : i32
    %add3A_455 = arith.addi %add3A_454, %reduce_sum3A_245 : i32
    %add3A_456 = vector.broadcast %add3A_455 : i32 to vector<16xi32>
    %add3A_457 = arith.addi %add3A_456, %add3A_453 : vector<16xi32>
    %lt3A_458 = vector.broadcast %scan3A_33#1 : i32 to vector<16xi32>
    %lt3A_459 = arith.cmpi slt, %add3A_453, %lt3A_458 : vector<16xi32>
    %lt3A_460 = arith.constant 384 : i32
    %lt3A_461 = vector.broadcast %lt3A_460 : i32 to vector<16xi32>
    %lt3A_462 = arith.cmpi slt, %add3A_457, %lt3A_461 : vector<16xi32>
    %and3A_463 = arith.andi %lt3A_459, %lt3A_462 : vector<16xi1>
    %add3A_464 = arith.constant 128 : i32
    %add3A_465 = vector.broadcast %add3A_464 : i32 to vector<16xi32>
    %add3A_466 = arith.addi %add3A_457, %add3A_465 : vector<16xi32>
    %jit3A_467 = arith.constant 512 : i32
    %broadcast_in_dim3A_468 = vector.broadcast %jit3A_467 : i32 to vector<16xi32>
    %select_n3A_469 = arith.select %and3A_463, %add3A_466, %broadcast_in_dim3A_468 : vector<16xi1>, vector<16xi32>
    %swap3A_470 = arith.constant 0 : i32
    %swap3A_471 = arith.index_cast %swap3A_470 : i32 to index
    %swap3A_472 = arith.constant 0 : index
    %swap3A_473 = tpu.vector_load %arg28[%swap3A_471, %swap3A_472] {strides = array<i32>} : memref<3x128xi32, #tpu.memory_space<vmem>>, vector<16xi32>,
    tpu.vector_store %arg28[%swap3A_471, %swap3A_472], %select_n3A_469 {strides = array<i32>} : memref<3x128xi32, #tpu.memory_space<vmem>>, vector<16xi32>,
    %add3A_474 = arith.constant 16 : i32
    %add3A_475 = vector.broadcast %add3A_474 : i32 to vector<16xi32>
    %add3A_476 = arith.addi %add3A_475, %iota3A : vector<16xi32>
    %add3A_477 = arith.constant 0 : i32
    %add3A_478 = arith.addi %add3A_477, %reduce_sum3A_245 : i32
    %add3A_479 = vector.broadcast %add3A_478 : i32 to vector<16xi32>
    %add3A_480 = arith.addi %add3A_479, %add3A_476 : vector<16xi32>
    %lt3A_481 = vector.broadcast %scan3A_33#1 : i32 to vector<16xi32>
    %lt3A_482 = arith.cmpi slt, %add3A_476, %lt3A_481 : vector<16xi32>
    %lt3A_483 = arith.constant 384 : i32
    %lt3A_484 = vector.broadcast %lt3A_483 : i32 to vector<16xi32>
    %lt3A_485 = arith.cmpi slt, %add3A_480, %lt3A_484 : vector<16xi32>
    %and3A_486 = arith.andi %lt3A_482, %lt3A_485 : vector<16xi1>
    %add3A_487 = arith.constant 128 : i32
    %add3A_488 = vector.broadcast %add3A_487 : i32 to vector<16xi32>
    %add3A_489 = arith.addi %add3A_480, %add3A_488 : vector<16xi32>
    %jit3A_490 = arith.constant 512 : i32
    %broadcast_in_dim3A_491 = vector.broadcast %jit3A_490 : i32 to vector<16xi32>
    %select_n3A_492 = arith.select %and3A_486, %add3A_489, %broadcast_in_dim3A_491 : vector<16xi1>, vector<16xi32>
    %swap3A_493 = arith.constant 0 : i32
    %swap3A_494 = arith.index_cast %swap3A_493 : i32 to index
    %swap3A_495 = arith.constant 16 : index
    %swap3A_496 = tpu.vector_load %arg28[%swap3A_494, %swap3A_495] {strides = array<i32>} : memref<3x128xi32, #tpu.memory_space<vmem>>, vector<16xi32>,
    tpu.vector_store %arg28[%swap3A_494, %swap3A_495], %select_n3A_492 {strides = array<i32>} : memref<3x128xi32, #tpu.memory_space<vmem>>, vector<16xi32>,
    %add3A_497 = arith.constant 32 : i32
    %add3A_498 = vector.broadcast %add3A_497 : i32 to vector<16xi32>
    %add3A_499 = arith.addi %add3A_498, %iota3A : vector<16xi32>
    %add3A_500 = arith.constant 0 : i32
    %add3A_501 = arith.addi %add3A_500, %reduce_sum3A_245 : i32
    %add3A_502 = vector.broadcast %add3A_501 : i32 to vector<16xi32>
    %add3A_503 = arith.addi %add3A_502, %add3A_499 : vector<16xi32>
    %lt3A_504 = vector.broadcast %scan3A_33#1 : i32 to vector<16xi32>
    %lt3A_505 = arith.cmpi slt, %add3A_499, %lt3A_504 : vector<16xi32>
    %lt3A_506 = arith.constant 384 : i32
    %lt3A_507 = vector.broadcast %lt3A_506 : i32 to vector<16xi32>
    %lt3A_508 = arith.cmpi slt, %add3A_503, %lt3A_507 : vector<16xi32>
    %and3A_509 = arith.andi %lt3A_505, %lt3A_508 : vector<16xi1>
    %add3A_510 = arith.constant 128 : i32
    %add3A_511 = vector.broadcast %add3A_510 : i32 to vector<16xi32>
    %add3A_512 = arith.addi %add3A_503, %add3A_511 : vector<16xi32>
    %jit3A_513 = arith.constant 512 : i32
    %broadcast_in_dim3A_514 = vector.broadcast %jit3A_513 : i32 to vector<16xi32>
    %select_n3A_515 = arith.select %and3A_509, %add3A_512, %broadcast_in_dim3A_514 : vector<16xi1>, vector<16xi32>
    %swap3A_516 = arith.constant 0 : i32
    %swap3A_517 = arith.index_cast %swap3A_516 : i32 to index
    %swap3A_518 = arith.constant 32 : index
    %swap3A_519 = tpu.vector_load %arg28[%swap3A_517, %swap3A_518] {strides = array<i32>} : memref<3x128xi32, #tpu.memory_space<vmem>>, vector<16xi32>,
    tpu.vector_store %arg28[%swap3A_517, %swap3A_518], %select_n3A_515 {strides = array<i32>} : memref<3x128xi32, #tpu.memory_space<vmem>>, vector<16xi32>,
    %add3A_520 = arith.constant 48 : i32
    %add3A_521 = vector.broadcast %add3A_520 : i32 to vector<16xi32>
    %add3A_522 = arith.addi %add3A_521, %iota3A : vector<16xi32>
    %add3A_523 = arith.constant 0 : i32
    %add3A_524 = arith.addi %add3A_523, %reduce_sum3A_245 : i32
    %add3A_525 = vector.broadcast %add3A_524 : i32 to vector<16xi32>
    %add3A_526 = arith.addi %add3A_525, %add3A_522 : vector<16xi32>
    %lt3A_527 = vector.broadcast %scan3A_33#1 : i32 to vector<16xi32>
    %lt3A_528 = arith.cmpi slt, %add3A_522, %lt3A_527 : vector<16xi32>
    %lt3A_529 = arith.constant 384 : i32
    %lt3A_530 = vector.broadcast %lt3A_529 : i32 to vector<16xi32>
    %lt3A_531 = arith.cmpi slt, %add3A_526, %lt3A_530 : vector<16xi32>
    %and3A_532 = arith.andi %lt3A_528, %lt3A_531 : vector<16xi1>
    %add3A_533 = arith.constant 128 : i32
    %add3A_534 = vector.broadcast %add3A_533 : i32 to vector<16xi32>
    %add3A_535 = arith.addi %add3A_526, %add3A_534 : vector<16xi32>
    %jit3A_536 = arith.constant 512 : i32
    %broadcast_in_dim3A_537 = vector.broadcast %jit3A_536 : i32 to vector<16xi32>
    %select_n3A_538 = arith.select %and3A_532, %add3A_535, %broadcast_in_dim3A_537 : vector<16xi1>, vector<16xi32>
    %swap3A_539 = arith.constant 0 : i32
    %swap3A_540 = arith.index_cast %swap3A_539 : i32 to index
    %swap3A_541 = arith.constant 48 : index
    %swap3A_542 = tpu.vector_load %arg28[%swap3A_540, %swap3A_541] {strides = array<i32>} : memref<3x128xi32, #tpu.memory_space<vmem>>, vector<16xi32>,
    tpu.vector_store %arg28[%swap3A_540, %swap3A_541], %select_n3A_538 {strides = array<i32>} : memref<3x128xi32, #tpu.memory_space<vmem>>, vector<16xi32>,
    %add3A_543 = arith.constant 64 : i32
    %add3A_544 = vector.broadcast %add3A_543 : i32 to vector<16xi32>
    %add3A_545 = arith.addi %add3A_544, %iota3A : vector<16xi32>
    %add3A_546 = arith.constant 0 : i32
    %add3A_547 = arith.addi %add3A_546, %reduce_sum3A_245 : i32
    %add3A_548 = vector.broadcast %add3A_547 : i32 to vector<16xi32>
    %add3A_549 = arith.addi %add3A_548, %add3A_545 : vector<16xi32>
    %lt3A_550 = vector.broadcast %scan3A_33#1 : i32 to vector<16xi32>
    %lt3A_551 = arith.cmpi slt, %add3A_545, %lt3A_550 : vector<16xi32>
    %lt3A_552 = arith.constant 384 : i32
    %lt3A_553 = vector.broadcast %lt3A_552 : i32 to vector<16xi32>
    %lt3A_554 = arith.cmpi slt, %add3A_549, %lt3A_553 : vector<16xi32>
    %and3A_555 = arith.andi %lt3A_551, %lt3A_554 : vector<16xi1>
    %add3A_556 = arith.constant 128 : i32
    %add3A_557 = vector.broadcast %add3A_556 : i32 to vector<16xi32>
    %add3A_558 = arith.addi %add3A_549, %add3A_557 : vector<16xi32>
    %jit3A_559 = arith.constant 512 : i32
    %broadcast_in_dim3A_560 = vector.broadcast %jit3A_559 : i32 to vector<16xi32>
    %select_n3A_561 = arith.select %and3A_555, %add3A_558, %broadcast_in_dim3A_560 : vector<16xi1>, vector<16xi32>
    %swap3A_562 = arith.constant 0 : i32
    %swap3A_563 = arith.index_cast %swap3A_562 : i32 to index
    %swap3A_564 = arith.constant 64 : index
    %swap3A_565 = tpu.vector_load %arg28[%swap3A_563, %swap3A_564] {strides = array<i32>} : memref<3x128xi32, #tpu.memory_space<vmem>>, vector<16xi32>,
    tpu.vector_store %arg28[%swap3A_563, %swap3A_564], %select_n3A_561 {strides = array<i32>} : memref<3x128xi32, #tpu.memory_space<vmem>>, vector<16xi32>,
    %add3A_566 = arith.constant 80 : i32
    %add3A_567 = vector.broadcast %add3A_566 : i32 to vector<16xi32>
    %add3A_568 = arith.addi %add3A_567, %iota3A : vector<16xi32>
    %add3A_569 = arith.constant 0 : i32
    %add3A_570 = arith.addi %add3A_569, %reduce_sum3A_245 : i32
    %add3A_571 = vector.broadcast %add3A_570 : i32 to vector<16xi32>
    %add3A_572 = arith.addi %add3A_571, %add3A_568 : vector<16xi32>
    %lt3A_573 = vector.broadcast %scan3A_33#1 : i32 to vector<16xi32>
    %lt3A_574 = arith.cmpi slt, %add3A_568, %lt3A_573 : vector<16xi32>
    %lt3A_575 = arith.constant 384 : i32
    %lt3A_576 = vector.broadcast %lt3A_575 : i32 to vector<16xi32>
    %lt3A_577 = arith.cmpi slt, %add3A_572, %lt3A_576 : vector<16xi32>
    %and3A_578 = arith.andi %lt3A_574, %lt3A_577 : vector<16xi1>
    %add3A_579 = arith.constant 128 : i32
    %add3A_580 = vector.broadcast %add3A_579 : i32 to vector<16xi32>
    %add3A_581 = arith.addi %add3A_572, %add3A_580 : vector<16xi32>
    %jit3A_582 = arith.constant 512 : i32
    %broadcast_in_dim3A_583 = vector.broadcast %jit3A_582 : i32 to vector<16xi32>
    %select_n3A_584 = arith.select %and3A_578, %add3A_581, %broadcast_in_dim3A_583 : vector<16xi1>, vector<16xi32>
    %swap3A_585 = arith.constant 0 : i32
    %swap3A_586 = arith.index_cast %swap3A_585 : i32 to index
    %swap3A_587 = arith.constant 80 : index
    %swap3A_588 = tpu.vector_load %arg28[%swap3A_586, %swap3A_587] {strides = array<i32>} : memref<3x128xi32, #tpu.memory_space<vmem>>, vector<16xi32>,
    tpu.vector_store %arg28[%swap3A_586, %swap3A_587], %select_n3A_584 {strides = array<i32>} : memref<3x128xi32, #tpu.memory_space<vmem>>, vector<16xi32>,
    %add3A_589 = arith.constant 96 : i32
    %add3A_590 = vector.broadcast %add3A_589 : i32 to vector<16xi32>
    %add3A_591 = arith.addi %add3A_590, %iota3A : vector<16xi32>
    %add3A_592 = arith.constant 0 : i32
    %add3A_593 = arith.addi %add3A_592, %reduce_sum3A_245 : i32
    %add3A_594 = vector.broadcast %add3A_593 : i32 to vector<16xi32>
    %add3A_595 = arith.addi %add3A_594, %add3A_591 : vector<16xi32>
    %lt3A_596 = vector.broadcast %scan3A_33#1 : i32 to vector<16xi32>
    %lt3A_597 = arith.cmpi slt, %add3A_591, %lt3A_596 : vector<16xi32>
    %lt3A_598 = arith.constant 384 : i32
    %lt3A_599 = vector.broadcast %lt3A_598 : i32 to vector<16xi32>
    %lt3A_600 = arith.cmpi slt, %add3A_595, %lt3A_599 : vector<16xi32>
    %and3A_601 = arith.andi %lt3A_597, %lt3A_600 : vector<16xi1>
    %add3A_602 = arith.constant 128 : i32
    %add3A_603 = vector.broadcast %add3A_602 : i32 to vector<16xi32>
    %add3A_604 = arith.addi %add3A_595, %add3A_603 : vector<16xi32>
    %jit3A_605 = arith.constant 512 : i32
    %broadcast_in_dim3A_606 = vector.broadcast %jit3A_605 : i32 to vector<16xi32>
    %select_n3A_607 = arith.select %and3A_601, %add3A_604, %broadcast_in_dim3A_606 : vector<16xi1>, vector<16xi32>
    %swap3A_608 = arith.constant 0 : i32
    %swap3A_609 = arith.index_cast %swap3A_608 : i32 to index
    %swap3A_610 = arith.constant 96 : index
    %swap3A_611 = tpu.vector_load %arg28[%swap3A_609, %swap3A_610] {strides = array<i32>} : memref<3x128xi32, #tpu.memory_space<vmem>>, vector<16xi32>,
    tpu.vector_store %arg28[%swap3A_609, %swap3A_610], %select_n3A_607 {strides = array<i32>} : memref<3x128xi32, #tpu.memory_space<vmem>>, vector<16xi32>,
    %add3A_612 = arith.constant 112 : i32
    %add3A_613 = vector.broadcast %add3A_612 : i32 to vector<16xi32>
    %add3A_614 = arith.addi %add3A_613, %iota3A : vector<16xi32>
    %add3A_615 = arith.constant 0 : i32
    %add3A_616 = arith.addi %add3A_615, %reduce_sum3A_245 : i32
    %add3A_617 = vector.broadcast %add3A_616 : i32 to vector<16xi32>
    %add3A_618 = arith.addi %add3A_617, %add3A_614 : vector<16xi32>
    %lt3A_619 = vector.broadcast %scan3A_33#1 : i32 to vector<16xi32>
    %lt3A_620 = arith.cmpi slt, %add3A_614, %lt3A_619 : vector<16xi32>
    %lt3A_621 = arith.constant 384 : i32
    %lt3A_622 = vector.broadcast %lt3A_621 : i32 to vector<16xi32>
    %lt3A_623 = arith.cmpi slt, %add3A_618, %lt3A_622 : vector<16xi32>
    %and3A_624 = arith.andi %lt3A_620, %lt3A_623 : vector<16xi1>
    %add3A_625 = arith.constant 128 : i32
    %add3A_626 = vector.broadcast %add3A_625 : i32 to vector<16xi32>
    %add3A_627 = arith.addi %add3A_618, %add3A_626 : vector<16xi32>
    %jit3A_628 = arith.constant 512 : i32
    %broadcast_in_dim3A_629 = vector.broadcast %jit3A_628 : i32 to vector<16xi32>
    %select_n3A_630 = arith.select %and3A_624, %add3A_627, %broadcast_in_dim3A_629 : vector<16xi1>, vector<16xi32>
    %swap3A_631 = arith.constant 0 : i32
    %swap3A_632 = arith.index_cast %swap3A_631 : i32 to index
    %swap3A_633 = arith.constant 112 : index
    %swap3A_634 = tpu.vector_load %arg28[%swap3A_632, %swap3A_633] {strides = array<i32>} : memref<3x128xi32, #tpu.memory_space<vmem>>, vector<16xi32>,
    tpu.vector_store %arg28[%swap3A_632, %swap3A_633], %select_n3A_630 {strides = array<i32>} : memref<3x128xi32, #tpu.memory_space<vmem>>, vector<16xi32>,
    %add3A_635 = arith.constant 128 : i32
    %add3A_636 = vector.broadcast %add3A_635 : i32 to vector<16xi32>
    %add3A_637 = arith.addi %add3A_636, %iota3A : vector<16xi32>
    %add3A_638 = arith.constant 0 : i32
    %add3A_639 = arith.addi %add3A_638, %reduce_sum3A_245 : i32
    %add3A_640 = vector.broadcast %add3A_639 : i32 to vector<16xi32>
    %add3A_641 = arith.addi %add3A_640, %add3A_637 : vector<16xi32>
    %lt3A_642 = vector.broadcast %scan3A_33#1 : i32 to vector<16xi32>
    %lt3A_643 = arith.cmpi slt, %add3A_637, %lt3A_642 : vector<16xi32>
    %lt3A_644 = arith.constant 384 : i32
    %lt3A_645 = vector.broadcast %lt3A_644 : i32 to vector<16xi32>
    %lt3A_646 = arith.cmpi slt, %add3A_641, %lt3A_645 : vector<16xi32>
    %and3A_647 = arith.andi %lt3A_643, %lt3A_646 : vector<16xi1>
    %add3A_648 = arith.constant 128 : i32
    %add3A_649 = vector.broadcast %add3A_648 : i32 to vector<16xi32>
    %add3A_650 = arith.addi %add3A_641, %add3A_649 : vector<16xi32>
    %jit3A_651 = arith.constant 512 : i32
    %broadcast_in_dim3A_652 = vector.broadcast %jit3A_651 : i32 to vector<16xi32>
    %select_n3A_653 = arith.select %and3A_647, %add3A_650, %broadcast_in_dim3A_652 : vector<16xi1>, vector<16xi32>
    %swap3A_654 = arith.constant 1 : i32
    %swap3A_655 = arith.index_cast %swap3A_654 : i32 to index
    %swap3A_656 = arith.constant 0 : index
    %swap3A_657 = tpu.vector_load %arg28[%swap3A_655, %swap3A_656] {strides = array<i32>} : memref<3x128xi32, #tpu.memory_space<vmem>>, vector<16xi32>,
    tpu.vector_store %arg28[%swap3A_655, %swap3A_656], %select_n3A_653 {strides = array<i32>} : memref<3x128xi32, #tpu.memory_space<vmem>>, vector<16xi32>,
    %add3A_658 = arith.constant 144 : i32
    %add3A_659 = vector.broadcast %add3A_658 : i32 to vector<16xi32>
    %add3A_660 = arith.addi %add3A_659, %iota3A : vector<16xi32>
    %add3A_661 = arith.constant 0 : i32
    %add3A_662 = arith.addi %add3A_661, %reduce_sum3A_245 : i32
    %add3A_663 = vector.broadcast %add3A_662 : i32 to vector<16xi32>
    %add3A_664 = arith.addi %add3A_663, %add3A_660 : vector<16xi32>
    %lt3A_665 = vector.broadcast %scan3A_33#1 : i32 to vector<16xi32>
    %lt3A_666 = arith.cmpi slt, %add3A_660, %lt3A_665 : vector<16xi32>
    %lt3A_667 = arith.constant 384 : i32
    %lt3A_668 = vector.broadcast %lt3A_667 : i32 to vector<16xi32>
    %lt3A_669 = arith.cmpi slt, %add3A_664, %lt3A_668 : vector<16xi32>
    %and3A_670 = arith.andi %lt3A_666, %lt3A_669 : vector<16xi1>
    %add3A_671 = arith.constant 128 : i32
    %add3A_672 = vector.broadcast %add3A_671 : i32 to vector<16xi32>
    %add3A_673 = arith.addi %add3A_664, %add3A_672 : vector<16xi32>
    %jit3A_674 = arith.constant 512 : i32
    %broadcast_in_dim3A_675 = vector.broadcast %jit3A_674 : i32 to vector<16xi32>
    %select_n3A_676 = arith.select %and3A_670, %add3A_673, %broadcast_in_dim3A_675 : vector<16xi1>, vector<16xi32>
    %swap3A_677 = arith.constant 1 : i32
    %swap3A_678 = arith.index_cast %swap3A_677 : i32 to index
    %swap3A_679 = arith.constant 16 : index
    %swap3A_680 = tpu.vector_load %arg28[%swap3A_678, %swap3A_679] {strides = array<i32>} : memref<3x128xi32, #tpu.memory_space<vmem>>, vector<16xi32>,
    tpu.vector_store %arg28[%swap3A_678, %swap3A_679], %select_n3A_676 {strides = array<i32>} : memref<3x128xi32, #tpu.memory_space<vmem>>, vector<16xi32>,
    %add3A_681 = arith.constant 160 : i32
    %add3A_682 = vector.broadcast %add3A_681 : i32 to vector<16xi32>
    %add3A_683 = arith.addi %add3A_682, %iota3A : vector<16xi32>
    %add3A_684 = arith.constant 0 : i32
    %add3A_685 = arith.addi %add3A_684, %reduce_sum3A_245 : i32
    %add3A_686 = vector.broadcast %add3A_685 : i32 to vector<16xi32>
    %add3A_687 = arith.addi %add3A_686, %add3A_683 : vector<16xi32>
    %lt3A_688 = vector.broadcast %scan3A_33#1 : i32 to vector<16xi32>
    %lt3A_689 = arith.cmpi slt, %add3A_683, %lt3A_688 : vector<16xi32>
    %lt3A_690 = arith.constant 384 : i32
    %lt3A_691 = vector.broadcast %lt3A_690 : i32 to vector<16xi32>
    %lt3A_692 = arith.cmpi slt, %add3A_687, %lt3A_691 : vector<16xi32>
    %and3A_693 = arith.andi %lt3A_689, %lt3A_692 : vector<16xi1>
    %add3A_694 = arith.constant 128 : i32
    %add3A_695 = vector.broadcast %add3A_694 : i32 to vector<16xi32>
    %add3A_696 = arith.addi %add3A_687, %add3A_695 : vector<16xi32>
    %jit3A_697 = arith.constant 512 : i32
    %broadcast_in_dim3A_698 = vector.broadcast %jit3A_697 : i32 to vector<16xi32>
    %select_n3A_699 = arith.select %and3A_693, %add3A_696, %broadcast_in_dim3A_698 : vector<16xi1>, vector<16xi32>
    %swap3A_700 = arith.constant 1 : i32
    %swap3A_701 = arith.index_cast %swap3A_700 : i32 to index
    %swap3A_702 = arith.constant 32 : index
    %swap3A_703 = tpu.vector_load %arg28[%swap3A_701, %swap3A_702] {strides = array<i32>} : memref<3x128xi32, #tpu.memory_space<vmem>>, vector<16xi32>,
    tpu.vector_store %arg28[%swap3A_701, %swap3A_702], %select_n3A_699 {strides = array<i32>} : memref<3x128xi32, #tpu.memory_space<vmem>>, vector<16xi32>,
    %add3A_704 = arith.constant 176 : i32
    %add3A_705 = vector.broadcast %add3A_704 : i32 to vector<16xi32>
    %add3A_706 = arith.addi %add3A_705, %iota3A : vector<16xi32>
    %add3A_707 = arith.constant 0 : i32
    %add3A_708 = arith.addi %add3A_707, %reduce_sum3A_245 : i32
    %add3A_709 = vector.broadcast %add3A_708 : i32 to vector<16xi32>
    %add3A_710 = arith.addi %add3A_709, %add3A_706 : vector<16xi32>
    %lt3A_711 = vector.broadcast %scan3A_33#1 : i32 to vector<16xi32>
    %lt3A_712 = arith.cmpi slt, %add3A_706, %lt3A_711 : vector<16xi32>
    %lt3A_713 = arith.constant 384 : i32
    %lt3A_714 = vector.broadcast %lt3A_713 : i32 to vector<16xi32>
    %lt3A_715 = arith.cmpi slt, %add3A_710, %lt3A_714 : vector<16xi32>
    %and3A_716 = arith.andi %lt3A_712, %lt3A_715 : vector<16xi1>
    %add3A_717 = arith.constant 128 : i32
    %add3A_718 = vector.broadcast %add3A_717 : i32 to vector<16xi32>
    %add3A_719 = arith.addi %add3A_710, %add3A_718 : vector<16xi32>
    %jit3A_720 = arith.constant 512 : i32
    %broadcast_in_dim3A_721 = vector.broadcast %jit3A_720 : i32 to vector<16xi32>
    %select_n3A_722 = arith.select %and3A_716, %add3A_719, %broadcast_in_dim3A_721 : vector<16xi1>, vector<16xi32>
    %swap3A_723 = arith.constant 1 : i32
    %swap3A_724 = arith.index_cast %swap3A_723 : i32 to index
    %swap3A_725 = arith.constant 48 : index
    %swap3A_726 = tpu.vector_load %arg28[%swap3A_724, %swap3A_725] {strides = array<i32>} : memref<3x128xi32, #tpu.memory_space<vmem>>, vector<16xi32>,
    tpu.vector_store %arg28[%swap3A_724, %swap3A_725], %select_n3A_722 {strides = array<i32>} : memref<3x128xi32, #tpu.memory_space<vmem>>, vector<16xi32>,
    %add3A_727 = arith.constant 192 : i32
    %add3A_728 = vector.broadcast %add3A_727 : i32 to vector<16xi32>
    %add3A_729 = arith.addi %add3A_728, %iota3A : vector<16xi32>
    %add3A_730 = arith.constant 0 : i32
    %add3A_731 = arith.addi %add3A_730, %reduce_sum3A_245 : i32
    %add3A_732 = vector.broadcast %add3A_731 : i32 to vector<16xi32>
    %add3A_733 = arith.addi %add3A_732, %add3A_729 : vector<16xi32>
    %lt3A_734 = vector.broadcast %scan3A_33#1 : i32 to vector<16xi32>
    %lt3A_735 = arith.cmpi slt, %add3A_729, %lt3A_734 : vector<16xi32>
    %lt3A_736 = arith.constant 384 : i32
    %lt3A_737 = vector.broadcast %lt3A_736 : i32 to vector<16xi32>
    %lt3A_738 = arith.cmpi slt, %add3A_733, %lt3A_737 : vector<16xi32>
    %and3A_739 = arith.andi %lt3A_735, %lt3A_738 : vector<16xi1>
    %add3A_740 = arith.constant 128 : i32
    %add3A_741 = vector.broadcast %add3A_740 : i32 to vector<16xi32>
    %add3A_742 = arith.addi %add3A_733, %add3A_741 : vector<16xi32>
    %jit3A_743 = arith.constant 512 : i32
    %broadcast_in_dim3A_744 = vector.broadcast %jit3A_743 : i32 to vector<16xi32>
    %select_n3A_745 = arith.select %and3A_739, %add3A_742, %broadcast_in_dim3A_744 : vector<16xi1>, vector<16xi32>
    %swap3A_746 = arith.constant 1 : i32
    %swap3A_747 = arith.index_cast %swap3A_746 : i32 to index
    %swap3A_748 = arith.constant 64 : index
    %swap3A_749 = tpu.vector_load %arg28[%swap3A_747, %swap3A_748] {strides = array<i32>} : memref<3x128xi32, #tpu.memory_space<vmem>>, vector<16xi32>,
    tpu.vector_store %arg28[%swap3A_747, %swap3A_748], %select_n3A_745 {strides = array<i32>} : memref<3x128xi32, #tpu.memory_space<vmem>>, vector<16xi32>,
    %add3A_750 = arith.constant 208 : i32
    %add3A_751 = vector.broadcast %add3A_750 : i32 to vector<16xi32>
    %add3A_752 = arith.addi %add3A_751, %iota3A : vector<16xi32>
    %add3A_753 = arith.constant 0 : i32
    %add3A_754 = arith.addi %add3A_753, %reduce_sum3A_245 : i32
    %add3A_755 = vector.broadcast %add3A_754 : i32 to vector<16xi32>
    %add3A_756 = arith.addi %add3A_755, %add3A_752 : vector<16xi32>
    %lt3A_757 = vector.broadcast %scan3A_33#1 : i32 to vector<16xi32>
    %lt3A_758 = arith.cmpi slt, %add3A_752, %lt3A_757 : vector<16xi32>
    %lt3A_759 = arith.constant 384 : i32
    %lt3A_760 = vector.broadcast %lt3A_759 : i32 to vector<16xi32>
    %lt3A_761 = arith.cmpi slt, %add3A_756, %lt3A_760 : vector<16xi32>
    %and3A_762 = arith.andi %lt3A_758, %lt3A_761 : vector<16xi1>
    %add3A_763 = arith.constant 128 : i32
    %add3A_764 = vector.broadcast %add3A_763 : i32 to vector<16xi32>
    %add3A_765 = arith.addi %add3A_756, %add3A_764 : vector<16xi32>
    %jit3A_766 = arith.constant 512 : i32
    %broadcast_in_dim3A_767 = vector.broadcast %jit3A_766 : i32 to vector<16xi32>
    %select_n3A_768 = arith.select %and3A_762, %add3A_765, %broadcast_in_dim3A_767 : vector<16xi1>, vector<16xi32>
    %swap3A_769 = arith.constant 1 : i32
    %swap3A_770 = arith.index_cast %swap3A_769 : i32 to index
    %swap3A_771 = arith.constant 80 : index
    %swap3A_772 = tpu.vector_load %arg28[%swap3A_770, %swap3A_771] {strides = array<i32>} : memref<3x128xi32, #tpu.memory_space<vmem>>, vector<16xi32>,
    tpu.vector_store %arg28[%swap3A_770, %swap3A_771], %select_n3A_768 {strides = array<i32>} : memref<3x128xi32, #tpu.memory_space<vmem>>, vector<16xi32>,
    %add3A_773 = arith.constant 224 : i32
    %add3A_774 = vector.broadcast %add3A_773 : i32 to vector<16xi32>
    %add3A_775 = arith.addi %add3A_774, %iota3A : vector<16xi32>
    %add3A_776 = arith.constant 0 : i32
    %add3A_777 = arith.addi %add3A_776, %reduce_sum3A_245 : i32
    %add3A_778 = vector.broadcast %add3A_777 : i32 to vector<16xi32>
    %add3A_779 = arith.addi %add3A_778, %add3A_775 : vector<16xi32>
    %lt3A_780 = vector.broadcast %scan3A_33#1 : i32 to vector<16xi32>
    %lt3A_781 = arith.cmpi slt, %add3A_775, %lt3A_780 : vector<16xi32>
    %lt3A_782 = arith.constant 384 : i32
    %lt3A_783 = vector.broadcast %lt3A_782 : i32 to vector<16xi32>
    %lt3A_784 = arith.cmpi slt, %add3A_779, %lt3A_783 : vector<16xi32>
    %and3A_785 = arith.andi %lt3A_781, %lt3A_784 : vector<16xi1>
    %add3A_786 = arith.constant 128 : i32
    %add3A_787 = vector.broadcast %add3A_786 : i32 to vector<16xi32>
    %add3A_788 = arith.addi %add3A_779, %add3A_787 : vector<16xi32>
    %jit3A_789 = arith.constant 512 : i32
    %broadcast_in_dim3A_790 = vector.broadcast %jit3A_789 : i32 to vector<16xi32>
    %select_n3A_791 = arith.select %and3A_785, %add3A_788, %broadcast_in_dim3A_790 : vector<16xi1>, vector<16xi32>
    %swap3A_792 = arith.constant 1 : i32
    %swap3A_793 = arith.index_cast %swap3A_792 : i32 to index
    %swap3A_794 = arith.constant 96 : index
    %swap3A_795 = tpu.vector_load %arg28[%swap3A_793, %swap3A_794] {strides = array<i32>} : memref<3x128xi32, #tpu.memory_space<vmem>>, vector<16xi32>,
    tpu.vector_store %arg28[%swap3A_793, %swap3A_794], %select_n3A_791 {strides = array<i32>} : memref<3x128xi32, #tpu.memory_space<vmem>>, vector<16xi32>,
    %add3A_796 = arith.constant 240 : i32
    %add3A_797 = vector.broadcast %add3A_796 : i32 to vector<16xi32>
    %add3A_798 = arith.addi %add3A_797, %iota3A : vector<16xi32>
    %add3A_799 = arith.constant 0 : i32
    %add3A_800 = arith.addi %add3A_799, %reduce_sum3A_245 : i32
    %add3A_801 = vector.broadcast %add3A_800 : i32 to vector<16xi32>
    %add3A_802 = arith.addi %add3A_801, %add3A_798 : vector<16xi32>
    %lt3A_803 = vector.broadcast %scan3A_33#1 : i32 to vector<16xi32>
    %lt3A_804 = arith.cmpi slt, %add3A_798, %lt3A_803 : vector<16xi32>
    %lt3A_805 = arith.constant 384 : i32
    %lt3A_806 = vector.broadcast %lt3A_805 : i32 to vector<16xi32>
    %lt3A_807 = arith.cmpi slt, %add3A_802, %lt3A_806 : vector<16xi32>
    %and3A_808 = arith.andi %lt3A_804, %lt3A_807 : vector<16xi1>
    %add3A_809 = arith.constant 128 : i32
    %add3A_810 = vector.broadcast %add3A_809 : i32 to vector<16xi32>
    %add3A_811 = arith.addi %add3A_802, %add3A_810 : vector<16xi32>
    %jit3A_812 = arith.constant 512 : i32
    %broadcast_in_dim3A_813 = vector.broadcast %jit3A_812 : i32 to vector<16xi32>
    %select_n3A_814 = arith.select %and3A_808, %add3A_811, %broadcast_in_dim3A_813 : vector<16xi1>, vector<16xi32>
    %swap3A_815 = arith.constant 1 : i32
    %swap3A_816 = arith.index_cast %swap3A_815 : i32 to index
    %swap3A_817 = arith.constant 112 : index
    %swap3A_818 = tpu.vector_load %arg28[%swap3A_816, %swap3A_817] {strides = array<i32>} : memref<3x128xi32, #tpu.memory_space<vmem>>, vector<16xi32>,
    tpu.vector_store %arg28[%swap3A_816, %swap3A_817], %select_n3A_814 {strides = array<i32>} : memref<3x128xi32, #tpu.memory_space<vmem>>, vector<16xi32>,
    %add3A_819 = arith.constant 256 : i32
    %add3A_820 = vector.broadcast %add3A_819 : i32 to vector<16xi32>
    %add3A_821 = arith.addi %add3A_820, %iota3A : vector<16xi32>
    %add3A_822 = arith.constant 0 : i32
    %add3A_823 = arith.addi %add3A_822, %reduce_sum3A_245 : i32
    %add3A_824 = vector.broadcast %add3A_823 : i32 to vector<16xi32>
    %add3A_825 = arith.addi %add3A_824, %add3A_821 : vector<16xi32>
    %lt3A_826 = vector.broadcast %scan3A_33#1 : i32 to vector<16xi32>
    %lt3A_827 = arith.cmpi slt, %add3A_821, %lt3A_826 : vector<16xi32>
    %lt3A_828 = arith.constant 384 : i32
    %lt3A_829 = vector.broadcast %lt3A_828 : i32 to vector<16xi32>
    %lt3A_830 = arith.cmpi slt, %add3A_825, %lt3A_829 : vector<16xi32>
    %and3A_831 = arith.andi %lt3A_827, %lt3A_830 : vector<16xi1>
    %add3A_832 = arith.constant 128 : i32
    %add3A_833 = vector.broadcast %add3A_832 : i32 to vector<16xi32>
    %add3A_834 = arith.addi %add3A_825, %add3A_833 : vector<16xi32>
    %jit3A_835 = arith.constant 512 : i32
    %broadcast_in_dim3A_836 = vector.broadcast %jit3A_835 : i32 to vector<16xi32>
    %select_n3A_837 = arith.select %and3A_831, %add3A_834, %broadcast_in_dim3A_836 : vector<16xi1>, vector<16xi32>
    %swap3A_838 = arith.constant 2 : i32
    %swap3A_839 = arith.index_cast %swap3A_838 : i32 to index
    %swap3A_840 = arith.constant 0 : index
    %swap3A_841 = tpu.vector_load %arg28[%swap3A_839, %swap3A_840] {strides = array<i32>} : memref<3x128xi32, #tpu.memory_space<vmem>>, vector<16xi32>,
    tpu.vector_store %arg28[%swap3A_839, %swap3A_840], %select_n3A_837 {strides = array<i32>} : memref<3x128xi32, #tpu.memory_space<vmem>>, vector<16xi32>,
    %add3A_842 = arith.constant 272 : i32
    %add3A_843 = vector.broadcast %add3A_842 : i32 to vector<16xi32>
    %add3A_844 = arith.addi %add3A_843, %iota3A : vector<16xi32>
    %add3A_845 = arith.constant 0 : i32
    %add3A_846 = arith.addi %add3A_845, %reduce_sum3A_245 : i32
    %add3A_847 = vector.broadcast %add3A_846 : i32 to vector<16xi32>
    %add3A_848 = arith.addi %add3A_847, %add3A_844 : vector<16xi32>
    %lt3A_849 = vector.broadcast %scan3A_33#1 : i32 to vector<16xi32>
    %lt3A_850 = arith.cmpi slt, %add3A_844, %lt3A_849 : vector<16xi32>
    %lt3A_851 = arith.constant 384 : i32
    %lt3A_852 = vector.broadcast %lt3A_851 : i32 to vector<16xi32>
    %lt3A_853 = arith.cmpi slt, %add3A_848, %lt3A_852 : vector<16xi32>
    %and3A_854 = arith.andi %lt3A_850, %lt3A_853 : vector<16xi1>
    %add3A_855 = arith.constant 128 : i32
    %add3A_856 = vector.broadcast %add3A_855 : i32 to vector<16xi32>
    %add3A_857 = arith.addi %add3A_848, %add3A_856 : vector<16xi32>
    %jit3A_858 = arith.constant 512 : i32
    %broadcast_in_dim3A_859 = vector.broadcast %jit3A_858 : i32 to vector<16xi32>
    %select_n3A_860 = arith.select %and3A_854, %add3A_857, %broadcast_in_dim3A_859 : vector<16xi1>, vector<16xi32>
    %swap3A_861 = arith.constant 2 : i32
    %swap3A_862 = arith.index_cast %swap3A_861 : i32 to index
    %swap3A_863 = arith.constant 16 : index
    %swap3A_864 = tpu.vector_load %arg28[%swap3A_862, %swap3A_863] {strides = array<i32>} : memref<3x128xi32, #tpu.memory_space<vmem>>, vector<16xi32>,
    tpu.vector_store %arg28[%swap3A_862, %swap3A_863], %select_n3A_860 {strides = array<i32>} : memref<3x128xi32, #tpu.memory_space<vmem>>, vector<16xi32>,
    %add3A_865 = arith.constant 288 : i32
    %add3A_866 = vector.broadcast %add3A_865 : i32 to vector<16xi32>
    %add3A_867 = arith.addi %add3A_866, %iota3A : vector<16xi32>
    %add3A_868 = arith.constant 0 : i32
    %add3A_869 = arith.addi %add3A_868, %reduce_sum3A_245 : i32
    %add3A_870 = vector.broadcast %add3A_869 : i32 to vector<16xi32>
    %add3A_871 = arith.addi %add3A_870, %add3A_867 : vector<16xi32>
    %lt3A_872 = vector.broadcast %scan3A_33#1 : i32 to vector<16xi32>
    %lt3A_873 = arith.cmpi slt, %add3A_867, %lt3A_872 : vector<16xi32>
    %lt3A_874 = arith.constant 384 : i32
    %lt3A_875 = vector.broadcast %lt3A_874 : i32 to vector<16xi32>
    %lt3A_876 = arith.cmpi slt, %add3A_871, %lt3A_875 : vector<16xi32>
    %and3A_877 = arith.andi %lt3A_873, %lt3A_876 : vector<16xi1>
    %add3A_878 = arith.constant 128 : i32
    %add3A_879 = vector.broadcast %add3A_878 : i32 to vector<16xi32>
    %add3A_880 = arith.addi %add3A_871, %add3A_879 : vector<16xi32>
    %jit3A_881 = arith.constant 512 : i32
    %broadcast_in_dim3A_882 = vector.broadcast %jit3A_881 : i32 to vector<16xi32>
    %select_n3A_883 = arith.select %and3A_877, %add3A_880, %broadcast_in_dim3A_882 : vector<16xi1>, vector<16xi32>
    %swap3A_884 = arith.constant 2 : i32
    %swap3A_885 = arith.index_cast %swap3A_884 : i32 to index
    %swap3A_886 = arith.constant 32 : index
    %swap3A_887 = tpu.vector_load %arg28[%swap3A_885, %swap3A_886] {strides = array<i32>} : memref<3x128xi32, #tpu.memory_space<vmem>>, vector<16xi32>,
    tpu.vector_store %arg28[%swap3A_885, %swap3A_886], %select_n3A_883 {strides = array<i32>} : memref<3x128xi32, #tpu.memory_space<vmem>>, vector<16xi32>,
    %add3A_888 = arith.constant 304 : i32
    %add3A_889 = vector.broadcast %add3A_888 : i32 to vector<16xi32>
    %add3A_890 = arith.addi %add3A_889, %iota3A : vector<16xi32>
    %add3A_891 = arith.constant 0 : i32
    %add3A_892 = arith.addi %add3A_891, %reduce_sum3A_245 : i32
    %add3A_893 = vector.broadcast %add3A_892 : i32 to vector<16xi32>
    %add3A_894 = arith.addi %add3A_893, %add3A_890 : vector<16xi32>
    %lt3A_895 = vector.broadcast %scan3A_33#1 : i32 to vector<16xi32>
    %lt3A_896 = arith.cmpi slt, %add3A_890, %lt3A_895 : vector<16xi32>
    %lt3A_897 = arith.constant 384 : i32
    %lt3A_898 = vector.broadcast %lt3A_897 : i32 to vector<16xi32>
    %lt3A_899 = arith.cmpi slt, %add3A_894, %lt3A_898 : vector<16xi32>
    %and3A_900 = arith.andi %lt3A_896, %lt3A_899 : vector<16xi1>
    %add3A_901 = arith.constant 128 : i32
    %add3A_902 = vector.broadcast %add3A_901 : i32 to vector<16xi32>
    %add3A_903 = arith.addi %add3A_894, %add3A_902 : vector<16xi32>
    %jit3A_904 = arith.constant 512 : i32
    %broadcast_in_dim3A_905 = vector.broadcast %jit3A_904 : i32 to vector<16xi32>
    %select_n3A_906 = arith.select %and3A_900, %add3A_903, %broadcast_in_dim3A_905 : vector<16xi1>, vector<16xi32>
    %swap3A_907 = arith.constant 2 : i32
    %swap3A_908 = arith.index_cast %swap3A_907 : i32 to index
    %swap3A_909 = arith.constant 48 : index
    %swap3A_910 = tpu.vector_load %arg28[%swap3A_908, %swap3A_909] {strides = array<i32>} : memref<3x128xi32, #tpu.memory_space<vmem>>, vector<16xi32>,
    tpu.vector_store %arg28[%swap3A_908, %swap3A_909], %select_n3A_906 {strides = array<i32>} : memref<3x128xi32, #tpu.memory_space<vmem>>, vector<16xi32>,
    %add3A_911 = arith.constant 320 : i32
    %add3A_912 = vector.broadcast %add3A_911 : i32 to vector<16xi32>
    %add3A_913 = arith.addi %add3A_912, %iota3A : vector<16xi32>
    %add3A_914 = arith.constant 0 : i32
    %add3A_915 = arith.addi %add3A_914, %reduce_sum3A_245 : i32
    %add3A_916 = vector.broadcast %add3A_915 : i32 to vector<16xi32>
    %add3A_917 = arith.addi %add3A_916, %add3A_913 : vector<16xi32>
    %lt3A_918 = vector.broadcast %scan3A_33#1 : i32 to vector<16xi32>
    %lt3A_919 = arith.cmpi slt, %add3A_913, %lt3A_918 : vector<16xi32>
    %lt3A_920 = arith.constant 384 : i32
    %lt3A_921 = vector.broadcast %lt3A_920 : i32 to vector<16xi32>
    %lt3A_922 = arith.cmpi slt, %add3A_917, %lt3A_921 : vector<16xi32>
    %and3A_923 = arith.andi %lt3A_919, %lt3A_922 : vector<16xi1>
    %add3A_924 = arith.constant 128 : i32
    %add3A_925 = vector.broadcast %add3A_924 : i32 to vector<16xi32>
    %add3A_926 = arith.addi %add3A_917, %add3A_925 : vector<16xi32>
    %jit3A_927 = arith.constant 512 : i32
    %broadcast_in_dim3A_928 = vector.broadcast %jit3A_927 : i32 to vector<16xi32>
    %select_n3A_929 = arith.select %and3A_923, %add3A_926, %broadcast_in_dim3A_928 : vector<16xi1>, vector<16xi32>
    %swap3A_930 = arith.constant 2 : i32
    %swap3A_931 = arith.index_cast %swap3A_930 : i32 to index
    %swap3A_932 = arith.constant 64 : index
    %swap3A_933 = tpu.vector_load %arg28[%swap3A_931, %swap3A_932] {strides = array<i32>} : memref<3x128xi32, #tpu.memory_space<vmem>>, vector<16xi32>,
    tpu.vector_store %arg28[%swap3A_931, %swap3A_932], %select_n3A_929 {strides = array<i32>} : memref<3x128xi32, #tpu.memory_space<vmem>>, vector<16xi32>,
    %add3A_934 = arith.constant 336 : i32
    %add3A_935 = vector.broadcast %add3A_934 : i32 to vector<16xi32>
    %add3A_936 = arith.addi %add3A_935, %iota3A : vector<16xi32>
    %add3A_937 = arith.constant 0 : i32
    %add3A_938 = arith.addi %add3A_937, %reduce_sum3A_245 : i32
    %add3A_939 = vector.broadcast %add3A_938 : i32 to vector<16xi32>
    %add3A_940 = arith.addi %add3A_939, %add3A_936 : vector<16xi32>
    %lt3A_941 = vector.broadcast %scan3A_33#1 : i32 to vector<16xi32>
    %lt3A_942 = arith.cmpi slt, %add3A_936, %lt3A_941 : vector<16xi32>
    %lt3A_943 = arith.constant 384 : i32
    %lt3A_944 = vector.broadcast %lt3A_943 : i32 to vector<16xi32>
    %lt3A_945 = arith.cmpi slt, %add3A_940, %lt3A_944 : vector<16xi32>
    %and3A_946 = arith.andi %lt3A_942, %lt3A_945 : vector<16xi1>
    %add3A_947 = arith.constant 128 : i32
    %add3A_948 = vector.broadcast %add3A_947 : i32 to vector<16xi32>
    %add3A_949 = arith.addi %add3A_940, %add3A_948 : vector<16xi32>
    %jit3A_950 = arith.constant 512 : i32
    %broadcast_in_dim3A_951 = vector.broadcast %jit3A_950 : i32 to vector<16xi32>
    %select_n3A_952 = arith.select %and3A_946, %add3A_949, %broadcast_in_dim3A_951 : vector<16xi1>, vector<16xi32>
    %swap3A_953 = arith.constant 2 : i32
    %swap3A_954 = arith.index_cast %swap3A_953 : i32 to index
    %swap3A_955 = arith.constant 80 : index
    %swap3A_956 = tpu.vector_load %arg28[%swap3A_954, %swap3A_955] {strides = array<i32>} : memref<3x128xi32, #tpu.memory_space<vmem>>, vector<16xi32>,
    tpu.vector_store %arg28[%swap3A_954, %swap3A_955], %select_n3A_952 {strides = array<i32>} : memref<3x128xi32, #tpu.memory_space<vmem>>, vector<16xi32>,
    %add3A_957 = arith.constant 352 : i32
    %add3A_958 = vector.broadcast %add3A_957 : i32 to vector<16xi32>
    %add3A_959 = arith.addi %add3A_958, %iota3A : vector<16xi32>
    %add3A_960 = arith.constant 0 : i32
    %add3A_961 = arith.addi %add3A_960, %reduce_sum3A_245 : i32
    %add3A_962 = vector.broadcast %add3A_961 : i32 to vector<16xi32>
    %add3A_963 = arith.addi %add3A_962, %add3A_959 : vector<16xi32>
    %lt3A_964 = vector.broadcast %scan3A_33#1 : i32 to vector<16xi32>
    %lt3A_965 = arith.cmpi slt, %add3A_959, %lt3A_964 : vector<16xi32>
    %lt3A_966 = arith.constant 384 : i32
    %lt3A_967 = vector.broadcast %lt3A_966 : i32 to vector<16xi32>
    %lt3A_968 = arith.cmpi slt, %add3A_963, %lt3A_967 : vector<16xi32>
    %and3A_969 = arith.andi %lt3A_965, %lt3A_968 : vector<16xi1>
    %add3A_970 = arith.constant 128 : i32
    %add3A_971 = vector.broadcast %add3A_970 : i32 to vector<16xi32>
    %add3A_972 = arith.addi %add3A_963, %add3A_971 : vector<16xi32>
    %jit3A_973 = arith.constant 512 : i32
    %broadcast_in_dim3A_974 = vector.broadcast %jit3A_973 : i32 to vector<16xi32>
    %select_n3A_975 = arith.select %and3A_969, %add3A_972, %broadcast_in_dim3A_974 : vector<16xi1>, vector<16xi32>
    %swap3A_976 = arith.constant 2 : i32
    %swap3A_977 = arith.index_cast %swap3A_976 : i32 to index
    %swap3A_978 = arith.constant 96 : index
    %swap3A_979 = tpu.vector_load %arg28[%swap3A_977, %swap3A_978] {strides = array<i32>} : memref<3x128xi32, #tpu.memory_space<vmem>>, vector<16xi32>,
    tpu.vector_store %arg28[%swap3A_977, %swap3A_978], %select_n3A_975 {strides = array<i32>} : memref<3x128xi32, #tpu.memory_space<vmem>>, vector<16xi32>,
    %add3A_980 = arith.constant 368 : i32
    %add3A_981 = vector.broadcast %add3A_980 : i32 to vector<16xi32>
    %add3A_982 = arith.addi %add3A_981, %iota3A : vector<16xi32>
    %add3A_983 = arith.constant 0 : i32
    %add3A_984 = arith.addi %add3A_983, %reduce_sum3A_245 : i32
    %add3A_985 = vector.broadcast %add3A_984 : i32 to vector<16xi32>
    %add3A_986 = arith.addi %add3A_985, %add3A_982 : vector<16xi32>
    %lt3A_987 = vector.broadcast %scan3A_33#1 : i32 to vector<16xi32>
    %lt3A_988 = arith.cmpi slt, %add3A_982, %lt3A_987 : vector<16xi32>
    %lt3A_989 = arith.constant 384 : i32
    %lt3A_990 = vector.broadcast %lt3A_989 : i32 to vector<16xi32>
    %lt3A_991 = arith.cmpi slt, %add3A_986, %lt3A_990 : vector<16xi32>
    %and3A_992 = arith.andi %lt3A_988, %lt3A_991 : vector<16xi1>
    %add3A_993 = arith.constant 128 : i32
    %add3A_994 = vector.broadcast %add3A_993 : i32 to vector<16xi32>
    %add3A_995 = arith.addi %add3A_986, %add3A_994 : vector<16xi32>
    %jit3A_996 = arith.constant 512 : i32
    %broadcast_in_dim3A_997 = vector.broadcast %jit3A_996 : i32 to vector<16xi32>
    %select_n3A_998 = arith.select %and3A_992, %add3A_995, %broadcast_in_dim3A_997 : vector<16xi1>, vector<16xi32>
    %swap3A_999 = arith.constant 2 : i32
    %swap3A_1000 = arith.index_cast %swap3A_999 : i32 to index
    %swap3A_1001 = arith.constant 112 : index
    %swap3A_1002 = tpu.vector_load %arg28[%swap3A_1000, %swap3A_1001] {strides = array<i32>} : memref<3x128xi32, #tpu.memory_space<vmem>>, vector<16xi32>,
    tpu.vector_store %arg28[%swap3A_1000, %swap3A_1001], %select_n3A_998 {strides = array<i32>} : memref<3x128xi32, #tpu.memory_space<vmem>>, vector<16xi32>,
    %dma_start3A_1003 = arith.constant 0 : i32
    %dma_start3A_1004 = arith.constant 0 : i32
    %dma_start3A_1005 = tpu.memref_slice %arg22[%dma_start3A_1004] : memref<144xi32, #tpu.memory_space<vmem>> -> memref<128xi32, #tpu.memory_space<vmem>>
    %dma_start3A_1006 = arith.constant 0 : i32
    %dma_start3A_1007 = tpu.memref_slice %arg26[%dma_start3A_1003, %dma_start3A_1006] : memref<1x128xi32, #tpu.memory_space<vmem>> -> memref<1x128xi32, #tpu.memory_space<vmem>>
    %dma_start3A_1008 = tpu.memref_squeeze %dma_start3A_1007 : memref<1x128xi32, #tpu.memory_space<vmem>> -> memref<128xi32, #tpu.memory_space<vmem>>
    %dma_start3A_1009 = arith.constant 0 : i32
    %dma_start3A_1010 = tpu.memref_slice %arg47[%dma_start3A_1009] : memref<528xi32, #tpu.memory_space<vmem_shared>> -> memref<528xi32, #tpu.memory_space<vmem_shared>>
    tpu.enqueue_indirect_dma source(%dma_start3A_1005 : memref<128xi32, #tpu.memory_space<vmem>>) target(%dma_start3A_1010 : memref<528xi32, #tpu.memory_space<vmem_shared>>) offsets(%dma_start3A_1008 : memref<128xi32, #tpu.memory_space<vmem>>) semaphore(%arg48 : memref<!tpu.dma_semaphore, #tpu.memory_space<semaphore_mem>>)
    %dma_start3A_1011 = arith.constant 0 : i32
    %dma_start3A_1012 = arith.constant 0 : i32
    %dma_start3A_1013 = tpu.memref_slice %arg24[%dma_start3A_1012] : memref<400xi32, #tpu.memory_space<vmem>> -> memref<128xi32, #tpu.memory_space<vmem>>
    %dma_start3A_1014 = arith.constant 0 : i32
    %dma_start3A_1015 = tpu.memref_slice %arg28[%dma_start3A_1011, %dma_start3A_1014] : memref<3x128xi32, #tpu.memory_space<vmem>> -> memref<1x128xi32, #tpu.memory_space<vmem>>
    %dma_start3A_1016 = tpu.memref_squeeze %dma_start3A_1015 : memref<1x128xi32, #tpu.memory_space<vmem>> -> memref<128xi32, #tpu.memory_space<vmem>>
    %dma_start3A_1017 = arith.constant 0 : i32
    %dma_start3A_1018 = tpu.memref_slice %arg47[%dma_start3A_1017] : memref<528xi32, #tpu.memory_space<vmem_shared>> -> memref<528xi32, #tpu.memory_space<vmem_shared>>
    tpu.enqueue_indirect_dma source(%dma_start3A_1013 : memref<128xi32, #tpu.memory_space<vmem>>) target(%dma_start3A_1018 : memref<528xi32, #tpu.memory_space<vmem_shared>>) offsets(%dma_start3A_1016 : memref<128xi32, #tpu.memory_space<vmem>>) semaphore(%arg48 : memref<!tpu.dma_semaphore, #tpu.memory_space<semaphore_mem>>)
    %dma_start3A_1019 = arith.constant 1 : i32
    %dma_start3A_1020 = arith.constant 128 : i32
    %dma_start3A_1021 = tpu.memref_slice %arg24[%dma_start3A_1020] : memref<400xi32, #tpu.memory_space<vmem>> -> memref<128xi32, #tpu.memory_space<vmem>>
    %dma_start3A_1022 = arith.constant 0 : i32
    %dma_start3A_1023 = tpu.memref_slice %arg28[%dma_start3A_1019, %dma_start3A_1022] : memref<3x128xi32, #tpu.memory_space<vmem>> -> memref<1x128xi32, #tpu.memory_space<vmem>>
    %dma_start3A_1024 = tpu.memref_squeeze %dma_start3A_1023 : memref<1x128xi32, #tpu.memory_space<vmem>> -> memref<128xi32, #tpu.memory_space<vmem>>
    %dma_start3A_1025 = arith.constant 0 : i32
    %dma_start3A_1026 = tpu.memref_slice %arg47[%dma_start3A_1025] : memref<528xi32, #tpu.memory_space<vmem_shared>> -> memref<528xi32, #tpu.memory_space<vmem_shared>>
    tpu.enqueue_indirect_dma source(%dma_start3A_1021 : memref<128xi32, #tpu.memory_space<vmem>>) target(%dma_start3A_1026 : memref<528xi32, #tpu.memory_space<vmem_shared>>) offsets(%dma_start3A_1024 : memref<128xi32, #tpu.memory_space<vmem>>) semaphore(%arg48 : memref<!tpu.dma_semaphore, #tpu.memory_space<semaphore_mem>>)
    %dma_start3A_1027 = arith.constant 2 : i32
    %dma_start3A_1028 = arith.constant 256 : i32
    %dma_start3A_1029 = tpu.memref_slice %arg24[%dma_start3A_1028] : memref<400xi32, #tpu.memory_space<vmem>> -> memref<128xi32, #tpu.memory_space<vmem>>
    %dma_start3A_1030 = arith.constant 0 : i32
    %dma_start3A_1031 = tpu.memref_slice %arg28[%dma_start3A_1027, %dma_start3A_1030] : memref<3x128xi32, #tpu.memory_space<vmem>> -> memref<1x128xi32, #tpu.memory_space<vmem>>
    %dma_start3A_1032 = tpu.memref_squeeze %dma_start3A_1031 : memref<1x128xi32, #tpu.memory_space<vmem>> -> memref<128xi32, #tpu.memory_space<vmem>>
    %dma_start3A_1033 = arith.constant 0 : i32
    %dma_start3A_1034 = tpu.memref_slice %arg47[%dma_start3A_1033] : memref<528xi32, #tpu.memory_space<vmem_shared>> -> memref<528xi32, #tpu.memory_space<vmem_shared>>
    tpu.enqueue_indirect_dma source(%dma_start3A_1029 : memref<128xi32, #tpu.memory_space<vmem>>) target(%dma_start3A_1034 : memref<528xi32, #tpu.memory_space<vmem_shared>>) offsets(%dma_start3A_1032 : memref<128xi32, #tpu.memory_space<vmem>>) semaphore(%arg48 : memref<!tpu.dma_semaphore, #tpu.memory_space<semaphore_mem>>)
    %lt3A_1035 = arith.constant 128 : i32
    %lt3A_1036 = arith.cmpi slt, %reduce_sum3A_256, %lt3A_1035 : i32
    %convert_element_type3A = arith.extui %lt3A_1036 : i1 to i32
    %cond3A = arith.constant 0 : i32
    %cond3A_1037 = arith.cmpi ne, %convert_element_type3A, %cond3A : i32
    scf.if %cond3A_1037 {
      %scan3A_1231 = arith.constant 0 : i32
      %scan3A_1232 = arith.constant 0 : i32
      %scan3A_1233 = arith.constant 80 : i32
      %scan3A_1234 = arith.addi %scan3A_1232, %scan3A_1233 : i32
      %scan3A_1235 = arith.constant 1 : i32
      %scan3A_1236 = scf.for %scan3A_1614 = %scan3A_1232 to %scan3A_1234 step %scan3A_1235 iter_args(%scan3A_1615 = %scan3A_1231) -> (i32)  : i32 {
        %mul3A_1616 = arith.constant 16 : i32
        %mul3A_1617 = arith.muli %scan3A_1614, %mul3A_1616 : i32
        %get3A_1618 = arith.index_cast %mul3A_1617 : i32 to index
        %get3A_1619 = tpu.vector_load %arg19[%get3A_1618] {strides = array<i32>} : memref<1280xi32, #tpu.memory_space<vmem>>, vector<16xi32>,
        %gather3A = tpu.vector_load_idx %arg17[%get3A_1619] : memref<20480xi32, #tpu.memory_space<vmem>>[vector<16xi32>], vector<16xi32>,
        %eq3A_1620 = arith.constant 0 : i32
        %eq3A_1621 = vector.broadcast %eq3A_1620 : i32 to vector<16xi32>
        %eq3A_1622 = arith.cmpi eq, %gather3A, %eq3A_1621 : vector<16xi32>
        %min3A = arith.constant 128 : i32
        %min3A_1623 = arith.minsi %scan3A_1615, %min3A : i32
        %swap3A_1624 = arith.index_cast %min3A_1623 : i32 to index
        %swap3A_1625 = tpu.vector_load %arg23[%swap3A_1624] masked %eq3A_1622 {strides = array<i32>} : memref<144xi32, #tpu.memory_space<vmem>>, vector<16xi32>, vector<16xi1>
        tpu.vector_store %arg23[%swap3A_1624], %get3A_1619 masked %eq3A_1622 {strides = array<i32>} : memref<144xi32, #tpu.memory_space<vmem>>, vector<16xi32>, vector<16xi1>
        %all_reduce_population_count3A = tpu.all_reduce %eq3A_1622 {dim = 0 : i64, kind = #tpu.reduction_kind<sum>} : vector<16xi1> -> vector<16xi32>
        %slice3A = vector.extract_strided_slice %all_reduce_population_count3A {offsets = [0], sizes = [1], strides = [1]} : vector<16xi32> to vector<1xi32>
        %squeeze3A = vector.extract %slice3A[0] : i32 from vector<1xi32>
        %add3A_1626 = arith.addi %scan3A_1615, %squeeze3A : i32
        scf.yield %add3A_1626 : i32
      }
      %scan3A_1237 = arith.constant 80 : i32
      %barrier3A_1238 = arith.constant 0 : index
      tpu.barrier barrier_id(%barrier3A_1238)
      %eq3A_1239 = arith.constant 1 : i32
      %eq3A_1240 = vector.broadcast %eq3A_1239 : i32 to vector<16xi32>
      %eq3A_1241 = arith.cmpi eq, %iota3A, %eq3A_1240 : vector<16xi32>
      %jit3A_1242 = arith.constant 0 : i32
      %broadcast_in_dim3A_1243 = vector.broadcast %scan3A_1236 : i32 to vector<16xi32>
      %broadcast_in_dim3A_1244 = vector.broadcast %jit3A_1242 : i32 to vector<16xi32>
      %select_n3A_1245 = arith.select %eq3A_1241, %broadcast_in_dim3A_1243, %broadcast_in_dim3A_1244 : vector<16xi1>, vector<16xi32>
      %swap3A_1246 = arith.constant 0 : index
      %swap3A_1247 = tpu.vector_load %arg30[%swap3A_1246] {strides = array<i32>} : memref<16xi32, #tpu.memory_space<vmem>>, vector<16xi32>,
      tpu.vector_store %arg30[%swap3A_1246], %select_n3A_1245 {strides = array<i32>} : memref<16xi32, #tpu.memory_space<vmem>>, vector<16xi32>,
      "tpu.region"() ({
        %run_scoped3A = tpu.sem_alloc : memref<!tpu.dma_semaphore, #tpu.memory_space<semaphore_mem>>
        %dma_start3A_1614 = arith.constant 0 : i32
        %dma_start3A_1615 = tpu.memref_slice %arg46[%arg1, %dma_start3A_1614] : memref<16x16xi32, #tpu.memory_space<vmem_shared>> -> memref<1x16xi32, #tpu.memory_space<vmem_shared>>
        %dma_start3A_1616 = tpu.memref_squeeze %dma_start3A_1615 : memref<1x16xi32, #tpu.memory_space<vmem_shared>> -> memref<16xi32, #tpu.memory_space<vmem_shared>>
        %dma_start3A_1617 = arith.constant 0 : i32
        %dma_start3A_1618 = tpu.memref_slice %arg46[%arg1, %dma_start3A_1617] : memref<16x16xi32, #tpu.memory_space<vmem_shared>> -> memref<1x16xi32, #tpu.memory_space<vmem_shared>>
        %dma_start3A_1619 = tpu.memref_squeeze %dma_start3A_1618 : memref<1x16xi32, #tpu.memory_space<vmem_shared>> -> memref<16xi32, #tpu.memory_space<vmem_shared>>
        tpu.enqueue_dma source(%arg30 : memref<16xi32, #tpu.memory_space<vmem>>) target(%dma_start3A_1619 : memref<16xi32, #tpu.memory_space<vmem_shared>>) target_semaphore(%run_scoped3A : memref<!tpu.dma_semaphore, #tpu.memory_space<semaphore_mem>>)
        %dma_wait3A_1620 = arith.constant 0 : i32
        %dma_wait3A_1621 = tpu.memref_slice %arg46[%arg1, %dma_wait3A_1620] : memref<16x16xi32, #tpu.memory_space<vmem_shared>> -> memref<1x16xi32, #tpu.memory_space<vmem_shared>>
        %dma_wait3A_1622 = tpu.memref_squeeze %dma_wait3A_1621 : memref<1x16xi32, #tpu.memory_space<vmem_shared>> -> memref<16xi32, #tpu.memory_space<vmem_shared>>
        %dma_wait3A_1623 = arith.constant 0 : i32
        %dma_wait3A_1624 = tpu.memref_slice %arg46[%arg1, %dma_wait3A_1623] : memref<16x16xi32, #tpu.memory_space<vmem_shared>> -> memref<1x16xi32, #tpu.memory_space<vmem_shared>>
        %dma_wait3A_1625 = tpu.memref_squeeze %dma_wait3A_1624 : memref<1x16xi32, #tpu.memory_space<vmem_shared>> -> memref<16xi32, #tpu.memory_space<vmem_shared>>
        tpu.wait_dma2 semaphore(%run_scoped3A : memref<!tpu.dma_semaphore, #tpu.memory_space<semaphore_mem>>) src(%arg30 : memref<16xi32, #tpu.memory_space<vmem>>) dst(%dma_wait3A_1625 : memref<16xi32, #tpu.memory_space<vmem_shared>>)
        tpu.yield
      }) : () -> ()
      %barrier3A_1248 = arith.constant 0 : index
      tpu.barrier barrier_id(%barrier3A_1248)
      "tpu.region"() ({
        %run_scoped3A = tpu.sem_alloc : memref<!tpu.dma_semaphore, #tpu.memory_space<semaphore_mem>>
        tpu.enqueue_dma source(%arg46 : memref<16x16xi32, #tpu.memory_space<vmem_shared>>) target(%arg31 : memref<16x16xi32, #tpu.memory_space<vmem>>) target_semaphore(%run_scoped3A : memref<!tpu.dma_semaphore, #tpu.memory_space<semaphore_mem>>)
        tpu.wait_dma2 semaphore(%run_scoped3A : memref<!tpu.dma_semaphore, #tpu.memory_space<semaphore_mem>>) src(%arg46 : memref<16x16xi32, #tpu.memory_space<vmem_shared>>) dst(%arg31 : memref<16x16xi32, #tpu.memory_space<vmem>>)
        tpu.yield
      }) : () -> ()
      %broadcast_in_dim3A_1249 = arith.constant 0 : i32
      %broadcast_in_dim3A_1250 = vector.broadcast %broadcast_in_dim3A_1249 : i32 to vector<16xi32>
      %lt3A_1251 = arith.constant 0 : i32
      %lt3A_1252 = arith.cmpi slt, %lt3A_1251, %arg1 : i32
      %get3A_1253 = arith.constant 0 : i32
      %get3A_1254 = arith.index_cast %get3A_1253 : i32 to index
      %get3A_1255 = arith.constant 0 : index
      %get3A_1256 = tpu.vector_load %arg31[%get3A_1254, %get3A_1255] {strides = array<i32>} : memref<16x16xi32, #tpu.memory_space<vmem>>, vector<16xi32>,
      %jit3A_1257 = arith.constant 0 : i32
      %broadcast_in_dim3A_1258 = vector.broadcast %jit3A_1257 : i32 to vector<16xi32>
      %select_n3A_1259 = arith.select %lt3A_1252, %get3A_1256, %broadcast_in_dim3A_1258 : vector<16xi32>
      %add3A_1260 = arith.addi %broadcast_in_dim3A_1250, %select_n3A_1259 : vector<16xi32>
      %lt3A_1261 = arith.constant 1 : i32
      %lt3A_1262 = arith.cmpi slt, %lt3A_1261, %arg1 : i32
      %get3A_1263 = arith.constant 1 : i32
      %get3A_1264 = arith.index_cast %get3A_1263 : i32 to index
      %get3A_1265 = arith.constant 0 : index
      %get3A_1266 = tpu.vector_load %arg31[%get3A_1264, %get3A_1265] {strides = array<i32>} : memref<16x16xi32, #tpu.memory_space<vmem>>, vector<16xi32>,
      %jit3A_1267 = arith.constant 0 : i32
      %broadcast_in_dim3A_1268 = vector.broadcast %jit3A_1267 : i32 to vector<16xi32>
      %select_n3A_1269 = arith.select %lt3A_1262, %get3A_1266, %broadcast_in_dim3A_1268 : vector<16xi32>
      %add3A_1270 = arith.addi %add3A_1260, %select_n3A_1269 : vector<16xi32>
      %lt3A_1271 = arith.constant 2 : i32
      %lt3A_1272 = arith.cmpi slt, %lt3A_1271, %arg1 : i32
      %get3A_1273 = arith.constant 2 : i32
      %get3A_1274 = arith.index_cast %get3A_1273 : i32 to index
      %get3A_1275 = arith.constant 0 : index
      %get3A_1276 = tpu.vector_load %arg31[%get3A_1274, %get3A_1275] {strides = array<i32>} : memref<16x16xi32, #tpu.memory_space<vmem>>, vector<16xi32>,
      %jit3A_1277 = arith.constant 0 : i32
      %broadcast_in_dim3A_1278 = vector.broadcast %jit3A_1277 : i32 to vector<16xi32>
      %select_n3A_1279 = arith.select %lt3A_1272, %get3A_1276, %broadcast_in_dim3A_1278 : vector<16xi32>
      %add3A_1280 = arith.addi %add3A_1270, %select_n3A_1279 : vector<16xi32>
      %lt3A_1281 = arith.constant 3 : i32
      %lt3A_1282 = arith.cmpi slt, %lt3A_1281, %arg1 : i32
      %get3A_1283 = arith.constant 3 : i32
      %get3A_1284 = arith.index_cast %get3A_1283 : i32 to index
      %get3A_1285 = arith.constant 0 : index
      %get3A_1286 = tpu.vector_load %arg31[%get3A_1284, %get3A_1285] {strides = array<i32>} : memref<16x16xi32, #tpu.memory_space<vmem>>, vector<16xi32>,
      %jit3A_1287 = arith.constant 0 : i32
      %broadcast_in_dim3A_1288 = vector.broadcast %jit3A_1287 : i32 to vector<16xi32>
      %select_n3A_1289 = arith.select %lt3A_1282, %get3A_1286, %broadcast_in_dim3A_1288 : vector<16xi32>
      %add3A_1290 = arith.addi %add3A_1280, %select_n3A_1289 : vector<16xi32>
      %lt3A_1291 = arith.constant 4 : i32
      %lt3A_1292 = arith.cmpi slt, %lt3A_1291, %arg1 : i32
      %get3A_1293 = arith.constant 4 : i32
      %get3A_1294 = arith.index_cast %get3A_1293 : i32 to index
      %get3A_1295 = arith.constant 0 : index
      %get3A_1296 = tpu.vector_load %arg31[%get3A_1294, %get3A_1295] {strides = array<i32>} : memref<16x16xi32, #tpu.memory_space<vmem>>, vector<16xi32>,
      %jit3A_1297 = arith.constant 0 : i32
      %broadcast_in_dim3A_1298 = vector.broadcast %jit3A_1297 : i32 to vector<16xi32>
      %select_n3A_1299 = arith.select %lt3A_1292, %get3A_1296, %broadcast_in_dim3A_1298 : vector<16xi32>
      %add3A_1300 = arith.addi %add3A_1290, %select_n3A_1299 : vector<16xi32>
      %lt3A_1301 = arith.constant 5 : i32
      %lt3A_1302 = arith.cmpi slt, %lt3A_1301, %arg1 : i32
      %get3A_1303 = arith.constant 5 : i32
      %get3A_1304 = arith.index_cast %get3A_1303 : i32 to index
      %get3A_1305 = arith.constant 0 : index
      %get3A_1306 = tpu.vector_load %arg31[%get3A_1304, %get3A_1305] {strides = array<i32>} : memref<16x16xi32, #tpu.memory_space<vmem>>, vector<16xi32>,
      %jit3A_1307 = arith.constant 0 : i32
      %broadcast_in_dim3A_1308 = vector.broadcast %jit3A_1307 : i32 to vector<16xi32>
      %select_n3A_1309 = arith.select %lt3A_1302, %get3A_1306, %broadcast_in_dim3A_1308 : vector<16xi32>
      %add3A_1310 = arith.addi %add3A_1300, %select_n3A_1309 : vector<16xi32>
      %lt3A_1311 = arith.constant 6 : i32
      %lt3A_1312 = arith.cmpi slt, %lt3A_1311, %arg1 : i32
      %get3A_1313 = arith.constant 6 : i32
      %get3A_1314 = arith.index_cast %get3A_1313 : i32 to index
      %get3A_1315 = arith.constant 0 : index
      %get3A_1316 = tpu.vector_load %arg31[%get3A_1314, %get3A_1315] {strides = array<i32>} : memref<16x16xi32, #tpu.memory_space<vmem>>, vector<16xi32>,
      %jit3A_1317 = arith.constant 0 : i32
      %broadcast_in_dim3A_1318 = vector.broadcast %jit3A_1317 : i32 to vector<16xi32>
      %select_n3A_1319 = arith.select %lt3A_1312, %get3A_1316, %broadcast_in_dim3A_1318 : vector<16xi32>
      %add3A_1320 = arith.addi %add3A_1310, %select_n3A_1319 : vector<16xi32>
      %lt3A_1321 = arith.constant 7 : i32
      %lt3A_1322 = arith.cmpi slt, %lt3A_1321, %arg1 : i32
      %get3A_1323 = arith.constant 7 : i32
      %get3A_1324 = arith.index_cast %get3A_1323 : i32 to index
      %get3A_1325 = arith.constant 0 : index
      %get3A_1326 = tpu.vector_load %arg31[%get3A_1324, %get3A_1325] {strides = array<i32>} : memref<16x16xi32, #tpu.memory_space<vmem>>, vector<16xi32>,
      %jit3A_1327 = arith.constant 0 : i32
      %broadcast_in_dim3A_1328 = vector.broadcast %jit3A_1327 : i32 to vector<16xi32>
      %select_n3A_1329 = arith.select %lt3A_1322, %get3A_1326, %broadcast_in_dim3A_1328 : vector<16xi32>
      %add3A_1330 = arith.addi %add3A_1320, %select_n3A_1329 : vector<16xi32>
      %lt3A_1331 = arith.constant 8 : i32
      %lt3A_1332 = arith.cmpi slt, %lt3A_1331, %arg1 : i32
      %get3A_1333 = arith.constant 8 : i32
      %get3A_1334 = arith.index_cast %get3A_1333 : i32 to index
      %get3A_1335 = arith.constant 0 : index
      %get3A_1336 = tpu.vector_load %arg31[%get3A_1334, %get3A_1335] {strides = array<i32>} : memref<16x16xi32, #tpu.memory_space<vmem>>, vector<16xi32>,
      %jit3A_1337 = arith.constant 0 : i32
      %broadcast_in_dim3A_1338 = vector.broadcast %jit3A_1337 : i32 to vector<16xi32>
      %select_n3A_1339 = arith.select %lt3A_1332, %get3A_1336, %broadcast_in_dim3A_1338 : vector<16xi32>
      %add3A_1340 = arith.addi %add3A_1330, %select_n3A_1339 : vector<16xi32>
      %lt3A_1341 = arith.constant 9 : i32
      %lt3A_1342 = arith.cmpi slt, %lt3A_1341, %arg1 : i32
      %get3A_1343 = arith.constant 9 : i32
      %get3A_1344 = arith.index_cast %get3A_1343 : i32 to index
      %get3A_1345 = arith.constant 0 : index
      %get3A_1346 = tpu.vector_load %arg31[%get3A_1344, %get3A_1345] {strides = array<i32>} : memref<16x16xi32, #tpu.memory_space<vmem>>, vector<16xi32>,
      %jit3A_1347 = arith.constant 0 : i32
      %broadcast_in_dim3A_1348 = vector.broadcast %jit3A_1347 : i32 to vector<16xi32>
      %select_n3A_1349 = arith.select %lt3A_1342, %get3A_1346, %broadcast_in_dim3A_1348 : vector<16xi32>
      %add3A_1350 = arith.addi %add3A_1340, %select_n3A_1349 : vector<16xi32>
      %lt3A_1351 = arith.constant 10 : i32
      %lt3A_1352 = arith.cmpi slt, %lt3A_1351, %arg1 : i32
      %get3A_1353 = arith.constant 10 : i32
      %get3A_1354 = arith.index_cast %get3A_1353 : i32 to index
      %get3A_1355 = arith.constant 0 : index
      %get3A_1356 = tpu.vector_load %arg31[%get3A_1354, %get3A_1355] {strides = array<i32>} : memref<16x16xi32, #tpu.memory_space<vmem>>, vector<16xi32>,
      %jit3A_1357 = arith.constant 0 : i32
      %broadcast_in_dim3A_1358 = vector.broadcast %jit3A_1357 : i32 to vector<16xi32>
      %select_n3A_1359 = arith.select %lt3A_1352, %get3A_1356, %broadcast_in_dim3A_1358 : vector<16xi32>
      %add3A_1360 = arith.addi %add3A_1350, %select_n3A_1359 : vector<16xi32>
      %lt3A_1361 = arith.constant 11 : i32
      %lt3A_1362 = arith.cmpi slt, %lt3A_1361, %arg1 : i32
      %get3A_1363 = arith.constant 11 : i32
      %get3A_1364 = arith.index_cast %get3A_1363 : i32 to index
      %get3A_1365 = arith.constant 0 : index
      %get3A_1366 = tpu.vector_load %arg31[%get3A_1364, %get3A_1365] {strides = array<i32>} : memref<16x16xi32, #tpu.memory_space<vmem>>, vector<16xi32>,
      %jit3A_1367 = arith.constant 0 : i32
      %broadcast_in_dim3A_1368 = vector.broadcast %jit3A_1367 : i32 to vector<16xi32>
      %select_n3A_1369 = arith.select %lt3A_1362, %get3A_1366, %broadcast_in_dim3A_1368 : vector<16xi32>
      %add3A_1370 = arith.addi %add3A_1360, %select_n3A_1369 : vector<16xi32>
      %lt3A_1371 = arith.constant 12 : i32
      %lt3A_1372 = arith.cmpi slt, %lt3A_1371, %arg1 : i32
      %get3A_1373 = arith.constant 12 : i32
      %get3A_1374 = arith.index_cast %get3A_1373 : i32 to index
      %get3A_1375 = arith.constant 0 : index
      %get3A_1376 = tpu.vector_load %arg31[%get3A_1374, %get3A_1375] {strides = array<i32>} : memref<16x16xi32, #tpu.memory_space<vmem>>, vector<16xi32>,
      %jit3A_1377 = arith.constant 0 : i32
      %broadcast_in_dim3A_1378 = vector.broadcast %jit3A_1377 : i32 to vector<16xi32>
      %select_n3A_1379 = arith.select %lt3A_1372, %get3A_1376, %broadcast_in_dim3A_1378 : vector<16xi32>
      %add3A_1380 = arith.addi %add3A_1370, %select_n3A_1379 : vector<16xi32>
      %lt3A_1381 = arith.constant 13 : i32
      %lt3A_1382 = arith.cmpi slt, %lt3A_1381, %arg1 : i32
      %get3A_1383 = arith.constant 13 : i32
      %get3A_1384 = arith.index_cast %get3A_1383 : i32 to index
      %get3A_1385 = arith.constant 0 : index
      %get3A_1386 = tpu.vector_load %arg31[%get3A_1384, %get3A_1385] {strides = array<i32>} : memref<16x16xi32, #tpu.memory_space<vmem>>, vector<16xi32>,
      %jit3A_1387 = arith.constant 0 : i32
      %broadcast_in_dim3A_1388 = vector.broadcast %jit3A_1387 : i32 to vector<16xi32>
      %select_n3A_1389 = arith.select %lt3A_1382, %get3A_1386, %broadcast_in_dim3A_1388 : vector<16xi32>
      %add3A_1390 = arith.addi %add3A_1380, %select_n3A_1389 : vector<16xi32>
      %lt3A_1391 = arith.constant 14 : i32
      %lt3A_1392 = arith.cmpi slt, %lt3A_1391, %arg1 : i32
      %get3A_1393 = arith.constant 14 : i32
      %get3A_1394 = arith.index_cast %get3A_1393 : i32 to index
      %get3A_1395 = arith.constant 0 : index
      %get3A_1396 = tpu.vector_load %arg31[%get3A_1394, %get3A_1395] {strides = array<i32>} : memref<16x16xi32, #tpu.memory_space<vmem>>, vector<16xi32>,
      %jit3A_1397 = arith.constant 0 : i32
      %broadcast_in_dim3A_1398 = vector.broadcast %jit3A_1397 : i32 to vector<16xi32>
      %select_n3A_1399 = arith.select %lt3A_1392, %get3A_1396, %broadcast_in_dim3A_1398 : vector<16xi32>
      %add3A_1400 = arith.addi %add3A_1390, %select_n3A_1399 : vector<16xi32>
      %lt3A_1401 = arith.constant 15 : i32
      %lt3A_1402 = arith.cmpi slt, %lt3A_1401, %arg1 : i32
      %get3A_1403 = arith.constant 15 : i32
      %get3A_1404 = arith.index_cast %get3A_1403 : i32 to index
      %get3A_1405 = arith.constant 0 : index
      %get3A_1406 = tpu.vector_load %arg31[%get3A_1404, %get3A_1405] {strides = array<i32>} : memref<16x16xi32, #tpu.memory_space<vmem>>, vector<16xi32>,
      %jit3A_1407 = arith.constant 0 : i32
      %broadcast_in_dim3A_1408 = vector.broadcast %jit3A_1407 : i32 to vector<16xi32>
      %select_n3A_1409 = arith.select %lt3A_1402, %get3A_1406, %broadcast_in_dim3A_1408 : vector<16xi32>
      %add3A_1410 = arith.addi %add3A_1400, %select_n3A_1409 : vector<16xi32>
      %iota3A_1411 = tpu.iota {dimensions = array<i32: 0>} : vector<16xi32>
      %eq3A_1412 = arith.constant 1 : i32
      %eq3A_1413 = vector.broadcast %eq3A_1412 : i32 to vector<16xi32>
      %eq3A_1414 = arith.cmpi eq, %iota3A_1411, %eq3A_1413 : vector<16xi32>
      %jit3A_1415 = arith.constant 0 : i32
      %broadcast_in_dim3A_1416 = vector.broadcast %jit3A_1415 : i32 to vector<16xi32>
      %select_n3A_1417 = arith.select %eq3A_1414, %add3A_1410, %broadcast_in_dim3A_1416 : vector<16xi1>, vector<16xi32>
      %reduce_sum3A_1418 = arith.constant true
      %reduce_sum3A_1419 = vector.broadcast %reduce_sum3A_1418 : i1 to vector<16xi1>
      %reduce_sum3A_1420 = tpu.scan <sum>, %select_n3A_1417 masked %reduce_sum3A_1419 : vector<16xi32>, vector<16xi1> -> vector<16xi32>
      %reduce_sum3A_1421 = vector.extract %reduce_sum3A_1420[15] : i32 from vector<16xi32>
      %add3A_1422 = arith.constant 0 : i32
      %add3A_1423 = vector.broadcast %add3A_1422 : i32 to vector<16xi32>
      %add3A_1424 = arith.addi %add3A_1423, %iota3A : vector<16xi32>
      %add3A_1425 = arith.addi %reduce_sum3A_256, %reduce_sum3A_1421 : i32
      %add3A_1426 = vector.broadcast %add3A_1425 : i32 to vector<16xi32>
      %add3A_1427 = arith.addi %add3A_1426, %add3A_1424 : vector<16xi32>
      %lt3A_1428 = vector.broadcast %scan3A_1236 : i32 to vector<16xi32>
      %lt3A_1429 = arith.cmpi slt, %add3A_1424, %lt3A_1428 : vector<16xi32>
      %lt3A_1430 = arith.constant 128 : i32
      %lt3A_1431 = vector.broadcast %lt3A_1430 : i32 to vector<16xi32>
      %lt3A_1432 = arith.cmpi slt, %add3A_1427, %lt3A_1431 : vector<16xi32>
      %and3A_1433 = arith.andi %lt3A_1429, %lt3A_1432 : vector<16xi1>
      %add3A_1434 = arith.constant 0 : i32
      %add3A_1435 = vector.broadcast %add3A_1434 : i32 to vector<16xi32>
      %add3A_1436 = arith.addi %add3A_1427, %add3A_1435 : vector<16xi32>
      %jit3A_1437 = arith.constant 512 : i32
      %broadcast_in_dim3A_1438 = vector.broadcast %jit3A_1437 : i32 to vector<16xi32>
      %select_n3A_1439 = arith.select %and3A_1433, %add3A_1436, %broadcast_in_dim3A_1438 : vector<16xi1>, vector<16xi32>
      %swap3A_1440 = arith.constant 0 : i32
      %swap3A_1441 = arith.index_cast %swap3A_1440 : i32 to index
      %swap3A_1442 = arith.constant 0 : index
      %swap3A_1443 = tpu.vector_load %arg27[%swap3A_1441, %swap3A_1442] {strides = array<i32>} : memref<1x128xi32, #tpu.memory_space<vmem>>, vector<16xi32>,
      tpu.vector_store %arg27[%swap3A_1441, %swap3A_1442], %select_n3A_1439 {strides = array<i32>} : memref<1x128xi32, #tpu.memory_space<vmem>>, vector<16xi32>,
      %add3A_1444 = arith.constant 16 : i32
      %add3A_1445 = vector.broadcast %add3A_1444 : i32 to vector<16xi32>
      %add3A_1446 = arith.addi %add3A_1445, %iota3A : vector<16xi32>
      %add3A_1447 = arith.addi %reduce_sum3A_256, %reduce_sum3A_1421 : i32
      %add3A_1448 = vector.broadcast %add3A_1447 : i32 to vector<16xi32>
      %add3A_1449 = arith.addi %add3A_1448, %add3A_1446 : vector<16xi32>
      %lt3A_1450 = vector.broadcast %scan3A_1236 : i32 to vector<16xi32>
      %lt3A_1451 = arith.cmpi slt, %add3A_1446, %lt3A_1450 : vector<16xi32>
      %lt3A_1452 = arith.constant 128 : i32
      %lt3A_1453 = vector.broadcast %lt3A_1452 : i32 to vector<16xi32>
      %lt3A_1454 = arith.cmpi slt, %add3A_1449, %lt3A_1453 : vector<16xi32>
      %and3A_1455 = arith.andi %lt3A_1451, %lt3A_1454 : vector<16xi1>
      %add3A_1456 = arith.constant 0 : i32
      %add3A_1457 = vector.broadcast %add3A_1456 : i32 to vector<16xi32>
      %add3A_1458 = arith.addi %add3A_1449, %add3A_1457 : vector<16xi32>
      %jit3A_1459 = arith.constant 512 : i32
      %broadcast_in_dim3A_1460 = vector.broadcast %jit3A_1459 : i32 to vector<16xi32>
      %select_n3A_1461 = arith.select %and3A_1455, %add3A_1458, %broadcast_in_dim3A_1460 : vector<16xi1>, vector<16xi32>
      %swap3A_1462 = arith.constant 0 : i32
      %swap3A_1463 = arith.index_cast %swap3A_1462 : i32 to index
      %swap3A_1464 = arith.constant 16 : index
      %swap3A_1465 = tpu.vector_load %arg27[%swap3A_1463, %swap3A_1464] {strides = array<i32>} : memref<1x128xi32, #tpu.memory_space<vmem>>, vector<16xi32>,
      tpu.vector_store %arg27[%swap3A_1463, %swap3A_1464], %select_n3A_1461 {strides = array<i32>} : memref<1x128xi32, #tpu.memory_space<vmem>>, vector<16xi32>,
      %add3A_1466 = arith.constant 32 : i32
      %add3A_1467 = vector.broadcast %add3A_1466 : i32 to vector<16xi32>
      %add3A_1468 = arith.addi %add3A_1467, %iota3A : vector<16xi32>
      %add3A_1469 = arith.addi %reduce_sum3A_256, %reduce_sum3A_1421 : i32
      %add3A_1470 = vector.broadcast %add3A_1469 : i32 to vector<16xi32>
      %add3A_1471 = arith.addi %add3A_1470, %add3A_1468 : vector<16xi32>
      %lt3A_1472 = vector.broadcast %scan3A_1236 : i32 to vector<16xi32>
      %lt3A_1473 = arith.cmpi slt, %add3A_1468, %lt3A_1472 : vector<16xi32>
      %lt3A_1474 = arith.constant 128 : i32
      %lt3A_1475 = vector.broadcast %lt3A_1474 : i32 to vector<16xi32>
      %lt3A_1476 = arith.cmpi slt, %add3A_1471, %lt3A_1475 : vector<16xi32>
      %and3A_1477 = arith.andi %lt3A_1473, %lt3A_1476 : vector<16xi1>
      %add3A_1478 = arith.constant 0 : i32
      %add3A_1479 = vector.broadcast %add3A_1478 : i32 to vector<16xi32>
      %add3A_1480 = arith.addi %add3A_1471, %add3A_1479 : vector<16xi32>
      %jit3A_1481 = arith.constant 512 : i32
      %broadcast_in_dim3A_1482 = vector.broadcast %jit3A_1481 : i32 to vector<16xi32>
      %select_n3A_1483 = arith.select %and3A_1477, %add3A_1480, %broadcast_in_dim3A_1482 : vector<16xi1>, vector<16xi32>
      %swap3A_1484 = arith.constant 0 : i32
      %swap3A_1485 = arith.index_cast %swap3A_1484 : i32 to index
      %swap3A_1486 = arith.constant 32 : index
      %swap3A_1487 = tpu.vector_load %arg27[%swap3A_1485, %swap3A_1486] {strides = array<i32>} : memref<1x128xi32, #tpu.memory_space<vmem>>, vector<16xi32>,
      tpu.vector_store %arg27[%swap3A_1485, %swap3A_1486], %select_n3A_1483 {strides = array<i32>} : memref<1x128xi32, #tpu.memory_space<vmem>>, vector<16xi32>,
      %add3A_1488 = arith.constant 48 : i32
      %add3A_1489 = vector.broadcast %add3A_1488 : i32 to vector<16xi32>
      %add3A_1490 = arith.addi %add3A_1489, %iota3A : vector<16xi32>
      %add3A_1491 = arith.addi %reduce_sum3A_256, %reduce_sum3A_1421 : i32
      %add3A_1492 = vector.broadcast %add3A_1491 : i32 to vector<16xi32>
      %add3A_1493 = arith.addi %add3A_1492, %add3A_1490 : vector<16xi32>
      %lt3A_1494 = vector.broadcast %scan3A_1236 : i32 to vector<16xi32>
      %lt3A_1495 = arith.cmpi slt, %add3A_1490, %lt3A_1494 : vector<16xi32>
      %lt3A_1496 = arith.constant 128 : i32
      %lt3A_1497 = vector.broadcast %lt3A_1496 : i32 to vector<16xi32>
      %lt3A_1498 = arith.cmpi slt, %add3A_1493, %lt3A_1497 : vector<16xi32>
      %and3A_1499 = arith.andi %lt3A_1495, %lt3A_1498 : vector<16xi1>
      %add3A_1500 = arith.constant 0 : i32
      %add3A_1501 = vector.broadcast %add3A_1500 : i32 to vector<16xi32>
      %add3A_1502 = arith.addi %add3A_1493, %add3A_1501 : vector<16xi32>
      %jit3A_1503 = arith.constant 512 : i32
      %broadcast_in_dim3A_1504 = vector.broadcast %jit3A_1503 : i32 to vector<16xi32>
      %select_n3A_1505 = arith.select %and3A_1499, %add3A_1502, %broadcast_in_dim3A_1504 : vector<16xi1>, vector<16xi32>
      %swap3A_1506 = arith.constant 0 : i32
      %swap3A_1507 = arith.index_cast %swap3A_1506 : i32 to index
      %swap3A_1508 = arith.constant 48 : index
      %swap3A_1509 = tpu.vector_load %arg27[%swap3A_1507, %swap3A_1508] {strides = array<i32>} : memref<1x128xi32, #tpu.memory_space<vmem>>, vector<16xi32>,
      tpu.vector_store %arg27[%swap3A_1507, %swap3A_1508], %select_n3A_1505 {strides = array<i32>} : memref<1x128xi32, #tpu.memory_space<vmem>>, vector<16xi32>,
      %add3A_1510 = arith.constant 64 : i32
      %add3A_1511 = vector.broadcast %add3A_1510 : i32 to vector<16xi32>
      %add3A_1512 = arith.addi %add3A_1511, %iota3A : vector<16xi32>
      %add3A_1513 = arith.addi %reduce_sum3A_256, %reduce_sum3A_1421 : i32
      %add3A_1514 = vector.broadcast %add3A_1513 : i32 to vector<16xi32>
      %add3A_1515 = arith.addi %add3A_1514, %add3A_1512 : vector<16xi32>
      %lt3A_1516 = vector.broadcast %scan3A_1236 : i32 to vector<16xi32>
      %lt3A_1517 = arith.cmpi slt, %add3A_1512, %lt3A_1516 : vector<16xi32>
      %lt3A_1518 = arith.constant 128 : i32
      %lt3A_1519 = vector.broadcast %lt3A_1518 : i32 to vector<16xi32>
      %lt3A_1520 = arith.cmpi slt, %add3A_1515, %lt3A_1519 : vector<16xi32>
      %and3A_1521 = arith.andi %lt3A_1517, %lt3A_1520 : vector<16xi1>
      %add3A_1522 = arith.constant 0 : i32
      %add3A_1523 = vector.broadcast %add3A_1522 : i32 to vector<16xi32>
      %add3A_1524 = arith.addi %add3A_1515, %add3A_1523 : vector<16xi32>
      %jit3A_1525 = arith.constant 512 : i32
      %broadcast_in_dim3A_1526 = vector.broadcast %jit3A_1525 : i32 to vector<16xi32>
      %select_n3A_1527 = arith.select %and3A_1521, %add3A_1524, %broadcast_in_dim3A_1526 : vector<16xi1>, vector<16xi32>
      %swap3A_1528 = arith.constant 0 : i32
      %swap3A_1529 = arith.index_cast %swap3A_1528 : i32 to index
      %swap3A_1530 = arith.constant 64 : index
      %swap3A_1531 = tpu.vector_load %arg27[%swap3A_1529, %swap3A_1530] {strides = array<i32>} : memref<1x128xi32, #tpu.memory_space<vmem>>, vector<16xi32>,
      tpu.vector_store %arg27[%swap3A_1529, %swap3A_1530], %select_n3A_1527 {strides = array<i32>} : memref<1x128xi32, #tpu.memory_space<vmem>>, vector<16xi32>,
      %add3A_1532 = arith.constant 80 : i32
      %add3A_1533 = vector.broadcast %add3A_1532 : i32 to vector<16xi32>
      %add3A_1534 = arith.addi %add3A_1533, %iota3A : vector<16xi32>
      %add3A_1535 = arith.addi %reduce_sum3A_256, %reduce_sum3A_1421 : i32
      %add3A_1536 = vector.broadcast %add3A_1535 : i32 to vector<16xi32>
      %add3A_1537 = arith.addi %add3A_1536, %add3A_1534 : vector<16xi32>
      %lt3A_1538 = vector.broadcast %scan3A_1236 : i32 to vector<16xi32>
      %lt3A_1539 = arith.cmpi slt, %add3A_1534, %lt3A_1538 : vector<16xi32>
      %lt3A_1540 = arith.constant 128 : i32
      %lt3A_1541 = vector.broadcast %lt3A_1540 : i32 to vector<16xi32>
      %lt3A_1542 = arith.cmpi slt, %add3A_1537, %lt3A_1541 : vector<16xi32>
      %and3A_1543 = arith.andi %lt3A_1539, %lt3A_1542 : vector<16xi1>
      %add3A_1544 = arith.constant 0 : i32
      %add3A_1545 = vector.broadcast %add3A_1544 : i32 to vector<16xi32>
      %add3A_1546 = arith.addi %add3A_1537, %add3A_1545 : vector<16xi32>
      %jit3A_1547 = arith.constant 512 : i32
      %broadcast_in_dim3A_1548 = vector.broadcast %jit3A_1547 : i32 to vector<16xi32>
      %select_n3A_1549 = arith.select %and3A_1543, %add3A_1546, %broadcast_in_dim3A_1548 : vector<16xi1>, vector<16xi32>
      %swap3A_1550 = arith.constant 0 : i32
      %swap3A_1551 = arith.index_cast %swap3A_1550 : i32 to index
      %swap3A_1552 = arith.constant 80 : index
      %swap3A_1553 = tpu.vector_load %arg27[%swap3A_1551, %swap3A_1552] {strides = array<i32>} : memref<1x128xi32, #tpu.memory_space<vmem>>, vector<16xi32>,
      tpu.vector_store %arg27[%swap3A_1551, %swap3A_1552], %select_n3A_1549 {strides = array<i32>} : memref<1x128xi32, #tpu.memory_space<vmem>>, vector<16xi32>,
      %add3A_1554 = arith.constant 96 : i32
      %add3A_1555 = vector.broadcast %add3A_1554 : i32 to vector<16xi32>
      %add3A_1556 = arith.addi %add3A_1555, %iota3A : vector<16xi32>
      %add3A_1557 = arith.addi %reduce_sum3A_256, %reduce_sum3A_1421 : i32
      %add3A_1558 = vector.broadcast %add3A_1557 : i32 to vector<16xi32>
      %add3A_1559 = arith.addi %add3A_1558, %add3A_1556 : vector<16xi32>
      %lt3A_1560 = vector.broadcast %scan3A_1236 : i32 to vector<16xi32>
      %lt3A_1561 = arith.cmpi slt, %add3A_1556, %lt3A_1560 : vector<16xi32>
      %lt3A_1562 = arith.constant 128 : i32
      %lt3A_1563 = vector.broadcast %lt3A_1562 : i32 to vector<16xi32>
      %lt3A_1564 = arith.cmpi slt, %add3A_1559, %lt3A_1563 : vector<16xi32>
      %and3A_1565 = arith.andi %lt3A_1561, %lt3A_1564 : vector<16xi1>
      %add3A_1566 = arith.constant 0 : i32
      %add3A_1567 = vector.broadcast %add3A_1566 : i32 to vector<16xi32>
      %add3A_1568 = arith.addi %add3A_1559, %add3A_1567 : vector<16xi32>
      %jit3A_1569 = arith.constant 512 : i32
      %broadcast_in_dim3A_1570 = vector.broadcast %jit3A_1569 : i32 to vector<16xi32>
      %select_n3A_1571 = arith.select %and3A_1565, %add3A_1568, %broadcast_in_dim3A_1570 : vector<16xi1>, vector<16xi32>
      %swap3A_1572 = arith.constant 0 : i32
      %swap3A_1573 = arith.index_cast %swap3A_1572 : i32 to index
      %swap3A_1574 = arith.constant 96 : index
      %swap3A_1575 = tpu.vector_load %arg27[%swap3A_1573, %swap3A_1574] {strides = array<i32>} : memref<1x128xi32, #tpu.memory_space<vmem>>, vector<16xi32>,
      tpu.vector_store %arg27[%swap3A_1573, %swap3A_1574], %select_n3A_1571 {strides = array<i32>} : memref<1x128xi32, #tpu.memory_space<vmem>>, vector<16xi32>,
      %add3A_1576 = arith.constant 112 : i32
      %add3A_1577 = vector.broadcast %add3A_1576 : i32 to vector<16xi32>
      %add3A_1578 = arith.addi %add3A_1577, %iota3A : vector<16xi32>
      %add3A_1579 = arith.addi %reduce_sum3A_256, %reduce_sum3A_1421 : i32
      %add3A_1580 = vector.broadcast %add3A_1579 : i32 to vector<16xi32>
      %add3A_1581 = arith.addi %add3A_1580, %add3A_1578 : vector<16xi32>
      %lt3A_1582 = vector.broadcast %scan3A_1236 : i32 to vector<16xi32>
      %lt3A_1583 = arith.cmpi slt, %add3A_1578, %lt3A_1582 : vector<16xi32>
      %lt3A_1584 = arith.constant 128 : i32
      %lt3A_1585 = vector.broadcast %lt3A_1584 : i32 to vector<16xi32>
      %lt3A_1586 = arith.cmpi slt, %add3A_1581, %lt3A_1585 : vector<16xi32>
      %and3A_1587 = arith.andi %lt3A_1583, %lt3A_1586 : vector<16xi1>
      %add3A_1588 = arith.constant 0 : i32
      %add3A_1589 = vector.broadcast %add3A_1588 : i32 to vector<16xi32>
      %add3A_1590 = arith.addi %add3A_1581, %add3A_1589 : vector<16xi32>
      %jit3A_1591 = arith.constant 512 : i32
      %broadcast_in_dim3A_1592 = vector.broadcast %jit3A_1591 : i32 to vector<16xi32>
      %select_n3A_1593 = arith.select %and3A_1587, %add3A_1590, %broadcast_in_dim3A_1592 : vector<16xi1>, vector<16xi32>
      %swap3A_1594 = arith.constant 0 : i32
      %swap3A_1595 = arith.index_cast %swap3A_1594 : i32 to index
      %swap3A_1596 = arith.constant 112 : index
      %swap3A_1597 = tpu.vector_load %arg27[%swap3A_1595, %swap3A_1596] {strides = array<i32>} : memref<1x128xi32, #tpu.memory_space<vmem>>, vector<16xi32>,
      tpu.vector_store %arg27[%swap3A_1595, %swap3A_1596], %select_n3A_1593 {strides = array<i32>} : memref<1x128xi32, #tpu.memory_space<vmem>>, vector<16xi32>,
      %dma_start3A_1598 = arith.constant 0 : i32
      %dma_start3A_1599 = arith.constant 0 : i32
      %dma_start3A_1600 = tpu.memref_slice %arg23[%dma_start3A_1599] : memref<144xi32, #tpu.memory_space<vmem>> -> memref<128xi32, #tpu.memory_space<vmem>>
      %dma_start3A_1601 = arith.constant 0 : i32
      %dma_start3A_1602 = tpu.memref_slice %arg27[%dma_start3A_1598, %dma_start3A_1601] : memref<1x128xi32, #tpu.memory_space<vmem>> -> memref<1x128xi32, #tpu.memory_space<vmem>>
      %dma_start3A_1603 = tpu.memref_squeeze %dma_start3A_1602 : memref<1x128xi32, #tpu.memory_space<vmem>> -> memref<128xi32, #tpu.memory_space<vmem>>
      %dma_start3A_1604 = arith.constant 0 : i32
      %dma_start3A_1605 = tpu.memref_slice %arg47[%dma_start3A_1604] : memref<528xi32, #tpu.memory_space<vmem_shared>> -> memref<528xi32, #tpu.memory_space<vmem_shared>>
      tpu.enqueue_indirect_dma source(%dma_start3A_1600 : memref<128xi32, #tpu.memory_space<vmem>>) target(%dma_start3A_1605 : memref<528xi32, #tpu.memory_space<vmem_shared>>) offsets(%dma_start3A_1603 : memref<128xi32, #tpu.memory_space<vmem>>) semaphore(%arg48 : memref<!tpu.dma_semaphore, #tpu.memory_space<semaphore_mem>>)
      %dma_wait3A_1606 = arith.constant 0 : i32
      %dma_wait3A_1607 = arith.constant 0 : i32
      %dma_wait3A_1608 = tpu.memref_slice %arg23[%dma_wait3A_1607] : memref<144xi32, #tpu.memory_space<vmem>> -> memref<128xi32, #tpu.memory_space<vmem>>
      %dma_wait3A_1609 = arith.constant 0 : i32
      %dma_wait3A_1610 = tpu.memref_slice %arg27[%dma_wait3A_1606, %dma_wait3A_1609] : memref<1x128xi32, #tpu.memory_space<vmem>> -> memref<1x128xi32, #tpu.memory_space<vmem>>
      %dma_wait3A_1611 = tpu.memref_squeeze %dma_wait3A_1610 : memref<1x128xi32, #tpu.memory_space<vmem>> -> memref<128xi32, #tpu.memory_space<vmem>>
      %dma_wait3A_1612 = arith.constant 0 : i32
      %dma_wait3A_1613 = tpu.memref_slice %arg47[%dma_wait3A_1612] : memref<528xi32, #tpu.memory_space<vmem_shared>> -> memref<528xi32, #tpu.memory_space<vmem_shared>>
      tpu.wait_indirect_dma semaphore(%arg48 : memref<!tpu.dma_semaphore, #tpu.memory_space<semaphore_mem>>) src(%dma_wait3A_1608 : memref<128xi32, #tpu.memory_space<vmem>>) dst(%dma_wait3A_1613 : memref<528xi32, #tpu.memory_space<vmem_shared>>)
    } else {
    }
    %lt3A_1038 = arith.constant 384 : i32
    %lt3A_1039 = arith.cmpi slt, %reduce_sum3A_267, %lt3A_1038 : i32
    %convert_element_type3A_1040 = arith.extui %lt3A_1039 : i1 to i32
    %cond3A_1041 = arith.constant 0 : i32
    %cond3A_1042 = arith.cmpi ne, %convert_element_type3A_1040, %cond3A_1041 : i32
    scf.if %cond3A_1042 {
      %scan3A_1231 = arith.constant 0 : i32
      %scan3A_1232 = arith.constant 0 : i32
      %scan3A_1233 = arith.constant 80 : i32
      %scan3A_1234 = arith.addi %scan3A_1232, %scan3A_1233 : i32
      %scan3A_1235 = arith.constant 1 : i32
      %scan3A_1236 = scf.for %scan3A_1998 = %scan3A_1232 to %scan3A_1234 step %scan3A_1235 iter_args(%scan3A_1999 = %scan3A_1231) -> (i32)  : i32 {
        %mul3A_2000 = arith.constant 16 : i32
        %mul3A_2001 = arith.muli %scan3A_1998, %mul3A_2000 : i32
        %get3A_2002 = arith.index_cast %mul3A_2001 : i32 to index
        %get3A_2003 = tpu.vector_load %arg21[%get3A_2002] {strides = array<i32>} : memref<1280xi32, #tpu.memory_space<vmem>>, vector<16xi32>,
        %gather3A = tpu.vector_load_idx %arg17[%get3A_2003] : memref<20480xi32, #tpu.memory_space<vmem>>[vector<16xi32>], vector<16xi32>,
        %eq3A_2004 = arith.constant 1 : i32
        %eq3A_2005 = vector.broadcast %eq3A_2004 : i32 to vector<16xi32>
        %eq3A_2006 = arith.cmpi eq, %gather3A, %eq3A_2005 : vector<16xi32>
        %min3A = arith.constant 384 : i32
        %min3A_2007 = arith.minsi %scan3A_1999, %min3A : i32
        %swap3A_2008 = arith.index_cast %min3A_2007 : i32 to index
        %swap3A_2009 = tpu.vector_load %arg25[%swap3A_2008] masked %eq3A_2006 {strides = array<i32>} : memref<400xi32, #tpu.memory_space<vmem>>, vector<16xi32>, vector<16xi1>
        tpu.vector_store %arg25[%swap3A_2008], %get3A_2003 masked %eq3A_2006 {strides = array<i32>} : memref<400xi32, #tpu.memory_space<vmem>>, vector<16xi32>, vector<16xi1>
        %all_reduce_population_count3A = tpu.all_reduce %eq3A_2006 {dim = 0 : i64, kind = #tpu.reduction_kind<sum>} : vector<16xi1> -> vector<16xi32>
        %slice3A = vector.extract_strided_slice %all_reduce_population_count3A {offsets = [0], sizes = [1], strides = [1]} : vector<16xi32> to vector<1xi32>
        %squeeze3A = vector.extract %slice3A[0] : i32 from vector<1xi32>
        %add3A_2010 = arith.addi %scan3A_1999, %squeeze3A : i32
        scf.yield %add3A_2010 : i32
      }
      %scan3A_1237 = arith.constant 80 : i32
      %barrier3A_1238 = arith.constant 0 : index
      tpu.barrier barrier_id(%barrier3A_1238)
      %eq3A_1239 = arith.constant 3 : i32
      %eq3A_1240 = vector.broadcast %eq3A_1239 : i32 to vector<16xi32>
      %eq3A_1241 = arith.cmpi eq, %iota3A, %eq3A_1240 : vector<16xi32>
      %jit3A_1242 = arith.constant 0 : i32
      %broadcast_in_dim3A_1243 = vector.broadcast %scan3A_1236 : i32 to vector<16xi32>
      %broadcast_in_dim3A_1244 = vector.broadcast %jit3A_1242 : i32 to vector<16xi32>
      %select_n3A_1245 = arith.select %eq3A_1241, %broadcast_in_dim3A_1243, %broadcast_in_dim3A_1244 : vector<16xi1>, vector<16xi32>
      %swap3A_1246 = arith.constant 0 : index
      %swap3A_1247 = tpu.vector_load %arg30[%swap3A_1246] {strides = array<i32>} : memref<16xi32, #tpu.memory_space<vmem>>, vector<16xi32>,
      tpu.vector_store %arg30[%swap3A_1246], %select_n3A_1245 {strides = array<i32>} : memref<16xi32, #tpu.memory_space<vmem>>, vector<16xi32>,
      "tpu.region"() ({
        %run_scoped3A = tpu.sem_alloc : memref<!tpu.dma_semaphore, #tpu.memory_space<semaphore_mem>>
        %dma_start3A_1998 = arith.constant 0 : i32
        %dma_start3A_1999 = tpu.memref_slice %arg46[%arg1, %dma_start3A_1998] : memref<16x16xi32, #tpu.memory_space<vmem_shared>> -> memref<1x16xi32, #tpu.memory_space<vmem_shared>>
        %dma_start3A_2000 = tpu.memref_squeeze %dma_start3A_1999 : memref<1x16xi32, #tpu.memory_space<vmem_shared>> -> memref<16xi32, #tpu.memory_space<vmem_shared>>
        %dma_start3A_2001 = arith.constant 0 : i32
        %dma_start3A_2002 = tpu.memref_slice %arg46[%arg1, %dma_start3A_2001] : memref<16x16xi32, #tpu.memory_space<vmem_shared>> -> memref<1x16xi32, #tpu.memory_space<vmem_shared>>
        %dma_start3A_2003 = tpu.memref_squeeze %dma_start3A_2002 : memref<1x16xi32, #tpu.memory_space<vmem_shared>> -> memref<16xi32, #tpu.memory_space<vmem_shared>>
        tpu.enqueue_dma source(%arg30 : memref<16xi32, #tpu.memory_space<vmem>>) target(%dma_start3A_2003 : memref<16xi32, #tpu.memory_space<vmem_shared>>) target_semaphore(%run_scoped3A : memref<!tpu.dma_semaphore, #tpu.memory_space<semaphore_mem>>)
        %dma_wait3A_2004 = arith.constant 0 : i32
        %dma_wait3A_2005 = tpu.memref_slice %arg46[%arg1, %dma_wait3A_2004] : memref<16x16xi32, #tpu.memory_space<vmem_shared>> -> memref<1x16xi32, #tpu.memory_space<vmem_shared>>
        %dma_wait3A_2006 = tpu.memref_squeeze %dma_wait3A_2005 : memref<1x16xi32, #tpu.memory_space<vmem_shared>> -> memref<16xi32, #tpu.memory_space<vmem_shared>>
        %dma_wait3A_2007 = arith.constant 0 : i32
        %dma_wait3A_2008 = tpu.memref_slice %arg46[%arg1, %dma_wait3A_2007] : memref<16x16xi32, #tpu.memory_space<vmem_shared>> -> memref<1x16xi32, #tpu.memory_space<vmem_shared>>
        %dma_wait3A_2009 = tpu.memref_squeeze %dma_wait3A_2008 : memref<1x16xi32, #tpu.memory_space<vmem_shared>> -> memref<16xi32, #tpu.memory_space<vmem_shared>>
        tpu.wait_dma2 semaphore(%run_scoped3A : memref<!tpu.dma_semaphore, #tpu.memory_space<semaphore_mem>>) src(%arg30 : memref<16xi32, #tpu.memory_space<vmem>>) dst(%dma_wait3A_2009 : memref<16xi32, #tpu.memory_space<vmem_shared>>)
        tpu.yield
      }) : () -> ()
      %barrier3A_1248 = arith.constant 0 : index
      tpu.barrier barrier_id(%barrier3A_1248)
      "tpu.region"() ({
        %run_scoped3A = tpu.sem_alloc : memref<!tpu.dma_semaphore, #tpu.memory_space<semaphore_mem>>
        tpu.enqueue_dma source(%arg46 : memref<16x16xi32, #tpu.memory_space<vmem_shared>>) target(%arg31 : memref<16x16xi32, #tpu.memory_space<vmem>>) target_semaphore(%run_scoped3A : memref<!tpu.dma_semaphore, #tpu.memory_space<semaphore_mem>>)
        tpu.wait_dma2 semaphore(%run_scoped3A : memref<!tpu.dma_semaphore, #tpu.memory_space<semaphore_mem>>) src(%arg46 : memref<16x16xi32, #tpu.memory_space<vmem_shared>>) dst(%arg31 : memref<16x16xi32, #tpu.memory_space<vmem>>)
        tpu.yield
      }) : () -> ()
      %broadcast_in_dim3A_1249 = arith.constant 0 : i32
      %broadcast_in_dim3A_1250 = vector.broadcast %broadcast_in_dim3A_1249 : i32 to vector<16xi32>
      %lt3A_1251 = arith.constant 0 : i32
      %lt3A_1252 = arith.cmpi slt, %lt3A_1251, %arg1 : i32
      %get3A_1253 = arith.constant 0 : i32
      %get3A_1254 = arith.index_cast %get3A_1253 : i32 to index
      %get3A_1255 = arith.constant 0 : index
      %get3A_1256 = tpu.vector_load %arg31[%get3A_1254, %get3A_1255] {strides = array<i32>} : memref<16x16xi32, #tpu.memory_space<vmem>>, vector<16xi32>,
      %jit3A_1257 = arith.constant 0 : i32
      %broadcast_in_dim3A_1258 = vector.broadcast %jit3A_1257 : i32 to vector<16xi32>
      %select_n3A_1259 = arith.select %lt3A_1252, %get3A_1256, %broadcast_in_dim3A_1258 : vector<16xi32>
      %add3A_1260 = arith.addi %broadcast_in_dim3A_1250, %select_n3A_1259 : vector<16xi32>
      %lt3A_1261 = arith.constant 1 : i32
      %lt3A_1262 = arith.cmpi slt, %lt3A_1261, %arg1 : i32
      %get3A_1263 = arith.constant 1 : i32
      %get3A_1264 = arith.index_cast %get3A_1263 : i32 to index
      %get3A_1265 = arith.constant 0 : index
      %get3A_1266 = tpu.vector_load %arg31[%get3A_1264, %get3A_1265] {strides = array<i32>} : memref<16x16xi32, #tpu.memory_space<vmem>>, vector<16xi32>,
      %jit3A_1267 = arith.constant 0 : i32
      %broadcast_in_dim3A_1268 = vector.broadcast %jit3A_1267 : i32 to vector<16xi32>
      %select_n3A_1269 = arith.select %lt3A_1262, %get3A_1266, %broadcast_in_dim3A_1268 : vector<16xi32>
      %add3A_1270 = arith.addi %add3A_1260, %select_n3A_1269 : vector<16xi32>
      %lt3A_1271 = arith.constant 2 : i32
      %lt3A_1272 = arith.cmpi slt, %lt3A_1271, %arg1 : i32
      %get3A_1273 = arith.constant 2 : i32
      %get3A_1274 = arith.index_cast %get3A_1273 : i32 to index
      %get3A_1275 = arith.constant 0 : index
      %get3A_1276 = tpu.vector_load %arg31[%get3A_1274, %get3A_1275] {strides = array<i32>} : memref<16x16xi32, #tpu.memory_space<vmem>>, vector<16xi32>,
      %jit3A_1277 = arith.constant 0 : i32
      %broadcast_in_dim3A_1278 = vector.broadcast %jit3A_1277 : i32 to vector<16xi32>
      %select_n3A_1279 = arith.select %lt3A_1272, %get3A_1276, %broadcast_in_dim3A_1278 : vector<16xi32>
      %add3A_1280 = arith.addi %add3A_1270, %select_n3A_1279 : vector<16xi32>
      %lt3A_1281 = arith.constant 3 : i32
      %lt3A_1282 = arith.cmpi slt, %lt3A_1281, %arg1 : i32
      %get3A_1283 = arith.constant 3 : i32
      %get3A_1284 = arith.index_cast %get3A_1283 : i32 to index
      %get3A_1285 = arith.constant 0 : index
      %get3A_1286 = tpu.vector_load %arg31[%get3A_1284, %get3A_1285] {strides = array<i32>} : memref<16x16xi32, #tpu.memory_space<vmem>>, vector<16xi32>,
      %jit3A_1287 = arith.constant 0 : i32
      %broadcast_in_dim3A_1288 = vector.broadcast %jit3A_1287 : i32 to vector<16xi32>
      %select_n3A_1289 = arith.select %lt3A_1282, %get3A_1286, %broadcast_in_dim3A_1288 : vector<16xi32>
      %add3A_1290 = arith.addi %add3A_1280, %select_n3A_1289 : vector<16xi32>
      %lt3A_1291 = arith.constant 4 : i32
      %lt3A_1292 = arith.cmpi slt, %lt3A_1291, %arg1 : i32
      %get3A_1293 = arith.constant 4 : i32
      %get3A_1294 = arith.index_cast %get3A_1293 : i32 to index
      %get3A_1295 = arith.constant 0 : index
      %get3A_1296 = tpu.vector_load %arg31[%get3A_1294, %get3A_1295] {strides = array<i32>} : memref<16x16xi32, #tpu.memory_space<vmem>>, vector<16xi32>,
      %jit3A_1297 = arith.constant 0 : i32
      %broadcast_in_dim3A_1298 = vector.broadcast %jit3A_1297 : i32 to vector<16xi32>
      %select_n3A_1299 = arith.select %lt3A_1292, %get3A_1296, %broadcast_in_dim3A_1298 : vector<16xi32>
      %add3A_1300 = arith.addi %add3A_1290, %select_n3A_1299 : vector<16xi32>
      %lt3A_1301 = arith.constant 5 : i32
      %lt3A_1302 = arith.cmpi slt, %lt3A_1301, %arg1 : i32
      %get3A_1303 = arith.constant 5 : i32
      %get3A_1304 = arith.index_cast %get3A_1303 : i32 to index
      %get3A_1305 = arith.constant 0 : index
      %get3A_1306 = tpu.vector_load %arg31[%get3A_1304, %get3A_1305] {strides = array<i32>} : memref<16x16xi32, #tpu.memory_space<vmem>>, vector<16xi32>,
      %jit3A_1307 = arith.constant 0 : i32
      %broadcast_in_dim3A_1308 = vector.broadcast %jit3A_1307 : i32 to vector<16xi32>
      %select_n3A_1309 = arith.select %lt3A_1302, %get3A_1306, %broadcast_in_dim3A_1308 : vector<16xi32>
      %add3A_1310 = arith.addi %add3A_1300, %select_n3A_1309 : vector<16xi32>
      %lt3A_1311 = arith.constant 6 : i32
      %lt3A_1312 = arith.cmpi slt, %lt3A_1311, %arg1 : i32
      %get3A_1313 = arith.constant 6 : i32
      %get3A_1314 = arith.index_cast %get3A_1313 : i32 to index
      %get3A_1315 = arith.constant 0 : index
      %get3A_1316 = tpu.vector_load %arg31[%get3A_1314, %get3A_1315] {strides = array<i32>} : memref<16x16xi32, #tpu.memory_space<vmem>>, vector<16xi32>,
      %jit3A_1317 = arith.constant 0 : i32
      %broadcast_in_dim3A_1318 = vector.broadcast %jit3A_1317 : i32 to vector<16xi32>
      %select_n3A_1319 = arith.select %lt3A_1312, %get3A_1316, %broadcast_in_dim3A_1318 : vector<16xi32>
      %add3A_1320 = arith.addi %add3A_1310, %select_n3A_1319 : vector<16xi32>
      %lt3A_1321 = arith.constant 7 : i32
      %lt3A_1322 = arith.cmpi slt, %lt3A_1321, %arg1 : i32
      %get3A_1323 = arith.constant 7 : i32
      %get3A_1324 = arith.index_cast %get3A_1323 : i32 to index
      %get3A_1325 = arith.constant 0 : index
      %get3A_1326 = tpu.vector_load %arg31[%get3A_1324, %get3A_1325] {strides = array<i32>} : memref<16x16xi32, #tpu.memory_space<vmem>>, vector<16xi32>,
      %jit3A_1327 = arith.constant 0 : i32
      %broadcast_in_dim3A_1328 = vector.broadcast %jit3A_1327 : i32 to vector<16xi32>
      %select_n3A_1329 = arith.select %lt3A_1322, %get3A_1326, %broadcast_in_dim3A_1328 : vector<16xi32>
      %add3A_1330 = arith.addi %add3A_1320, %select_n3A_1329 : vector<16xi32>
      %lt3A_1331 = arith.constant 8 : i32
      %lt3A_1332 = arith.cmpi slt, %lt3A_1331, %arg1 : i32
      %get3A_1333 = arith.constant 8 : i32
      %get3A_1334 = arith.index_cast %get3A_1333 : i32 to index
      %get3A_1335 = arith.constant 0 : index
      %get3A_1336 = tpu.vector_load %arg31[%get3A_1334, %get3A_1335] {strides = array<i32>} : memref<16x16xi32, #tpu.memory_space<vmem>>, vector<16xi32>,
      %jit3A_1337 = arith.constant 0 : i32
      %broadcast_in_dim3A_1338 = vector.broadcast %jit3A_1337 : i32 to vector<16xi32>
      %select_n3A_1339 = arith.select %lt3A_1332, %get3A_1336, %broadcast_in_dim3A_1338 : vector<16xi32>
      %add3A_1340 = arith.addi %add3A_1330, %select_n3A_1339 : vector<16xi32>
      %lt3A_1341 = arith.constant 9 : i32
      %lt3A_1342 = arith.cmpi slt, %lt3A_1341, %arg1 : i32
      %get3A_1343 = arith.constant 9 : i32
      %get3A_1344 = arith.index_cast %get3A_1343 : i32 to index
      %get3A_1345 = arith.constant 0 : index
      %get3A_1346 = tpu.vector_load %arg31[%get3A_1344, %get3A_1345] {strides = array<i32>} : memref<16x16xi32, #tpu.memory_space<vmem>>, vector<16xi32>,
      %jit3A_1347 = arith.constant 0 : i32
      %broadcast_in_dim3A_1348 = vector.broadcast %jit3A_1347 : i32 to vector<16xi32>
      %select_n3A_1349 = arith.select %lt3A_1342, %get3A_1346, %broadcast_in_dim3A_1348 : vector<16xi32>
      %add3A_1350 = arith.addi %add3A_1340, %select_n3A_1349 : vector<16xi32>
      %lt3A_1351 = arith.constant 10 : i32
      %lt3A_1352 = arith.cmpi slt, %lt3A_1351, %arg1 : i32
      %get3A_1353 = arith.constant 10 : i32
      %get3A_1354 = arith.index_cast %get3A_1353 : i32 to index
      %get3A_1355 = arith.constant 0 : index
      %get3A_1356 = tpu.vector_load %arg31[%get3A_1354, %get3A_1355] {strides = array<i32>} : memref<16x16xi32, #tpu.memory_space<vmem>>, vector<16xi32>,
      %jit3A_1357 = arith.constant 0 : i32
      %broadcast_in_dim3A_1358 = vector.broadcast %jit3A_1357 : i32 to vector<16xi32>
      %select_n3A_1359 = arith.select %lt3A_1352, %get3A_1356, %broadcast_in_dim3A_1358 : vector<16xi32>
      %add3A_1360 = arith.addi %add3A_1350, %select_n3A_1359 : vector<16xi32>
      %lt3A_1361 = arith.constant 11 : i32
      %lt3A_1362 = arith.cmpi slt, %lt3A_1361, %arg1 : i32
      %get3A_1363 = arith.constant 11 : i32
      %get3A_1364 = arith.index_cast %get3A_1363 : i32 to index
      %get3A_1365 = arith.constant 0 : index
      %get3A_1366 = tpu.vector_load %arg31[%get3A_1364, %get3A_1365] {strides = array<i32>} : memref<16x16xi32, #tpu.memory_space<vmem>>, vector<16xi32>,
      %jit3A_1367 = arith.constant 0 : i32
      %broadcast_in_dim3A_1368 = vector.broadcast %jit3A_1367 : i32 to vector<16xi32>
      %select_n3A_1369 = arith.select %lt3A_1362, %get3A_1366, %broadcast_in_dim3A_1368 : vector<16xi32>
      %add3A_1370 = arith.addi %add3A_1360, %select_n3A_1369 : vector<16xi32>
      %lt3A_1371 = arith.constant 12 : i32
      %lt3A_1372 = arith.cmpi slt, %lt3A_1371, %arg1 : i32
      %get3A_1373 = arith.constant 12 : i32
      %get3A_1374 = arith.index_cast %get3A_1373 : i32 to index
      %get3A_1375 = arith.constant 0 : index
      %get3A_1376 = tpu.vector_load %arg31[%get3A_1374, %get3A_1375] {strides = array<i32>} : memref<16x16xi32, #tpu.memory_space<vmem>>, vector<16xi32>,
      %jit3A_1377 = arith.constant 0 : i32
      %broadcast_in_dim3A_1378 = vector.broadcast %jit3A_1377 : i32 to vector<16xi32>
      %select_n3A_1379 = arith.select %lt3A_1372, %get3A_1376, %broadcast_in_dim3A_1378 : vector<16xi32>
      %add3A_1380 = arith.addi %add3A_1370, %select_n3A_1379 : vector<16xi32>
      %lt3A_1381 = arith.constant 13 : i32
      %lt3A_1382 = arith.cmpi slt, %lt3A_1381, %arg1 : i32
      %get3A_1383 = arith.constant 13 : i32
      %get3A_1384 = arith.index_cast %get3A_1383 : i32 to index
      %get3A_1385 = arith.constant 0 : index
      %get3A_1386 = tpu.vector_load %arg31[%get3A_1384, %get3A_1385] {strides = array<i32>} : memref<16x16xi32, #tpu.memory_space<vmem>>, vector<16xi32>,
      %jit3A_1387 = arith.constant 0 : i32
      %broadcast_in_dim3A_1388 = vector.broadcast %jit3A_1387 : i32 to vector<16xi32>
      %select_n3A_1389 = arith.select %lt3A_1382, %get3A_1386, %broadcast_in_dim3A_1388 : vector<16xi32>
      %add3A_1390 = arith.addi %add3A_1380, %select_n3A_1389 : vector<16xi32>
      %lt3A_1391 = arith.constant 14 : i32
      %lt3A_1392 = arith.cmpi slt, %lt3A_1391, %arg1 : i32
      %get3A_1393 = arith.constant 14 : i32
      %get3A_1394 = arith.index_cast %get3A_1393 : i32 to index
      %get3A_1395 = arith.constant 0 : index
      %get3A_1396 = tpu.vector_load %arg31[%get3A_1394, %get3A_1395] {strides = array<i32>} : memref<16x16xi32, #tpu.memory_space<vmem>>, vector<16xi32>,
      %jit3A_1397 = arith.constant 0 : i32
      %broadcast_in_dim3A_1398 = vector.broadcast %jit3A_1397 : i32 to vector<16xi32>
      %select_n3A_1399 = arith.select %lt3A_1392, %get3A_1396, %broadcast_in_dim3A_1398 : vector<16xi32>
      %add3A_1400 = arith.addi %add3A_1390, %select_n3A_1399 : vector<16xi32>
      %lt3A_1401 = arith.constant 15 : i32
      %lt3A_1402 = arith.cmpi slt, %lt3A_1401, %arg1 : i32
      %get3A_1403 = arith.constant 15 : i32
      %get3A_1404 = arith.index_cast %get3A_1403 : i32 to index
      %get3A_1405 = arith.constant 0 : index
      %get3A_1406 = tpu.vector_load %arg31[%get3A_1404, %get3A_1405] {strides = array<i32>} : memref<16x16xi32, #tpu.memory_space<vmem>>, vector<16xi32>,
      %jit3A_1407 = arith.constant 0 : i32
      %broadcast_in_dim3A_1408 = vector.broadcast %jit3A_1407 : i32 to vector<16xi32>
      %select_n3A_1409 = arith.select %lt3A_1402, %get3A_1406, %broadcast_in_dim3A_1408 : vector<16xi32>
      %add3A_1410 = arith.addi %add3A_1400, %select_n3A_1409 : vector<16xi32>
      %iota3A_1411 = tpu.iota {dimensions = array<i32: 0>} : vector<16xi32>
      %eq3A_1412 = arith.constant 3 : i32
      %eq3A_1413 = vector.broadcast %eq3A_1412 : i32 to vector<16xi32>
      %eq3A_1414 = arith.cmpi eq, %iota3A_1411, %eq3A_1413 : vector<16xi32>
      %jit3A_1415 = arith.constant 0 : i32
      %broadcast_in_dim3A_1416 = vector.broadcast %jit3A_1415 : i32 to vector<16xi32>
      %select_n3A_1417 = arith.select %eq3A_1414, %add3A_1410, %broadcast_in_dim3A_1416 : vector<16xi1>, vector<16xi32>
      %reduce_sum3A_1418 = arith.constant true
      %reduce_sum3A_1419 = vector.broadcast %reduce_sum3A_1418 : i1 to vector<16xi1>
      %reduce_sum3A_1420 = tpu.scan <sum>, %select_n3A_1417 masked %reduce_sum3A_1419 : vector<16xi32>, vector<16xi1> -> vector<16xi32>
      %reduce_sum3A_1421 = vector.extract %reduce_sum3A_1420[15] : i32 from vector<16xi32>
      %add3A_1422 = arith.constant 0 : i32
      %add3A_1423 = vector.broadcast %add3A_1422 : i32 to vector<16xi32>
      %add3A_1424 = arith.addi %add3A_1423, %iota3A : vector<16xi32>
      %add3A_1425 = arith.addi %reduce_sum3A_267, %reduce_sum3A_1421 : i32
      %add3A_1426 = vector.broadcast %add3A_1425 : i32 to vector<16xi32>
      %add3A_1427 = arith.addi %add3A_1426, %add3A_1424 : vector<16xi32>
      %lt3A_1428 = vector.broadcast %scan3A_1236 : i32 to vector<16xi32>
      %lt3A_1429 = arith.cmpi slt, %add3A_1424, %lt3A_1428 : vector<16xi32>
      %lt3A_1430 = arith.constant 384 : i32
      %lt3A_1431 = vector.broadcast %lt3A_1430 : i32 to vector<16xi32>
      %lt3A_1432 = arith.cmpi slt, %add3A_1427, %lt3A_1431 : vector<16xi32>
      %and3A_1433 = arith.andi %lt3A_1429, %lt3A_1432 : vector<16xi1>
      %add3A_1434 = arith.constant 128 : i32
      %add3A_1435 = vector.broadcast %add3A_1434 : i32 to vector<16xi32>
      %add3A_1436 = arith.addi %add3A_1427, %add3A_1435 : vector<16xi32>
      %jit3A_1437 = arith.constant 512 : i32
      %broadcast_in_dim3A_1438 = vector.broadcast %jit3A_1437 : i32 to vector<16xi32>
      %select_n3A_1439 = arith.select %and3A_1433, %add3A_1436, %broadcast_in_dim3A_1438 : vector<16xi1>, vector<16xi32>
      %swap3A_1440 = arith.constant 0 : i32
      %swap3A_1441 = arith.index_cast %swap3A_1440 : i32 to index
      %swap3A_1442 = arith.constant 0 : index
      %swap3A_1443 = tpu.vector_load %arg29[%swap3A_1441, %swap3A_1442] {strides = array<i32>} : memref<3x128xi32, #tpu.memory_space<vmem>>, vector<16xi32>,
      tpu.vector_store %arg29[%swap3A_1441, %swap3A_1442], %select_n3A_1439 {strides = array<i32>} : memref<3x128xi32, #tpu.memory_space<vmem>>, vector<16xi32>,
      %add3A_1444 = arith.constant 16 : i32
      %add3A_1445 = vector.broadcast %add3A_1444 : i32 to vector<16xi32>
      %add3A_1446 = arith.addi %add3A_1445, %iota3A : vector<16xi32>
      %add3A_1447 = arith.addi %reduce_sum3A_267, %reduce_sum3A_1421 : i32
      %add3A_1448 = vector.broadcast %add3A_1447 : i32 to vector<16xi32>
      %add3A_1449 = arith.addi %add3A_1448, %add3A_1446 : vector<16xi32>
      %lt3A_1450 = vector.broadcast %scan3A_1236 : i32 to vector<16xi32>
      %lt3A_1451 = arith.cmpi slt, %add3A_1446, %lt3A_1450 : vector<16xi32>
      %lt3A_1452 = arith.constant 384 : i32
      %lt3A_1453 = vector.broadcast %lt3A_1452 : i32 to vector<16xi32>
      %lt3A_1454 = arith.cmpi slt, %add3A_1449, %lt3A_1453 : vector<16xi32>
      %and3A_1455 = arith.andi %lt3A_1451, %lt3A_1454 : vector<16xi1>
      %add3A_1456 = arith.constant 128 : i32
      %add3A_1457 = vector.broadcast %add3A_1456 : i32 to vector<16xi32>
      %add3A_1458 = arith.addi %add3A_1449, %add3A_1457 : vector<16xi32>
      %jit3A_1459 = arith.constant 512 : i32
      %broadcast_in_dim3A_1460 = vector.broadcast %jit3A_1459 : i32 to vector<16xi32>
      %select_n3A_1461 = arith.select %and3A_1455, %add3A_1458, %broadcast_in_dim3A_1460 : vector<16xi1>, vector<16xi32>
      %swap3A_1462 = arith.constant 0 : i32
      %swap3A_1463 = arith.index_cast %swap3A_1462 : i32 to index
      %swap3A_1464 = arith.constant 16 : index
      %swap3A_1465 = tpu.vector_load %arg29[%swap3A_1463, %swap3A_1464] {strides = array<i32>} : memref<3x128xi32, #tpu.memory_space<vmem>>, vector<16xi32>,
      tpu.vector_store %arg29[%swap3A_1463, %swap3A_1464], %select_n3A_1461 {strides = array<i32>} : memref<3x128xi32, #tpu.memory_space<vmem>>, vector<16xi32>,
      %add3A_1466 = arith.constant 32 : i32
      %add3A_1467 = vector.broadcast %add3A_1466 : i32 to vector<16xi32>
      %add3A_1468 = arith.addi %add3A_1467, %iota3A : vector<16xi32>
      %add3A_1469 = arith.addi %reduce_sum3A_267, %reduce_sum3A_1421 : i32
      %add3A_1470 = vector.broadcast %add3A_1469 : i32 to vector<16xi32>
      %add3A_1471 = arith.addi %add3A_1470, %add3A_1468 : vector<16xi32>
      %lt3A_1472 = vector.broadcast %scan3A_1236 : i32 to vector<16xi32>
      %lt3A_1473 = arith.cmpi slt, %add3A_1468, %lt3A_1472 : vector<16xi32>
      %lt3A_1474 = arith.constant 384 : i32
      %lt3A_1475 = vector.broadcast %lt3A_1474 : i32 to vector<16xi32>
      %lt3A_1476 = arith.cmpi slt, %add3A_1471, %lt3A_1475 : vector<16xi32>
      %and3A_1477 = arith.andi %lt3A_1473, %lt3A_1476 : vector<16xi1>
      %add3A_1478 = arith.constant 128 : i32
      %add3A_1479 = vector.broadcast %add3A_1478 : i32 to vector<16xi32>
      %add3A_1480 = arith.addi %add3A_1471, %add3A_1479 : vector<16xi32>
      %jit3A_1481 = arith.constant 512 : i32
      %broadcast_in_dim3A_1482 = vector.broadcast %jit3A_1481 : i32 to vector<16xi32>
      %select_n3A_1483 = arith.select %and3A_1477, %add3A_1480, %broadcast_in_dim3A_1482 : vector<16xi1>, vector<16xi32>
      %swap3A_1484 = arith.constant 0 : i32
      %swap3A_1485 = arith.index_cast %swap3A_1484 : i32 to index
      %swap3A_1486 = arith.constant 32 : index
      %swap3A_1487 = tpu.vector_load %arg29[%swap3A_1485, %swap3A_1486] {strides = array<i32>} : memref<3x128xi32, #tpu.memory_space<vmem>>, vector<16xi32>,
      tpu.vector_store %arg29[%swap3A_1485, %swap3A_1486], %select_n3A_1483 {strides = array<i32>} : memref<3x128xi32, #tpu.memory_space<vmem>>, vector<16xi32>,
      %add3A_1488 = arith.constant 48 : i32
      %add3A_1489 = vector.broadcast %add3A_1488 : i32 to vector<16xi32>
      %add3A_1490 = arith.addi %add3A_1489, %iota3A : vector<16xi32>
      %add3A_1491 = arith.addi %reduce_sum3A_267, %reduce_sum3A_1421 : i32
      %add3A_1492 = vector.broadcast %add3A_1491 : i32 to vector<16xi32>
      %add3A_1493 = arith.addi %add3A_1492, %add3A_1490 : vector<16xi32>
      %lt3A_1494 = vector.broadcast %scan3A_1236 : i32 to vector<16xi32>
      %lt3A_1495 = arith.cmpi slt, %add3A_1490, %lt3A_1494 : vector<16xi32>
      %lt3A_1496 = arith.constant 384 : i32
      %lt3A_1497 = vector.broadcast %lt3A_1496 : i32 to vector<16xi32>
      %lt3A_1498 = arith.cmpi slt, %add3A_1493, %lt3A_1497 : vector<16xi32>
      %and3A_1499 = arith.andi %lt3A_1495, %lt3A_1498 : vector<16xi1>
      %add3A_1500 = arith.constant 128 : i32
      %add3A_1501 = vector.broadcast %add3A_1500 : i32 to vector<16xi32>
      %add3A_1502 = arith.addi %add3A_1493, %add3A_1501 : vector<16xi32>
      %jit3A_1503 = arith.constant 512 : i32
      %broadcast_in_dim3A_1504 = vector.broadcast %jit3A_1503 : i32 to vector<16xi32>
      %select_n3A_1505 = arith.select %and3A_1499, %add3A_1502, %broadcast_in_dim3A_1504 : vector<16xi1>, vector<16xi32>
      %swap3A_1506 = arith.constant 0 : i32
      %swap3A_1507 = arith.index_cast %swap3A_1506 : i32 to index
      %swap3A_1508 = arith.constant 48 : index
      %swap3A_1509 = tpu.vector_load %arg29[%swap3A_1507, %swap3A_1508] {strides = array<i32>} : memref<3x128xi32, #tpu.memory_space<vmem>>, vector<16xi32>,
      tpu.vector_store %arg29[%swap3A_1507, %swap3A_1508], %select_n3A_1505 {strides = array<i32>} : memref<3x128xi32, #tpu.memory_space<vmem>>, vector<16xi32>,
      %add3A_1510 = arith.constant 64 : i32
      %add3A_1511 = vector.broadcast %add3A_1510 : i32 to vector<16xi32>
      %add3A_1512 = arith.addi %add3A_1511, %iota3A : vector<16xi32>
      %add3A_1513 = arith.addi %reduce_sum3A_267, %reduce_sum3A_1421 : i32
      %add3A_1514 = vector.broadcast %add3A_1513 : i32 to vector<16xi32>
      %add3A_1515 = arith.addi %add3A_1514, %add3A_1512 : vector<16xi32>
      %lt3A_1516 = vector.broadcast %scan3A_1236 : i32 to vector<16xi32>
      %lt3A_1517 = arith.cmpi slt, %add3A_1512, %lt3A_1516 : vector<16xi32>
      %lt3A_1518 = arith.constant 384 : i32
      %lt3A_1519 = vector.broadcast %lt3A_1518 : i32 to vector<16xi32>
      %lt3A_1520 = arith.cmpi slt, %add3A_1515, %lt3A_1519 : vector<16xi32>
      %and3A_1521 = arith.andi %lt3A_1517, %lt3A_1520 : vector<16xi1>
      %add3A_1522 = arith.constant 128 : i32
      %add3A_1523 = vector.broadcast %add3A_1522 : i32 to vector<16xi32>
      %add3A_1524 = arith.addi %add3A_1515, %add3A_1523 : vector<16xi32>
      %jit3A_1525 = arith.constant 512 : i32
      %broadcast_in_dim3A_1526 = vector.broadcast %jit3A_1525 : i32 to vector<16xi32>
      %select_n3A_1527 = arith.select %and3A_1521, %add3A_1524, %broadcast_in_dim3A_1526 : vector<16xi1>, vector<16xi32>
      %swap3A_1528 = arith.constant 0 : i32
      %swap3A_1529 = arith.index_cast %swap3A_1528 : i32 to index
      %swap3A_1530 = arith.constant 64 : index
      %swap3A_1531 = tpu.vector_load %arg29[%swap3A_1529, %swap3A_1530] {strides = array<i32>} : memref<3x128xi32, #tpu.memory_space<vmem>>, vector<16xi32>,
      tpu.vector_store %arg29[%swap3A_1529, %swap3A_1530], %select_n3A_1527 {strides = array<i32>} : memref<3x128xi32, #tpu.memory_space<vmem>>, vector<16xi32>,
      %add3A_1532 = arith.constant 80 : i32
      %add3A_1533 = vector.broadcast %add3A_1532 : i32 to vector<16xi32>
      %add3A_1534 = arith.addi %add3A_1533, %iota3A : vector<16xi32>
      %add3A_1535 = arith.addi %reduce_sum3A_267, %reduce_sum3A_1421 : i32
      %add3A_1536 = vector.broadcast %add3A_1535 : i32 to vector<16xi32>
      %add3A_1537 = arith.addi %add3A_1536, %add3A_1534 : vector<16xi32>
      %lt3A_1538 = vector.broadcast %scan3A_1236 : i32 to vector<16xi32>
      %lt3A_1539 = arith.cmpi slt, %add3A_1534, %lt3A_1538 : vector<16xi32>
      %lt3A_1540 = arith.constant 384 : i32
      %lt3A_1541 = vector.broadcast %lt3A_1540 : i32 to vector<16xi32>
      %lt3A_1542 = arith.cmpi slt, %add3A_1537, %lt3A_1541 : vector<16xi32>
      %and3A_1543 = arith.andi %lt3A_1539, %lt3A_1542 : vector<16xi1>
      %add3A_1544 = arith.constant 128 : i32
      %add3A_1545 = vector.broadcast %add3A_1544 : i32 to vector<16xi32>
      %add3A_1546 = arith.addi %add3A_1537, %add3A_1545 : vector<16xi32>
      %jit3A_1547 = arith.constant 512 : i32
      %broadcast_in_dim3A_1548 = vector.broadcast %jit3A_1547 : i32 to vector<16xi32>
      %select_n3A_1549 = arith.select %and3A_1543, %add3A_1546, %broadcast_in_dim3A_1548 : vector<16xi1>, vector<16xi32>
      %swap3A_1550 = arith.constant 0 : i32
      %swap3A_1551 = arith.index_cast %swap3A_1550 : i32 to index
      %swap3A_1552 = arith.constant 80 : index
      %swap3A_1553 = tpu.vector_load %arg29[%swap3A_1551, %swap3A_1552] {strides = array<i32>} : memref<3x128xi32, #tpu.memory_space<vmem>>, vector<16xi32>,
      tpu.vector_store %arg29[%swap3A_1551, %swap3A_1552], %select_n3A_1549 {strides = array<i32>} : memref<3x128xi32, #tpu.memory_space<vmem>>, vector<16xi32>,
      %add3A_1554 = arith.constant 96 : i32
      %add3A_1555 = vector.broadcast %add3A_1554 : i32 to vector<16xi32>
      %add3A_1556 = arith.addi %add3A_1555, %iota3A : vector<16xi32>
      %add3A_1557 = arith.addi %reduce_sum3A_267, %reduce_sum3A_1421 : i32
      %add3A_1558 = vector.broadcast %add3A_1557 : i32 to vector<16xi32>
      %add3A_1559 = arith.addi %add3A_1558, %add3A_1556 : vector<16xi32>
      %lt3A_1560 = vector.broadcast %scan3A_1236 : i32 to vector<16xi32>
      %lt3A_1561 = arith.cmpi slt, %add3A_1556, %lt3A_1560 : vector<16xi32>
      %lt3A_1562 = arith.constant 384 : i32
      %lt3A_1563 = vector.broadcast %lt3A_1562 : i32 to vector<16xi32>
      %lt3A_1564 = arith.cmpi slt, %add3A_1559, %lt3A_1563 : vector<16xi32>
      %and3A_1565 = arith.andi %lt3A_1561, %lt3A_1564 : vector<16xi1>
      %add3A_1566 = arith.constant 128 : i32
      %add3A_1567 = vector.broadcast %add3A_1566 : i32 to vector<16xi32>
      %add3A_1568 = arith.addi %add3A_1559, %add3A_1567 : vector<16xi32>
      %jit3A_1569 = arith.constant 512 : i32
      %broadcast_in_dim3A_1570 = vector.broadcast %jit3A_1569 : i32 to vector<16xi32>
      %select_n3A_1571 = arith.select %and3A_1565, %add3A_1568, %broadcast_in_dim3A_1570 : vector<16xi1>, vector<16xi32>
      %swap3A_1572 = arith.constant 0 : i32
      %swap3A_1573 = arith.index_cast %swap3A_1572 : i32 to index
      %swap3A_1574 = arith.constant 96 : index
      %swap3A_1575 = tpu.vector_load %arg29[%swap3A_1573, %swap3A_1574] {strides = array<i32>} : memref<3x128xi32, #tpu.memory_space<vmem>>, vector<16xi32>,
      tpu.vector_store %arg29[%swap3A_1573, %swap3A_1574], %select_n3A_1571 {strides = array<i32>} : memref<3x128xi32, #tpu.memory_space<vmem>>, vector<16xi32>,
      %add3A_1576 = arith.constant 112 : i32
      %add3A_1577 = vector.broadcast %add3A_1576 : i32 to vector<16xi32>
      %add3A_1578 = arith.addi %add3A_1577, %iota3A : vector<16xi32>
      %add3A_1579 = arith.addi %reduce_sum3A_267, %reduce_sum3A_1421 : i32
      %add3A_1580 = vector.broadcast %add3A_1579 : i32 to vector<16xi32>
      %add3A_1581 = arith.addi %add3A_1580, %add3A_1578 : vector<16xi32>
      %lt3A_1582 = vector.broadcast %scan3A_1236 : i32 to vector<16xi32>
      %lt3A_1583 = arith.cmpi slt, %add3A_1578, %lt3A_1582 : vector<16xi32>
      %lt3A_1584 = arith.constant 384 : i32
      %lt3A_1585 = vector.broadcast %lt3A_1584 : i32 to vector<16xi32>
      %lt3A_1586 = arith.cmpi slt, %add3A_1581, %lt3A_1585 : vector<16xi32>
      %and3A_1587 = arith.andi %lt3A_1583, %lt3A_1586 : vector<16xi1>
      %add3A_1588 = arith.constant 128 : i32
      %add3A_1589 = vector.broadcast %add3A_1588 : i32 to vector<16xi32>
      %add3A_1590 = arith.addi %add3A_1581, %add3A_1589 : vector<16xi32>
      %jit3A_1591 = arith.constant 512 : i32
      %broadcast_in_dim3A_1592 = vector.broadcast %jit3A_1591 : i32 to vector<16xi32>
      %select_n3A_1593 = arith.select %and3A_1587, %add3A_1590, %broadcast_in_dim3A_1592 : vector<16xi1>, vector<16xi32>
      %swap3A_1594 = arith.constant 0 : i32
      %swap3A_1595 = arith.index_cast %swap3A_1594 : i32 to index
      %swap3A_1596 = arith.constant 112 : index
      %swap3A_1597 = tpu.vector_load %arg29[%swap3A_1595, %swap3A_1596] {strides = array<i32>} : memref<3x128xi32, #tpu.memory_space<vmem>>, vector<16xi32>,
      tpu.vector_store %arg29[%swap3A_1595, %swap3A_1596], %select_n3A_1593 {strides = array<i32>} : memref<3x128xi32, #tpu.memory_space<vmem>>, vector<16xi32>,
      %add3A_1598 = arith.constant 128 : i32
      %add3A_1599 = vector.broadcast %add3A_1598 : i32 to vector<16xi32>
      %add3A_1600 = arith.addi %add3A_1599, %iota3A : vector<16xi32>
      %add3A_1601 = arith.addi %reduce_sum3A_267, %reduce_sum3A_1421 : i32
      %add3A_1602 = vector.broadcast %add3A_1601 : i32 to vector<16xi32>
      %add3A_1603 = arith.addi %add3A_1602, %add3A_1600 : vector<16xi32>
      %lt3A_1604 = vector.broadcast %scan3A_1236 : i32 to vector<16xi32>
      %lt3A_1605 = arith.cmpi slt, %add3A_1600, %lt3A_1604 : vector<16xi32>
      %lt3A_1606 = arith.constant 384 : i32
      %lt3A_1607 = vector.broadcast %lt3A_1606 : i32 to vector<16xi32>
      %lt3A_1608 = arith.cmpi slt, %add3A_1603, %lt3A_1607 : vector<16xi32>
      %and3A_1609 = arith.andi %lt3A_1605, %lt3A_1608 : vector<16xi1>
      %add3A_1610 = arith.constant 128 : i32
      %add3A_1611 = vector.broadcast %add3A_1610 : i32 to vector<16xi32>
      %add3A_1612 = arith.addi %add3A_1603, %add3A_1611 : vector<16xi32>
      %jit3A_1613 = arith.constant 512 : i32
      %broadcast_in_dim3A_1614 = vector.broadcast %jit3A_1613 : i32 to vector<16xi32>
      %select_n3A_1615 = arith.select %and3A_1609, %add3A_1612, %broadcast_in_dim3A_1614 : vector<16xi1>, vector<16xi32>
      %swap3A_1616 = arith.constant 1 : i32
      %swap3A_1617 = arith.index_cast %swap3A_1616 : i32 to index
      %swap3A_1618 = arith.constant 0 : index
      %swap3A_1619 = tpu.vector_load %arg29[%swap3A_1617, %swap3A_1618] {strides = array<i32>} : memref<3x128xi32, #tpu.memory_space<vmem>>, vector<16xi32>,
      tpu.vector_store %arg29[%swap3A_1617, %swap3A_1618], %select_n3A_1615 {strides = array<i32>} : memref<3x128xi32, #tpu.memory_space<vmem>>, vector<16xi32>,
      %add3A_1620 = arith.constant 144 : i32
      %add3A_1621 = vector.broadcast %add3A_1620 : i32 to vector<16xi32>
      %add3A_1622 = arith.addi %add3A_1621, %iota3A : vector<16xi32>
      %add3A_1623 = arith.addi %reduce_sum3A_267, %reduce_sum3A_1421 : i32
      %add3A_1624 = vector.broadcast %add3A_1623 : i32 to vector<16xi32>
      %add3A_1625 = arith.addi %add3A_1624, %add3A_1622 : vector<16xi32>
      %lt3A_1626 = vector.broadcast %scan3A_1236 : i32 to vector<16xi32>
      %lt3A_1627 = arith.cmpi slt, %add3A_1622, %lt3A_1626 : vector<16xi32>
      %lt3A_1628 = arith.constant 384 : i32
      %lt3A_1629 = vector.broadcast %lt3A_1628 : i32 to vector<16xi32>
      %lt3A_1630 = arith.cmpi slt, %add3A_1625, %lt3A_1629 : vector<16xi32>
      %and3A_1631 = arith.andi %lt3A_1627, %lt3A_1630 : vector<16xi1>
      %add3A_1632 = arith.constant 128 : i32
      %add3A_1633 = vector.broadcast %add3A_1632 : i32 to vector<16xi32>
      %add3A_1634 = arith.addi %add3A_1625, %add3A_1633 : vector<16xi32>
      %jit3A_1635 = arith.constant 512 : i32
      %broadcast_in_dim3A_1636 = vector.broadcast %jit3A_1635 : i32 to vector<16xi32>
      %select_n3A_1637 = arith.select %and3A_1631, %add3A_1634, %broadcast_in_dim3A_1636 : vector<16xi1>, vector<16xi32>
      %swap3A_1638 = arith.constant 1 : i32
      %swap3A_1639 = arith.index_cast %swap3A_1638 : i32 to index
      %swap3A_1640 = arith.constant 16 : index
      %swap3A_1641 = tpu.vector_load %arg29[%swap3A_1639, %swap3A_1640] {strides = array<i32>} : memref<3x128xi32, #tpu.memory_space<vmem>>, vector<16xi32>,
      tpu.vector_store %arg29[%swap3A_1639, %swap3A_1640], %select_n3A_1637 {strides = array<i32>} : memref<3x128xi32, #tpu.memory_space<vmem>>, vector<16xi32>,
      %add3A_1642 = arith.constant 160 : i32
      %add3A_1643 = vector.broadcast %add3A_1642 : i32 to vector<16xi32>
      %add3A_1644 = arith.addi %add3A_1643, %iota3A : vector<16xi32>
      %add3A_1645 = arith.addi %reduce_sum3A_267, %reduce_sum3A_1421 : i32
      %add3A_1646 = vector.broadcast %add3A_1645 : i32 to vector<16xi32>
      %add3A_1647 = arith.addi %add3A_1646, %add3A_1644 : vector<16xi32>
      %lt3A_1648 = vector.broadcast %scan3A_1236 : i32 to vector<16xi32>
      %lt3A_1649 = arith.cmpi slt, %add3A_1644, %lt3A_1648 : vector<16xi32>
      %lt3A_1650 = arith.constant 384 : i32
      %lt3A_1651 = vector.broadcast %lt3A_1650 : i32 to vector<16xi32>
      %lt3A_1652 = arith.cmpi slt, %add3A_1647, %lt3A_1651 : vector<16xi32>
      %and3A_1653 = arith.andi %lt3A_1649, %lt3A_1652 : vector<16xi1>
      %add3A_1654 = arith.constant 128 : i32
      %add3A_1655 = vector.broadcast %add3A_1654 : i32 to vector<16xi32>
      %add3A_1656 = arith.addi %add3A_1647, %add3A_1655 : vector<16xi32>
      %jit3A_1657 = arith.constant 512 : i32
      %broadcast_in_dim3A_1658 = vector.broadcast %jit3A_1657 : i32 to vector<16xi32>
      %select_n3A_1659 = arith.select %and3A_1653, %add3A_1656, %broadcast_in_dim3A_1658 : vector<16xi1>, vector<16xi32>
      %swap3A_1660 = arith.constant 1 : i32
      %swap3A_1661 = arith.index_cast %swap3A_1660 : i32 to index
      %swap3A_1662 = arith.constant 32 : index
      %swap3A_1663 = tpu.vector_load %arg29[%swap3A_1661, %swap3A_1662] {strides = array<i32>} : memref<3x128xi32, #tpu.memory_space<vmem>>, vector<16xi32>,
      tpu.vector_store %arg29[%swap3A_1661, %swap3A_1662], %select_n3A_1659 {strides = array<i32>} : memref<3x128xi32, #tpu.memory_space<vmem>>, vector<16xi32>,
      %add3A_1664 = arith.constant 176 : i32
      %add3A_1665 = vector.broadcast %add3A_1664 : i32 to vector<16xi32>
      %add3A_1666 = arith.addi %add3A_1665, %iota3A : vector<16xi32>
      %add3A_1667 = arith.addi %reduce_sum3A_267, %reduce_sum3A_1421 : i32
      %add3A_1668 = vector.broadcast %add3A_1667 : i32 to vector<16xi32>
      %add3A_1669 = arith.addi %add3A_1668, %add3A_1666 : vector<16xi32>
      %lt3A_1670 = vector.broadcast %scan3A_1236 : i32 to vector<16xi32>
      %lt3A_1671 = arith.cmpi slt, %add3A_1666, %lt3A_1670 : vector<16xi32>
      %lt3A_1672 = arith.constant 384 : i32
      %lt3A_1673 = vector.broadcast %lt3A_1672 : i32 to vector<16xi32>
      %lt3A_1674 = arith.cmpi slt, %add3A_1669, %lt3A_1673 : vector<16xi32>
      %and3A_1675 = arith.andi %lt3A_1671, %lt3A_1674 : vector<16xi1>
      %add3A_1676 = arith.constant 128 : i32
      %add3A_1677 = vector.broadcast %add3A_1676 : i32 to vector<16xi32>
      %add3A_1678 = arith.addi %add3A_1669, %add3A_1677 : vector<16xi32>
      %jit3A_1679 = arith.constant 512 : i32
      %broadcast_in_dim3A_1680 = vector.broadcast %jit3A_1679 : i32 to vector<16xi32>
      %select_n3A_1681 = arith.select %and3A_1675, %add3A_1678, %broadcast_in_dim3A_1680 : vector<16xi1>, vector<16xi32>
      %swap3A_1682 = arith.constant 1 : i32
      %swap3A_1683 = arith.index_cast %swap3A_1682 : i32 to index
      %swap3A_1684 = arith.constant 48 : index
      %swap3A_1685 = tpu.vector_load %arg29[%swap3A_1683, %swap3A_1684] {strides = array<i32>} : memref<3x128xi32, #tpu.memory_space<vmem>>, vector<16xi32>,
      tpu.vector_store %arg29[%swap3A_1683, %swap3A_1684], %select_n3A_1681 {strides = array<i32>} : memref<3x128xi32, #tpu.memory_space<vmem>>, vector<16xi32>,
      %add3A_1686 = arith.constant 192 : i32
      %add3A_1687 = vector.broadcast %add3A_1686 : i32 to vector<16xi32>
      %add3A_1688 = arith.addi %add3A_1687, %iota3A : vector<16xi32>
      %add3A_1689 = arith.addi %reduce_sum3A_267, %reduce_sum3A_1421 : i32
      %add3A_1690 = vector.broadcast %add3A_1689 : i32 to vector<16xi32>
      %add3A_1691 = arith.addi %add3A_1690, %add3A_1688 : vector<16xi32>
      %lt3A_1692 = vector.broadcast %scan3A_1236 : i32 to vector<16xi32>
      %lt3A_1693 = arith.cmpi slt, %add3A_1688, %lt3A_1692 : vector<16xi32>
      %lt3A_1694 = arith.constant 384 : i32
      %lt3A_1695 = vector.broadcast %lt3A_1694 : i32 to vector<16xi32>
      %lt3A_1696 = arith.cmpi slt, %add3A_1691, %lt3A_1695 : vector<16xi32>
      %and3A_1697 = arith.andi %lt3A_1693, %lt3A_1696 : vector<16xi1>
      %add3A_1698 = arith.constant 128 : i32
      %add3A_1699 = vector.broadcast %add3A_1698 : i32 to vector<16xi32>
      %add3A_1700 = arith.addi %add3A_1691, %add3A_1699 : vector<16xi32>
      %jit3A_1701 = arith.constant 512 : i32
      %broadcast_in_dim3A_1702 = vector.broadcast %jit3A_1701 : i32 to vector<16xi32>
      %select_n3A_1703 = arith.select %and3A_1697, %add3A_1700, %broadcast_in_dim3A_1702 : vector<16xi1>, vector<16xi32>
      %swap3A_1704 = arith.constant 1 : i32
      %swap3A_1705 = arith.index_cast %swap3A_1704 : i32 to index
      %swap3A_1706 = arith.constant 64 : index
      %swap3A_1707 = tpu.vector_load %arg29[%swap3A_1705, %swap3A_1706] {strides = array<i32>} : memref<3x128xi32, #tpu.memory_space<vmem>>, vector<16xi32>,
      tpu.vector_store %arg29[%swap3A_1705, %swap3A_1706], %select_n3A_1703 {strides = array<i32>} : memref<3x128xi32, #tpu.memory_space<vmem>>, vector<16xi32>,
      %add3A_1708 = arith.constant 208 : i32
      %add3A_1709 = vector.broadcast %add3A_1708 : i32 to vector<16xi32>
      %add3A_1710 = arith.addi %add3A_1709, %iota3A : vector<16xi32>
      %add3A_1711 = arith.addi %reduce_sum3A_267, %reduce_sum3A_1421 : i32
      %add3A_1712 = vector.broadcast %add3A_1711 : i32 to vector<16xi32>
      %add3A_1713 = arith.addi %add3A_1712, %add3A_1710 : vector<16xi32>
      %lt3A_1714 = vector.broadcast %scan3A_1236 : i32 to vector<16xi32>
      %lt3A_1715 = arith.cmpi slt, %add3A_1710, %lt3A_1714 : vector<16xi32>
      %lt3A_1716 = arith.constant 384 : i32
      %lt3A_1717 = vector.broadcast %lt3A_1716 : i32 to vector<16xi32>
      %lt3A_1718 = arith.cmpi slt, %add3A_1713, %lt3A_1717 : vector<16xi32>
      %and3A_1719 = arith.andi %lt3A_1715, %lt3A_1718 : vector<16xi1>
      %add3A_1720 = arith.constant 128 : i32
      %add3A_1721 = vector.broadcast %add3A_1720 : i32 to vector<16xi32>
      %add3A_1722 = arith.addi %add3A_1713, %add3A_1721 : vector<16xi32>
      %jit3A_1723 = arith.constant 512 : i32
      %broadcast_in_dim3A_1724 = vector.broadcast %jit3A_1723 : i32 to vector<16xi32>
      %select_n3A_1725 = arith.select %and3A_1719, %add3A_1722, %broadcast_in_dim3A_1724 : vector<16xi1>, vector<16xi32>
      %swap3A_1726 = arith.constant 1 : i32
      %swap3A_1727 = arith.index_cast %swap3A_1726 : i32 to index
      %swap3A_1728 = arith.constant 80 : index
      %swap3A_1729 = tpu.vector_load %arg29[%swap3A_1727, %swap3A_1728] {strides = array<i32>} : memref<3x128xi32, #tpu.memory_space<vmem>>, vector<16xi32>,
      tpu.vector_store %arg29[%swap3A_1727, %swap3A_1728], %select_n3A_1725 {strides = array<i32>} : memref<3x128xi32, #tpu.memory_space<vmem>>, vector<16xi32>,
      %add3A_1730 = arith.constant 224 : i32
      %add3A_1731 = vector.broadcast %add3A_1730 : i32 to vector<16xi32>
      %add3A_1732 = arith.addi %add3A_1731, %iota3A : vector<16xi32>
      %add3A_1733 = arith.addi %reduce_sum3A_267, %reduce_sum3A_1421 : i32
      %add3A_1734 = vector.broadcast %add3A_1733 : i32 to vector<16xi32>
      %add3A_1735 = arith.addi %add3A_1734, %add3A_1732 : vector<16xi32>
      %lt3A_1736 = vector.broadcast %scan3A_1236 : i32 to vector<16xi32>
      %lt3A_1737 = arith.cmpi slt, %add3A_1732, %lt3A_1736 : vector<16xi32>
      %lt3A_1738 = arith.constant 384 : i32
      %lt3A_1739 = vector.broadcast %lt3A_1738 : i32 to vector<16xi32>
      %lt3A_1740 = arith.cmpi slt, %add3A_1735, %lt3A_1739 : vector<16xi32>
      %and3A_1741 = arith.andi %lt3A_1737, %lt3A_1740 : vector<16xi1>
      %add3A_1742 = arith.constant 128 : i32
      %add3A_1743 = vector.broadcast %add3A_1742 : i32 to vector<16xi32>
      %add3A_1744 = arith.addi %add3A_1735, %add3A_1743 : vector<16xi32>
      %jit3A_1745 = arith.constant 512 : i32
      %broadcast_in_dim3A_1746 = vector.broadcast %jit3A_1745 : i32 to vector<16xi32>
      %select_n3A_1747 = arith.select %and3A_1741, %add3A_1744, %broadcast_in_dim3A_1746 : vector<16xi1>, vector<16xi32>
      %swap3A_1748 = arith.constant 1 : i32
      %swap3A_1749 = arith.index_cast %swap3A_1748 : i32 to index
      %swap3A_1750 = arith.constant 96 : index
      %swap3A_1751 = tpu.vector_load %arg29[%swap3A_1749, %swap3A_1750] {strides = array<i32>} : memref<3x128xi32, #tpu.memory_space<vmem>>, vector<16xi32>,
      tpu.vector_store %arg29[%swap3A_1749, %swap3A_1750], %select_n3A_1747 {strides = array<i32>} : memref<3x128xi32, #tpu.memory_space<vmem>>, vector<16xi32>,
      %add3A_1752 = arith.constant 240 : i32
      %add3A_1753 = vector.broadcast %add3A_1752 : i32 to vector<16xi32>
      %add3A_1754 = arith.addi %add3A_1753, %iota3A : vector<16xi32>
      %add3A_1755 = arith.addi %reduce_sum3A_267, %reduce_sum3A_1421 : i32
      %add3A_1756 = vector.broadcast %add3A_1755 : i32 to vector<16xi32>
      %add3A_1757 = arith.addi %add3A_1756, %add3A_1754 : vector<16xi32>
      %lt3A_1758 = vector.broadcast %scan3A_1236 : i32 to vector<16xi32>
      %lt3A_1759 = arith.cmpi slt, %add3A_1754, %lt3A_1758 : vector<16xi32>
      %lt3A_1760 = arith.constant 384 : i32
      %lt3A_1761 = vector.broadcast %lt3A_1760 : i32 to vector<16xi32>
      %lt3A_1762 = arith.cmpi slt, %add3A_1757, %lt3A_1761 : vector<16xi32>
      %and3A_1763 = arith.andi %lt3A_1759, %lt3A_1762 : vector<16xi1>
      %add3A_1764 = arith.constant 128 : i32
      %add3A_1765 = vector.broadcast %add3A_1764 : i32 to vector<16xi32>
      %add3A_1766 = arith.addi %add3A_1757, %add3A_1765 : vector<16xi32>
      %jit3A_1767 = arith.constant 512 : i32
      %broadcast_in_dim3A_1768 = vector.broadcast %jit3A_1767 : i32 to vector<16xi32>
      %select_n3A_1769 = arith.select %and3A_1763, %add3A_1766, %broadcast_in_dim3A_1768 : vector<16xi1>, vector<16xi32>
      %swap3A_1770 = arith.constant 1 : i32
      %swap3A_1771 = arith.index_cast %swap3A_1770 : i32 to index
      %swap3A_1772 = arith.constant 112 : index
      %swap3A_1773 = tpu.vector_load %arg29[%swap3A_1771, %swap3A_1772] {strides = array<i32>} : memref<3x128xi32, #tpu.memory_space<vmem>>, vector<16xi32>,
      tpu.vector_store %arg29[%swap3A_1771, %swap3A_1772], %select_n3A_1769 {strides = array<i32>} : memref<3x128xi32, #tpu.memory_space<vmem>>, vector<16xi32>,
      %add3A_1774 = arith.constant 256 : i32
      %add3A_1775 = vector.broadcast %add3A_1774 : i32 to vector<16xi32>
      %add3A_1776 = arith.addi %add3A_1775, %iota3A : vector<16xi32>
      %add3A_1777 = arith.addi %reduce_sum3A_267, %reduce_sum3A_1421 : i32
      %add3A_1778 = vector.broadcast %add3A_1777 : i32 to vector<16xi32>
      %add3A_1779 = arith.addi %add3A_1778, %add3A_1776 : vector<16xi32>
      %lt3A_1780 = vector.broadcast %scan3A_1236 : i32 to vector<16xi32>
      %lt3A_1781 = arith.cmpi slt, %add3A_1776, %lt3A_1780 : vector<16xi32>
      %lt3A_1782 = arith.constant 384 : i32
      %lt3A_1783 = vector.broadcast %lt3A_1782 : i32 to vector<16xi32>
      %lt3A_1784 = arith.cmpi slt, %add3A_1779, %lt3A_1783 : vector<16xi32>
      %and3A_1785 = arith.andi %lt3A_1781, %lt3A_1784 : vector<16xi1>
      %add3A_1786 = arith.constant 128 : i32
      %add3A_1787 = vector.broadcast %add3A_1786 : i32 to vector<16xi32>
      %add3A_1788 = arith.addi %add3A_1779, %add3A_1787 : vector<16xi32>
      %jit3A_1789 = arith.constant 512 : i32
      %broadcast_in_dim3A_1790 = vector.broadcast %jit3A_1789 : i32 to vector<16xi32>
      %select_n3A_1791 = arith.select %and3A_1785, %add3A_1788, %broadcast_in_dim3A_1790 : vector<16xi1>, vector<16xi32>
      %swap3A_1792 = arith.constant 2 : i32
      %swap3A_1793 = arith.index_cast %swap3A_1792 : i32 to index
      %swap3A_1794 = arith.constant 0 : index
      %swap3A_1795 = tpu.vector_load %arg29[%swap3A_1793, %swap3A_1794] {strides = array<i32>} : memref<3x128xi32, #tpu.memory_space<vmem>>, vector<16xi32>,
      tpu.vector_store %arg29[%swap3A_1793, %swap3A_1794], %select_n3A_1791 {strides = array<i32>} : memref<3x128xi32, #tpu.memory_space<vmem>>, vector<16xi32>,
      %add3A_1796 = arith.constant 272 : i32
      %add3A_1797 = vector.broadcast %add3A_1796 : i32 to vector<16xi32>
      %add3A_1798 = arith.addi %add3A_1797, %iota3A : vector<16xi32>
      %add3A_1799 = arith.addi %reduce_sum3A_267, %reduce_sum3A_1421 : i32
      %add3A_1800 = vector.broadcast %add3A_1799 : i32 to vector<16xi32>
      %add3A_1801 = arith.addi %add3A_1800, %add3A_1798 : vector<16xi32>
      %lt3A_1802 = vector.broadcast %scan3A_1236 : i32 to vector<16xi32>
      %lt3A_1803 = arith.cmpi slt, %add3A_1798, %lt3A_1802 : vector<16xi32>
      %lt3A_1804 = arith.constant 384 : i32
      %lt3A_1805 = vector.broadcast %lt3A_1804 : i32 to vector<16xi32>
      %lt3A_1806 = arith.cmpi slt, %add3A_1801, %lt3A_1805 : vector<16xi32>
      %and3A_1807 = arith.andi %lt3A_1803, %lt3A_1806 : vector<16xi1>
      %add3A_1808 = arith.constant 128 : i32
      %add3A_1809 = vector.broadcast %add3A_1808 : i32 to vector<16xi32>
      %add3A_1810 = arith.addi %add3A_1801, %add3A_1809 : vector<16xi32>
      %jit3A_1811 = arith.constant 512 : i32
      %broadcast_in_dim3A_1812 = vector.broadcast %jit3A_1811 : i32 to vector<16xi32>
      %select_n3A_1813 = arith.select %and3A_1807, %add3A_1810, %broadcast_in_dim3A_1812 : vector<16xi1>, vector<16xi32>
      %swap3A_1814 = arith.constant 2 : i32
      %swap3A_1815 = arith.index_cast %swap3A_1814 : i32 to index
      %swap3A_1816 = arith.constant 16 : index
      %swap3A_1817 = tpu.vector_load %arg29[%swap3A_1815, %swap3A_1816] {strides = array<i32>} : memref<3x128xi32, #tpu.memory_space<vmem>>, vector<16xi32>,
      tpu.vector_store %arg29[%swap3A_1815, %swap3A_1816], %select_n3A_1813 {strides = array<i32>} : memref<3x128xi32, #tpu.memory_space<vmem>>, vector<16xi32>,
      %add3A_1818 = arith.constant 288 : i32
      %add3A_1819 = vector.broadcast %add3A_1818 : i32 to vector<16xi32>
      %add3A_1820 = arith.addi %add3A_1819, %iota3A : vector<16xi32>
      %add3A_1821 = arith.addi %reduce_sum3A_267, %reduce_sum3A_1421 : i32
      %add3A_1822 = vector.broadcast %add3A_1821 : i32 to vector<16xi32>
      %add3A_1823 = arith.addi %add3A_1822, %add3A_1820 : vector<16xi32>
      %lt3A_1824 = vector.broadcast %scan3A_1236 : i32 to vector<16xi32>
      %lt3A_1825 = arith.cmpi slt, %add3A_1820, %lt3A_1824 : vector<16xi32>
      %lt3A_1826 = arith.constant 384 : i32
      %lt3A_1827 = vector.broadcast %lt3A_1826 : i32 to vector<16xi32>
      %lt3A_1828 = arith.cmpi slt, %add3A_1823, %lt3A_1827 : vector<16xi32>
      %and3A_1829 = arith.andi %lt3A_1825, %lt3A_1828 : vector<16xi1>
      %add3A_1830 = arith.constant 128 : i32
      %add3A_1831 = vector.broadcast %add3A_1830 : i32 to vector<16xi32>
      %add3A_1832 = arith.addi %add3A_1823, %add3A_1831 : vector<16xi32>
      %jit3A_1833 = arith.constant 512 : i32
      %broadcast_in_dim3A_1834 = vector.broadcast %jit3A_1833 : i32 to vector<16xi32>
      %select_n3A_1835 = arith.select %and3A_1829, %add3A_1832, %broadcast_in_dim3A_1834 : vector<16xi1>, vector<16xi32>
      %swap3A_1836 = arith.constant 2 : i32
      %swap3A_1837 = arith.index_cast %swap3A_1836 : i32 to index
      %swap3A_1838 = arith.constant 32 : index
      %swap3A_1839 = tpu.vector_load %arg29[%swap3A_1837, %swap3A_1838] {strides = array<i32>} : memref<3x128xi32, #tpu.memory_space<vmem>>, vector<16xi32>,
      tpu.vector_store %arg29[%swap3A_1837, %swap3A_1838], %select_n3A_1835 {strides = array<i32>} : memref<3x128xi32, #tpu.memory_space<vmem>>, vector<16xi32>,
      %add3A_1840 = arith.constant 304 : i32
      %add3A_1841 = vector.broadcast %add3A_1840 : i32 to vector<16xi32>
      %add3A_1842 = arith.addi %add3A_1841, %iota3A : vector<16xi32>
      %add3A_1843 = arith.addi %reduce_sum3A_267, %reduce_sum3A_1421 : i32
      %add3A_1844 = vector.broadcast %add3A_1843 : i32 to vector<16xi32>
      %add3A_1845 = arith.addi %add3A_1844, %add3A_1842 : vector<16xi32>
      %lt3A_1846 = vector.broadcast %scan3A_1236 : i32 to vector<16xi32>
      %lt3A_1847 = arith.cmpi slt, %add3A_1842, %lt3A_1846 : vector<16xi32>
      %lt3A_1848 = arith.constant 384 : i32
      %lt3A_1849 = vector.broadcast %lt3A_1848 : i32 to vector<16xi32>
      %lt3A_1850 = arith.cmpi slt, %add3A_1845, %lt3A_1849 : vector<16xi32>
      %and3A_1851 = arith.andi %lt3A_1847, %lt3A_1850 : vector<16xi1>
      %add3A_1852 = arith.constant 128 : i32
      %add3A_1853 = vector.broadcast %add3A_1852 : i32 to vector<16xi32>
      %add3A_1854 = arith.addi %add3A_1845, %add3A_1853 : vector<16xi32>
      %jit3A_1855 = arith.constant 512 : i32
      %broadcast_in_dim3A_1856 = vector.broadcast %jit3A_1855 : i32 to vector<16xi32>
      %select_n3A_1857 = arith.select %and3A_1851, %add3A_1854, %broadcast_in_dim3A_1856 : vector<16xi1>, vector<16xi32>
      %swap3A_1858 = arith.constant 2 : i32
      %swap3A_1859 = arith.index_cast %swap3A_1858 : i32 to index
      %swap3A_1860 = arith.constant 48 : index
      %swap3A_1861 = tpu.vector_load %arg29[%swap3A_1859, %swap3A_1860] {strides = array<i32>} : memref<3x128xi32, #tpu.memory_space<vmem>>, vector<16xi32>,
      tpu.vector_store %arg29[%swap3A_1859, %swap3A_1860], %select_n3A_1857 {strides = array<i32>} : memref<3x128xi32, #tpu.memory_space<vmem>>, vector<16xi32>,
      %add3A_1862 = arith.constant 320 : i32
      %add3A_1863 = vector.broadcast %add3A_1862 : i32 to vector<16xi32>
      %add3A_1864 = arith.addi %add3A_1863, %iota3A : vector<16xi32>
      %add3A_1865 = arith.addi %reduce_sum3A_267, %reduce_sum3A_1421 : i32
      %add3A_1866 = vector.broadcast %add3A_1865 : i32 to vector<16xi32>
      %add3A_1867 = arith.addi %add3A_1866, %add3A_1864 : vector<16xi32>
      %lt3A_1868 = vector.broadcast %scan3A_1236 : i32 to vector<16xi32>
      %lt3A_1869 = arith.cmpi slt, %add3A_1864, %lt3A_1868 : vector<16xi32>
      %lt3A_1870 = arith.constant 384 : i32
      %lt3A_1871 = vector.broadcast %lt3A_1870 : i32 to vector<16xi32>
      %lt3A_1872 = arith.cmpi slt, %add3A_1867, %lt3A_1871 : vector<16xi32>
      %and3A_1873 = arith.andi %lt3A_1869, %lt3A_1872 : vector<16xi1>
      %add3A_1874 = arith.constant 128 : i32
      %add3A_1875 = vector.broadcast %add3A_1874 : i32 to vector<16xi32>
      %add3A_1876 = arith.addi %add3A_1867, %add3A_1875 : vector<16xi32>
      %jit3A_1877 = arith.constant 512 : i32
      %broadcast_in_dim3A_1878 = vector.broadcast %jit3A_1877 : i32 to vector<16xi32>
      %select_n3A_1879 = arith.select %and3A_1873, %add3A_1876, %broadcast_in_dim3A_1878 : vector<16xi1>, vector<16xi32>
      %swap3A_1880 = arith.constant 2 : i32
      %swap3A_1881 = arith.index_cast %swap3A_1880 : i32 to index
      %swap3A_1882 = arith.constant 64 : index
      %swap3A_1883 = tpu.vector_load %arg29[%swap3A_1881, %swap3A_1882] {strides = array<i32>} : memref<3x128xi32, #tpu.memory_space<vmem>>, vector<16xi32>,
      tpu.vector_store %arg29[%swap3A_1881, %swap3A_1882], %select_n3A_1879 {strides = array<i32>} : memref<3x128xi32, #tpu.memory_space<vmem>>, vector<16xi32>,
      %add3A_1884 = arith.constant 336 : i32
      %add3A_1885 = vector.broadcast %add3A_1884 : i32 to vector<16xi32>
      %add3A_1886 = arith.addi %add3A_1885, %iota3A : vector<16xi32>
      %add3A_1887 = arith.addi %reduce_sum3A_267, %reduce_sum3A_1421 : i32
      %add3A_1888 = vector.broadcast %add3A_1887 : i32 to vector<16xi32>
      %add3A_1889 = arith.addi %add3A_1888, %add3A_1886 : vector<16xi32>
      %lt3A_1890 = vector.broadcast %scan3A_1236 : i32 to vector<16xi32>
      %lt3A_1891 = arith.cmpi slt, %add3A_1886, %lt3A_1890 : vector<16xi32>
      %lt3A_1892 = arith.constant 384 : i32
      %lt3A_1893 = vector.broadcast %lt3A_1892 : i32 to vector<16xi32>
      %lt3A_1894 = arith.cmpi slt, %add3A_1889, %lt3A_1893 : vector<16xi32>
      %and3A_1895 = arith.andi %lt3A_1891, %lt3A_1894 : vector<16xi1>
      %add3A_1896 = arith.constant 128 : i32
      %add3A_1897 = vector.broadcast %add3A_1896 : i32 to vector<16xi32>
      %add3A_1898 = arith.addi %add3A_1889, %add3A_1897 : vector<16xi32>
      %jit3A_1899 = arith.constant 512 : i32
      %broadcast_in_dim3A_1900 = vector.broadcast %jit3A_1899 : i32 to vector<16xi32>
      %select_n3A_1901 = arith.select %and3A_1895, %add3A_1898, %broadcast_in_dim3A_1900 : vector<16xi1>, vector<16xi32>
      %swap3A_1902 = arith.constant 2 : i32
      %swap3A_1903 = arith.index_cast %swap3A_1902 : i32 to index
      %swap3A_1904 = arith.constant 80 : index
      %swap3A_1905 = tpu.vector_load %arg29[%swap3A_1903, %swap3A_1904] {strides = array<i32>} : memref<3x128xi32, #tpu.memory_space<vmem>>, vector<16xi32>,
      tpu.vector_store %arg29[%swap3A_1903, %swap3A_1904], %select_n3A_1901 {strides = array<i32>} : memref<3x128xi32, #tpu.memory_space<vmem>>, vector<16xi32>,
      %add3A_1906 = arith.constant 352 : i32
      %add3A_1907 = vector.broadcast %add3A_1906 : i32 to vector<16xi32>
      %add3A_1908 = arith.addi %add3A_1907, %iota3A : vector<16xi32>
      %add3A_1909 = arith.addi %reduce_sum3A_267, %reduce_sum3A_1421 : i32
      %add3A_1910 = vector.broadcast %add3A_1909 : i32 to vector<16xi32>
      %add3A_1911 = arith.addi %add3A_1910, %add3A_1908 : vector<16xi32>
      %lt3A_1912 = vector.broadcast %scan3A_1236 : i32 to vector<16xi32>
      %lt3A_1913 = arith.cmpi slt, %add3A_1908, %lt3A_1912 : vector<16xi32>
      %lt3A_1914 = arith.constant 384 : i32
      %lt3A_1915 = vector.broadcast %lt3A_1914 : i32 to vector<16xi32>
      %lt3A_1916 = arith.cmpi slt, %add3A_1911, %lt3A_1915 : vector<16xi32>
      %and3A_1917 = arith.andi %lt3A_1913, %lt3A_1916 : vector<16xi1>
      %add3A_1918 = arith.constant 128 : i32
      %add3A_1919 = vector.broadcast %add3A_1918 : i32 to vector<16xi32>
      %add3A_1920 = arith.addi %add3A_1911, %add3A_1919 : vector<16xi32>
      %jit3A_1921 = arith.constant 512 : i32
      %broadcast_in_dim3A_1922 = vector.broadcast %jit3A_1921 : i32 to vector<16xi32>
      %select_n3A_1923 = arith.select %and3A_1917, %add3A_1920, %broadcast_in_dim3A_1922 : vector<16xi1>, vector<16xi32>
      %swap3A_1924 = arith.constant 2 : i32
      %swap3A_1925 = arith.index_cast %swap3A_1924 : i32 to index
      %swap3A_1926 = arith.constant 96 : index
      %swap3A_1927 = tpu.vector_load %arg29[%swap3A_1925, %swap3A_1926] {strides = array<i32>} : memref<3x128xi32, #tpu.memory_space<vmem>>, vector<16xi32>,
      tpu.vector_store %arg29[%swap3A_1925, %swap3A_1926], %select_n3A_1923 {strides = array<i32>} : memref<3x128xi32, #tpu.memory_space<vmem>>, vector<16xi32>,
      %add3A_1928 = arith.constant 368 : i32
      %add3A_1929 = vector.broadcast %add3A_1928 : i32 to vector<16xi32>
      %add3A_1930 = arith.addi %add3A_1929, %iota3A : vector<16xi32>
      %add3A_1931 = arith.addi %reduce_sum3A_267, %reduce_sum3A_1421 : i32
      %add3A_1932 = vector.broadcast %add3A_1931 : i32 to vector<16xi32>
      %add3A_1933 = arith.addi %add3A_1932, %add3A_1930 : vector<16xi32>
      %lt3A_1934 = vector.broadcast %scan3A_1236 : i32 to vector<16xi32>
      %lt3A_1935 = arith.cmpi slt, %add3A_1930, %lt3A_1934 : vector<16xi32>
      %lt3A_1936 = arith.constant 384 : i32
      %lt3A_1937 = vector.broadcast %lt3A_1936 : i32 to vector<16xi32>
      %lt3A_1938 = arith.cmpi slt, %add3A_1933, %lt3A_1937 : vector<16xi32>
      %and3A_1939 = arith.andi %lt3A_1935, %lt3A_1938 : vector<16xi1>
      %add3A_1940 = arith.constant 128 : i32
      %add3A_1941 = vector.broadcast %add3A_1940 : i32 to vector<16xi32>
      %add3A_1942 = arith.addi %add3A_1933, %add3A_1941 : vector<16xi32>
      %jit3A_1943 = arith.constant 512 : i32
      %broadcast_in_dim3A_1944 = vector.broadcast %jit3A_1943 : i32 to vector<16xi32>
      %select_n3A_1945 = arith.select %and3A_1939, %add3A_1942, %broadcast_in_dim3A_1944 : vector<16xi1>, vector<16xi32>
      %swap3A_1946 = arith.constant 2 : i32
      %swap3A_1947 = arith.index_cast %swap3A_1946 : i32 to index
      %swap3A_1948 = arith.constant 112 : index
      %swap3A_1949 = tpu.vector_load %arg29[%swap3A_1947, %swap3A_1948] {strides = array<i32>} : memref<3x128xi32, #tpu.memory_space<vmem>>, vector<16xi32>,
      tpu.vector_store %arg29[%swap3A_1947, %swap3A_1948], %select_n3A_1945 {strides = array<i32>} : memref<3x128xi32, #tpu.memory_space<vmem>>, vector<16xi32>,
      %dma_start3A_1950 = arith.constant 0 : i32
      %dma_start3A_1951 = arith.constant 0 : i32
      %dma_start3A_1952 = tpu.memref_slice %arg25[%dma_start3A_1951] : memref<400xi32, #tpu.memory_space<vmem>> -> memref<128xi32, #tpu.memory_space<vmem>>
      %dma_start3A_1953 = arith.constant 0 : i32
      %dma_start3A_1954 = tpu.memref_slice %arg29[%dma_start3A_1950, %dma_start3A_1953] : memref<3x128xi32, #tpu.memory_space<vmem>> -> memref<1x128xi32, #tpu.memory_space<vmem>>
      %dma_start3A_1955 = tpu.memref_squeeze %dma_start3A_1954 : memref<1x128xi32, #tpu.memory_space<vmem>> -> memref<128xi32, #tpu.memory_space<vmem>>
      %dma_start3A_1956 = arith.constant 0 : i32
      %dma_start3A_1957 = tpu.memref_slice %arg47[%dma_start3A_1956] : memref<528xi32, #tpu.memory_space<vmem_shared>> -> memref<528xi32, #tpu.memory_space<vmem_shared>>
      tpu.enqueue_indirect_dma source(%dma_start3A_1952 : memref<128xi32, #tpu.memory_space<vmem>>) target(%dma_start3A_1957 : memref<528xi32, #tpu.memory_space<vmem_shared>>) offsets(%dma_start3A_1955 : memref<128xi32, #tpu.memory_space<vmem>>) semaphore(%arg48 : memref<!tpu.dma_semaphore, #tpu.memory_space<semaphore_mem>>)
      %dma_start3A_1958 = arith.constant 1 : i32
      %dma_start3A_1959 = arith.constant 128 : i32
      %dma_start3A_1960 = tpu.memref_slice %arg25[%dma_start3A_1959] : memref<400xi32, #tpu.memory_space<vmem>> -> memref<128xi32, #tpu.memory_space<vmem>>
      %dma_start3A_1961 = arith.constant 0 : i32
      %dma_start3A_1962 = tpu.memref_slice %arg29[%dma_start3A_1958, %dma_start3A_1961] : memref<3x128xi32, #tpu.memory_space<vmem>> -> memref<1x128xi32, #tpu.memory_space<vmem>>
      %dma_start3A_1963 = tpu.memref_squeeze %dma_start3A_1962 : memref<1x128xi32, #tpu.memory_space<vmem>> -> memref<128xi32, #tpu.memory_space<vmem>>
      %dma_start3A_1964 = arith.constant 0 : i32
      %dma_start3A_1965 = tpu.memref_slice %arg47[%dma_start3A_1964] : memref<528xi32, #tpu.memory_space<vmem_shared>> -> memref<528xi32, #tpu.memory_space<vmem_shared>>
      tpu.enqueue_indirect_dma source(%dma_start3A_1960 : memref<128xi32, #tpu.memory_space<vmem>>) target(%dma_start3A_1965 : memref<528xi32, #tpu.memory_space<vmem_shared>>) offsets(%dma_start3A_1963 : memref<128xi32, #tpu.memory_space<vmem>>) semaphore(%arg48 : memref<!tpu.dma_semaphore, #tpu.memory_space<semaphore_mem>>)
      %dma_start3A_1966 = arith.constant 2 : i32
      %dma_start3A_1967 = arith.constant 256 : i32
      %dma_start3A_1968 = tpu.memref_slice %arg25[%dma_start3A_1967] : memref<400xi32, #tpu.memory_space<vmem>> -> memref<128xi32, #tpu.memory_space<vmem>>
      %dma_start3A_1969 = arith.constant 0 : i32
      %dma_start3A_1970 = tpu.memref_slice %arg29[%dma_start3A_1966, %dma_start3A_1969] : memref<3x128xi32, #tpu.memory_space<vmem>> -> memref<1x128xi32, #tpu.memory_space<vmem>>
      %dma_start3A_1971 = tpu.memref_squeeze %dma_start3A_1970 : memref<1x128xi32, #tpu.memory_space<vmem>> -> memref<128xi32, #tpu.memory_space<vmem>>
      %dma_start3A_1972 = arith.constant 0 : i32
      %dma_start3A_1973 = tpu.memref_slice %arg47[%dma_start3A_1972] : memref<528xi32, #tpu.memory_space<vmem_shared>> -> memref<528xi32, #tpu.memory_space<vmem_shared>>
      tpu.enqueue_indirect_dma source(%dma_start3A_1968 : memref<128xi32, #tpu.memory_space<vmem>>) target(%dma_start3A_1973 : memref<528xi32, #tpu.memory_space<vmem_shared>>) offsets(%dma_start3A_1971 : memref<128xi32, #tpu.memory_space<vmem>>) semaphore(%arg48 : memref<!tpu.dma_semaphore, #tpu.memory_space<semaphore_mem>>)
      %dma_wait3A_1974 = arith.constant 0 : i32
      %dma_wait3A_1975 = arith.constant 0 : i32
      %dma_wait3A_1976 = tpu.memref_slice %arg25[%dma_wait3A_1975] : memref<400xi32, #tpu.memory_space<vmem>> -> memref<128xi32, #tpu.memory_space<vmem>>
      %dma_wait3A_1977 = arith.constant 0 : i32
      %dma_wait3A_1978 = tpu.memref_slice %arg29[%dma_wait3A_1974, %dma_wait3A_1977] : memref<3x128xi32, #tpu.memory_space<vmem>> -> memref<1x128xi32, #tpu.memory_space<vmem>>
      %dma_wait3A_1979 = tpu.memref_squeeze %dma_wait3A_1978 : memref<1x128xi32, #tpu.memory_space<vmem>> -> memref<128xi32, #tpu.memory_space<vmem>>
      %dma_wait3A_1980 = arith.constant 0 : i32
      %dma_wait3A_1981 = tpu.memref_slice %arg47[%dma_wait3A_1980] : memref<528xi32, #tpu.memory_space<vmem_shared>> -> memref<528xi32, #tpu.memory_space<vmem_shared>>
      tpu.wait_indirect_dma semaphore(%arg48 : memref<!tpu.dma_semaphore, #tpu.memory_space<semaphore_mem>>) src(%dma_wait3A_1976 : memref<128xi32, #tpu.memory_space<vmem>>) dst(%dma_wait3A_1981 : memref<528xi32, #tpu.memory_space<vmem_shared>>)
      %dma_wait3A_1982 = arith.constant 1 : i32
      %dma_wait3A_1983 = arith.constant 128 : i32
      %dma_wait3A_1984 = tpu.memref_slice %arg25[%dma_wait3A_1983] : memref<400xi32, #tpu.memory_space<vmem>> -> memref<128xi32, #tpu.memory_space<vmem>>
      %dma_wait3A_1985 = arith.constant 0 : i32
      %dma_wait3A_1986 = tpu.memref_slice %arg29[%dma_wait3A_1982, %dma_wait3A_1985] : memref<3x128xi32, #tpu.memory_space<vmem>> -> memref<1x128xi32, #tpu.memory_space<vmem>>
      %dma_wait3A_1987 = tpu.memref_squeeze %dma_wait3A_1986 : memref<1x128xi32, #tpu.memory_space<vmem>> -> memref<128xi32, #tpu.memory_space<vmem>>
      %dma_wait3A_1988 = arith.constant 0 : i32
      %dma_wait3A_1989 = tpu.memref_slice %arg47[%dma_wait3A_1988] : memref<528xi32, #tpu.memory_space<vmem_shared>> -> memref<528xi32, #tpu.memory_space<vmem_shared>>
      tpu.wait_indirect_dma semaphore(%arg48 : memref<!tpu.dma_semaphore, #tpu.memory_space<semaphore_mem>>) src(%dma_wait3A_1984 : memref<128xi32, #tpu.memory_space<vmem>>) dst(%dma_wait3A_1989 : memref<528xi32, #tpu.memory_space<vmem_shared>>)
      %dma_wait3A_1990 = arith.constant 2 : i32
      %dma_wait3A_1991 = arith.constant 256 : i32
      %dma_wait3A_1992 = tpu.memref_slice %arg25[%dma_wait3A_1991] : memref<400xi32, #tpu.memory_space<vmem>> -> memref<128xi32, #tpu.memory_space<vmem>>
      %dma_wait3A_1993 = arith.constant 0 : i32
      %dma_wait3A_1994 = tpu.memref_slice %arg29[%dma_wait3A_1990, %dma_wait3A_1993] : memref<3x128xi32, #tpu.memory_space<vmem>> -> memref<1x128xi32, #tpu.memory_space<vmem>>
      %dma_wait3A_1995 = tpu.memref_squeeze %dma_wait3A_1994 : memref<1x128xi32, #tpu.memory_space<vmem>> -> memref<128xi32, #tpu.memory_space<vmem>>
      %dma_wait3A_1996 = arith.constant 0 : i32
      %dma_wait3A_1997 = tpu.memref_slice %arg47[%dma_wait3A_1996] : memref<528xi32, #tpu.memory_space<vmem_shared>> -> memref<528xi32, #tpu.memory_space<vmem_shared>>
      tpu.wait_indirect_dma semaphore(%arg48 : memref<!tpu.dma_semaphore, #tpu.memory_space<semaphore_mem>>) src(%dma_wait3A_1992 : memref<128xi32, #tpu.memory_space<vmem>>) dst(%dma_wait3A_1997 : memref<528xi32, #tpu.memory_space<vmem_shared>>)
    } else {
    }
    %dma_wait3A_1043 = arith.constant 0 : i32
    %dma_wait3A_1044 = arith.constant 0 : i32
    %dma_wait3A_1045 = tpu.memref_slice %arg22[%dma_wait3A_1044] : memref<144xi32, #tpu.memory_space<vmem>> -> memref<128xi32, #tpu.memory_space<vmem>>
    %dma_wait3A_1046 = arith.constant 0 : i32
    %dma_wait3A_1047 = tpu.memref_slice %arg26[%dma_wait3A_1043, %dma_wait3A_1046] : memref<1x128xi32, #tpu.memory_space<vmem>> -> memref<1x128xi32, #tpu.memory_space<vmem>>
    %dma_wait3A_1048 = tpu.memref_squeeze %dma_wait3A_1047 : memref<1x128xi32, #tpu.memory_space<vmem>> -> memref<128xi32, #tpu.memory_space<vmem>>
    %dma_wait3A_1049 = arith.constant 0 : i32
    %dma_wait3A_1050 = tpu.memref_slice %arg47[%dma_wait3A_1049] : memref<528xi32, #tpu.memory_space<vmem_shared>> -> memref<528xi32, #tpu.memory_space<vmem_shared>>
    tpu.wait_indirect_dma semaphore(%arg48 : memref<!tpu.dma_semaphore, #tpu.memory_space<semaphore_mem>>) src(%dma_wait3A_1045 : memref<128xi32, #tpu.memory_space<vmem>>) dst(%dma_wait3A_1050 : memref<528xi32, #tpu.memory_space<vmem_shared>>)
    %dma_wait3A_1051 = arith.constant 0 : i32
    %dma_wait3A_1052 = arith.constant 0 : i32
    %dma_wait3A_1053 = tpu.memref_slice %arg24[%dma_wait3A_1052] : memref<400xi32, #tpu.memory_space<vmem>> -> memref<128xi32, #tpu.memory_space<vmem>>
    %dma_wait3A_1054 = arith.constant 0 : i32
    %dma_wait3A_1055 = tpu.memref_slice %arg28[%dma_wait3A_1051, %dma_wait3A_1054] : memref<3x128xi32, #tpu.memory_space<vmem>> -> memref<1x128xi32, #tpu.memory_space<vmem>>
    %dma_wait3A_1056 = tpu.memref_squeeze %dma_wait3A_1055 : memref<1x128xi32, #tpu.memory_space<vmem>> -> memref<128xi32, #tpu.memory_space<vmem>>
    %dma_wait3A_1057 = arith.constant 0 : i32
    %dma_wait3A_1058 = tpu.memref_slice %arg47[%dma_wait3A_1057] : memref<528xi32, #tpu.memory_space<vmem_shared>> -> memref<528xi32, #tpu.memory_space<vmem_shared>>
    tpu.wait_indirect_dma semaphore(%arg48 : memref<!tpu.dma_semaphore, #tpu.memory_space<semaphore_mem>>) src(%dma_wait3A_1053 : memref<128xi32, #tpu.memory_space<vmem>>) dst(%dma_wait3A_1058 : memref<528xi32, #tpu.memory_space<vmem_shared>>)
    %dma_wait3A_1059 = arith.constant 1 : i32
    %dma_wait3A_1060 = arith.constant 128 : i32
    %dma_wait3A_1061 = tpu.memref_slice %arg24[%dma_wait3A_1060] : memref<400xi32, #tpu.memory_space<vmem>> -> memref<128xi32, #tpu.memory_space<vmem>>
    %dma_wait3A_1062 = arith.constant 0 : i32
    %dma_wait3A_1063 = tpu.memref_slice %arg28[%dma_wait3A_1059, %dma_wait3A_1062] : memref<3x128xi32, #tpu.memory_space<vmem>> -> memref<1x128xi32, #tpu.memory_space<vmem>>
    %dma_wait3A_1064 = tpu.memref_squeeze %dma_wait3A_1063 : memref<1x128xi32, #tpu.memory_space<vmem>> -> memref<128xi32, #tpu.memory_space<vmem>>
    %dma_wait3A_1065 = arith.constant 0 : i32
    %dma_wait3A_1066 = tpu.memref_slice %arg47[%dma_wait3A_1065] : memref<528xi32, #tpu.memory_space<vmem_shared>> -> memref<528xi32, #tpu.memory_space<vmem_shared>>
    tpu.wait_indirect_dma semaphore(%arg48 : memref<!tpu.dma_semaphore, #tpu.memory_space<semaphore_mem>>) src(%dma_wait3A_1061 : memref<128xi32, #tpu.memory_space<vmem>>) dst(%dma_wait3A_1066 : memref<528xi32, #tpu.memory_space<vmem_shared>>)
    %dma_wait3A_1067 = arith.constant 2 : i32
    %dma_wait3A_1068 = arith.constant 256 : i32
    %dma_wait3A_1069 = tpu.memref_slice %arg24[%dma_wait3A_1068] : memref<400xi32, #tpu.memory_space<vmem>> -> memref<128xi32, #tpu.memory_space<vmem>>
    %dma_wait3A_1070 = arith.constant 0 : i32
    %dma_wait3A_1071 = tpu.memref_slice %arg28[%dma_wait3A_1067, %dma_wait3A_1070] : memref<3x128xi32, #tpu.memory_space<vmem>> -> memref<1x128xi32, #tpu.memory_space<vmem>>
    %dma_wait3A_1072 = tpu.memref_squeeze %dma_wait3A_1071 : memref<1x128xi32, #tpu.memory_space<vmem>> -> memref<128xi32, #tpu.memory_space<vmem>>
    %dma_wait3A_1073 = arith.constant 0 : i32
    %dma_wait3A_1074 = tpu.memref_slice %arg47[%dma_wait3A_1073] : memref<528xi32, #tpu.memory_space<vmem_shared>> -> memref<528xi32, #tpu.memory_space<vmem_shared>>
    tpu.wait_indirect_dma semaphore(%arg48 : memref<!tpu.dma_semaphore, #tpu.memory_space<semaphore_mem>>) src(%dma_wait3A_1069 : memref<128xi32, #tpu.memory_space<vmem>>) dst(%dma_wait3A_1074 : memref<528xi32, #tpu.memory_space<vmem_shared>>)
    %barrier3A_1075 = arith.constant 0 : index
    tpu.barrier barrier_id(%barrier3A_1075)
    %mul3A_1076 = arith.constant 32 : i32
    %mul3A_1077 = arith.muli %arg1, %mul3A_1076 : i32
    "tpu.region"() ({
      %run_scoped3A = tpu.sem_alloc : memref<!tpu.dma_semaphore, #tpu.memory_space<semaphore_mem>>
      %dma_start3A_1231 = tpu.memref_slice %arg47[%mul3A_1077] : memref<528xi32, #tpu.memory_space<vmem_shared>> -> memref<32xi32, #tpu.memory_space<vmem_shared>>
      %dma_start3A_1232 = tpu.memref_slice %arg47[%mul3A_1077] : memref<528xi32, #tpu.memory_space<vmem_shared>> -> memref<32xi32, #tpu.memory_space<vmem_shared>>
      tpu.enqueue_dma source(%dma_start3A_1232 : memref<32xi32, #tpu.memory_space<vmem_shared>>) target(%arg32 : memref<32xi32, #tpu.memory_space<vmem>>) target_semaphore(%run_scoped3A : memref<!tpu.dma_semaphore, #tpu.memory_space<semaphore_mem>>)
      %dma_wait3A_1233 = tpu.memref_slice %arg47[%mul3A_1077] : memref<528xi32, #tpu.memory_space<vmem_shared>> -> memref<32xi32, #tpu.memory_space<vmem_shared>>
      %dma_wait3A_1234 = tpu.memref_slice %arg47[%mul3A_1077] : memref<528xi32, #tpu.memory_space<vmem_shared>> -> memref<32xi32, #tpu.memory_space<vmem_shared>>
      tpu.wait_dma2 semaphore(%run_scoped3A : memref<!tpu.dma_semaphore, #tpu.memory_space<semaphore_mem>>) src(%dma_wait3A_1234 : memref<32xi32, #tpu.memory_space<vmem_shared>>) dst(%arg32 : memref<32xi32, #tpu.memory_space<vmem>>)
      tpu.yield
    }) : () -> ()
    %dma_start3A_1078 = arith.constant 0 : i32
    %dma_start3A_1079 = tpu.memref_slice %arg2[%dma_start3A_1078] : memref<20480xf32, #tpu.memory_space<hbm>> -> memref<20480xf32, #tpu.memory_space<hbm>>
    tpu.enqueue_indirect_dma source(%dma_start3A_1079 : memref<20480xf32, #tpu.memory_space<hbm>>) target(%arg37 : memref<32xf32, #tpu.memory_space<vmem>>) offsets(%arg32 : memref<32xi32, #tpu.memory_space<vmem>>) semaphore(%arg48 : memref<!tpu.dma_semaphore, #tpu.memory_space<semaphore_mem>>)
    %dma_start3A_1080 = arith.constant 0 : i32
    %dma_start3A_1081 = tpu.memref_slice %arg3[%dma_start3A_1080] : memref<20480xi32, #tpu.memory_space<hbm>> -> memref<20480xi32, #tpu.memory_space<hbm>>
    tpu.enqueue_indirect_dma source(%dma_start3A_1081 : memref<20480xi32, #tpu.memory_space<hbm>>) target(%arg38 : memref<32xi32, #tpu.memory_space<vmem>>) offsets(%arg32 : memref<32xi32, #tpu.memory_space<vmem>>) semaphore(%arg48 : memref<!tpu.dma_semaphore, #tpu.memory_space<semaphore_mem>>)
    %dma_start3A_1082 = arith.constant 0 : i32
    %dma_start3A_1083 = tpu.memref_slice %arg6[%dma_start3A_1082] : memref<20480xf32, #tpu.memory_space<hbm>> -> memref<20480xf32, #tpu.memory_space<hbm>>
    tpu.enqueue_indirect_dma source(%dma_start3A_1083 : memref<20480xf32, #tpu.memory_space<hbm>>) target(%arg33 : memref<32xf32, #tpu.memory_space<vmem>>) offsets(%arg32 : memref<32xi32, #tpu.memory_space<vmem>>) semaphore(%arg48 : memref<!tpu.dma_semaphore, #tpu.memory_space<semaphore_mem>>)
    %dma_start3A_1084 = arith.constant 0 : i32
    %dma_start3A_1085 = tpu.memref_slice %arg7[%dma_start3A_1084] : memref<20480xf32, #tpu.memory_space<hbm>> -> memref<20480xf32, #tpu.memory_space<hbm>>
    tpu.enqueue_indirect_dma source(%dma_start3A_1085 : memref<20480xf32, #tpu.memory_space<hbm>>) target(%arg34 : memref<32xf32, #tpu.memory_space<vmem>>) offsets(%arg32 : memref<32xi32, #tpu.memory_space<vmem>>) semaphore(%arg48 : memref<!tpu.dma_semaphore, #tpu.memory_space<semaphore_mem>>)
    %dma_start3A_1086 = arith.constant 0 : i32
    %dma_start3A_1087 = tpu.memref_slice %arg8[%dma_start3A_1086] : memref<20480xf32, #tpu.memory_space<hbm>> -> memref<20480xf32, #tpu.memory_space<hbm>>
    tpu.enqueue_indirect_dma source(%dma_start3A_1087 : memref<20480xf32, #tpu.memory_space<hbm>>) target(%arg35 : memref<32xf32, #tpu.memory_space<vmem>>) offsets(%arg32 : memref<32xi32, #tpu.memory_space<vmem>>) semaphore(%arg48 : memref<!tpu.dma_semaphore, #tpu.memory_space<semaphore_mem>>)
    %dma_start3A_1088 = arith.constant 0 : i32
    %dma_start3A_1089 = tpu.memref_slice %arg9[%dma_start3A_1088] : memref<20480xf32, #tpu.memory_space<hbm>> -> memref<20480xf32, #tpu.memory_space<hbm>>
    tpu.enqueue_indirect_dma source(%dma_start3A_1089 : memref<20480xf32, #tpu.memory_space<hbm>>) target(%arg36 : memref<32xf32, #tpu.memory_space<vmem>>) offsets(%arg32 : memref<32xi32, #tpu.memory_space<vmem>>) semaphore(%arg48 : memref<!tpu.dma_semaphore, #tpu.memory_space<semaphore_mem>>)
    %dma_wait3A_1090 = arith.constant 0 : i32
    %dma_wait3A_1091 = tpu.memref_slice %arg2[%dma_wait3A_1090] : memref<20480xf32, #tpu.memory_space<hbm>> -> memref<20480xf32, #tpu.memory_space<hbm>>
    tpu.wait_indirect_dma semaphore(%arg48 : memref<!tpu.dma_semaphore, #tpu.memory_space<semaphore_mem>>) src(%dma_wait3A_1091 : memref<20480xf32, #tpu.memory_space<hbm>>) dst(%arg37 : memref<32xf32, #tpu.memory_space<vmem>>)
    %dma_wait3A_1092 = arith.constant 0 : i32
    %dma_wait3A_1093 = tpu.memref_slice %arg3[%dma_wait3A_1092] : memref<20480xi32, #tpu.memory_space<hbm>> -> memref<20480xi32, #tpu.memory_space<hbm>>
    tpu.wait_indirect_dma semaphore(%arg48 : memref<!tpu.dma_semaphore, #tpu.memory_space<semaphore_mem>>) src(%dma_wait3A_1093 : memref<20480xi32, #tpu.memory_space<hbm>>) dst(%arg38 : memref<32xi32, #tpu.memory_space<vmem>>)
    %dma_wait3A_1094 = arith.constant 0 : i32
    %dma_wait3A_1095 = tpu.memref_slice %arg6[%dma_wait3A_1094] : memref<20480xf32, #tpu.memory_space<hbm>> -> memref<20480xf32, #tpu.memory_space<hbm>>
    tpu.wait_indirect_dma semaphore(%arg48 : memref<!tpu.dma_semaphore, #tpu.memory_space<semaphore_mem>>) src(%dma_wait3A_1095 : memref<20480xf32, #tpu.memory_space<hbm>>) dst(%arg33 : memref<32xf32, #tpu.memory_space<vmem>>)
    %dma_wait3A_1096 = arith.constant 0 : i32
    %dma_wait3A_1097 = tpu.memref_slice %arg7[%dma_wait3A_1096] : memref<20480xf32, #tpu.memory_space<hbm>> -> memref<20480xf32, #tpu.memory_space<hbm>>
    tpu.wait_indirect_dma semaphore(%arg48 : memref<!tpu.dma_semaphore, #tpu.memory_space<semaphore_mem>>) src(%dma_wait3A_1097 : memref<20480xf32, #tpu.memory_space<hbm>>) dst(%arg34 : memref<32xf32, #tpu.memory_space<vmem>>)
    %dma_wait3A_1098 = arith.constant 0 : i32
    %dma_wait3A_1099 = tpu.memref_slice %arg8[%dma_wait3A_1098] : memref<20480xf32, #tpu.memory_space<hbm>> -> memref<20480xf32, #tpu.memory_space<hbm>>
    tpu.wait_indirect_dma semaphore(%arg48 : memref<!tpu.dma_semaphore, #tpu.memory_space<semaphore_mem>>) src(%dma_wait3A_1099 : memref<20480xf32, #tpu.memory_space<hbm>>) dst(%arg35 : memref<32xf32, #tpu.memory_space<vmem>>)
    %dma_wait3A_1100 = arith.constant 0 : i32
    %dma_wait3A_1101 = tpu.memref_slice %arg9[%dma_wait3A_1100] : memref<20480xf32, #tpu.memory_space<hbm>> -> memref<20480xf32, #tpu.memory_space<hbm>>
    tpu.wait_indirect_dma semaphore(%arg48 : memref<!tpu.dma_semaphore, #tpu.memory_space<semaphore_mem>>) src(%dma_wait3A_1101 : memref<20480xf32, #tpu.memory_space<hbm>>) dst(%arg36 : memref<32xf32, #tpu.memory_space<vmem>>)
    %dma_start3A_1102 = arith.constant 0 : i32
    %dma_start3A_1103 = tpu.memref_slice %arg14[%dma_start3A_1102] : memref<64xi32, #tpu.memory_space<hbm>> -> memref<64xi32, #tpu.memory_space<hbm>>
    tpu.enqueue_indirect_dma source(%dma_start3A_1103 : memref<64xi32, #tpu.memory_space<hbm>>) target(%arg43 : memref<32xi32, #tpu.memory_space<vmem>>) offsets(%arg38 : memref<32xi32, #tpu.memory_space<vmem>>) semaphore(%arg48 : memref<!tpu.dma_semaphore, #tpu.memory_space<semaphore_mem>>)
    %dma_start3A_1104 = arith.constant 0 : i32
    %dma_start3A_1105 = tpu.memref_slice %arg10[%dma_start3A_1104] : memref<64xf32, #tpu.memory_space<hbm>> -> memref<64xf32, #tpu.memory_space<hbm>>
    tpu.enqueue_indirect_dma source(%dma_start3A_1105 : memref<64xf32, #tpu.memory_space<hbm>>) target(%arg39 : memref<32xf32, #tpu.memory_space<vmem>>) offsets(%arg38 : memref<32xi32, #tpu.memory_space<vmem>>) semaphore(%arg48 : memref<!tpu.dma_semaphore, #tpu.memory_space<semaphore_mem>>)
    %dma_start3A_1106 = arith.constant 0 : i32
    %dma_start3A_1107 = tpu.memref_slice %arg11[%dma_start3A_1106] : memref<64xf32, #tpu.memory_space<hbm>> -> memref<64xf32, #tpu.memory_space<hbm>>
    tpu.enqueue_indirect_dma source(%dma_start3A_1107 : memref<64xf32, #tpu.memory_space<hbm>>) target(%arg40 : memref<32xf32, #tpu.memory_space<vmem>>) offsets(%arg38 : memref<32xi32, #tpu.memory_space<vmem>>) semaphore(%arg48 : memref<!tpu.dma_semaphore, #tpu.memory_space<semaphore_mem>>)
    %dma_start3A_1108 = arith.constant 0 : i32
    %dma_start3A_1109 = tpu.memref_slice %arg12[%dma_start3A_1108] : memref<64xf32, #tpu.memory_space<hbm>> -> memref<64xf32, #tpu.memory_space<hbm>>
    tpu.enqueue_indirect_dma source(%dma_start3A_1109 : memref<64xf32, #tpu.memory_space<hbm>>) target(%arg41 : memref<32xf32, #tpu.memory_space<vmem>>) offsets(%arg38 : memref<32xi32, #tpu.memory_space<vmem>>) semaphore(%arg48 : memref<!tpu.dma_semaphore, #tpu.memory_space<semaphore_mem>>)
    %dma_start3A_1110 = arith.constant 0 : i32
    %dma_start3A_1111 = tpu.memref_slice %arg13[%dma_start3A_1110] : memref<64xf32, #tpu.memory_space<hbm>> -> memref<64xf32, #tpu.memory_space<hbm>>
    tpu.enqueue_indirect_dma source(%dma_start3A_1111 : memref<64xf32, #tpu.memory_space<hbm>>) target(%arg42 : memref<32xf32, #tpu.memory_space<vmem>>) offsets(%arg38 : memref<32xi32, #tpu.memory_space<vmem>>) semaphore(%arg48 : memref<!tpu.dma_semaphore, #tpu.memory_space<semaphore_mem>>)
    %dma_wait3A_1112 = arith.constant 0 : i32
    %dma_wait3A_1113 = tpu.memref_slice %arg14[%dma_wait3A_1112] : memref<64xi32, #tpu.memory_space<hbm>> -> memref<64xi32, #tpu.memory_space<hbm>>
    tpu.wait_indirect_dma semaphore(%arg48 : memref<!tpu.dma_semaphore, #tpu.memory_space<semaphore_mem>>) src(%dma_wait3A_1113 : memref<64xi32, #tpu.memory_space<hbm>>) dst(%arg43 : memref<32xi32, #tpu.memory_space<vmem>>)
    %dma_wait3A_1114 = arith.constant 0 : i32
    %dma_wait3A_1115 = tpu.memref_slice %arg10[%dma_wait3A_1114] : memref<64xf32, #tpu.memory_space<hbm>> -> memref<64xf32, #tpu.memory_space<hbm>>
    tpu.wait_indirect_dma semaphore(%arg48 : memref<!tpu.dma_semaphore, #tpu.memory_space<semaphore_mem>>) src(%dma_wait3A_1115 : memref<64xf32, #tpu.memory_space<hbm>>) dst(%arg39 : memref<32xf32, #tpu.memory_space<vmem>>)
    %dma_wait3A_1116 = arith.constant 0 : i32
    %dma_wait3A_1117 = tpu.memref_slice %arg11[%dma_wait3A_1116] : memref<64xf32, #tpu.memory_space<hbm>> -> memref<64xf32, #tpu.memory_space<hbm>>
    tpu.wait_indirect_dma semaphore(%arg48 : memref<!tpu.dma_semaphore, #tpu.memory_space<semaphore_mem>>) src(%dma_wait3A_1117 : memref<64xf32, #tpu.memory_space<hbm>>) dst(%arg40 : memref<32xf32, #tpu.memory_space<vmem>>)
    %dma_wait3A_1118 = arith.constant 0 : i32
    %dma_wait3A_1119 = tpu.memref_slice %arg12[%dma_wait3A_1118] : memref<64xf32, #tpu.memory_space<hbm>> -> memref<64xf32, #tpu.memory_space<hbm>>
    tpu.wait_indirect_dma semaphore(%arg48 : memref<!tpu.dma_semaphore, #tpu.memory_space<semaphore_mem>>) src(%dma_wait3A_1119 : memref<64xf32, #tpu.memory_space<hbm>>) dst(%arg41 : memref<32xf32, #tpu.memory_space<vmem>>)
    %dma_wait3A_1120 = arith.constant 0 : i32
    %dma_wait3A_1121 = tpu.memref_slice %arg13[%dma_wait3A_1120] : memref<64xf32, #tpu.memory_space<hbm>> -> memref<64xf32, #tpu.memory_space<hbm>>
    tpu.wait_indirect_dma semaphore(%arg48 : memref<!tpu.dma_semaphore, #tpu.memory_space<semaphore_mem>>) src(%dma_wait3A_1121 : memref<64xf32, #tpu.memory_space<hbm>>) dst(%arg42 : memref<32xf32, #tpu.memory_space<vmem>>)
    %add3A_1122 = arith.constant 0 : i32
    %add3A_1123 = vector.broadcast %add3A_1122 : i32 to vector<16xi32>
    %add3A_1124 = arith.addi %add3A_1123, %iota3A : vector<16xi32>
    %broadcast_in_dim3A_1125 = arith.constant 0 : i32
    %broadcast_in_dim3A_1126 = vector.broadcast %broadcast_in_dim3A_1125 : i32 to vector<16xi32>
    %get3A_1127 = arith.constant 0 : index
    %get3A_1128 = tpu.vector_load %arg33[%get3A_1127] {strides = array<i32>} : memref<32xf32, #tpu.memory_space<vmem>>, vector<16xf32>,
    tpu.vector_store_idx %arg44[%add3A_1124, %broadcast_in_dim3A_1126], %get3A_1128 : memref<32x9xf32, #tpu.memory_space<vmem>>[vector<16xi32>, vector<16xi32>], vector<16xf32>,
    %add3A_1129 = arith.constant 4 : i32
    %add3A_1130 = vector.broadcast %add3A_1129 : i32 to vector<16xi32>
    %add3A_1131 = arith.addi %broadcast_in_dim3A_1126, %add3A_1130 : vector<16xi32>
    %get3A_1132 = arith.constant 0 : index
    %get3A_1133 = tpu.vector_load %arg39[%get3A_1132] {strides = array<i32>} : memref<32xf32, #tpu.memory_space<vmem>>, vector<16xf32>,
    tpu.vector_store_idx %arg44[%add3A_1124, %add3A_1131], %get3A_1133 : memref<32x9xf32, #tpu.memory_space<vmem>>[vector<16xi32>, vector<16xi32>], vector<16xf32>,
    %broadcast_in_dim3A_1134 = arith.constant 1 : i32
    %broadcast_in_dim3A_1135 = vector.broadcast %broadcast_in_dim3A_1134 : i32 to vector<16xi32>
    %get3A_1136 = arith.constant 0 : index
    %get3A_1137 = tpu.vector_load %arg34[%get3A_1136] {strides = array<i32>} : memref<32xf32, #tpu.memory_space<vmem>>, vector<16xf32>,
    tpu.vector_store_idx %arg44[%add3A_1124, %broadcast_in_dim3A_1135], %get3A_1137 : memref<32x9xf32, #tpu.memory_space<vmem>>[vector<16xi32>, vector<16xi32>], vector<16xf32>,
    %add3A_1138 = arith.constant 4 : i32
    %add3A_1139 = vector.broadcast %add3A_1138 : i32 to vector<16xi32>
    %add3A_1140 = arith.addi %broadcast_in_dim3A_1135, %add3A_1139 : vector<16xi32>
    %get3A_1141 = arith.constant 0 : index
    %get3A_1142 = tpu.vector_load %arg40[%get3A_1141] {strides = array<i32>} : memref<32xf32, #tpu.memory_space<vmem>>, vector<16xf32>,
    tpu.vector_store_idx %arg44[%add3A_1124, %add3A_1140], %get3A_1142 : memref<32x9xf32, #tpu.memory_space<vmem>>[vector<16xi32>, vector<16xi32>], vector<16xf32>,
    %broadcast_in_dim3A_1143 = arith.constant 2 : i32
    %broadcast_in_dim3A_1144 = vector.broadcast %broadcast_in_dim3A_1143 : i32 to vector<16xi32>
    %get3A_1145 = arith.constant 0 : index
    %get3A_1146 = tpu.vector_load %arg35[%get3A_1145] {strides = array<i32>} : memref<32xf32, #tpu.memory_space<vmem>>, vector<16xf32>,
    tpu.vector_store_idx %arg44[%add3A_1124, %broadcast_in_dim3A_1144], %get3A_1146 : memref<32x9xf32, #tpu.memory_space<vmem>>[vector<16xi32>, vector<16xi32>], vector<16xf32>,
    %add3A_1147 = arith.constant 4 : i32
    %add3A_1148 = vector.broadcast %add3A_1147 : i32 to vector<16xi32>
    %add3A_1149 = arith.addi %broadcast_in_dim3A_1144, %add3A_1148 : vector<16xi32>
    %get3A_1150 = arith.constant 0 : index
    %get3A_1151 = tpu.vector_load %arg41[%get3A_1150] {strides = array<i32>} : memref<32xf32, #tpu.memory_space<vmem>>, vector<16xf32>,
    tpu.vector_store_idx %arg44[%add3A_1124, %add3A_1149], %get3A_1151 : memref<32x9xf32, #tpu.memory_space<vmem>>[vector<16xi32>, vector<16xi32>], vector<16xf32>,
    %broadcast_in_dim3A_1152 = arith.constant 3 : i32
    %broadcast_in_dim3A_1153 = vector.broadcast %broadcast_in_dim3A_1152 : i32 to vector<16xi32>
    %get3A_1154 = arith.constant 0 : index
    %get3A_1155 = tpu.vector_load %arg36[%get3A_1154] {strides = array<i32>} : memref<32xf32, #tpu.memory_space<vmem>>, vector<16xf32>,
    tpu.vector_store_idx %arg44[%add3A_1124, %broadcast_in_dim3A_1153], %get3A_1155 : memref<32x9xf32, #tpu.memory_space<vmem>>[vector<16xi32>, vector<16xi32>], vector<16xf32>,
    %add3A_1156 = arith.constant 4 : i32
    %add3A_1157 = vector.broadcast %add3A_1156 : i32 to vector<16xi32>
    %add3A_1158 = arith.addi %broadcast_in_dim3A_1153, %add3A_1157 : vector<16xi32>
    %get3A_1159 = arith.constant 0 : index
    %get3A_1160 = tpu.vector_load %arg42[%get3A_1159] {strides = array<i32>} : memref<32xf32, #tpu.memory_space<vmem>>, vector<16xf32>,
    tpu.vector_store_idx %arg44[%add3A_1124, %add3A_1158], %get3A_1160 : memref<32x9xf32, #tpu.memory_space<vmem>>[vector<16xi32>, vector<16xi32>], vector<16xf32>,
    %get3A_1161 = arith.constant 0 : index
    %get3A_1162 = tpu.vector_load %arg37[%get3A_1161] {strides = array<i32>} : memref<32xf32, #tpu.memory_space<vmem>>, vector<16xf32>,
    %broadcast_in_dim3A_1163 = arith.constant 8 : i32
    %broadcast_in_dim3A_1164 = vector.broadcast %broadcast_in_dim3A_1163 : i32 to vector<16xi32>
    tpu.vector_store_idx %arg44[%add3A_1124, %broadcast_in_dim3A_1164], %get3A_1162 : memref<32x9xf32, #tpu.memory_space<vmem>>[vector<16xi32>, vector<16xi32>], vector<16xf32>,
    %get3A_1165 = arith.constant 0 : index
    %get3A_1166 = tpu.vector_load %arg43[%get3A_1165] {strides = array<i32>} : memref<32xi32, #tpu.memory_space<vmem>>, vector<16xi32>,
    %ge3A = arith.constant 5.000000e-01 : f32
    %ge3A_1167 = vector.broadcast %ge3A : f32 to vector<16xf32>
    %ge3A_1168 = arith.cmpf oge, %get3A_1162, %ge3A_1167 : vector<16xf32>
    %jit3A_1169 = arith.constant 80 : i32
    %broadcast_in_dim3A_1170 = vector.broadcast %jit3A_1169 : i32 to vector<16xi32>
    %select_n3A_1171 = arith.select %ge3A_1168, %get3A_1166, %broadcast_in_dim3A_1170 : vector<16xi1>, vector<16xi32>
    %swap3A_1172 = arith.constant 0 : index
    %swap3A_1173 = tpu.vector_load %arg45[%swap3A_1172] {strides = array<i32>} : memref<32xi32, #tpu.memory_space<vmem>>, vector<16xi32>,
    tpu.vector_store %arg45[%swap3A_1172], %select_n3A_1171 {strides = array<i32>} : memref<32xi32, #tpu.memory_space<vmem>>, vector<16xi32>,
    %add3A_1174 = arith.constant 16 : i32
    %add3A_1175 = vector.broadcast %add3A_1174 : i32 to vector<16xi32>
    %add3A_1176 = arith.addi %add3A_1175, %iota3A : vector<16xi32>
    %broadcast_in_dim3A_1177 = arith.constant 0 : i32
    %broadcast_in_dim3A_1178 = vector.broadcast %broadcast_in_dim3A_1177 : i32 to vector<16xi32>
    %get3A_1179 = arith.constant 16 : index
    %get3A_1180 = tpu.vector_load %arg33[%get3A_1179] {strides = array<i32>} : memref<32xf32, #tpu.memory_space<vmem>>, vector<16xf32>,
    tpu.vector_store_idx %arg44[%add3A_1176, %broadcast_in_dim3A_1178], %get3A_1180 : memref<32x9xf32, #tpu.memory_space<vmem>>[vector<16xi32>, vector<16xi32>], vector<16xf32>,
    %add3A_1181 = arith.constant 4 : i32
    %add3A_1182 = vector.broadcast %add3A_1181 : i32 to vector<16xi32>
    %add3A_1183 = arith.addi %broadcast_in_dim3A_1178, %add3A_1182 : vector<16xi32>
    %get3A_1184 = arith.constant 16 : index
    %get3A_1185 = tpu.vector_load %arg39[%get3A_1184] {strides = array<i32>} : memref<32xf32, #tpu.memory_space<vmem>>, vector<16xf32>,
    tpu.vector_store_idx %arg44[%add3A_1176, %add3A_1183], %get3A_1185 : memref<32x9xf32, #tpu.memory_space<vmem>>[vector<16xi32>, vector<16xi32>], vector<16xf32>,
    %broadcast_in_dim3A_1186 = arith.constant 1 : i32
    %broadcast_in_dim3A_1187 = vector.broadcast %broadcast_in_dim3A_1186 : i32 to vector<16xi32>
    %get3A_1188 = arith.constant 16 : index
    %get3A_1189 = tpu.vector_load %arg34[%get3A_1188] {strides = array<i32>} : memref<32xf32, #tpu.memory_space<vmem>>, vector<16xf32>,
    tpu.vector_store_idx %arg44[%add3A_1176, %broadcast_in_dim3A_1187], %get3A_1189 : memref<32x9xf32, #tpu.memory_space<vmem>>[vector<16xi32>, vector<16xi32>], vector<16xf32>,
    %add3A_1190 = arith.constant 4 : i32
    %add3A_1191 = vector.broadcast %add3A_1190 : i32 to vector<16xi32>
    %add3A_1192 = arith.addi %broadcast_in_dim3A_1187, %add3A_1191 : vector<16xi32>
    %get3A_1193 = arith.constant 16 : index
    %get3A_1194 = tpu.vector_load %arg40[%get3A_1193] {strides = array<i32>} : memref<32xf32, #tpu.memory_space<vmem>>, vector<16xf32>,
    tpu.vector_store_idx %arg44[%add3A_1176, %add3A_1192], %get3A_1194 : memref<32x9xf32, #tpu.memory_space<vmem>>[vector<16xi32>, vector<16xi32>], vector<16xf32>,
    %broadcast_in_dim3A_1195 = arith.constant 2 : i32
    %broadcast_in_dim3A_1196 = vector.broadcast %broadcast_in_dim3A_1195 : i32 to vector<16xi32>
    %get3A_1197 = arith.constant 16 : index
    %get3A_1198 = tpu.vector_load %arg35[%get3A_1197] {strides = array<i32>} : memref<32xf32, #tpu.memory_space<vmem>>, vector<16xf32>,
    tpu.vector_store_idx %arg44[%add3A_1176, %broadcast_in_dim3A_1196], %get3A_1198 : memref<32x9xf32, #tpu.memory_space<vmem>>[vector<16xi32>, vector<16xi32>], vector<16xf32>,
    %add3A_1199 = arith.constant 4 : i32
    %add3A_1200 = vector.broadcast %add3A_1199 : i32 to vector<16xi32>
    %add3A_1201 = arith.addi %broadcast_in_dim3A_1196, %add3A_1200 : vector<16xi32>
    %get3A_1202 = arith.constant 16 : index
    %get3A_1203 = tpu.vector_load %arg41[%get3A_1202] {strides = array<i32>} : memref<32xf32, #tpu.memory_space<vmem>>, vector<16xf32>,
    tpu.vector_store_idx %arg44[%add3A_1176, %add3A_1201], %get3A_1203 : memref<32x9xf32, #tpu.memory_space<vmem>>[vector<16xi32>, vector<16xi32>], vector<16xf32>,
    %broadcast_in_dim3A_1204 = arith.constant 3 : i32
    %broadcast_in_dim3A_1205 = vector.broadcast %broadcast_in_dim3A_1204 : i32 to vector<16xi32>
    %get3A_1206 = arith.constant 16 : index
    %get3A_1207 = tpu.vector_load %arg36[%get3A_1206] {strides = array<i32>} : memref<32xf32, #tpu.memory_space<vmem>>, vector<16xf32>,
    tpu.vector_store_idx %arg44[%add3A_1176, %broadcast_in_dim3A_1205], %get3A_1207 : memref<32x9xf32, #tpu.memory_space<vmem>>[vector<16xi32>, vector<16xi32>], vector<16xf32>,
    %add3A_1208 = arith.constant 4 : i32
    %add3A_1209 = vector.broadcast %add3A_1208 : i32 to vector<16xi32>
    %add3A_1210 = arith.addi %broadcast_in_dim3A_1205, %add3A_1209 : vector<16xi32>
    %get3A_1211 = arith.constant 16 : index
    %get3A_1212 = tpu.vector_load %arg42[%get3A_1211] {strides = array<i32>} : memref<32xf32, #tpu.memory_space<vmem>>, vector<16xf32>,
    tpu.vector_store_idx %arg44[%add3A_1176, %add3A_1210], %get3A_1212 : memref<32x9xf32, #tpu.memory_space<vmem>>[vector<16xi32>, vector<16xi32>], vector<16xf32>,
    %get3A_1213 = arith.constant 16 : index
    %get3A_1214 = tpu.vector_load %arg37[%get3A_1213] {strides = array<i32>} : memref<32xf32, #tpu.memory_space<vmem>>, vector<16xf32>,
    %broadcast_in_dim3A_1215 = arith.constant 8 : i32
    %broadcast_in_dim3A_1216 = vector.broadcast %broadcast_in_dim3A_1215 : i32 to vector<16xi32>
    tpu.vector_store_idx %arg44[%add3A_1176, %broadcast_in_dim3A_1216], %get3A_1214 : memref<32x9xf32, #tpu.memory_space<vmem>>[vector<16xi32>, vector<16xi32>], vector<16xf32>,
    %get3A_1217 = arith.constant 16 : index
    %get3A_1218 = tpu.vector_load %arg43[%get3A_1217] {strides = array<i32>} : memref<32xi32, #tpu.memory_space<vmem>>, vector<16xi32>,
    %ge3A_1219 = arith.constant 5.000000e-01 : f32
    %ge3A_1220 = vector.broadcast %ge3A_1219 : f32 to vector<16xf32>
    %ge3A_1221 = arith.cmpf oge, %get3A_1214, %ge3A_1220 : vector<16xf32>
    %jit3A_1222 = arith.constant 80 : i32
    %broadcast_in_dim3A_1223 = vector.broadcast %jit3A_1222 : i32 to vector<16xi32>
    %select_n3A_1224 = arith.select %ge3A_1221, %get3A_1218, %broadcast_in_dim3A_1223 : vector<16xi1>, vector<16xi32>
    %swap3A_1225 = arith.constant 16 : index
    %swap3A_1226 = tpu.vector_load %arg45[%swap3A_1225] {strides = array<i32>} : memref<32xi32, #tpu.memory_space<vmem>>, vector<16xi32>,
    tpu.vector_store %arg45[%swap3A_1225], %select_n3A_1224 {strides = array<i32>} : memref<32xi32, #tpu.memory_space<vmem>>, vector<16xi32>,
    %mul3A_1227 = arith.constant 32 : i32
    %mul3A_1228 = arith.muli %arg1, %mul3A_1227 : i32
    "tpu.region"() ({
      %run_scoped3A = tpu.sem_alloc : memref<!tpu.dma_semaphore, #tpu.memory_space<semaphore_mem>>
      %dma_start3A_1231 = arith.constant 0 : i32
      %dma_start3A_1232 = tpu.memref_slice %arg15[%mul3A_1228, %dma_start3A_1231] : memref<512x9xf32, #tpu.memory_space<hbm>> -> memref<32x9xf32, #tpu.memory_space<hbm>>
      %dma_start3A_1233 = arith.constant 0 : i32
      %dma_start3A_1234 = tpu.memref_slice %arg15[%mul3A_1228, %dma_start3A_1233] : memref<512x9xf32, #tpu.memory_space<hbm>> -> memref<32x9xf32, #tpu.memory_space<hbm>>
      tpu.enqueue_dma source(%arg44 : memref<32x9xf32, #tpu.memory_space<vmem>>) target(%dma_start3A_1234 : memref<32x9xf32, #tpu.memory_space<hbm>>) target_semaphore(%run_scoped3A : memref<!tpu.dma_semaphore, #tpu.memory_space<semaphore_mem>>)
      %dma_wait3A_1235 = arith.constant 0 : i32
      %dma_wait3A_1236 = tpu.memref_slice %arg15[%mul3A_1228, %dma_wait3A_1235] : memref<512x9xf32, #tpu.memory_space<hbm>> -> memref<32x9xf32, #tpu.memory_space<hbm>>
      %dma_wait3A_1237 = arith.constant 0 : i32
      %dma_wait3A_1238 = tpu.memref_slice %arg15[%mul3A_1228, %dma_wait3A_1237] : memref<512x9xf32, #tpu.memory_space<hbm>> -> memref<32x9xf32, #tpu.memory_space<hbm>>
      tpu.wait_dma2 semaphore(%run_scoped3A : memref<!tpu.dma_semaphore, #tpu.memory_space<semaphore_mem>>) src(%arg44 : memref<32x9xf32, #tpu.memory_space<vmem>>) dst(%dma_wait3A_1238 : memref<32x9xf32, #tpu.memory_space<hbm>>)
      tpu.yield
    }) : () -> ()
    %mul3A_1229 = arith.constant 32 : i32
    %mul3A_1230 = arith.muli %arg1, %mul3A_1229 : i32
    "tpu.region"() ({
      %run_scoped3A = tpu.sem_alloc : memref<!tpu.dma_semaphore, #tpu.memory_space<semaphore_mem>>
      %dma_start3A_1231 = tpu.memref_slice %arg16[%mul3A_1230] : memref<512xi32, #tpu.memory_space<hbm>> -> memref<32xi32, #tpu.memory_space<hbm>>
      %dma_start3A_1232 = tpu.memref_slice %arg16[%mul3A_1230] : memref<512xi32, #tpu.memory_space<hbm>> -> memref<32xi32, #tpu.memory_space<hbm>>
      tpu.enqueue_dma source(%arg45 : memref<32xi32, #tpu.memory_space<vmem>>) target(%dma_start3A_1232 : memref<32xi32, #tpu.memory_space<hbm>>) target_semaphore(%run_scoped3A : memref<!tpu.dma_semaphore, #tpu.memory_space<semaphore_mem>>)
      %dma_wait3A_1233 = tpu.memref_slice %arg16[%mul3A_1230] : memref<512xi32, #tpu.memory_space<hbm>> -> memref<32xi32, #tpu.memory_space<hbm>>
      %dma_wait3A_1234 = tpu.memref_slice %arg16[%mul3A_1230] : memref<512xi32, #tpu.memory_space<hbm>> -> memref<32xi32, #tpu.memory_space<hbm>>
      tpu.wait_dma2 semaphore(%run_scoped3A : memref<!tpu.dma_semaphore, #tpu.memory_space<semaphore_mem>>) src(%arg45 : memref<32xi32, #tpu.memory_space<vmem>>) dst(%dma_wait3A_1234 : memref<32xi32, #tpu.memory_space<hbm>>)
      tpu.yield
    }) : () -> ()
    return
  }
}

module attributes {stable_mosaic.version = 14 : i64} {
  func.func @_iou_body(%arg0: i32, %arg1: memref<4x40x128xf32, #tpu.memory_space<vmem>>, %arg2: memref<64x4xf32, #tpu.memory_space<smem>>, %arg3: memref<40x128xf32, #tpu.memory_space<vmem>>, %arg4: memref<40x128xi32, #tpu.memory_space<vmem>>, %arg5: memref<40x128xi32, #tpu.memory_space<vmem>>) attributes {dimension_semantics = [#tpu.dimension_semantics<arbitrary>], iteration_bounds = array<i64: 4>, scalar_prefetch = 0 : i64, scratch_operands = 0 : i64, tpu.core_type = #tpu.core_type<tc>, window_params = [{transform_indices = @transform_0, window_bounds = array<i64: 4, 40, 128>}, {transform_indices = @transform_1, window_bounds = array<i64: 64, 4>}, {transform_indices = @transform_2, window_bounds = array<i64: 40, 128>}, {transform_indices = @transform_3, window_bounds = array<i64: 40, 128>}, {transform_indices = @transform_4, window_bounds = array<i64: 40, 128>}]} {
    %get3A = arith.constant 0 : index
    %get3A_0 = arith.constant 0 : index
    %get3A_1 = arith.constant 0 : index
    %get3A_2 = vector.load %arg1[%get3A, %get3A_0, %get3A_1] : memref<4x40x128xf32, #tpu.memory_space<vmem>>, vector<1x40x128xf32>
    %get3A_3 = vector.shape_cast %get3A_2 : vector<1x40x128xf32> to vector<40x128xf32>
    %get3A_4 = arith.constant 1 : index
    %get3A_5 = arith.constant 0 : index
    %get3A_6 = arith.constant 0 : index
    %get3A_7 = vector.load %arg1[%get3A_4, %get3A_5, %get3A_6] : memref<4x40x128xf32, #tpu.memory_space<vmem>>, vector<1x40x128xf32>
    %get3A_8 = vector.shape_cast %get3A_7 : vector<1x40x128xf32> to vector<40x128xf32>
    %get3A_9 = arith.constant 2 : index
    %get3A_10 = arith.constant 0 : index
    %get3A_11 = arith.constant 0 : index
    %get3A_12 = vector.load %arg1[%get3A_9, %get3A_10, %get3A_11] : memref<4x40x128xf32, #tpu.memory_space<vmem>>, vector<1x40x128xf32>
    %get3A_13 = vector.shape_cast %get3A_12 : vector<1x40x128xf32> to vector<40x128xf32>
    %get3A_14 = arith.constant 3 : index
    %get3A_15 = arith.constant 0 : index
    %get3A_16 = arith.constant 0 : index
    %get3A_17 = vector.load %arg1[%get3A_14, %get3A_15, %get3A_16] : memref<4x40x128xf32, #tpu.memory_space<vmem>>, vector<1x40x128xf32>
    %get3A_18 = vector.shape_cast %get3A_17 : vector<1x40x128xf32> to vector<40x128xf32>
    %sub3A = arith.subf %get3A_13, %get3A_3 : vector<40x128xf32>
    %sub3A_19 = arith.subf %get3A_18, %get3A_8 : vector<40x128xf32>
    %mul3A = arith.mulf %sub3A, %sub3A_19 : vector<40x128xf32>
    %broadcast_in_dim3A = arith.constant 0.000000e+00 : f32
    %broadcast_in_dim3A_20 = vector.broadcast %broadcast_in_dim3A : f32 to vector<40x128xf32>
    %broadcast_in_dim3A_21 = arith.constant 0 : i32
    %broadcast_in_dim3A_22 = vector.broadcast %broadcast_in_dim3A_21 : i32 to vector<40x128xi32>
    %get3A_23 = arith.constant 0 : index
    %get3A_24 = arith.constant 0 : index
    %get3A_25 = memref.load %arg2[%get3A_23, %get3A_24] : memref<64x4xf32, #tpu.memory_space<smem>>
    %get3A_26 = arith.constant 0 : index
    %get3A_27 = arith.constant 1 : index
    %get3A_28 = memref.load %arg2[%get3A_26, %get3A_27] : memref<64x4xf32, #tpu.memory_space<smem>>
    %get3A_29 = arith.constant 0 : index
    %get3A_30 = arith.constant 2 : index
    %get3A_31 = memref.load %arg2[%get3A_29, %get3A_30] : memref<64x4xf32, #tpu.memory_space<smem>>
    %get3A_32 = arith.constant 0 : index
    %get3A_33 = arith.constant 3 : index
    %get3A_34 = memref.load %arg2[%get3A_32, %get3A_33] : memref<64x4xf32, #tpu.memory_space<smem>>
    %sub3A_35 = arith.subf %get3A_31, %get3A_25 : f32
    %sub3A_36 = arith.subf %get3A_34, %get3A_28 : f32
    %mul3A_37 = arith.mulf %sub3A_35, %sub3A_36 : f32
    %min3A = vector.broadcast %get3A_31 : f32 to vector<40x128xf32>
    %min3A_38 = arith.minimumf %min3A, %get3A_13 : vector<40x128xf32>
    %max3A = vector.broadcast %get3A_25 : f32 to vector<40x128xf32>
    %max3A_39 = arith.maximumf %max3A, %get3A_3 : vector<40x128xf32>
    %sub3A_40 = arith.subf %min3A_38, %max3A_39 : vector<40x128xf32>
    %max3A_41 = arith.constant 0.000000e+00 : f32
    %max3A_42 = vector.broadcast %max3A_41 : f32 to vector<40x128xf32>
    %max3A_43 = arith.maximumf %sub3A_40, %max3A_42 : vector<40x128xf32>
    %min3A_44 = vector.broadcast %get3A_34 : f32 to vector<40x128xf32>
    %min3A_45 = arith.minimumf %min3A_44, %get3A_18 : vector<40x128xf32>
    %max3A_46 = vector.broadcast %get3A_28 : f32 to vector<40x128xf32>
    %max3A_47 = arith.maximumf %max3A_46, %get3A_8 : vector<40x128xf32>
    %sub3A_48 = arith.subf %min3A_45, %max3A_47 : vector<40x128xf32>
    %max3A_49 = arith.constant 0.000000e+00 : f32
    %max3A_50 = vector.broadcast %max3A_49 : f32 to vector<40x128xf32>
    %max3A_51 = arith.maximumf %sub3A_48, %max3A_50 : vector<40x128xf32>
    %mul3A_52 = arith.mulf %max3A_43, %max3A_51 : vector<40x128xf32>
    %add3A = vector.broadcast %mul3A_37 : f32 to vector<40x128xf32>
    %add3A_53 = arith.addf %add3A, %mul3A : vector<40x128xf32>
    %sub3A_54 = arith.subf %add3A_53, %mul3A_52 : vector<40x128xf32>
    %div3A = arith.divf %mul3A_52, %sub3A_54 : vector<40x128xf32>
    %gt3A = arith.cmpf ogt, %div3A, %broadcast_in_dim3A_20 : vector<40x128xf32>
    %select_n3A = arith.select %gt3A, %div3A, %broadcast_in_dim3A_20 : vector<40x128xi1>, vector<40x128xf32>
    %jit3A = arith.constant 0 : i32
    %broadcast_in_dim3A_55 = vector.broadcast %jit3A : i32 to vector<40x128xi32>
    %select_n3A_56 = arith.select %gt3A, %broadcast_in_dim3A_55, %broadcast_in_dim3A_22 : vector<40x128xi1>, vector<40x128xi32>
    %get3A_57 = arith.constant 1 : index
    %get3A_58 = arith.constant 0 : index
    %get3A_59 = memref.load %arg2[%get3A_57, %get3A_58] : memref<64x4xf32, #tpu.memory_space<smem>>
    %get3A_60 = arith.constant 1 : index
    %get3A_61 = arith.constant 1 : index
    %get3A_62 = memref.load %arg2[%get3A_60, %get3A_61] : memref<64x4xf32, #tpu.memory_space<smem>>
    %get3A_63 = arith.constant 1 : index
    %get3A_64 = arith.constant 2 : index
    %get3A_65 = memref.load %arg2[%get3A_63, %get3A_64] : memref<64x4xf32, #tpu.memory_space<smem>>
    %get3A_66 = arith.constant 1 : index
    %get3A_67 = arith.constant 3 : index
    %get3A_68 = memref.load %arg2[%get3A_66, %get3A_67] : memref<64x4xf32, #tpu.memory_space<smem>>
    %sub3A_69 = arith.subf %get3A_65, %get3A_59 : f32
    %sub3A_70 = arith.subf %get3A_68, %get3A_62 : f32
    %mul3A_71 = arith.mulf %sub3A_69, %sub3A_70 : f32
    %min3A_72 = vector.broadcast %get3A_65 : f32 to vector<40x128xf32>
    %min3A_73 = arith.minimumf %min3A_72, %get3A_13 : vector<40x128xf32>
    %max3A_74 = vector.broadcast %get3A_59 : f32 to vector<40x128xf32>
    %max3A_75 = arith.maximumf %max3A_74, %get3A_3 : vector<40x128xf32>
    %sub3A_76 = arith.subf %min3A_73, %max3A_75 : vector<40x128xf32>
    %max3A_77 = arith.constant 0.000000e+00 : f32
    %max3A_78 = vector.broadcast %max3A_77 : f32 to vector<40x128xf32>
    %max3A_79 = arith.maximumf %sub3A_76, %max3A_78 : vector<40x128xf32>
    %min3A_80 = vector.broadcast %get3A_68 : f32 to vector<40x128xf32>
    %min3A_81 = arith.minimumf %min3A_80, %get3A_18 : vector<40x128xf32>
    %max3A_82 = vector.broadcast %get3A_62 : f32 to vector<40x128xf32>
    %max3A_83 = arith.maximumf %max3A_82, %get3A_8 : vector<40x128xf32>
    %sub3A_84 = arith.subf %min3A_81, %max3A_83 : vector<40x128xf32>
    %max3A_85 = arith.constant 0.000000e+00 : f32
    %max3A_86 = vector.broadcast %max3A_85 : f32 to vector<40x128xf32>
    %max3A_87 = arith.maximumf %sub3A_84, %max3A_86 : vector<40x128xf32>
    %mul3A_88 = arith.mulf %max3A_79, %max3A_87 : vector<40x128xf32>
    %add3A_89 = vector.broadcast %mul3A_71 : f32 to vector<40x128xf32>
    %add3A_90 = arith.addf %add3A_89, %mul3A : vector<40x128xf32>
    %sub3A_91 = arith.subf %add3A_90, %mul3A_88 : vector<40x128xf32>
    %div3A_92 = arith.divf %mul3A_88, %sub3A_91 : vector<40x128xf32>
    %gt3A_93 = arith.cmpf ogt, %div3A_92, %select_n3A : vector<40x128xf32>
    %select_n3A_94 = arith.select %gt3A_93, %div3A_92, %select_n3A : vector<40x128xi1>, vector<40x128xf32>
    %jit3A_95 = arith.constant 1 : i32
    %broadcast_in_dim3A_96 = vector.broadcast %jit3A_95 : i32 to vector<40x128xi32>
    %select_n3A_97 = arith.select %gt3A_93, %broadcast_in_dim3A_96, %select_n3A_56 : vector<40x128xi1>, vector<40x128xi32>
    %get3A_98 = arith.constant 2 : index
    %get3A_99 = arith.constant 0 : index
    %get3A_100 = memref.load %arg2[%get3A_98, %get3A_99] : memref<64x4xf32, #tpu.memory_space<smem>>
    %get3A_101 = arith.constant 2 : index
    %get3A_102 = arith.constant 1 : index
    %get3A_103 = memref.load %arg2[%get3A_101, %get3A_102] : memref<64x4xf32, #tpu.memory_space<smem>>
    %get3A_104 = arith.constant 2 : index
    %get3A_105 = arith.constant 2 : index
    %get3A_106 = memref.load %arg2[%get3A_104, %get3A_105] : memref<64x4xf32, #tpu.memory_space<smem>>
    %get3A_107 = arith.constant 2 : index
    %get3A_108 = arith.constant 3 : index
    %get3A_109 = memref.load %arg2[%get3A_107, %get3A_108] : memref<64x4xf32, #tpu.memory_space<smem>>
    %sub3A_110 = arith.subf %get3A_106, %get3A_100 : f32
    %sub3A_111 = arith.subf %get3A_109, %get3A_103 : f32
    %mul3A_112 = arith.mulf %sub3A_110, %sub3A_111 : f32
    %min3A_113 = vector.broadcast %get3A_106 : f32 to vector<40x128xf32>
    %min3A_114 = arith.minimumf %min3A_113, %get3A_13 : vector<40x128xf32>
    %max3A_115 = vector.broadcast %get3A_100 : f32 to vector<40x128xf32>
    %max3A_116 = arith.maximumf %max3A_115, %get3A_3 : vector<40x128xf32>
    %sub3A_117 = arith.subf %min3A_114, %max3A_116 : vector<40x128xf32>
    %max3A_118 = arith.constant 0.000000e+00 : f32
    %max3A_119 = vector.broadcast %max3A_118 : f32 to vector<40x128xf32>
    %max3A_120 = arith.maximumf %sub3A_117, %max3A_119 : vector<40x128xf32>
    %min3A_121 = vector.broadcast %get3A_109 : f32 to vector<40x128xf32>
    %min3A_122 = arith.minimumf %min3A_121, %get3A_18 : vector<40x128xf32>
    %max3A_123 = vector.broadcast %get3A_103 : f32 to vector<40x128xf32>
    %max3A_124 = arith.maximumf %max3A_123, %get3A_8 : vector<40x128xf32>
    %sub3A_125 = arith.subf %min3A_122, %max3A_124 : vector<40x128xf32>
    %max3A_126 = arith.constant 0.000000e+00 : f32
    %max3A_127 = vector.broadcast %max3A_126 : f32 to vector<40x128xf32>
    %max3A_128 = arith.maximumf %sub3A_125, %max3A_127 : vector<40x128xf32>
    %mul3A_129 = arith.mulf %max3A_120, %max3A_128 : vector<40x128xf32>
    %add3A_130 = vector.broadcast %mul3A_112 : f32 to vector<40x128xf32>
    %add3A_131 = arith.addf %add3A_130, %mul3A : vector<40x128xf32>
    %sub3A_132 = arith.subf %add3A_131, %mul3A_129 : vector<40x128xf32>
    %div3A_133 = arith.divf %mul3A_129, %sub3A_132 : vector<40x128xf32>
    %gt3A_134 = arith.cmpf ogt, %div3A_133, %select_n3A_94 : vector<40x128xf32>
    %select_n3A_135 = arith.select %gt3A_134, %div3A_133, %select_n3A_94 : vector<40x128xi1>, vector<40x128xf32>
    %jit3A_136 = arith.constant 2 : i32
    %broadcast_in_dim3A_137 = vector.broadcast %jit3A_136 : i32 to vector<40x128xi32>
    %select_n3A_138 = arith.select %gt3A_134, %broadcast_in_dim3A_137, %select_n3A_97 : vector<40x128xi1>, vector<40x128xi32>
    %get3A_139 = arith.constant 3 : index
    %get3A_140 = arith.constant 0 : index
    %get3A_141 = memref.load %arg2[%get3A_139, %get3A_140] : memref<64x4xf32, #tpu.memory_space<smem>>
    %get3A_142 = arith.constant 3 : index
    %get3A_143 = arith.constant 1 : index
    %get3A_144 = memref.load %arg2[%get3A_142, %get3A_143] : memref<64x4xf32, #tpu.memory_space<smem>>
    %get3A_145 = arith.constant 3 : index
    %get3A_146 = arith.constant 2 : index
    %get3A_147 = memref.load %arg2[%get3A_145, %get3A_146] : memref<64x4xf32, #tpu.memory_space<smem>>
    %get3A_148 = arith.constant 3 : index
    %get3A_149 = arith.constant 3 : index
    %get3A_150 = memref.load %arg2[%get3A_148, %get3A_149] : memref<64x4xf32, #tpu.memory_space<smem>>
    %sub3A_151 = arith.subf %get3A_147, %get3A_141 : f32
    %sub3A_152 = arith.subf %get3A_150, %get3A_144 : f32
    %mul3A_153 = arith.mulf %sub3A_151, %sub3A_152 : f32
    %min3A_154 = vector.broadcast %get3A_147 : f32 to vector<40x128xf32>
    %min3A_155 = arith.minimumf %min3A_154, %get3A_13 : vector<40x128xf32>
    %max3A_156 = vector.broadcast %get3A_141 : f32 to vector<40x128xf32>
    %max3A_157 = arith.maximumf %max3A_156, %get3A_3 : vector<40x128xf32>
    %sub3A_158 = arith.subf %min3A_155, %max3A_157 : vector<40x128xf32>
    %max3A_159 = arith.constant 0.000000e+00 : f32
    %max3A_160 = vector.broadcast %max3A_159 : f32 to vector<40x128xf32>
    %max3A_161 = arith.maximumf %sub3A_158, %max3A_160 : vector<40x128xf32>
    %min3A_162 = vector.broadcast %get3A_150 : f32 to vector<40x128xf32>
    %min3A_163 = arith.minimumf %min3A_162, %get3A_18 : vector<40x128xf32>
    %max3A_164 = vector.broadcast %get3A_144 : f32 to vector<40x128xf32>
    %max3A_165 = arith.maximumf %max3A_164, %get3A_8 : vector<40x128xf32>
    %sub3A_166 = arith.subf %min3A_163, %max3A_165 : vector<40x128xf32>
    %max3A_167 = arith.constant 0.000000e+00 : f32
    %max3A_168 = vector.broadcast %max3A_167 : f32 to vector<40x128xf32>
    %max3A_169 = arith.maximumf %sub3A_166, %max3A_168 : vector<40x128xf32>
    %mul3A_170 = arith.mulf %max3A_161, %max3A_169 : vector<40x128xf32>
    %add3A_171 = vector.broadcast %mul3A_153 : f32 to vector<40x128xf32>
    %add3A_172 = arith.addf %add3A_171, %mul3A : vector<40x128xf32>
    %sub3A_173 = arith.subf %add3A_172, %mul3A_170 : vector<40x128xf32>
    %div3A_174 = arith.divf %mul3A_170, %sub3A_173 : vector<40x128xf32>
    %gt3A_175 = arith.cmpf ogt, %div3A_174, %select_n3A_135 : vector<40x128xf32>
    %select_n3A_176 = arith.select %gt3A_175, %div3A_174, %select_n3A_135 : vector<40x128xi1>, vector<40x128xf32>
    %jit3A_177 = arith.constant 3 : i32
    %broadcast_in_dim3A_178 = vector.broadcast %jit3A_177 : i32 to vector<40x128xi32>
    %select_n3A_179 = arith.select %gt3A_175, %broadcast_in_dim3A_178, %select_n3A_138 : vector<40x128xi1>, vector<40x128xi32>
    %get3A_180 = arith.constant 4 : index
    %get3A_181 = arith.constant 0 : index
    %get3A_182 = memref.load %arg2[%get3A_180, %get3A_181] : memref<64x4xf32, #tpu.memory_space<smem>>
    %get3A_183 = arith.constant 4 : index
    %get3A_184 = arith.constant 1 : index
    %get3A_185 = memref.load %arg2[%get3A_183, %get3A_184] : memref<64x4xf32, #tpu.memory_space<smem>>
    %get3A_186 = arith.constant 4 : index
    %get3A_187 = arith.constant 2 : index
    %get3A_188 = memref.load %arg2[%get3A_186, %get3A_187] : memref<64x4xf32, #tpu.memory_space<smem>>
    %get3A_189 = arith.constant 4 : index
    %get3A_190 = arith.constant 3 : index
    %get3A_191 = memref.load %arg2[%get3A_189, %get3A_190] : memref<64x4xf32, #tpu.memory_space<smem>>
    %sub3A_192 = arith.subf %get3A_188, %get3A_182 : f32
    %sub3A_193 = arith.subf %get3A_191, %get3A_185 : f32
    %mul3A_194 = arith.mulf %sub3A_192, %sub3A_193 : f32
    %min3A_195 = vector.broadcast %get3A_188 : f32 to vector<40x128xf32>
    %min3A_196 = arith.minimumf %min3A_195, %get3A_13 : vector<40x128xf32>
    %max3A_197 = vector.broadcast %get3A_182 : f32 to vector<40x128xf32>
    %max3A_198 = arith.maximumf %max3A_197, %get3A_3 : vector<40x128xf32>
    %sub3A_199 = arith.subf %min3A_196, %max3A_198 : vector<40x128xf32>
    %max3A_200 = arith.constant 0.000000e+00 : f32
    %max3A_201 = vector.broadcast %max3A_200 : f32 to vector<40x128xf32>
    %max3A_202 = arith.maximumf %sub3A_199, %max3A_201 : vector<40x128xf32>
    %min3A_203 = vector.broadcast %get3A_191 : f32 to vector<40x128xf32>
    %min3A_204 = arith.minimumf %min3A_203, %get3A_18 : vector<40x128xf32>
    %max3A_205 = vector.broadcast %get3A_185 : f32 to vector<40x128xf32>
    %max3A_206 = arith.maximumf %max3A_205, %get3A_8 : vector<40x128xf32>
    %sub3A_207 = arith.subf %min3A_204, %max3A_206 : vector<40x128xf32>
    %max3A_208 = arith.constant 0.000000e+00 : f32
    %max3A_209 = vector.broadcast %max3A_208 : f32 to vector<40x128xf32>
    %max3A_210 = arith.maximumf %sub3A_207, %max3A_209 : vector<40x128xf32>
    %mul3A_211 = arith.mulf %max3A_202, %max3A_210 : vector<40x128xf32>
    %add3A_212 = vector.broadcast %mul3A_194 : f32 to vector<40x128xf32>
    %add3A_213 = arith.addf %add3A_212, %mul3A : vector<40x128xf32>
    %sub3A_214 = arith.subf %add3A_213, %mul3A_211 : vector<40x128xf32>
    %div3A_215 = arith.divf %mul3A_211, %sub3A_214 : vector<40x128xf32>
    %gt3A_216 = arith.cmpf ogt, %div3A_215, %select_n3A_176 : vector<40x128xf32>
    %select_n3A_217 = arith.select %gt3A_216, %div3A_215, %select_n3A_176 : vector<40x128xi1>, vector<40x128xf32>
    %jit3A_218 = arith.constant 4 : i32
    %broadcast_in_dim3A_219 = vector.broadcast %jit3A_218 : i32 to vector<40x128xi32>
    %select_n3A_220 = arith.select %gt3A_216, %broadcast_in_dim3A_219, %select_n3A_179 : vector<40x128xi1>, vector<40x128xi32>
    %get3A_221 = arith.constant 5 : index
    %get3A_222 = arith.constant 0 : index
    %get3A_223 = memref.load %arg2[%get3A_221, %get3A_222] : memref<64x4xf32, #tpu.memory_space<smem>>
    %get3A_224 = arith.constant 5 : index
    %get3A_225 = arith.constant 1 : index
    %get3A_226 = memref.load %arg2[%get3A_224, %get3A_225] : memref<64x4xf32, #tpu.memory_space<smem>>
    %get3A_227 = arith.constant 5 : index
    %get3A_228 = arith.constant 2 : index
    %get3A_229 = memref.load %arg2[%get3A_227, %get3A_228] : memref<64x4xf32, #tpu.memory_space<smem>>
    %get3A_230 = arith.constant 5 : index
    %get3A_231 = arith.constant 3 : index
    %get3A_232 = memref.load %arg2[%get3A_230, %get3A_231] : memref<64x4xf32, #tpu.memory_space<smem>>
    %sub3A_233 = arith.subf %get3A_229, %get3A_223 : f32
    %sub3A_234 = arith.subf %get3A_232, %get3A_226 : f32
    %mul3A_235 = arith.mulf %sub3A_233, %sub3A_234 : f32
    %min3A_236 = vector.broadcast %get3A_229 : f32 to vector<40x128xf32>
    %min3A_237 = arith.minimumf %min3A_236, %get3A_13 : vector<40x128xf32>
    %max3A_238 = vector.broadcast %get3A_223 : f32 to vector<40x128xf32>
    %max3A_239 = arith.maximumf %max3A_238, %get3A_3 : vector<40x128xf32>
    %sub3A_240 = arith.subf %min3A_237, %max3A_239 : vector<40x128xf32>
    %max3A_241 = arith.constant 0.000000e+00 : f32
    %max3A_242 = vector.broadcast %max3A_241 : f32 to vector<40x128xf32>
    %max3A_243 = arith.maximumf %sub3A_240, %max3A_242 : vector<40x128xf32>
    %min3A_244 = vector.broadcast %get3A_232 : f32 to vector<40x128xf32>
    %min3A_245 = arith.minimumf %min3A_244, %get3A_18 : vector<40x128xf32>
    %max3A_246 = vector.broadcast %get3A_226 : f32 to vector<40x128xf32>
    %max3A_247 = arith.maximumf %max3A_246, %get3A_8 : vector<40x128xf32>
    %sub3A_248 = arith.subf %min3A_245, %max3A_247 : vector<40x128xf32>
    %max3A_249 = arith.constant 0.000000e+00 : f32
    %max3A_250 = vector.broadcast %max3A_249 : f32 to vector<40x128xf32>
    %max3A_251 = arith.maximumf %sub3A_248, %max3A_250 : vector<40x128xf32>
    %mul3A_252 = arith.mulf %max3A_243, %max3A_251 : vector<40x128xf32>
    %add3A_253 = vector.broadcast %mul3A_235 : f32 to vector<40x128xf32>
    %add3A_254 = arith.addf %add3A_253, %mul3A : vector<40x128xf32>
    %sub3A_255 = arith.subf %add3A_254, %mul3A_252 : vector<40x128xf32>
    %div3A_256 = arith.divf %mul3A_252, %sub3A_255 : vector<40x128xf32>
    %gt3A_257 = arith.cmpf ogt, %div3A_256, %select_n3A_217 : vector<40x128xf32>
    %select_n3A_258 = arith.select %gt3A_257, %div3A_256, %select_n3A_217 : vector<40x128xi1>, vector<40x128xf32>
    %jit3A_259 = arith.constant 5 : i32
    %broadcast_in_dim3A_260 = vector.broadcast %jit3A_259 : i32 to vector<40x128xi32>
    %select_n3A_261 = arith.select %gt3A_257, %broadcast_in_dim3A_260, %select_n3A_220 : vector<40x128xi1>, vector<40x128xi32>
    %get3A_262 = arith.constant 6 : index
    %get3A_263 = arith.constant 0 : index
    %get3A_264 = memref.load %arg2[%get3A_262, %get3A_263] : memref<64x4xf32, #tpu.memory_space<smem>>
    %get3A_265 = arith.constant 6 : index
    %get3A_266 = arith.constant 1 : index
    %get3A_267 = memref.load %arg2[%get3A_265, %get3A_266] : memref<64x4xf32, #tpu.memory_space<smem>>
    %get3A_268 = arith.constant 6 : index
    %get3A_269 = arith.constant 2 : index
    %get3A_270 = memref.load %arg2[%get3A_268, %get3A_269] : memref<64x4xf32, #tpu.memory_space<smem>>
    %get3A_271 = arith.constant 6 : index
    %get3A_272 = arith.constant 3 : index
    %get3A_273 = memref.load %arg2[%get3A_271, %get3A_272] : memref<64x4xf32, #tpu.memory_space<smem>>
    %sub3A_274 = arith.subf %get3A_270, %get3A_264 : f32
    %sub3A_275 = arith.subf %get3A_273, %get3A_267 : f32
    %mul3A_276 = arith.mulf %sub3A_274, %sub3A_275 : f32
    %min3A_277 = vector.broadcast %get3A_270 : f32 to vector<40x128xf32>
    %min3A_278 = arith.minimumf %min3A_277, %get3A_13 : vector<40x128xf32>
    %max3A_279 = vector.broadcast %get3A_264 : f32 to vector<40x128xf32>
    %max3A_280 = arith.maximumf %max3A_279, %get3A_3 : vector<40x128xf32>
    %sub3A_281 = arith.subf %min3A_278, %max3A_280 : vector<40x128xf32>
    %max3A_282 = arith.constant 0.000000e+00 : f32
    %max3A_283 = vector.broadcast %max3A_282 : f32 to vector<40x128xf32>
    %max3A_284 = arith.maximumf %sub3A_281, %max3A_283 : vector<40x128xf32>
    %min3A_285 = vector.broadcast %get3A_273 : f32 to vector<40x128xf32>
    %min3A_286 = arith.minimumf %min3A_285, %get3A_18 : vector<40x128xf32>
    %max3A_287 = vector.broadcast %get3A_267 : f32 to vector<40x128xf32>
    %max3A_288 = arith.maximumf %max3A_287, %get3A_8 : vector<40x128xf32>
    %sub3A_289 = arith.subf %min3A_286, %max3A_288 : vector<40x128xf32>
    %max3A_290 = arith.constant 0.000000e+00 : f32
    %max3A_291 = vector.broadcast %max3A_290 : f32 to vector<40x128xf32>
    %max3A_292 = arith.maximumf %sub3A_289, %max3A_291 : vector<40x128xf32>
    %mul3A_293 = arith.mulf %max3A_284, %max3A_292 : vector<40x128xf32>
    %add3A_294 = vector.broadcast %mul3A_276 : f32 to vector<40x128xf32>
    %add3A_295 = arith.addf %add3A_294, %mul3A : vector<40x128xf32>
    %sub3A_296 = arith.subf %add3A_295, %mul3A_293 : vector<40x128xf32>
    %div3A_297 = arith.divf %mul3A_293, %sub3A_296 : vector<40x128xf32>
    %gt3A_298 = arith.cmpf ogt, %div3A_297, %select_n3A_258 : vector<40x128xf32>
    %select_n3A_299 = arith.select %gt3A_298, %div3A_297, %select_n3A_258 : vector<40x128xi1>, vector<40x128xf32>
    %jit3A_300 = arith.constant 6 : i32
    %broadcast_in_dim3A_301 = vector.broadcast %jit3A_300 : i32 to vector<40x128xi32>
    %select_n3A_302 = arith.select %gt3A_298, %broadcast_in_dim3A_301, %select_n3A_261 : vector<40x128xi1>, vector<40x128xi32>
    %get3A_303 = arith.constant 7 : index
    %get3A_304 = arith.constant 0 : index
    %get3A_305 = memref.load %arg2[%get3A_303, %get3A_304] : memref<64x4xf32, #tpu.memory_space<smem>>
    %get3A_306 = arith.constant 7 : index
    %get3A_307 = arith.constant 1 : index
    %get3A_308 = memref.load %arg2[%get3A_306, %get3A_307] : memref<64x4xf32, #tpu.memory_space<smem>>
    %get3A_309 = arith.constant 7 : index
    %get3A_310 = arith.constant 2 : index
    %get3A_311 = memref.load %arg2[%get3A_309, %get3A_310] : memref<64x4xf32, #tpu.memory_space<smem>>
    %get3A_312 = arith.constant 7 : index
    %get3A_313 = arith.constant 3 : index
    %get3A_314 = memref.load %arg2[%get3A_312, %get3A_313] : memref<64x4xf32, #tpu.memory_space<smem>>
    %sub3A_315 = arith.subf %get3A_311, %get3A_305 : f32
    %sub3A_316 = arith.subf %get3A_314, %get3A_308 : f32
    %mul3A_317 = arith.mulf %sub3A_315, %sub3A_316 : f32
    %min3A_318 = vector.broadcast %get3A_311 : f32 to vector<40x128xf32>
    %min3A_319 = arith.minimumf %min3A_318, %get3A_13 : vector<40x128xf32>
    %max3A_320 = vector.broadcast %get3A_305 : f32 to vector<40x128xf32>
    %max3A_321 = arith.maximumf %max3A_320, %get3A_3 : vector<40x128xf32>
    %sub3A_322 = arith.subf %min3A_319, %max3A_321 : vector<40x128xf32>
    %max3A_323 = arith.constant 0.000000e+00 : f32
    %max3A_324 = vector.broadcast %max3A_323 : f32 to vector<40x128xf32>
    %max3A_325 = arith.maximumf %sub3A_322, %max3A_324 : vector<40x128xf32>
    %min3A_326 = vector.broadcast %get3A_314 : f32 to vector<40x128xf32>
    %min3A_327 = arith.minimumf %min3A_326, %get3A_18 : vector<40x128xf32>
    %max3A_328 = vector.broadcast %get3A_308 : f32 to vector<40x128xf32>
    %max3A_329 = arith.maximumf %max3A_328, %get3A_8 : vector<40x128xf32>
    %sub3A_330 = arith.subf %min3A_327, %max3A_329 : vector<40x128xf32>
    %max3A_331 = arith.constant 0.000000e+00 : f32
    %max3A_332 = vector.broadcast %max3A_331 : f32 to vector<40x128xf32>
    %max3A_333 = arith.maximumf %sub3A_330, %max3A_332 : vector<40x128xf32>
    %mul3A_334 = arith.mulf %max3A_325, %max3A_333 : vector<40x128xf32>
    %add3A_335 = vector.broadcast %mul3A_317 : f32 to vector<40x128xf32>
    %add3A_336 = arith.addf %add3A_335, %mul3A : vector<40x128xf32>
    %sub3A_337 = arith.subf %add3A_336, %mul3A_334 : vector<40x128xf32>
    %div3A_338 = arith.divf %mul3A_334, %sub3A_337 : vector<40x128xf32>
    %gt3A_339 = arith.cmpf ogt, %div3A_338, %select_n3A_299 : vector<40x128xf32>
    %select_n3A_340 = arith.select %gt3A_339, %div3A_338, %select_n3A_299 : vector<40x128xi1>, vector<40x128xf32>
    %jit3A_341 = arith.constant 7 : i32
    %broadcast_in_dim3A_342 = vector.broadcast %jit3A_341 : i32 to vector<40x128xi32>
    %select_n3A_343 = arith.select %gt3A_339, %broadcast_in_dim3A_342, %select_n3A_302 : vector<40x128xi1>, vector<40x128xi32>
    %get3A_344 = arith.constant 8 : index
    %get3A_345 = arith.constant 0 : index
    %get3A_346 = memref.load %arg2[%get3A_344, %get3A_345] : memref<64x4xf32, #tpu.memory_space<smem>>
    %get3A_347 = arith.constant 8 : index
    %get3A_348 = arith.constant 1 : index
    %get3A_349 = memref.load %arg2[%get3A_347, %get3A_348] : memref<64x4xf32, #tpu.memory_space<smem>>
    %get3A_350 = arith.constant 8 : index
    %get3A_351 = arith.constant 2 : index
    %get3A_352 = memref.load %arg2[%get3A_350, %get3A_351] : memref<64x4xf32, #tpu.memory_space<smem>>
    %get3A_353 = arith.constant 8 : index
    %get3A_354 = arith.constant 3 : index
    %get3A_355 = memref.load %arg2[%get3A_353, %get3A_354] : memref<64x4xf32, #tpu.memory_space<smem>>
    %sub3A_356 = arith.subf %get3A_352, %get3A_346 : f32
    %sub3A_357 = arith.subf %get3A_355, %get3A_349 : f32
    %mul3A_358 = arith.mulf %sub3A_356, %sub3A_357 : f32
    %min3A_359 = vector.broadcast %get3A_352 : f32 to vector<40x128xf32>
    %min3A_360 = arith.minimumf %min3A_359, %get3A_13 : vector<40x128xf32>
    %max3A_361 = vector.broadcast %get3A_346 : f32 to vector<40x128xf32>
    %max3A_362 = arith.maximumf %max3A_361, %get3A_3 : vector<40x128xf32>
    %sub3A_363 = arith.subf %min3A_360, %max3A_362 : vector<40x128xf32>
    %max3A_364 = arith.constant 0.000000e+00 : f32
    %max3A_365 = vector.broadcast %max3A_364 : f32 to vector<40x128xf32>
    %max3A_366 = arith.maximumf %sub3A_363, %max3A_365 : vector<40x128xf32>
    %min3A_367 = vector.broadcast %get3A_355 : f32 to vector<40x128xf32>
    %min3A_368 = arith.minimumf %min3A_367, %get3A_18 : vector<40x128xf32>
    %max3A_369 = vector.broadcast %get3A_349 : f32 to vector<40x128xf32>
    %max3A_370 = arith.maximumf %max3A_369, %get3A_8 : vector<40x128xf32>
    %sub3A_371 = arith.subf %min3A_368, %max3A_370 : vector<40x128xf32>
    %max3A_372 = arith.constant 0.000000e+00 : f32
    %max3A_373 = vector.broadcast %max3A_372 : f32 to vector<40x128xf32>
    %max3A_374 = arith.maximumf %sub3A_371, %max3A_373 : vector<40x128xf32>
    %mul3A_375 = arith.mulf %max3A_366, %max3A_374 : vector<40x128xf32>
    %add3A_376 = vector.broadcast %mul3A_358 : f32 to vector<40x128xf32>
    %add3A_377 = arith.addf %add3A_376, %mul3A : vector<40x128xf32>
    %sub3A_378 = arith.subf %add3A_377, %mul3A_375 : vector<40x128xf32>
    %div3A_379 = arith.divf %mul3A_375, %sub3A_378 : vector<40x128xf32>
    %gt3A_380 = arith.cmpf ogt, %div3A_379, %select_n3A_340 : vector<40x128xf32>
    %select_n3A_381 = arith.select %gt3A_380, %div3A_379, %select_n3A_340 : vector<40x128xi1>, vector<40x128xf32>
    %jit3A_382 = arith.constant 8 : i32
    %broadcast_in_dim3A_383 = vector.broadcast %jit3A_382 : i32 to vector<40x128xi32>
    %select_n3A_384 = arith.select %gt3A_380, %broadcast_in_dim3A_383, %select_n3A_343 : vector<40x128xi1>, vector<40x128xi32>
    %get3A_385 = arith.constant 9 : index
    %get3A_386 = arith.constant 0 : index
    %get3A_387 = memref.load %arg2[%get3A_385, %get3A_386] : memref<64x4xf32, #tpu.memory_space<smem>>
    %get3A_388 = arith.constant 9 : index
    %get3A_389 = arith.constant 1 : index
    %get3A_390 = memref.load %arg2[%get3A_388, %get3A_389] : memref<64x4xf32, #tpu.memory_space<smem>>
    %get3A_391 = arith.constant 9 : index
    %get3A_392 = arith.constant 2 : index
    %get3A_393 = memref.load %arg2[%get3A_391, %get3A_392] : memref<64x4xf32, #tpu.memory_space<smem>>
    %get3A_394 = arith.constant 9 : index
    %get3A_395 = arith.constant 3 : index
    %get3A_396 = memref.load %arg2[%get3A_394, %get3A_395] : memref<64x4xf32, #tpu.memory_space<smem>>
    %sub3A_397 = arith.subf %get3A_393, %get3A_387 : f32
    %sub3A_398 = arith.subf %get3A_396, %get3A_390 : f32
    %mul3A_399 = arith.mulf %sub3A_397, %sub3A_398 : f32
    %min3A_400 = vector.broadcast %get3A_393 : f32 to vector<40x128xf32>
    %min3A_401 = arith.minimumf %min3A_400, %get3A_13 : vector<40x128xf32>
    %max3A_402 = vector.broadcast %get3A_387 : f32 to vector<40x128xf32>
    %max3A_403 = arith.maximumf %max3A_402, %get3A_3 : vector<40x128xf32>
    %sub3A_404 = arith.subf %min3A_401, %max3A_403 : vector<40x128xf32>
    %max3A_405 = arith.constant 0.000000e+00 : f32
    %max3A_406 = vector.broadcast %max3A_405 : f32 to vector<40x128xf32>
    %max3A_407 = arith.maximumf %sub3A_404, %max3A_406 : vector<40x128xf32>
    %min3A_408 = vector.broadcast %get3A_396 : f32 to vector<40x128xf32>
    %min3A_409 = arith.minimumf %min3A_408, %get3A_18 : vector<40x128xf32>
    %max3A_410 = vector.broadcast %get3A_390 : f32 to vector<40x128xf32>
    %max3A_411 = arith.maximumf %max3A_410, %get3A_8 : vector<40x128xf32>
    %sub3A_412 = arith.subf %min3A_409, %max3A_411 : vector<40x128xf32>
    %max3A_413 = arith.constant 0.000000e+00 : f32
    %max3A_414 = vector.broadcast %max3A_413 : f32 to vector<40x128xf32>
    %max3A_415 = arith.maximumf %sub3A_412, %max3A_414 : vector<40x128xf32>
    %mul3A_416 = arith.mulf %max3A_407, %max3A_415 : vector<40x128xf32>
    %add3A_417 = vector.broadcast %mul3A_399 : f32 to vector<40x128xf32>
    %add3A_418 = arith.addf %add3A_417, %mul3A : vector<40x128xf32>
    %sub3A_419 = arith.subf %add3A_418, %mul3A_416 : vector<40x128xf32>
    %div3A_420 = arith.divf %mul3A_416, %sub3A_419 : vector<40x128xf32>
    %gt3A_421 = arith.cmpf ogt, %div3A_420, %select_n3A_381 : vector<40x128xf32>
    %select_n3A_422 = arith.select %gt3A_421, %div3A_420, %select_n3A_381 : vector<40x128xi1>, vector<40x128xf32>
    %jit3A_423 = arith.constant 9 : i32
    %broadcast_in_dim3A_424 = vector.broadcast %jit3A_423 : i32 to vector<40x128xi32>
    %select_n3A_425 = arith.select %gt3A_421, %broadcast_in_dim3A_424, %select_n3A_384 : vector<40x128xi1>, vector<40x128xi32>
    %get3A_426 = arith.constant 10 : index
    %get3A_427 = arith.constant 0 : index
    %get3A_428 = memref.load %arg2[%get3A_426, %get3A_427] : memref<64x4xf32, #tpu.memory_space<smem>>
    %get3A_429 = arith.constant 10 : index
    %get3A_430 = arith.constant 1 : index
    %get3A_431 = memref.load %arg2[%get3A_429, %get3A_430] : memref<64x4xf32, #tpu.memory_space<smem>>
    %get3A_432 = arith.constant 10 : index
    %get3A_433 = arith.constant 2 : index
    %get3A_434 = memref.load %arg2[%get3A_432, %get3A_433] : memref<64x4xf32, #tpu.memory_space<smem>>
    %get3A_435 = arith.constant 10 : index
    %get3A_436 = arith.constant 3 : index
    %get3A_437 = memref.load %arg2[%get3A_435, %get3A_436] : memref<64x4xf32, #tpu.memory_space<smem>>
    %sub3A_438 = arith.subf %get3A_434, %get3A_428 : f32
    %sub3A_439 = arith.subf %get3A_437, %get3A_431 : f32
    %mul3A_440 = arith.mulf %sub3A_438, %sub3A_439 : f32
    %min3A_441 = vector.broadcast %get3A_434 : f32 to vector<40x128xf32>
    %min3A_442 = arith.minimumf %min3A_441, %get3A_13 : vector<40x128xf32>
    %max3A_443 = vector.broadcast %get3A_428 : f32 to vector<40x128xf32>
    %max3A_444 = arith.maximumf %max3A_443, %get3A_3 : vector<40x128xf32>
    %sub3A_445 = arith.subf %min3A_442, %max3A_444 : vector<40x128xf32>
    %max3A_446 = arith.constant 0.000000e+00 : f32
    %max3A_447 = vector.broadcast %max3A_446 : f32 to vector<40x128xf32>
    %max3A_448 = arith.maximumf %sub3A_445, %max3A_447 : vector<40x128xf32>
    %min3A_449 = vector.broadcast %get3A_437 : f32 to vector<40x128xf32>
    %min3A_450 = arith.minimumf %min3A_449, %get3A_18 : vector<40x128xf32>
    %max3A_451 = vector.broadcast %get3A_431 : f32 to vector<40x128xf32>
    %max3A_452 = arith.maximumf %max3A_451, %get3A_8 : vector<40x128xf32>
    %sub3A_453 = arith.subf %min3A_450, %max3A_452 : vector<40x128xf32>
    %max3A_454 = arith.constant 0.000000e+00 : f32
    %max3A_455 = vector.broadcast %max3A_454 : f32 to vector<40x128xf32>
    %max3A_456 = arith.maximumf %sub3A_453, %max3A_455 : vector<40x128xf32>
    %mul3A_457 = arith.mulf %max3A_448, %max3A_456 : vector<40x128xf32>
    %add3A_458 = vector.broadcast %mul3A_440 : f32 to vector<40x128xf32>
    %add3A_459 = arith.addf %add3A_458, %mul3A : vector<40x128xf32>
    %sub3A_460 = arith.subf %add3A_459, %mul3A_457 : vector<40x128xf32>
    %div3A_461 = arith.divf %mul3A_457, %sub3A_460 : vector<40x128xf32>
    %gt3A_462 = arith.cmpf ogt, %div3A_461, %select_n3A_422 : vector<40x128xf32>
    %select_n3A_463 = arith.select %gt3A_462, %div3A_461, %select_n3A_422 : vector<40x128xi1>, vector<40x128xf32>
    %jit3A_464 = arith.constant 10 : i32
    %broadcast_in_dim3A_465 = vector.broadcast %jit3A_464 : i32 to vector<40x128xi32>
    %select_n3A_466 = arith.select %gt3A_462, %broadcast_in_dim3A_465, %select_n3A_425 : vector<40x128xi1>, vector<40x128xi32>
    %get3A_467 = arith.constant 11 : index
    %get3A_468 = arith.constant 0 : index
    %get3A_469 = memref.load %arg2[%get3A_467, %get3A_468] : memref<64x4xf32, #tpu.memory_space<smem>>
    %get3A_470 = arith.constant 11 : index
    %get3A_471 = arith.constant 1 : index
    %get3A_472 = memref.load %arg2[%get3A_470, %get3A_471] : memref<64x4xf32, #tpu.memory_space<smem>>
    %get3A_473 = arith.constant 11 : index
    %get3A_474 = arith.constant 2 : index
    %get3A_475 = memref.load %arg2[%get3A_473, %get3A_474] : memref<64x4xf32, #tpu.memory_space<smem>>
    %get3A_476 = arith.constant 11 : index
    %get3A_477 = arith.constant 3 : index
    %get3A_478 = memref.load %arg2[%get3A_476, %get3A_477] : memref<64x4xf32, #tpu.memory_space<smem>>
    %sub3A_479 = arith.subf %get3A_475, %get3A_469 : f32
    %sub3A_480 = arith.subf %get3A_478, %get3A_472 : f32
    %mul3A_481 = arith.mulf %sub3A_479, %sub3A_480 : f32
    %min3A_482 = vector.broadcast %get3A_475 : f32 to vector<40x128xf32>
    %min3A_483 = arith.minimumf %min3A_482, %get3A_13 : vector<40x128xf32>
    %max3A_484 = vector.broadcast %get3A_469 : f32 to vector<40x128xf32>
    %max3A_485 = arith.maximumf %max3A_484, %get3A_3 : vector<40x128xf32>
    %sub3A_486 = arith.subf %min3A_483, %max3A_485 : vector<40x128xf32>
    %max3A_487 = arith.constant 0.000000e+00 : f32
    %max3A_488 = vector.broadcast %max3A_487 : f32 to vector<40x128xf32>
    %max3A_489 = arith.maximumf %sub3A_486, %max3A_488 : vector<40x128xf32>
    %min3A_490 = vector.broadcast %get3A_478 : f32 to vector<40x128xf32>
    %min3A_491 = arith.minimumf %min3A_490, %get3A_18 : vector<40x128xf32>
    %max3A_492 = vector.broadcast %get3A_472 : f32 to vector<40x128xf32>
    %max3A_493 = arith.maximumf %max3A_492, %get3A_8 : vector<40x128xf32>
    %sub3A_494 = arith.subf %min3A_491, %max3A_493 : vector<40x128xf32>
    %max3A_495 = arith.constant 0.000000e+00 : f32
    %max3A_496 = vector.broadcast %max3A_495 : f32 to vector<40x128xf32>
    %max3A_497 = arith.maximumf %sub3A_494, %max3A_496 : vector<40x128xf32>
    %mul3A_498 = arith.mulf %max3A_489, %max3A_497 : vector<40x128xf32>
    %add3A_499 = vector.broadcast %mul3A_481 : f32 to vector<40x128xf32>
    %add3A_500 = arith.addf %add3A_499, %mul3A : vector<40x128xf32>
    %sub3A_501 = arith.subf %add3A_500, %mul3A_498 : vector<40x128xf32>
    %div3A_502 = arith.divf %mul3A_498, %sub3A_501 : vector<40x128xf32>
    %gt3A_503 = arith.cmpf ogt, %div3A_502, %select_n3A_463 : vector<40x128xf32>
    %select_n3A_504 = arith.select %gt3A_503, %div3A_502, %select_n3A_463 : vector<40x128xi1>, vector<40x128xf32>
    %jit3A_505 = arith.constant 11 : i32
    %broadcast_in_dim3A_506 = vector.broadcast %jit3A_505 : i32 to vector<40x128xi32>
    %select_n3A_507 = arith.select %gt3A_503, %broadcast_in_dim3A_506, %select_n3A_466 : vector<40x128xi1>, vector<40x128xi32>
    %get3A_508 = arith.constant 12 : index
    %get3A_509 = arith.constant 0 : index
    %get3A_510 = memref.load %arg2[%get3A_508, %get3A_509] : memref<64x4xf32, #tpu.memory_space<smem>>
    %get3A_511 = arith.constant 12 : index
    %get3A_512 = arith.constant 1 : index
    %get3A_513 = memref.load %arg2[%get3A_511, %get3A_512] : memref<64x4xf32, #tpu.memory_space<smem>>
    %get3A_514 = arith.constant 12 : index
    %get3A_515 = arith.constant 2 : index
    %get3A_516 = memref.load %arg2[%get3A_514, %get3A_515] : memref<64x4xf32, #tpu.memory_space<smem>>
    %get3A_517 = arith.constant 12 : index
    %get3A_518 = arith.constant 3 : index
    %get3A_519 = memref.load %arg2[%get3A_517, %get3A_518] : memref<64x4xf32, #tpu.memory_space<smem>>
    %sub3A_520 = arith.subf %get3A_516, %get3A_510 : f32
    %sub3A_521 = arith.subf %get3A_519, %get3A_513 : f32
    %mul3A_522 = arith.mulf %sub3A_520, %sub3A_521 : f32
    %min3A_523 = vector.broadcast %get3A_516 : f32 to vector<40x128xf32>
    %min3A_524 = arith.minimumf %min3A_523, %get3A_13 : vector<40x128xf32>
    %max3A_525 = vector.broadcast %get3A_510 : f32 to vector<40x128xf32>
    %max3A_526 = arith.maximumf %max3A_525, %get3A_3 : vector<40x128xf32>
    %sub3A_527 = arith.subf %min3A_524, %max3A_526 : vector<40x128xf32>
    %max3A_528 = arith.constant 0.000000e+00 : f32
    %max3A_529 = vector.broadcast %max3A_528 : f32 to vector<40x128xf32>
    %max3A_530 = arith.maximumf %sub3A_527, %max3A_529 : vector<40x128xf32>
    %min3A_531 = vector.broadcast %get3A_519 : f32 to vector<40x128xf32>
    %min3A_532 = arith.minimumf %min3A_531, %get3A_18 : vector<40x128xf32>
    %max3A_533 = vector.broadcast %get3A_513 : f32 to vector<40x128xf32>
    %max3A_534 = arith.maximumf %max3A_533, %get3A_8 : vector<40x128xf32>
    %sub3A_535 = arith.subf %min3A_532, %max3A_534 : vector<40x128xf32>
    %max3A_536 = arith.constant 0.000000e+00 : f32
    %max3A_537 = vector.broadcast %max3A_536 : f32 to vector<40x128xf32>
    %max3A_538 = arith.maximumf %sub3A_535, %max3A_537 : vector<40x128xf32>
    %mul3A_539 = arith.mulf %max3A_530, %max3A_538 : vector<40x128xf32>
    %add3A_540 = vector.broadcast %mul3A_522 : f32 to vector<40x128xf32>
    %add3A_541 = arith.addf %add3A_540, %mul3A : vector<40x128xf32>
    %sub3A_542 = arith.subf %add3A_541, %mul3A_539 : vector<40x128xf32>
    %div3A_543 = arith.divf %mul3A_539, %sub3A_542 : vector<40x128xf32>
    %gt3A_544 = arith.cmpf ogt, %div3A_543, %select_n3A_504 : vector<40x128xf32>
    %select_n3A_545 = arith.select %gt3A_544, %div3A_543, %select_n3A_504 : vector<40x128xi1>, vector<40x128xf32>
    %jit3A_546 = arith.constant 12 : i32
    %broadcast_in_dim3A_547 = vector.broadcast %jit3A_546 : i32 to vector<40x128xi32>
    %select_n3A_548 = arith.select %gt3A_544, %broadcast_in_dim3A_547, %select_n3A_507 : vector<40x128xi1>, vector<40x128xi32>
    %get3A_549 = arith.constant 13 : index
    %get3A_550 = arith.constant 0 : index
    %get3A_551 = memref.load %arg2[%get3A_549, %get3A_550] : memref<64x4xf32, #tpu.memory_space<smem>>
    %get3A_552 = arith.constant 13 : index
    %get3A_553 = arith.constant 1 : index
    %get3A_554 = memref.load %arg2[%get3A_552, %get3A_553] : memref<64x4xf32, #tpu.memory_space<smem>>
    %get3A_555 = arith.constant 13 : index
    %get3A_556 = arith.constant 2 : index
    %get3A_557 = memref.load %arg2[%get3A_555, %get3A_556] : memref<64x4xf32, #tpu.memory_space<smem>>
    %get3A_558 = arith.constant 13 : index
    %get3A_559 = arith.constant 3 : index
    %get3A_560 = memref.load %arg2[%get3A_558, %get3A_559] : memref<64x4xf32, #tpu.memory_space<smem>>
    %sub3A_561 = arith.subf %get3A_557, %get3A_551 : f32
    %sub3A_562 = arith.subf %get3A_560, %get3A_554 : f32
    %mul3A_563 = arith.mulf %sub3A_561, %sub3A_562 : f32
    %min3A_564 = vector.broadcast %get3A_557 : f32 to vector<40x128xf32>
    %min3A_565 = arith.minimumf %min3A_564, %get3A_13 : vector<40x128xf32>
    %max3A_566 = vector.broadcast %get3A_551 : f32 to vector<40x128xf32>
    %max3A_567 = arith.maximumf %max3A_566, %get3A_3 : vector<40x128xf32>
    %sub3A_568 = arith.subf %min3A_565, %max3A_567 : vector<40x128xf32>
    %max3A_569 = arith.constant 0.000000e+00 : f32
    %max3A_570 = vector.broadcast %max3A_569 : f32 to vector<40x128xf32>
    %max3A_571 = arith.maximumf %sub3A_568, %max3A_570 : vector<40x128xf32>
    %min3A_572 = vector.broadcast %get3A_560 : f32 to vector<40x128xf32>
    %min3A_573 = arith.minimumf %min3A_572, %get3A_18 : vector<40x128xf32>
    %max3A_574 = vector.broadcast %get3A_554 : f32 to vector<40x128xf32>
    %max3A_575 = arith.maximumf %max3A_574, %get3A_8 : vector<40x128xf32>
    %sub3A_576 = arith.subf %min3A_573, %max3A_575 : vector<40x128xf32>
    %max3A_577 = arith.constant 0.000000e+00 : f32
    %max3A_578 = vector.broadcast %max3A_577 : f32 to vector<40x128xf32>
    %max3A_579 = arith.maximumf %sub3A_576, %max3A_578 : vector<40x128xf32>
    %mul3A_580 = arith.mulf %max3A_571, %max3A_579 : vector<40x128xf32>
    %add3A_581 = vector.broadcast %mul3A_563 : f32 to vector<40x128xf32>
    %add3A_582 = arith.addf %add3A_581, %mul3A : vector<40x128xf32>
    %sub3A_583 = arith.subf %add3A_582, %mul3A_580 : vector<40x128xf32>
    %div3A_584 = arith.divf %mul3A_580, %sub3A_583 : vector<40x128xf32>
    %gt3A_585 = arith.cmpf ogt, %div3A_584, %select_n3A_545 : vector<40x128xf32>
    %select_n3A_586 = arith.select %gt3A_585, %div3A_584, %select_n3A_545 : vector<40x128xi1>, vector<40x128xf32>
    %jit3A_587 = arith.constant 13 : i32
    %broadcast_in_dim3A_588 = vector.broadcast %jit3A_587 : i32 to vector<40x128xi32>
    %select_n3A_589 = arith.select %gt3A_585, %broadcast_in_dim3A_588, %select_n3A_548 : vector<40x128xi1>, vector<40x128xi32>
    %get3A_590 = arith.constant 14 : index
    %get3A_591 = arith.constant 0 : index
    %get3A_592 = memref.load %arg2[%get3A_590, %get3A_591] : memref<64x4xf32, #tpu.memory_space<smem>>
    %get3A_593 = arith.constant 14 : index
    %get3A_594 = arith.constant 1 : index
    %get3A_595 = memref.load %arg2[%get3A_593, %get3A_594] : memref<64x4xf32, #tpu.memory_space<smem>>
    %get3A_596 = arith.constant 14 : index
    %get3A_597 = arith.constant 2 : index
    %get3A_598 = memref.load %arg2[%get3A_596, %get3A_597] : memref<64x4xf32, #tpu.memory_space<smem>>
    %get3A_599 = arith.constant 14 : index
    %get3A_600 = arith.constant 3 : index
    %get3A_601 = memref.load %arg2[%get3A_599, %get3A_600] : memref<64x4xf32, #tpu.memory_space<smem>>
    %sub3A_602 = arith.subf %get3A_598, %get3A_592 : f32
    %sub3A_603 = arith.subf %get3A_601, %get3A_595 : f32
    %mul3A_604 = arith.mulf %sub3A_602, %sub3A_603 : f32
    %min3A_605 = vector.broadcast %get3A_598 : f32 to vector<40x128xf32>
    %min3A_606 = arith.minimumf %min3A_605, %get3A_13 : vector<40x128xf32>
    %max3A_607 = vector.broadcast %get3A_592 : f32 to vector<40x128xf32>
    %max3A_608 = arith.maximumf %max3A_607, %get3A_3 : vector<40x128xf32>
    %sub3A_609 = arith.subf %min3A_606, %max3A_608 : vector<40x128xf32>
    %max3A_610 = arith.constant 0.000000e+00 : f32
    %max3A_611 = vector.broadcast %max3A_610 : f32 to vector<40x128xf32>
    %max3A_612 = arith.maximumf %sub3A_609, %max3A_611 : vector<40x128xf32>
    %min3A_613 = vector.broadcast %get3A_601 : f32 to vector<40x128xf32>
    %min3A_614 = arith.minimumf %min3A_613, %get3A_18 : vector<40x128xf32>
    %max3A_615 = vector.broadcast %get3A_595 : f32 to vector<40x128xf32>
    %max3A_616 = arith.maximumf %max3A_615, %get3A_8 : vector<40x128xf32>
    %sub3A_617 = arith.subf %min3A_614, %max3A_616 : vector<40x128xf32>
    %max3A_618 = arith.constant 0.000000e+00 : f32
    %max3A_619 = vector.broadcast %max3A_618 : f32 to vector<40x128xf32>
    %max3A_620 = arith.maximumf %sub3A_617, %max3A_619 : vector<40x128xf32>
    %mul3A_621 = arith.mulf %max3A_612, %max3A_620 : vector<40x128xf32>
    %add3A_622 = vector.broadcast %mul3A_604 : f32 to vector<40x128xf32>
    %add3A_623 = arith.addf %add3A_622, %mul3A : vector<40x128xf32>
    %sub3A_624 = arith.subf %add3A_623, %mul3A_621 : vector<40x128xf32>
    %div3A_625 = arith.divf %mul3A_621, %sub3A_624 : vector<40x128xf32>
    %gt3A_626 = arith.cmpf ogt, %div3A_625, %select_n3A_586 : vector<40x128xf32>
    %select_n3A_627 = arith.select %gt3A_626, %div3A_625, %select_n3A_586 : vector<40x128xi1>, vector<40x128xf32>
    %jit3A_628 = arith.constant 14 : i32
    %broadcast_in_dim3A_629 = vector.broadcast %jit3A_628 : i32 to vector<40x128xi32>
    %select_n3A_630 = arith.select %gt3A_626, %broadcast_in_dim3A_629, %select_n3A_589 : vector<40x128xi1>, vector<40x128xi32>
    %get3A_631 = arith.constant 15 : index
    %get3A_632 = arith.constant 0 : index
    %get3A_633 = memref.load %arg2[%get3A_631, %get3A_632] : memref<64x4xf32, #tpu.memory_space<smem>>
    %get3A_634 = arith.constant 15 : index
    %get3A_635 = arith.constant 1 : index
    %get3A_636 = memref.load %arg2[%get3A_634, %get3A_635] : memref<64x4xf32, #tpu.memory_space<smem>>
    %get3A_637 = arith.constant 15 : index
    %get3A_638 = arith.constant 2 : index
    %get3A_639 = memref.load %arg2[%get3A_637, %get3A_638] : memref<64x4xf32, #tpu.memory_space<smem>>
    %get3A_640 = arith.constant 15 : index
    %get3A_641 = arith.constant 3 : index
    %get3A_642 = memref.load %arg2[%get3A_640, %get3A_641] : memref<64x4xf32, #tpu.memory_space<smem>>
    %sub3A_643 = arith.subf %get3A_639, %get3A_633 : f32
    %sub3A_644 = arith.subf %get3A_642, %get3A_636 : f32
    %mul3A_645 = arith.mulf %sub3A_643, %sub3A_644 : f32
    %min3A_646 = vector.broadcast %get3A_639 : f32 to vector<40x128xf32>
    %min3A_647 = arith.minimumf %min3A_646, %get3A_13 : vector<40x128xf32>
    %max3A_648 = vector.broadcast %get3A_633 : f32 to vector<40x128xf32>
    %max3A_649 = arith.maximumf %max3A_648, %get3A_3 : vector<40x128xf32>
    %sub3A_650 = arith.subf %min3A_647, %max3A_649 : vector<40x128xf32>
    %max3A_651 = arith.constant 0.000000e+00 : f32
    %max3A_652 = vector.broadcast %max3A_651 : f32 to vector<40x128xf32>
    %max3A_653 = arith.maximumf %sub3A_650, %max3A_652 : vector<40x128xf32>
    %min3A_654 = vector.broadcast %get3A_642 : f32 to vector<40x128xf32>
    %min3A_655 = arith.minimumf %min3A_654, %get3A_18 : vector<40x128xf32>
    %max3A_656 = vector.broadcast %get3A_636 : f32 to vector<40x128xf32>
    %max3A_657 = arith.maximumf %max3A_656, %get3A_8 : vector<40x128xf32>
    %sub3A_658 = arith.subf %min3A_655, %max3A_657 : vector<40x128xf32>
    %max3A_659 = arith.constant 0.000000e+00 : f32
    %max3A_660 = vector.broadcast %max3A_659 : f32 to vector<40x128xf32>
    %max3A_661 = arith.maximumf %sub3A_658, %max3A_660 : vector<40x128xf32>
    %mul3A_662 = arith.mulf %max3A_653, %max3A_661 : vector<40x128xf32>
    %add3A_663 = vector.broadcast %mul3A_645 : f32 to vector<40x128xf32>
    %add3A_664 = arith.addf %add3A_663, %mul3A : vector<40x128xf32>
    %sub3A_665 = arith.subf %add3A_664, %mul3A_662 : vector<40x128xf32>
    %div3A_666 = arith.divf %mul3A_662, %sub3A_665 : vector<40x128xf32>
    %gt3A_667 = arith.cmpf ogt, %div3A_666, %select_n3A_627 : vector<40x128xf32>
    %select_n3A_668 = arith.select %gt3A_667, %div3A_666, %select_n3A_627 : vector<40x128xi1>, vector<40x128xf32>
    %jit3A_669 = arith.constant 15 : i32
    %broadcast_in_dim3A_670 = vector.broadcast %jit3A_669 : i32 to vector<40x128xi32>
    %select_n3A_671 = arith.select %gt3A_667, %broadcast_in_dim3A_670, %select_n3A_630 : vector<40x128xi1>, vector<40x128xi32>
    %get3A_672 = arith.constant 16 : index
    %get3A_673 = arith.constant 0 : index
    %get3A_674 = memref.load %arg2[%get3A_672, %get3A_673] : memref<64x4xf32, #tpu.memory_space<smem>>
    %get3A_675 = arith.constant 16 : index
    %get3A_676 = arith.constant 1 : index
    %get3A_677 = memref.load %arg2[%get3A_675, %get3A_676] : memref<64x4xf32, #tpu.memory_space<smem>>
    %get3A_678 = arith.constant 16 : index
    %get3A_679 = arith.constant 2 : index
    %get3A_680 = memref.load %arg2[%get3A_678, %get3A_679] : memref<64x4xf32, #tpu.memory_space<smem>>
    %get3A_681 = arith.constant 16 : index
    %get3A_682 = arith.constant 3 : index
    %get3A_683 = memref.load %arg2[%get3A_681, %get3A_682] : memref<64x4xf32, #tpu.memory_space<smem>>
    %sub3A_684 = arith.subf %get3A_680, %get3A_674 : f32
    %sub3A_685 = arith.subf %get3A_683, %get3A_677 : f32
    %mul3A_686 = arith.mulf %sub3A_684, %sub3A_685 : f32
    %min3A_687 = vector.broadcast %get3A_680 : f32 to vector<40x128xf32>
    %min3A_688 = arith.minimumf %min3A_687, %get3A_13 : vector<40x128xf32>
    %max3A_689 = vector.broadcast %get3A_674 : f32 to vector<40x128xf32>
    %max3A_690 = arith.maximumf %max3A_689, %get3A_3 : vector<40x128xf32>
    %sub3A_691 = arith.subf %min3A_688, %max3A_690 : vector<40x128xf32>
    %max3A_692 = arith.constant 0.000000e+00 : f32
    %max3A_693 = vector.broadcast %max3A_692 : f32 to vector<40x128xf32>
    %max3A_694 = arith.maximumf %sub3A_691, %max3A_693 : vector<40x128xf32>
    %min3A_695 = vector.broadcast %get3A_683 : f32 to vector<40x128xf32>
    %min3A_696 = arith.minimumf %min3A_695, %get3A_18 : vector<40x128xf32>
    %max3A_697 = vector.broadcast %get3A_677 : f32 to vector<40x128xf32>
    %max3A_698 = arith.maximumf %max3A_697, %get3A_8 : vector<40x128xf32>
    %sub3A_699 = arith.subf %min3A_696, %max3A_698 : vector<40x128xf32>
    %max3A_700 = arith.constant 0.000000e+00 : f32
    %max3A_701 = vector.broadcast %max3A_700 : f32 to vector<40x128xf32>
    %max3A_702 = arith.maximumf %sub3A_699, %max3A_701 : vector<40x128xf32>
    %mul3A_703 = arith.mulf %max3A_694, %max3A_702 : vector<40x128xf32>
    %add3A_704 = vector.broadcast %mul3A_686 : f32 to vector<40x128xf32>
    %add3A_705 = arith.addf %add3A_704, %mul3A : vector<40x128xf32>
    %sub3A_706 = arith.subf %add3A_705, %mul3A_703 : vector<40x128xf32>
    %div3A_707 = arith.divf %mul3A_703, %sub3A_706 : vector<40x128xf32>
    %gt3A_708 = arith.cmpf ogt, %div3A_707, %select_n3A_668 : vector<40x128xf32>
    %select_n3A_709 = arith.select %gt3A_708, %div3A_707, %select_n3A_668 : vector<40x128xi1>, vector<40x128xf32>
    %jit3A_710 = arith.constant 16 : i32
    %broadcast_in_dim3A_711 = vector.broadcast %jit3A_710 : i32 to vector<40x128xi32>
    %select_n3A_712 = arith.select %gt3A_708, %broadcast_in_dim3A_711, %select_n3A_671 : vector<40x128xi1>, vector<40x128xi32>
    %get3A_713 = arith.constant 17 : index
    %get3A_714 = arith.constant 0 : index
    %get3A_715 = memref.load %arg2[%get3A_713, %get3A_714] : memref<64x4xf32, #tpu.memory_space<smem>>
    %get3A_716 = arith.constant 17 : index
    %get3A_717 = arith.constant 1 : index
    %get3A_718 = memref.load %arg2[%get3A_716, %get3A_717] : memref<64x4xf32, #tpu.memory_space<smem>>
    %get3A_719 = arith.constant 17 : index
    %get3A_720 = arith.constant 2 : index
    %get3A_721 = memref.load %arg2[%get3A_719, %get3A_720] : memref<64x4xf32, #tpu.memory_space<smem>>
    %get3A_722 = arith.constant 17 : index
    %get3A_723 = arith.constant 3 : index
    %get3A_724 = memref.load %arg2[%get3A_722, %get3A_723] : memref<64x4xf32, #tpu.memory_space<smem>>
    %sub3A_725 = arith.subf %get3A_721, %get3A_715 : f32
    %sub3A_726 = arith.subf %get3A_724, %get3A_718 : f32
    %mul3A_727 = arith.mulf %sub3A_725, %sub3A_726 : f32
    %min3A_728 = vector.broadcast %get3A_721 : f32 to vector<40x128xf32>
    %min3A_729 = arith.minimumf %min3A_728, %get3A_13 : vector<40x128xf32>
    %max3A_730 = vector.broadcast %get3A_715 : f32 to vector<40x128xf32>
    %max3A_731 = arith.maximumf %max3A_730, %get3A_3 : vector<40x128xf32>
    %sub3A_732 = arith.subf %min3A_729, %max3A_731 : vector<40x128xf32>
    %max3A_733 = arith.constant 0.000000e+00 : f32
    %max3A_734 = vector.broadcast %max3A_733 : f32 to vector<40x128xf32>
    %max3A_735 = arith.maximumf %sub3A_732, %max3A_734 : vector<40x128xf32>
    %min3A_736 = vector.broadcast %get3A_724 : f32 to vector<40x128xf32>
    %min3A_737 = arith.minimumf %min3A_736, %get3A_18 : vector<40x128xf32>
    %max3A_738 = vector.broadcast %get3A_718 : f32 to vector<40x128xf32>
    %max3A_739 = arith.maximumf %max3A_738, %get3A_8 : vector<40x128xf32>
    %sub3A_740 = arith.subf %min3A_737, %max3A_739 : vector<40x128xf32>
    %max3A_741 = arith.constant 0.000000e+00 : f32
    %max3A_742 = vector.broadcast %max3A_741 : f32 to vector<40x128xf32>
    %max3A_743 = arith.maximumf %sub3A_740, %max3A_742 : vector<40x128xf32>
    %mul3A_744 = arith.mulf %max3A_735, %max3A_743 : vector<40x128xf32>
    %add3A_745 = vector.broadcast %mul3A_727 : f32 to vector<40x128xf32>
    %add3A_746 = arith.addf %add3A_745, %mul3A : vector<40x128xf32>
    %sub3A_747 = arith.subf %add3A_746, %mul3A_744 : vector<40x128xf32>
    %div3A_748 = arith.divf %mul3A_744, %sub3A_747 : vector<40x128xf32>
    %gt3A_749 = arith.cmpf ogt, %div3A_748, %select_n3A_709 : vector<40x128xf32>
    %select_n3A_750 = arith.select %gt3A_749, %div3A_748, %select_n3A_709 : vector<40x128xi1>, vector<40x128xf32>
    %jit3A_751 = arith.constant 17 : i32
    %broadcast_in_dim3A_752 = vector.broadcast %jit3A_751 : i32 to vector<40x128xi32>
    %select_n3A_753 = arith.select %gt3A_749, %broadcast_in_dim3A_752, %select_n3A_712 : vector<40x128xi1>, vector<40x128xi32>
    %get3A_754 = arith.constant 18 : index
    %get3A_755 = arith.constant 0 : index
    %get3A_756 = memref.load %arg2[%get3A_754, %get3A_755] : memref<64x4xf32, #tpu.memory_space<smem>>
    %get3A_757 = arith.constant 18 : index
    %get3A_758 = arith.constant 1 : index
    %get3A_759 = memref.load %arg2[%get3A_757, %get3A_758] : memref<64x4xf32, #tpu.memory_space<smem>>
    %get3A_760 = arith.constant 18 : index
    %get3A_761 = arith.constant 2 : index
    %get3A_762 = memref.load %arg2[%get3A_760, %get3A_761] : memref<64x4xf32, #tpu.memory_space<smem>>
    %get3A_763 = arith.constant 18 : index
    %get3A_764 = arith.constant 3 : index
    %get3A_765 = memref.load %arg2[%get3A_763, %get3A_764] : memref<64x4xf32, #tpu.memory_space<smem>>
    %sub3A_766 = arith.subf %get3A_762, %get3A_756 : f32
    %sub3A_767 = arith.subf %get3A_765, %get3A_759 : f32
    %mul3A_768 = arith.mulf %sub3A_766, %sub3A_767 : f32
    %min3A_769 = vector.broadcast %get3A_762 : f32 to vector<40x128xf32>
    %min3A_770 = arith.minimumf %min3A_769, %get3A_13 : vector<40x128xf32>
    %max3A_771 = vector.broadcast %get3A_756 : f32 to vector<40x128xf32>
    %max3A_772 = arith.maximumf %max3A_771, %get3A_3 : vector<40x128xf32>
    %sub3A_773 = arith.subf %min3A_770, %max3A_772 : vector<40x128xf32>
    %max3A_774 = arith.constant 0.000000e+00 : f32
    %max3A_775 = vector.broadcast %max3A_774 : f32 to vector<40x128xf32>
    %max3A_776 = arith.maximumf %sub3A_773, %max3A_775 : vector<40x128xf32>
    %min3A_777 = vector.broadcast %get3A_765 : f32 to vector<40x128xf32>
    %min3A_778 = arith.minimumf %min3A_777, %get3A_18 : vector<40x128xf32>
    %max3A_779 = vector.broadcast %get3A_759 : f32 to vector<40x128xf32>
    %max3A_780 = arith.maximumf %max3A_779, %get3A_8 : vector<40x128xf32>
    %sub3A_781 = arith.subf %min3A_778, %max3A_780 : vector<40x128xf32>
    %max3A_782 = arith.constant 0.000000e+00 : f32
    %max3A_783 = vector.broadcast %max3A_782 : f32 to vector<40x128xf32>
    %max3A_784 = arith.maximumf %sub3A_781, %max3A_783 : vector<40x128xf32>
    %mul3A_785 = arith.mulf %max3A_776, %max3A_784 : vector<40x128xf32>
    %add3A_786 = vector.broadcast %mul3A_768 : f32 to vector<40x128xf32>
    %add3A_787 = arith.addf %add3A_786, %mul3A : vector<40x128xf32>
    %sub3A_788 = arith.subf %add3A_787, %mul3A_785 : vector<40x128xf32>
    %div3A_789 = arith.divf %mul3A_785, %sub3A_788 : vector<40x128xf32>
    %gt3A_790 = arith.cmpf ogt, %div3A_789, %select_n3A_750 : vector<40x128xf32>
    %select_n3A_791 = arith.select %gt3A_790, %div3A_789, %select_n3A_750 : vector<40x128xi1>, vector<40x128xf32>
    %jit3A_792 = arith.constant 18 : i32
    %broadcast_in_dim3A_793 = vector.broadcast %jit3A_792 : i32 to vector<40x128xi32>
    %select_n3A_794 = arith.select %gt3A_790, %broadcast_in_dim3A_793, %select_n3A_753 : vector<40x128xi1>, vector<40x128xi32>
    %get3A_795 = arith.constant 19 : index
    %get3A_796 = arith.constant 0 : index
    %get3A_797 = memref.load %arg2[%get3A_795, %get3A_796] : memref<64x4xf32, #tpu.memory_space<smem>>
    %get3A_798 = arith.constant 19 : index
    %get3A_799 = arith.constant 1 : index
    %get3A_800 = memref.load %arg2[%get3A_798, %get3A_799] : memref<64x4xf32, #tpu.memory_space<smem>>
    %get3A_801 = arith.constant 19 : index
    %get3A_802 = arith.constant 2 : index
    %get3A_803 = memref.load %arg2[%get3A_801, %get3A_802] : memref<64x4xf32, #tpu.memory_space<smem>>
    %get3A_804 = arith.constant 19 : index
    %get3A_805 = arith.constant 3 : index
    %get3A_806 = memref.load %arg2[%get3A_804, %get3A_805] : memref<64x4xf32, #tpu.memory_space<smem>>
    %sub3A_807 = arith.subf %get3A_803, %get3A_797 : f32
    %sub3A_808 = arith.subf %get3A_806, %get3A_800 : f32
    %mul3A_809 = arith.mulf %sub3A_807, %sub3A_808 : f32
    %min3A_810 = vector.broadcast %get3A_803 : f32 to vector<40x128xf32>
    %min3A_811 = arith.minimumf %min3A_810, %get3A_13 : vector<40x128xf32>
    %max3A_812 = vector.broadcast %get3A_797 : f32 to vector<40x128xf32>
    %max3A_813 = arith.maximumf %max3A_812, %get3A_3 : vector<40x128xf32>
    %sub3A_814 = arith.subf %min3A_811, %max3A_813 : vector<40x128xf32>
    %max3A_815 = arith.constant 0.000000e+00 : f32
    %max3A_816 = vector.broadcast %max3A_815 : f32 to vector<40x128xf32>
    %max3A_817 = arith.maximumf %sub3A_814, %max3A_816 : vector<40x128xf32>
    %min3A_818 = vector.broadcast %get3A_806 : f32 to vector<40x128xf32>
    %min3A_819 = arith.minimumf %min3A_818, %get3A_18 : vector<40x128xf32>
    %max3A_820 = vector.broadcast %get3A_800 : f32 to vector<40x128xf32>
    %max3A_821 = arith.maximumf %max3A_820, %get3A_8 : vector<40x128xf32>
    %sub3A_822 = arith.subf %min3A_819, %max3A_821 : vector<40x128xf32>
    %max3A_823 = arith.constant 0.000000e+00 : f32
    %max3A_824 = vector.broadcast %max3A_823 : f32 to vector<40x128xf32>
    %max3A_825 = arith.maximumf %sub3A_822, %max3A_824 : vector<40x128xf32>
    %mul3A_826 = arith.mulf %max3A_817, %max3A_825 : vector<40x128xf32>
    %add3A_827 = vector.broadcast %mul3A_809 : f32 to vector<40x128xf32>
    %add3A_828 = arith.addf %add3A_827, %mul3A : vector<40x128xf32>
    %sub3A_829 = arith.subf %add3A_828, %mul3A_826 : vector<40x128xf32>
    %div3A_830 = arith.divf %mul3A_826, %sub3A_829 : vector<40x128xf32>
    %gt3A_831 = arith.cmpf ogt, %div3A_830, %select_n3A_791 : vector<40x128xf32>
    %select_n3A_832 = arith.select %gt3A_831, %div3A_830, %select_n3A_791 : vector<40x128xi1>, vector<40x128xf32>
    %jit3A_833 = arith.constant 19 : i32
    %broadcast_in_dim3A_834 = vector.broadcast %jit3A_833 : i32 to vector<40x128xi32>
    %select_n3A_835 = arith.select %gt3A_831, %broadcast_in_dim3A_834, %select_n3A_794 : vector<40x128xi1>, vector<40x128xi32>
    %get3A_836 = arith.constant 20 : index
    %get3A_837 = arith.constant 0 : index
    %get3A_838 = memref.load %arg2[%get3A_836, %get3A_837] : memref<64x4xf32, #tpu.memory_space<smem>>
    %get3A_839 = arith.constant 20 : index
    %get3A_840 = arith.constant 1 : index
    %get3A_841 = memref.load %arg2[%get3A_839, %get3A_840] : memref<64x4xf32, #tpu.memory_space<smem>>
    %get3A_842 = arith.constant 20 : index
    %get3A_843 = arith.constant 2 : index
    %get3A_844 = memref.load %arg2[%get3A_842, %get3A_843] : memref<64x4xf32, #tpu.memory_space<smem>>
    %get3A_845 = arith.constant 20 : index
    %get3A_846 = arith.constant 3 : index
    %get3A_847 = memref.load %arg2[%get3A_845, %get3A_846] : memref<64x4xf32, #tpu.memory_space<smem>>
    %sub3A_848 = arith.subf %get3A_844, %get3A_838 : f32
    %sub3A_849 = arith.subf %get3A_847, %get3A_841 : f32
    %mul3A_850 = arith.mulf %sub3A_848, %sub3A_849 : f32
    %min3A_851 = vector.broadcast %get3A_844 : f32 to vector<40x128xf32>
    %min3A_852 = arith.minimumf %min3A_851, %get3A_13 : vector<40x128xf32>
    %max3A_853 = vector.broadcast %get3A_838 : f32 to vector<40x128xf32>
    %max3A_854 = arith.maximumf %max3A_853, %get3A_3 : vector<40x128xf32>
    %sub3A_855 = arith.subf %min3A_852, %max3A_854 : vector<40x128xf32>
    %max3A_856 = arith.constant 0.000000e+00 : f32
    %max3A_857 = vector.broadcast %max3A_856 : f32 to vector<40x128xf32>
    %max3A_858 = arith.maximumf %sub3A_855, %max3A_857 : vector<40x128xf32>
    %min3A_859 = vector.broadcast %get3A_847 : f32 to vector<40x128xf32>
    %min3A_860 = arith.minimumf %min3A_859, %get3A_18 : vector<40x128xf32>
    %max3A_861 = vector.broadcast %get3A_841 : f32 to vector<40x128xf32>
    %max3A_862 = arith.maximumf %max3A_861, %get3A_8 : vector<40x128xf32>
    %sub3A_863 = arith.subf %min3A_860, %max3A_862 : vector<40x128xf32>
    %max3A_864 = arith.constant 0.000000e+00 : f32
    %max3A_865 = vector.broadcast %max3A_864 : f32 to vector<40x128xf32>
    %max3A_866 = arith.maximumf %sub3A_863, %max3A_865 : vector<40x128xf32>
    %mul3A_867 = arith.mulf %max3A_858, %max3A_866 : vector<40x128xf32>
    %add3A_868 = vector.broadcast %mul3A_850 : f32 to vector<40x128xf32>
    %add3A_869 = arith.addf %add3A_868, %mul3A : vector<40x128xf32>
    %sub3A_870 = arith.subf %add3A_869, %mul3A_867 : vector<40x128xf32>
    %div3A_871 = arith.divf %mul3A_867, %sub3A_870 : vector<40x128xf32>
    %gt3A_872 = arith.cmpf ogt, %div3A_871, %select_n3A_832 : vector<40x128xf32>
    %select_n3A_873 = arith.select %gt3A_872, %div3A_871, %select_n3A_832 : vector<40x128xi1>, vector<40x128xf32>
    %jit3A_874 = arith.constant 20 : i32
    %broadcast_in_dim3A_875 = vector.broadcast %jit3A_874 : i32 to vector<40x128xi32>
    %select_n3A_876 = arith.select %gt3A_872, %broadcast_in_dim3A_875, %select_n3A_835 : vector<40x128xi1>, vector<40x128xi32>
    %get3A_877 = arith.constant 21 : index
    %get3A_878 = arith.constant 0 : index
    %get3A_879 = memref.load %arg2[%get3A_877, %get3A_878] : memref<64x4xf32, #tpu.memory_space<smem>>
    %get3A_880 = arith.constant 21 : index
    %get3A_881 = arith.constant 1 : index
    %get3A_882 = memref.load %arg2[%get3A_880, %get3A_881] : memref<64x4xf32, #tpu.memory_space<smem>>
    %get3A_883 = arith.constant 21 : index
    %get3A_884 = arith.constant 2 : index
    %get3A_885 = memref.load %arg2[%get3A_883, %get3A_884] : memref<64x4xf32, #tpu.memory_space<smem>>
    %get3A_886 = arith.constant 21 : index
    %get3A_887 = arith.constant 3 : index
    %get3A_888 = memref.load %arg2[%get3A_886, %get3A_887] : memref<64x4xf32, #tpu.memory_space<smem>>
    %sub3A_889 = arith.subf %get3A_885, %get3A_879 : f32
    %sub3A_890 = arith.subf %get3A_888, %get3A_882 : f32
    %mul3A_891 = arith.mulf %sub3A_889, %sub3A_890 : f32
    %min3A_892 = vector.broadcast %get3A_885 : f32 to vector<40x128xf32>
    %min3A_893 = arith.minimumf %min3A_892, %get3A_13 : vector<40x128xf32>
    %max3A_894 = vector.broadcast %get3A_879 : f32 to vector<40x128xf32>
    %max3A_895 = arith.maximumf %max3A_894, %get3A_3 : vector<40x128xf32>
    %sub3A_896 = arith.subf %min3A_893, %max3A_895 : vector<40x128xf32>
    %max3A_897 = arith.constant 0.000000e+00 : f32
    %max3A_898 = vector.broadcast %max3A_897 : f32 to vector<40x128xf32>
    %max3A_899 = arith.maximumf %sub3A_896, %max3A_898 : vector<40x128xf32>
    %min3A_900 = vector.broadcast %get3A_888 : f32 to vector<40x128xf32>
    %min3A_901 = arith.minimumf %min3A_900, %get3A_18 : vector<40x128xf32>
    %max3A_902 = vector.broadcast %get3A_882 : f32 to vector<40x128xf32>
    %max3A_903 = arith.maximumf %max3A_902, %get3A_8 : vector<40x128xf32>
    %sub3A_904 = arith.subf %min3A_901, %max3A_903 : vector<40x128xf32>
    %max3A_905 = arith.constant 0.000000e+00 : f32
    %max3A_906 = vector.broadcast %max3A_905 : f32 to vector<40x128xf32>
    %max3A_907 = arith.maximumf %sub3A_904, %max3A_906 : vector<40x128xf32>
    %mul3A_908 = arith.mulf %max3A_899, %max3A_907 : vector<40x128xf32>
    %add3A_909 = vector.broadcast %mul3A_891 : f32 to vector<40x128xf32>
    %add3A_910 = arith.addf %add3A_909, %mul3A : vector<40x128xf32>
    %sub3A_911 = arith.subf %add3A_910, %mul3A_908 : vector<40x128xf32>
    %div3A_912 = arith.divf %mul3A_908, %sub3A_911 : vector<40x128xf32>
    %gt3A_913 = arith.cmpf ogt, %div3A_912, %select_n3A_873 : vector<40x128xf32>
    %select_n3A_914 = arith.select %gt3A_913, %div3A_912, %select_n3A_873 : vector<40x128xi1>, vector<40x128xf32>
    %jit3A_915 = arith.constant 21 : i32
    %broadcast_in_dim3A_916 = vector.broadcast %jit3A_915 : i32 to vector<40x128xi32>
    %select_n3A_917 = arith.select %gt3A_913, %broadcast_in_dim3A_916, %select_n3A_876 : vector<40x128xi1>, vector<40x128xi32>
    %get3A_918 = arith.constant 22 : index
    %get3A_919 = arith.constant 0 : index
    %get3A_920 = memref.load %arg2[%get3A_918, %get3A_919] : memref<64x4xf32, #tpu.memory_space<smem>>
    %get3A_921 = arith.constant 22 : index
    %get3A_922 = arith.constant 1 : index
    %get3A_923 = memref.load %arg2[%get3A_921, %get3A_922] : memref<64x4xf32, #tpu.memory_space<smem>>
    %get3A_924 = arith.constant 22 : index
    %get3A_925 = arith.constant 2 : index
    %get3A_926 = memref.load %arg2[%get3A_924, %get3A_925] : memref<64x4xf32, #tpu.memory_space<smem>>
    %get3A_927 = arith.constant 22 : index
    %get3A_928 = arith.constant 3 : index
    %get3A_929 = memref.load %arg2[%get3A_927, %get3A_928] : memref<64x4xf32, #tpu.memory_space<smem>>
    %sub3A_930 = arith.subf %get3A_926, %get3A_920 : f32
    %sub3A_931 = arith.subf %get3A_929, %get3A_923 : f32
    %mul3A_932 = arith.mulf %sub3A_930, %sub3A_931 : f32
    %min3A_933 = vector.broadcast %get3A_926 : f32 to vector<40x128xf32>
    %min3A_934 = arith.minimumf %min3A_933, %get3A_13 : vector<40x128xf32>
    %max3A_935 = vector.broadcast %get3A_920 : f32 to vector<40x128xf32>
    %max3A_936 = arith.maximumf %max3A_935, %get3A_3 : vector<40x128xf32>
    %sub3A_937 = arith.subf %min3A_934, %max3A_936 : vector<40x128xf32>
    %max3A_938 = arith.constant 0.000000e+00 : f32
    %max3A_939 = vector.broadcast %max3A_938 : f32 to vector<40x128xf32>
    %max3A_940 = arith.maximumf %sub3A_937, %max3A_939 : vector<40x128xf32>
    %min3A_941 = vector.broadcast %get3A_929 : f32 to vector<40x128xf32>
    %min3A_942 = arith.minimumf %min3A_941, %get3A_18 : vector<40x128xf32>
    %max3A_943 = vector.broadcast %get3A_923 : f32 to vector<40x128xf32>
    %max3A_944 = arith.maximumf %max3A_943, %get3A_8 : vector<40x128xf32>
    %sub3A_945 = arith.subf %min3A_942, %max3A_944 : vector<40x128xf32>
    %max3A_946 = arith.constant 0.000000e+00 : f32
    %max3A_947 = vector.broadcast %max3A_946 : f32 to vector<40x128xf32>
    %max3A_948 = arith.maximumf %sub3A_945, %max3A_947 : vector<40x128xf32>
    %mul3A_949 = arith.mulf %max3A_940, %max3A_948 : vector<40x128xf32>
    %add3A_950 = vector.broadcast %mul3A_932 : f32 to vector<40x128xf32>
    %add3A_951 = arith.addf %add3A_950, %mul3A : vector<40x128xf32>
    %sub3A_952 = arith.subf %add3A_951, %mul3A_949 : vector<40x128xf32>
    %div3A_953 = arith.divf %mul3A_949, %sub3A_952 : vector<40x128xf32>
    %gt3A_954 = arith.cmpf ogt, %div3A_953, %select_n3A_914 : vector<40x128xf32>
    %select_n3A_955 = arith.select %gt3A_954, %div3A_953, %select_n3A_914 : vector<40x128xi1>, vector<40x128xf32>
    %jit3A_956 = arith.constant 22 : i32
    %broadcast_in_dim3A_957 = vector.broadcast %jit3A_956 : i32 to vector<40x128xi32>
    %select_n3A_958 = arith.select %gt3A_954, %broadcast_in_dim3A_957, %select_n3A_917 : vector<40x128xi1>, vector<40x128xi32>
    %get3A_959 = arith.constant 23 : index
    %get3A_960 = arith.constant 0 : index
    %get3A_961 = memref.load %arg2[%get3A_959, %get3A_960] : memref<64x4xf32, #tpu.memory_space<smem>>
    %get3A_962 = arith.constant 23 : index
    %get3A_963 = arith.constant 1 : index
    %get3A_964 = memref.load %arg2[%get3A_962, %get3A_963] : memref<64x4xf32, #tpu.memory_space<smem>>
    %get3A_965 = arith.constant 23 : index
    %get3A_966 = arith.constant 2 : index
    %get3A_967 = memref.load %arg2[%get3A_965, %get3A_966] : memref<64x4xf32, #tpu.memory_space<smem>>
    %get3A_968 = arith.constant 23 : index
    %get3A_969 = arith.constant 3 : index
    %get3A_970 = memref.load %arg2[%get3A_968, %get3A_969] : memref<64x4xf32, #tpu.memory_space<smem>>
    %sub3A_971 = arith.subf %get3A_967, %get3A_961 : f32
    %sub3A_972 = arith.subf %get3A_970, %get3A_964 : f32
    %mul3A_973 = arith.mulf %sub3A_971, %sub3A_972 : f32
    %min3A_974 = vector.broadcast %get3A_967 : f32 to vector<40x128xf32>
    %min3A_975 = arith.minimumf %min3A_974, %get3A_13 : vector<40x128xf32>
    %max3A_976 = vector.broadcast %get3A_961 : f32 to vector<40x128xf32>
    %max3A_977 = arith.maximumf %max3A_976, %get3A_3 : vector<40x128xf32>
    %sub3A_978 = arith.subf %min3A_975, %max3A_977 : vector<40x128xf32>
    %max3A_979 = arith.constant 0.000000e+00 : f32
    %max3A_980 = vector.broadcast %max3A_979 : f32 to vector<40x128xf32>
    %max3A_981 = arith.maximumf %sub3A_978, %max3A_980 : vector<40x128xf32>
    %min3A_982 = vector.broadcast %get3A_970 : f32 to vector<40x128xf32>
    %min3A_983 = arith.minimumf %min3A_982, %get3A_18 : vector<40x128xf32>
    %max3A_984 = vector.broadcast %get3A_964 : f32 to vector<40x128xf32>
    %max3A_985 = arith.maximumf %max3A_984, %get3A_8 : vector<40x128xf32>
    %sub3A_986 = arith.subf %min3A_983, %max3A_985 : vector<40x128xf32>
    %max3A_987 = arith.constant 0.000000e+00 : f32
    %max3A_988 = vector.broadcast %max3A_987 : f32 to vector<40x128xf32>
    %max3A_989 = arith.maximumf %sub3A_986, %max3A_988 : vector<40x128xf32>
    %mul3A_990 = arith.mulf %max3A_981, %max3A_989 : vector<40x128xf32>
    %add3A_991 = vector.broadcast %mul3A_973 : f32 to vector<40x128xf32>
    %add3A_992 = arith.addf %add3A_991, %mul3A : vector<40x128xf32>
    %sub3A_993 = arith.subf %add3A_992, %mul3A_990 : vector<40x128xf32>
    %div3A_994 = arith.divf %mul3A_990, %sub3A_993 : vector<40x128xf32>
    %gt3A_995 = arith.cmpf ogt, %div3A_994, %select_n3A_955 : vector<40x128xf32>
    %select_n3A_996 = arith.select %gt3A_995, %div3A_994, %select_n3A_955 : vector<40x128xi1>, vector<40x128xf32>
    %jit3A_997 = arith.constant 23 : i32
    %broadcast_in_dim3A_998 = vector.broadcast %jit3A_997 : i32 to vector<40x128xi32>
    %select_n3A_999 = arith.select %gt3A_995, %broadcast_in_dim3A_998, %select_n3A_958 : vector<40x128xi1>, vector<40x128xi32>
    %get3A_1000 = arith.constant 24 : index
    %get3A_1001 = arith.constant 0 : index
    %get3A_1002 = memref.load %arg2[%get3A_1000, %get3A_1001] : memref<64x4xf32, #tpu.memory_space<smem>>
    %get3A_1003 = arith.constant 24 : index
    %get3A_1004 = arith.constant 1 : index
    %get3A_1005 = memref.load %arg2[%get3A_1003, %get3A_1004] : memref<64x4xf32, #tpu.memory_space<smem>>
    %get3A_1006 = arith.constant 24 : index
    %get3A_1007 = arith.constant 2 : index
    %get3A_1008 = memref.load %arg2[%get3A_1006, %get3A_1007] : memref<64x4xf32, #tpu.memory_space<smem>>
    %get3A_1009 = arith.constant 24 : index
    %get3A_1010 = arith.constant 3 : index
    %get3A_1011 = memref.load %arg2[%get3A_1009, %get3A_1010] : memref<64x4xf32, #tpu.memory_space<smem>>
    %sub3A_1012 = arith.subf %get3A_1008, %get3A_1002 : f32
    %sub3A_1013 = arith.subf %get3A_1011, %get3A_1005 : f32
    %mul3A_1014 = arith.mulf %sub3A_1012, %sub3A_1013 : f32
    %min3A_1015 = vector.broadcast %get3A_1008 : f32 to vector<40x128xf32>
    %min3A_1016 = arith.minimumf %min3A_1015, %get3A_13 : vector<40x128xf32>
    %max3A_1017 = vector.broadcast %get3A_1002 : f32 to vector<40x128xf32>
    %max3A_1018 = arith.maximumf %max3A_1017, %get3A_3 : vector<40x128xf32>
    %sub3A_1019 = arith.subf %min3A_1016, %max3A_1018 : vector<40x128xf32>
    %max3A_1020 = arith.constant 0.000000e+00 : f32
    %max3A_1021 = vector.broadcast %max3A_1020 : f32 to vector<40x128xf32>
    %max3A_1022 = arith.maximumf %sub3A_1019, %max3A_1021 : vector<40x128xf32>
    %min3A_1023 = vector.broadcast %get3A_1011 : f32 to vector<40x128xf32>
    %min3A_1024 = arith.minimumf %min3A_1023, %get3A_18 : vector<40x128xf32>
    %max3A_1025 = vector.broadcast %get3A_1005 : f32 to vector<40x128xf32>
    %max3A_1026 = arith.maximumf %max3A_1025, %get3A_8 : vector<40x128xf32>
    %sub3A_1027 = arith.subf %min3A_1024, %max3A_1026 : vector<40x128xf32>
    %max3A_1028 = arith.constant 0.000000e+00 : f32
    %max3A_1029 = vector.broadcast %max3A_1028 : f32 to vector<40x128xf32>
    %max3A_1030 = arith.maximumf %sub3A_1027, %max3A_1029 : vector<40x128xf32>
    %mul3A_1031 = arith.mulf %max3A_1022, %max3A_1030 : vector<40x128xf32>
    %add3A_1032 = vector.broadcast %mul3A_1014 : f32 to vector<40x128xf32>
    %add3A_1033 = arith.addf %add3A_1032, %mul3A : vector<40x128xf32>
    %sub3A_1034 = arith.subf %add3A_1033, %mul3A_1031 : vector<40x128xf32>
    %div3A_1035 = arith.divf %mul3A_1031, %sub3A_1034 : vector<40x128xf32>
    %gt3A_1036 = arith.cmpf ogt, %div3A_1035, %select_n3A_996 : vector<40x128xf32>
    %select_n3A_1037 = arith.select %gt3A_1036, %div3A_1035, %select_n3A_996 : vector<40x128xi1>, vector<40x128xf32>
    %jit3A_1038 = arith.constant 24 : i32
    %broadcast_in_dim3A_1039 = vector.broadcast %jit3A_1038 : i32 to vector<40x128xi32>
    %select_n3A_1040 = arith.select %gt3A_1036, %broadcast_in_dim3A_1039, %select_n3A_999 : vector<40x128xi1>, vector<40x128xi32>
    %get3A_1041 = arith.constant 25 : index
    %get3A_1042 = arith.constant 0 : index
    %get3A_1043 = memref.load %arg2[%get3A_1041, %get3A_1042] : memref<64x4xf32, #tpu.memory_space<smem>>
    %get3A_1044 = arith.constant 25 : index
    %get3A_1045 = arith.constant 1 : index
    %get3A_1046 = memref.load %arg2[%get3A_1044, %get3A_1045] : memref<64x4xf32, #tpu.memory_space<smem>>
    %get3A_1047 = arith.constant 25 : index
    %get3A_1048 = arith.constant 2 : index
    %get3A_1049 = memref.load %arg2[%get3A_1047, %get3A_1048] : memref<64x4xf32, #tpu.memory_space<smem>>
    %get3A_1050 = arith.constant 25 : index
    %get3A_1051 = arith.constant 3 : index
    %get3A_1052 = memref.load %arg2[%get3A_1050, %get3A_1051] : memref<64x4xf32, #tpu.memory_space<smem>>
    %sub3A_1053 = arith.subf %get3A_1049, %get3A_1043 : f32
    %sub3A_1054 = arith.subf %get3A_1052, %get3A_1046 : f32
    %mul3A_1055 = arith.mulf %sub3A_1053, %sub3A_1054 : f32
    %min3A_1056 = vector.broadcast %get3A_1049 : f32 to vector<40x128xf32>
    %min3A_1057 = arith.minimumf %min3A_1056, %get3A_13 : vector<40x128xf32>
    %max3A_1058 = vector.broadcast %get3A_1043 : f32 to vector<40x128xf32>
    %max3A_1059 = arith.maximumf %max3A_1058, %get3A_3 : vector<40x128xf32>
    %sub3A_1060 = arith.subf %min3A_1057, %max3A_1059 : vector<40x128xf32>
    %max3A_1061 = arith.constant 0.000000e+00 : f32
    %max3A_1062 = vector.broadcast %max3A_1061 : f32 to vector<40x128xf32>
    %max3A_1063 = arith.maximumf %sub3A_1060, %max3A_1062 : vector<40x128xf32>
    %min3A_1064 = vector.broadcast %get3A_1052 : f32 to vector<40x128xf32>
    %min3A_1065 = arith.minimumf %min3A_1064, %get3A_18 : vector<40x128xf32>
    %max3A_1066 = vector.broadcast %get3A_1046 : f32 to vector<40x128xf32>
    %max3A_1067 = arith.maximumf %max3A_1066, %get3A_8 : vector<40x128xf32>
    %sub3A_1068 = arith.subf %min3A_1065, %max3A_1067 : vector<40x128xf32>
    %max3A_1069 = arith.constant 0.000000e+00 : f32
    %max3A_1070 = vector.broadcast %max3A_1069 : f32 to vector<40x128xf32>
    %max3A_1071 = arith.maximumf %sub3A_1068, %max3A_1070 : vector<40x128xf32>
    %mul3A_1072 = arith.mulf %max3A_1063, %max3A_1071 : vector<40x128xf32>
    %add3A_1073 = vector.broadcast %mul3A_1055 : f32 to vector<40x128xf32>
    %add3A_1074 = arith.addf %add3A_1073, %mul3A : vector<40x128xf32>
    %sub3A_1075 = arith.subf %add3A_1074, %mul3A_1072 : vector<40x128xf32>
    %div3A_1076 = arith.divf %mul3A_1072, %sub3A_1075 : vector<40x128xf32>
    %gt3A_1077 = arith.cmpf ogt, %div3A_1076, %select_n3A_1037 : vector<40x128xf32>
    %select_n3A_1078 = arith.select %gt3A_1077, %div3A_1076, %select_n3A_1037 : vector<40x128xi1>, vector<40x128xf32>
    %jit3A_1079 = arith.constant 25 : i32
    %broadcast_in_dim3A_1080 = vector.broadcast %jit3A_1079 : i32 to vector<40x128xi32>
    %select_n3A_1081 = arith.select %gt3A_1077, %broadcast_in_dim3A_1080, %select_n3A_1040 : vector<40x128xi1>, vector<40x128xi32>
    %get3A_1082 = arith.constant 26 : index
    %get3A_1083 = arith.constant 0 : index
    %get3A_1084 = memref.load %arg2[%get3A_1082, %get3A_1083] : memref<64x4xf32, #tpu.memory_space<smem>>
    %get3A_1085 = arith.constant 26 : index
    %get3A_1086 = arith.constant 1 : index
    %get3A_1087 = memref.load %arg2[%get3A_1085, %get3A_1086] : memref<64x4xf32, #tpu.memory_space<smem>>
    %get3A_1088 = arith.constant 26 : index
    %get3A_1089 = arith.constant 2 : index
    %get3A_1090 = memref.load %arg2[%get3A_1088, %get3A_1089] : memref<64x4xf32, #tpu.memory_space<smem>>
    %get3A_1091 = arith.constant 26 : index
    %get3A_1092 = arith.constant 3 : index
    %get3A_1093 = memref.load %arg2[%get3A_1091, %get3A_1092] : memref<64x4xf32, #tpu.memory_space<smem>>
    %sub3A_1094 = arith.subf %get3A_1090, %get3A_1084 : f32
    %sub3A_1095 = arith.subf %get3A_1093, %get3A_1087 : f32
    %mul3A_1096 = arith.mulf %sub3A_1094, %sub3A_1095 : f32
    %min3A_1097 = vector.broadcast %get3A_1090 : f32 to vector<40x128xf32>
    %min3A_1098 = arith.minimumf %min3A_1097, %get3A_13 : vector<40x128xf32>
    %max3A_1099 = vector.broadcast %get3A_1084 : f32 to vector<40x128xf32>
    %max3A_1100 = arith.maximumf %max3A_1099, %get3A_3 : vector<40x128xf32>
    %sub3A_1101 = arith.subf %min3A_1098, %max3A_1100 : vector<40x128xf32>
    %max3A_1102 = arith.constant 0.000000e+00 : f32
    %max3A_1103 = vector.broadcast %max3A_1102 : f32 to vector<40x128xf32>
    %max3A_1104 = arith.maximumf %sub3A_1101, %max3A_1103 : vector<40x128xf32>
    %min3A_1105 = vector.broadcast %get3A_1093 : f32 to vector<40x128xf32>
    %min3A_1106 = arith.minimumf %min3A_1105, %get3A_18 : vector<40x128xf32>
    %max3A_1107 = vector.broadcast %get3A_1087 : f32 to vector<40x128xf32>
    %max3A_1108 = arith.maximumf %max3A_1107, %get3A_8 : vector<40x128xf32>
    %sub3A_1109 = arith.subf %min3A_1106, %max3A_1108 : vector<40x128xf32>
    %max3A_1110 = arith.constant 0.000000e+00 : f32
    %max3A_1111 = vector.broadcast %max3A_1110 : f32 to vector<40x128xf32>
    %max3A_1112 = arith.maximumf %sub3A_1109, %max3A_1111 : vector<40x128xf32>
    %mul3A_1113 = arith.mulf %max3A_1104, %max3A_1112 : vector<40x128xf32>
    %add3A_1114 = vector.broadcast %mul3A_1096 : f32 to vector<40x128xf32>
    %add3A_1115 = arith.addf %add3A_1114, %mul3A : vector<40x128xf32>
    %sub3A_1116 = arith.subf %add3A_1115, %mul3A_1113 : vector<40x128xf32>
    %div3A_1117 = arith.divf %mul3A_1113, %sub3A_1116 : vector<40x128xf32>
    %gt3A_1118 = arith.cmpf ogt, %div3A_1117, %select_n3A_1078 : vector<40x128xf32>
    %select_n3A_1119 = arith.select %gt3A_1118, %div3A_1117, %select_n3A_1078 : vector<40x128xi1>, vector<40x128xf32>
    %jit3A_1120 = arith.constant 26 : i32
    %broadcast_in_dim3A_1121 = vector.broadcast %jit3A_1120 : i32 to vector<40x128xi32>
    %select_n3A_1122 = arith.select %gt3A_1118, %broadcast_in_dim3A_1121, %select_n3A_1081 : vector<40x128xi1>, vector<40x128xi32>
    %get3A_1123 = arith.constant 27 : index
    %get3A_1124 = arith.constant 0 : index
    %get3A_1125 = memref.load %arg2[%get3A_1123, %get3A_1124] : memref<64x4xf32, #tpu.memory_space<smem>>
    %get3A_1126 = arith.constant 27 : index
    %get3A_1127 = arith.constant 1 : index
    %get3A_1128 = memref.load %arg2[%get3A_1126, %get3A_1127] : memref<64x4xf32, #tpu.memory_space<smem>>
    %get3A_1129 = arith.constant 27 : index
    %get3A_1130 = arith.constant 2 : index
    %get3A_1131 = memref.load %arg2[%get3A_1129, %get3A_1130] : memref<64x4xf32, #tpu.memory_space<smem>>
    %get3A_1132 = arith.constant 27 : index
    %get3A_1133 = arith.constant 3 : index
    %get3A_1134 = memref.load %arg2[%get3A_1132, %get3A_1133] : memref<64x4xf32, #tpu.memory_space<smem>>
    %sub3A_1135 = arith.subf %get3A_1131, %get3A_1125 : f32
    %sub3A_1136 = arith.subf %get3A_1134, %get3A_1128 : f32
    %mul3A_1137 = arith.mulf %sub3A_1135, %sub3A_1136 : f32
    %min3A_1138 = vector.broadcast %get3A_1131 : f32 to vector<40x128xf32>
    %min3A_1139 = arith.minimumf %min3A_1138, %get3A_13 : vector<40x128xf32>
    %max3A_1140 = vector.broadcast %get3A_1125 : f32 to vector<40x128xf32>
    %max3A_1141 = arith.maximumf %max3A_1140, %get3A_3 : vector<40x128xf32>
    %sub3A_1142 = arith.subf %min3A_1139, %max3A_1141 : vector<40x128xf32>
    %max3A_1143 = arith.constant 0.000000e+00 : f32
    %max3A_1144 = vector.broadcast %max3A_1143 : f32 to vector<40x128xf32>
    %max3A_1145 = arith.maximumf %sub3A_1142, %max3A_1144 : vector<40x128xf32>
    %min3A_1146 = vector.broadcast %get3A_1134 : f32 to vector<40x128xf32>
    %min3A_1147 = arith.minimumf %min3A_1146, %get3A_18 : vector<40x128xf32>
    %max3A_1148 = vector.broadcast %get3A_1128 : f32 to vector<40x128xf32>
    %max3A_1149 = arith.maximumf %max3A_1148, %get3A_8 : vector<40x128xf32>
    %sub3A_1150 = arith.subf %min3A_1147, %max3A_1149 : vector<40x128xf32>
    %max3A_1151 = arith.constant 0.000000e+00 : f32
    %max3A_1152 = vector.broadcast %max3A_1151 : f32 to vector<40x128xf32>
    %max3A_1153 = arith.maximumf %sub3A_1150, %max3A_1152 : vector<40x128xf32>
    %mul3A_1154 = arith.mulf %max3A_1145, %max3A_1153 : vector<40x128xf32>
    %add3A_1155 = vector.broadcast %mul3A_1137 : f32 to vector<40x128xf32>
    %add3A_1156 = arith.addf %add3A_1155, %mul3A : vector<40x128xf32>
    %sub3A_1157 = arith.subf %add3A_1156, %mul3A_1154 : vector<40x128xf32>
    %div3A_1158 = arith.divf %mul3A_1154, %sub3A_1157 : vector<40x128xf32>
    %gt3A_1159 = arith.cmpf ogt, %div3A_1158, %select_n3A_1119 : vector<40x128xf32>
    %select_n3A_1160 = arith.select %gt3A_1159, %div3A_1158, %select_n3A_1119 : vector<40x128xi1>, vector<40x128xf32>
    %jit3A_1161 = arith.constant 27 : i32
    %broadcast_in_dim3A_1162 = vector.broadcast %jit3A_1161 : i32 to vector<40x128xi32>
    %select_n3A_1163 = arith.select %gt3A_1159, %broadcast_in_dim3A_1162, %select_n3A_1122 : vector<40x128xi1>, vector<40x128xi32>
    %get3A_1164 = arith.constant 28 : index
    %get3A_1165 = arith.constant 0 : index
    %get3A_1166 = memref.load %arg2[%get3A_1164, %get3A_1165] : memref<64x4xf32, #tpu.memory_space<smem>>
    %get3A_1167 = arith.constant 28 : index
    %get3A_1168 = arith.constant 1 : index
    %get3A_1169 = memref.load %arg2[%get3A_1167, %get3A_1168] : memref<64x4xf32, #tpu.memory_space<smem>>
    %get3A_1170 = arith.constant 28 : index
    %get3A_1171 = arith.constant 2 : index
    %get3A_1172 = memref.load %arg2[%get3A_1170, %get3A_1171] : memref<64x4xf32, #tpu.memory_space<smem>>
    %get3A_1173 = arith.constant 28 : index
    %get3A_1174 = arith.constant 3 : index
    %get3A_1175 = memref.load %arg2[%get3A_1173, %get3A_1174] : memref<64x4xf32, #tpu.memory_space<smem>>
    %sub3A_1176 = arith.subf %get3A_1172, %get3A_1166 : f32
    %sub3A_1177 = arith.subf %get3A_1175, %get3A_1169 : f32
    %mul3A_1178 = arith.mulf %sub3A_1176, %sub3A_1177 : f32
    %min3A_1179 = vector.broadcast %get3A_1172 : f32 to vector<40x128xf32>
    %min3A_1180 = arith.minimumf %min3A_1179, %get3A_13 : vector<40x128xf32>
    %max3A_1181 = vector.broadcast %get3A_1166 : f32 to vector<40x128xf32>
    %max3A_1182 = arith.maximumf %max3A_1181, %get3A_3 : vector<40x128xf32>
    %sub3A_1183 = arith.subf %min3A_1180, %max3A_1182 : vector<40x128xf32>
    %max3A_1184 = arith.constant 0.000000e+00 : f32
    %max3A_1185 = vector.broadcast %max3A_1184 : f32 to vector<40x128xf32>
    %max3A_1186 = arith.maximumf %sub3A_1183, %max3A_1185 : vector<40x128xf32>
    %min3A_1187 = vector.broadcast %get3A_1175 : f32 to vector<40x128xf32>
    %min3A_1188 = arith.minimumf %min3A_1187, %get3A_18 : vector<40x128xf32>
    %max3A_1189 = vector.broadcast %get3A_1169 : f32 to vector<40x128xf32>
    %max3A_1190 = arith.maximumf %max3A_1189, %get3A_8 : vector<40x128xf32>
    %sub3A_1191 = arith.subf %min3A_1188, %max3A_1190 : vector<40x128xf32>
    %max3A_1192 = arith.constant 0.000000e+00 : f32
    %max3A_1193 = vector.broadcast %max3A_1192 : f32 to vector<40x128xf32>
    %max3A_1194 = arith.maximumf %sub3A_1191, %max3A_1193 : vector<40x128xf32>
    %mul3A_1195 = arith.mulf %max3A_1186, %max3A_1194 : vector<40x128xf32>
    %add3A_1196 = vector.broadcast %mul3A_1178 : f32 to vector<40x128xf32>
    %add3A_1197 = arith.addf %add3A_1196, %mul3A : vector<40x128xf32>
    %sub3A_1198 = arith.subf %add3A_1197, %mul3A_1195 : vector<40x128xf32>
    %div3A_1199 = arith.divf %mul3A_1195, %sub3A_1198 : vector<40x128xf32>
    %gt3A_1200 = arith.cmpf ogt, %div3A_1199, %select_n3A_1160 : vector<40x128xf32>
    %select_n3A_1201 = arith.select %gt3A_1200, %div3A_1199, %select_n3A_1160 : vector<40x128xi1>, vector<40x128xf32>
    %jit3A_1202 = arith.constant 28 : i32
    %broadcast_in_dim3A_1203 = vector.broadcast %jit3A_1202 : i32 to vector<40x128xi32>
    %select_n3A_1204 = arith.select %gt3A_1200, %broadcast_in_dim3A_1203, %select_n3A_1163 : vector<40x128xi1>, vector<40x128xi32>
    %get3A_1205 = arith.constant 29 : index
    %get3A_1206 = arith.constant 0 : index
    %get3A_1207 = memref.load %arg2[%get3A_1205, %get3A_1206] : memref<64x4xf32, #tpu.memory_space<smem>>
    %get3A_1208 = arith.constant 29 : index
    %get3A_1209 = arith.constant 1 : index
    %get3A_1210 = memref.load %arg2[%get3A_1208, %get3A_1209] : memref<64x4xf32, #tpu.memory_space<smem>>
    %get3A_1211 = arith.constant 29 : index
    %get3A_1212 = arith.constant 2 : index
    %get3A_1213 = memref.load %arg2[%get3A_1211, %get3A_1212] : memref<64x4xf32, #tpu.memory_space<smem>>
    %get3A_1214 = arith.constant 29 : index
    %get3A_1215 = arith.constant 3 : index
    %get3A_1216 = memref.load %arg2[%get3A_1214, %get3A_1215] : memref<64x4xf32, #tpu.memory_space<smem>>
    %sub3A_1217 = arith.subf %get3A_1213, %get3A_1207 : f32
    %sub3A_1218 = arith.subf %get3A_1216, %get3A_1210 : f32
    %mul3A_1219 = arith.mulf %sub3A_1217, %sub3A_1218 : f32
    %min3A_1220 = vector.broadcast %get3A_1213 : f32 to vector<40x128xf32>
    %min3A_1221 = arith.minimumf %min3A_1220, %get3A_13 : vector<40x128xf32>
    %max3A_1222 = vector.broadcast %get3A_1207 : f32 to vector<40x128xf32>
    %max3A_1223 = arith.maximumf %max3A_1222, %get3A_3 : vector<40x128xf32>
    %sub3A_1224 = arith.subf %min3A_1221, %max3A_1223 : vector<40x128xf32>
    %max3A_1225 = arith.constant 0.000000e+00 : f32
    %max3A_1226 = vector.broadcast %max3A_1225 : f32 to vector<40x128xf32>
    %max3A_1227 = arith.maximumf %sub3A_1224, %max3A_1226 : vector<40x128xf32>
    %min3A_1228 = vector.broadcast %get3A_1216 : f32 to vector<40x128xf32>
    %min3A_1229 = arith.minimumf %min3A_1228, %get3A_18 : vector<40x128xf32>
    %max3A_1230 = vector.broadcast %get3A_1210 : f32 to vector<40x128xf32>
    %max3A_1231 = arith.maximumf %max3A_1230, %get3A_8 : vector<40x128xf32>
    %sub3A_1232 = arith.subf %min3A_1229, %max3A_1231 : vector<40x128xf32>
    %max3A_1233 = arith.constant 0.000000e+00 : f32
    %max3A_1234 = vector.broadcast %max3A_1233 : f32 to vector<40x128xf32>
    %max3A_1235 = arith.maximumf %sub3A_1232, %max3A_1234 : vector<40x128xf32>
    %mul3A_1236 = arith.mulf %max3A_1227, %max3A_1235 : vector<40x128xf32>
    %add3A_1237 = vector.broadcast %mul3A_1219 : f32 to vector<40x128xf32>
    %add3A_1238 = arith.addf %add3A_1237, %mul3A : vector<40x128xf32>
    %sub3A_1239 = arith.subf %add3A_1238, %mul3A_1236 : vector<40x128xf32>
    %div3A_1240 = arith.divf %mul3A_1236, %sub3A_1239 : vector<40x128xf32>
    %gt3A_1241 = arith.cmpf ogt, %div3A_1240, %select_n3A_1201 : vector<40x128xf32>
    %select_n3A_1242 = arith.select %gt3A_1241, %div3A_1240, %select_n3A_1201 : vector<40x128xi1>, vector<40x128xf32>
    %jit3A_1243 = arith.constant 29 : i32
    %broadcast_in_dim3A_1244 = vector.broadcast %jit3A_1243 : i32 to vector<40x128xi32>
    %select_n3A_1245 = arith.select %gt3A_1241, %broadcast_in_dim3A_1244, %select_n3A_1204 : vector<40x128xi1>, vector<40x128xi32>
    %get3A_1246 = arith.constant 30 : index
    %get3A_1247 = arith.constant 0 : index
    %get3A_1248 = memref.load %arg2[%get3A_1246, %get3A_1247] : memref<64x4xf32, #tpu.memory_space<smem>>
    %get3A_1249 = arith.constant 30 : index
    %get3A_1250 = arith.constant 1 : index
    %get3A_1251 = memref.load %arg2[%get3A_1249, %get3A_1250] : memref<64x4xf32, #tpu.memory_space<smem>>
    %get3A_1252 = arith.constant 30 : index
    %get3A_1253 = arith.constant 2 : index
    %get3A_1254 = memref.load %arg2[%get3A_1252, %get3A_1253] : memref<64x4xf32, #tpu.memory_space<smem>>
    %get3A_1255 = arith.constant 30 : index
    %get3A_1256 = arith.constant 3 : index
    %get3A_1257 = memref.load %arg2[%get3A_1255, %get3A_1256] : memref<64x4xf32, #tpu.memory_space<smem>>
    %sub3A_1258 = arith.subf %get3A_1254, %get3A_1248 : f32
    %sub3A_1259 = arith.subf %get3A_1257, %get3A_1251 : f32
    %mul3A_1260 = arith.mulf %sub3A_1258, %sub3A_1259 : f32
    %min3A_1261 = vector.broadcast %get3A_1254 : f32 to vector<40x128xf32>
    %min3A_1262 = arith.minimumf %min3A_1261, %get3A_13 : vector<40x128xf32>
    %max3A_1263 = vector.broadcast %get3A_1248 : f32 to vector<40x128xf32>
    %max3A_1264 = arith.maximumf %max3A_1263, %get3A_3 : vector<40x128xf32>
    %sub3A_1265 = arith.subf %min3A_1262, %max3A_1264 : vector<40x128xf32>
    %max3A_1266 = arith.constant 0.000000e+00 : f32
    %max3A_1267 = vector.broadcast %max3A_1266 : f32 to vector<40x128xf32>
    %max3A_1268 = arith.maximumf %sub3A_1265, %max3A_1267 : vector<40x128xf32>
    %min3A_1269 = vector.broadcast %get3A_1257 : f32 to vector<40x128xf32>
    %min3A_1270 = arith.minimumf %min3A_1269, %get3A_18 : vector<40x128xf32>
    %max3A_1271 = vector.broadcast %get3A_1251 : f32 to vector<40x128xf32>
    %max3A_1272 = arith.maximumf %max3A_1271, %get3A_8 : vector<40x128xf32>
    %sub3A_1273 = arith.subf %min3A_1270, %max3A_1272 : vector<40x128xf32>
    %max3A_1274 = arith.constant 0.000000e+00 : f32
    %max3A_1275 = vector.broadcast %max3A_1274 : f32 to vector<40x128xf32>
    %max3A_1276 = arith.maximumf %sub3A_1273, %max3A_1275 : vector<40x128xf32>
    %mul3A_1277 = arith.mulf %max3A_1268, %max3A_1276 : vector<40x128xf32>
    %add3A_1278 = vector.broadcast %mul3A_1260 : f32 to vector<40x128xf32>
    %add3A_1279 = arith.addf %add3A_1278, %mul3A : vector<40x128xf32>
    %sub3A_1280 = arith.subf %add3A_1279, %mul3A_1277 : vector<40x128xf32>
    %div3A_1281 = arith.divf %mul3A_1277, %sub3A_1280 : vector<40x128xf32>
    %gt3A_1282 = arith.cmpf ogt, %div3A_1281, %select_n3A_1242 : vector<40x128xf32>
    %select_n3A_1283 = arith.select %gt3A_1282, %div3A_1281, %select_n3A_1242 : vector<40x128xi1>, vector<40x128xf32>
    %jit3A_1284 = arith.constant 30 : i32
    %broadcast_in_dim3A_1285 = vector.broadcast %jit3A_1284 : i32 to vector<40x128xi32>
    %select_n3A_1286 = arith.select %gt3A_1282, %broadcast_in_dim3A_1285, %select_n3A_1245 : vector<40x128xi1>, vector<40x128xi32>
    %get3A_1287 = arith.constant 31 : index
    %get3A_1288 = arith.constant 0 : index
    %get3A_1289 = memref.load %arg2[%get3A_1287, %get3A_1288] : memref<64x4xf32, #tpu.memory_space<smem>>
    %get3A_1290 = arith.constant 31 : index
    %get3A_1291 = arith.constant 1 : index
    %get3A_1292 = memref.load %arg2[%get3A_1290, %get3A_1291] : memref<64x4xf32, #tpu.memory_space<smem>>
    %get3A_1293 = arith.constant 31 : index
    %get3A_1294 = arith.constant 2 : index
    %get3A_1295 = memref.load %arg2[%get3A_1293, %get3A_1294] : memref<64x4xf32, #tpu.memory_space<smem>>
    %get3A_1296 = arith.constant 31 : index
    %get3A_1297 = arith.constant 3 : index
    %get3A_1298 = memref.load %arg2[%get3A_1296, %get3A_1297] : memref<64x4xf32, #tpu.memory_space<smem>>
    %sub3A_1299 = arith.subf %get3A_1295, %get3A_1289 : f32
    %sub3A_1300 = arith.subf %get3A_1298, %get3A_1292 : f32
    %mul3A_1301 = arith.mulf %sub3A_1299, %sub3A_1300 : f32
    %min3A_1302 = vector.broadcast %get3A_1295 : f32 to vector<40x128xf32>
    %min3A_1303 = arith.minimumf %min3A_1302, %get3A_13 : vector<40x128xf32>
    %max3A_1304 = vector.broadcast %get3A_1289 : f32 to vector<40x128xf32>
    %max3A_1305 = arith.maximumf %max3A_1304, %get3A_3 : vector<40x128xf32>
    %sub3A_1306 = arith.subf %min3A_1303, %max3A_1305 : vector<40x128xf32>
    %max3A_1307 = arith.constant 0.000000e+00 : f32
    %max3A_1308 = vector.broadcast %max3A_1307 : f32 to vector<40x128xf32>
    %max3A_1309 = arith.maximumf %sub3A_1306, %max3A_1308 : vector<40x128xf32>
    %min3A_1310 = vector.broadcast %get3A_1298 : f32 to vector<40x128xf32>
    %min3A_1311 = arith.minimumf %min3A_1310, %get3A_18 : vector<40x128xf32>
    %max3A_1312 = vector.broadcast %get3A_1292 : f32 to vector<40x128xf32>
    %max3A_1313 = arith.maximumf %max3A_1312, %get3A_8 : vector<40x128xf32>
    %sub3A_1314 = arith.subf %min3A_1311, %max3A_1313 : vector<40x128xf32>
    %max3A_1315 = arith.constant 0.000000e+00 : f32
    %max3A_1316 = vector.broadcast %max3A_1315 : f32 to vector<40x128xf32>
    %max3A_1317 = arith.maximumf %sub3A_1314, %max3A_1316 : vector<40x128xf32>
    %mul3A_1318 = arith.mulf %max3A_1309, %max3A_1317 : vector<40x128xf32>
    %add3A_1319 = vector.broadcast %mul3A_1301 : f32 to vector<40x128xf32>
    %add3A_1320 = arith.addf %add3A_1319, %mul3A : vector<40x128xf32>
    %sub3A_1321 = arith.subf %add3A_1320, %mul3A_1318 : vector<40x128xf32>
    %div3A_1322 = arith.divf %mul3A_1318, %sub3A_1321 : vector<40x128xf32>
    %gt3A_1323 = arith.cmpf ogt, %div3A_1322, %select_n3A_1283 : vector<40x128xf32>
    %select_n3A_1324 = arith.select %gt3A_1323, %div3A_1322, %select_n3A_1283 : vector<40x128xi1>, vector<40x128xf32>
    %jit3A_1325 = arith.constant 31 : i32
    %broadcast_in_dim3A_1326 = vector.broadcast %jit3A_1325 : i32 to vector<40x128xi32>
    %select_n3A_1327 = arith.select %gt3A_1323, %broadcast_in_dim3A_1326, %select_n3A_1286 : vector<40x128xi1>, vector<40x128xi32>
    %get3A_1328 = arith.constant 32 : index
    %get3A_1329 = arith.constant 0 : index
    %get3A_1330 = memref.load %arg2[%get3A_1328, %get3A_1329] : memref<64x4xf32, #tpu.memory_space<smem>>
    %get3A_1331 = arith.constant 32 : index
    %get3A_1332 = arith.constant 1 : index
    %get3A_1333 = memref.load %arg2[%get3A_1331, %get3A_1332] : memref<64x4xf32, #tpu.memory_space<smem>>
    %get3A_1334 = arith.constant 32 : index
    %get3A_1335 = arith.constant 2 : index
    %get3A_1336 = memref.load %arg2[%get3A_1334, %get3A_1335] : memref<64x4xf32, #tpu.memory_space<smem>>
    %get3A_1337 = arith.constant 32 : index
    %get3A_1338 = arith.constant 3 : index
    %get3A_1339 = memref.load %arg2[%get3A_1337, %get3A_1338] : memref<64x4xf32, #tpu.memory_space<smem>>
    %sub3A_1340 = arith.subf %get3A_1336, %get3A_1330 : f32
    %sub3A_1341 = arith.subf %get3A_1339, %get3A_1333 : f32
    %mul3A_1342 = arith.mulf %sub3A_1340, %sub3A_1341 : f32
    %min3A_1343 = vector.broadcast %get3A_1336 : f32 to vector<40x128xf32>
    %min3A_1344 = arith.minimumf %min3A_1343, %get3A_13 : vector<40x128xf32>
    %max3A_1345 = vector.broadcast %get3A_1330 : f32 to vector<40x128xf32>
    %max3A_1346 = arith.maximumf %max3A_1345, %get3A_3 : vector<40x128xf32>
    %sub3A_1347 = arith.subf %min3A_1344, %max3A_1346 : vector<40x128xf32>
    %max3A_1348 = arith.constant 0.000000e+00 : f32
    %max3A_1349 = vector.broadcast %max3A_1348 : f32 to vector<40x128xf32>
    %max3A_1350 = arith.maximumf %sub3A_1347, %max3A_1349 : vector<40x128xf32>
    %min3A_1351 = vector.broadcast %get3A_1339 : f32 to vector<40x128xf32>
    %min3A_1352 = arith.minimumf %min3A_1351, %get3A_18 : vector<40x128xf32>
    %max3A_1353 = vector.broadcast %get3A_1333 : f32 to vector<40x128xf32>
    %max3A_1354 = arith.maximumf %max3A_1353, %get3A_8 : vector<40x128xf32>
    %sub3A_1355 = arith.subf %min3A_1352, %max3A_1354 : vector<40x128xf32>
    %max3A_1356 = arith.constant 0.000000e+00 : f32
    %max3A_1357 = vector.broadcast %max3A_1356 : f32 to vector<40x128xf32>
    %max3A_1358 = arith.maximumf %sub3A_1355, %max3A_1357 : vector<40x128xf32>
    %mul3A_1359 = arith.mulf %max3A_1350, %max3A_1358 : vector<40x128xf32>
    %add3A_1360 = vector.broadcast %mul3A_1342 : f32 to vector<40x128xf32>
    %add3A_1361 = arith.addf %add3A_1360, %mul3A : vector<40x128xf32>
    %sub3A_1362 = arith.subf %add3A_1361, %mul3A_1359 : vector<40x128xf32>
    %div3A_1363 = arith.divf %mul3A_1359, %sub3A_1362 : vector<40x128xf32>
    %gt3A_1364 = arith.cmpf ogt, %div3A_1363, %select_n3A_1324 : vector<40x128xf32>
    %select_n3A_1365 = arith.select %gt3A_1364, %div3A_1363, %select_n3A_1324 : vector<40x128xi1>, vector<40x128xf32>
    %jit3A_1366 = arith.constant 32 : i32
    %broadcast_in_dim3A_1367 = vector.broadcast %jit3A_1366 : i32 to vector<40x128xi32>
    %select_n3A_1368 = arith.select %gt3A_1364, %broadcast_in_dim3A_1367, %select_n3A_1327 : vector<40x128xi1>, vector<40x128xi32>
    %get3A_1369 = arith.constant 33 : index
    %get3A_1370 = arith.constant 0 : index
    %get3A_1371 = memref.load %arg2[%get3A_1369, %get3A_1370] : memref<64x4xf32, #tpu.memory_space<smem>>
    %get3A_1372 = arith.constant 33 : index
    %get3A_1373 = arith.constant 1 : index
    %get3A_1374 = memref.load %arg2[%get3A_1372, %get3A_1373] : memref<64x4xf32, #tpu.memory_space<smem>>
    %get3A_1375 = arith.constant 33 : index
    %get3A_1376 = arith.constant 2 : index
    %get3A_1377 = memref.load %arg2[%get3A_1375, %get3A_1376] : memref<64x4xf32, #tpu.memory_space<smem>>
    %get3A_1378 = arith.constant 33 : index
    %get3A_1379 = arith.constant 3 : index
    %get3A_1380 = memref.load %arg2[%get3A_1378, %get3A_1379] : memref<64x4xf32, #tpu.memory_space<smem>>
    %sub3A_1381 = arith.subf %get3A_1377, %get3A_1371 : f32
    %sub3A_1382 = arith.subf %get3A_1380, %get3A_1374 : f32
    %mul3A_1383 = arith.mulf %sub3A_1381, %sub3A_1382 : f32
    %min3A_1384 = vector.broadcast %get3A_1377 : f32 to vector<40x128xf32>
    %min3A_1385 = arith.minimumf %min3A_1384, %get3A_13 : vector<40x128xf32>
    %max3A_1386 = vector.broadcast %get3A_1371 : f32 to vector<40x128xf32>
    %max3A_1387 = arith.maximumf %max3A_1386, %get3A_3 : vector<40x128xf32>
    %sub3A_1388 = arith.subf %min3A_1385, %max3A_1387 : vector<40x128xf32>
    %max3A_1389 = arith.constant 0.000000e+00 : f32
    %max3A_1390 = vector.broadcast %max3A_1389 : f32 to vector<40x128xf32>
    %max3A_1391 = arith.maximumf %sub3A_1388, %max3A_1390 : vector<40x128xf32>
    %min3A_1392 = vector.broadcast %get3A_1380 : f32 to vector<40x128xf32>
    %min3A_1393 = arith.minimumf %min3A_1392, %get3A_18 : vector<40x128xf32>
    %max3A_1394 = vector.broadcast %get3A_1374 : f32 to vector<40x128xf32>
    %max3A_1395 = arith.maximumf %max3A_1394, %get3A_8 : vector<40x128xf32>
    %sub3A_1396 = arith.subf %min3A_1393, %max3A_1395 : vector<40x128xf32>
    %max3A_1397 = arith.constant 0.000000e+00 : f32
    %max3A_1398 = vector.broadcast %max3A_1397 : f32 to vector<40x128xf32>
    %max3A_1399 = arith.maximumf %sub3A_1396, %max3A_1398 : vector<40x128xf32>
    %mul3A_1400 = arith.mulf %max3A_1391, %max3A_1399 : vector<40x128xf32>
    %add3A_1401 = vector.broadcast %mul3A_1383 : f32 to vector<40x128xf32>
    %add3A_1402 = arith.addf %add3A_1401, %mul3A : vector<40x128xf32>
    %sub3A_1403 = arith.subf %add3A_1402, %mul3A_1400 : vector<40x128xf32>
    %div3A_1404 = arith.divf %mul3A_1400, %sub3A_1403 : vector<40x128xf32>
    %gt3A_1405 = arith.cmpf ogt, %div3A_1404, %select_n3A_1365 : vector<40x128xf32>
    %select_n3A_1406 = arith.select %gt3A_1405, %div3A_1404, %select_n3A_1365 : vector<40x128xi1>, vector<40x128xf32>
    %jit3A_1407 = arith.constant 33 : i32
    %broadcast_in_dim3A_1408 = vector.broadcast %jit3A_1407 : i32 to vector<40x128xi32>
    %select_n3A_1409 = arith.select %gt3A_1405, %broadcast_in_dim3A_1408, %select_n3A_1368 : vector<40x128xi1>, vector<40x128xi32>
    %get3A_1410 = arith.constant 34 : index
    %get3A_1411 = arith.constant 0 : index
    %get3A_1412 = memref.load %arg2[%get3A_1410, %get3A_1411] : memref<64x4xf32, #tpu.memory_space<smem>>
    %get3A_1413 = arith.constant 34 : index
    %get3A_1414 = arith.constant 1 : index
    %get3A_1415 = memref.load %arg2[%get3A_1413, %get3A_1414] : memref<64x4xf32, #tpu.memory_space<smem>>
    %get3A_1416 = arith.constant 34 : index
    %get3A_1417 = arith.constant 2 : index
    %get3A_1418 = memref.load %arg2[%get3A_1416, %get3A_1417] : memref<64x4xf32, #tpu.memory_space<smem>>
    %get3A_1419 = arith.constant 34 : index
    %get3A_1420 = arith.constant 3 : index
    %get3A_1421 = memref.load %arg2[%get3A_1419, %get3A_1420] : memref<64x4xf32, #tpu.memory_space<smem>>
    %sub3A_1422 = arith.subf %get3A_1418, %get3A_1412 : f32
    %sub3A_1423 = arith.subf %get3A_1421, %get3A_1415 : f32
    %mul3A_1424 = arith.mulf %sub3A_1422, %sub3A_1423 : f32
    %min3A_1425 = vector.broadcast %get3A_1418 : f32 to vector<40x128xf32>
    %min3A_1426 = arith.minimumf %min3A_1425, %get3A_13 : vector<40x128xf32>
    %max3A_1427 = vector.broadcast %get3A_1412 : f32 to vector<40x128xf32>
    %max3A_1428 = arith.maximumf %max3A_1427, %get3A_3 : vector<40x128xf32>
    %sub3A_1429 = arith.subf %min3A_1426, %max3A_1428 : vector<40x128xf32>
    %max3A_1430 = arith.constant 0.000000e+00 : f32
    %max3A_1431 = vector.broadcast %max3A_1430 : f32 to vector<40x128xf32>
    %max3A_1432 = arith.maximumf %sub3A_1429, %max3A_1431 : vector<40x128xf32>
    %min3A_1433 = vector.broadcast %get3A_1421 : f32 to vector<40x128xf32>
    %min3A_1434 = arith.minimumf %min3A_1433, %get3A_18 : vector<40x128xf32>
    %max3A_1435 = vector.broadcast %get3A_1415 : f32 to vector<40x128xf32>
    %max3A_1436 = arith.maximumf %max3A_1435, %get3A_8 : vector<40x128xf32>
    %sub3A_1437 = arith.subf %min3A_1434, %max3A_1436 : vector<40x128xf32>
    %max3A_1438 = arith.constant 0.000000e+00 : f32
    %max3A_1439 = vector.broadcast %max3A_1438 : f32 to vector<40x128xf32>
    %max3A_1440 = arith.maximumf %sub3A_1437, %max3A_1439 : vector<40x128xf32>
    %mul3A_1441 = arith.mulf %max3A_1432, %max3A_1440 : vector<40x128xf32>
    %add3A_1442 = vector.broadcast %mul3A_1424 : f32 to vector<40x128xf32>
    %add3A_1443 = arith.addf %add3A_1442, %mul3A : vector<40x128xf32>
    %sub3A_1444 = arith.subf %add3A_1443, %mul3A_1441 : vector<40x128xf32>
    %div3A_1445 = arith.divf %mul3A_1441, %sub3A_1444 : vector<40x128xf32>
    %gt3A_1446 = arith.cmpf ogt, %div3A_1445, %select_n3A_1406 : vector<40x128xf32>
    %select_n3A_1447 = arith.select %gt3A_1446, %div3A_1445, %select_n3A_1406 : vector<40x128xi1>, vector<40x128xf32>
    %jit3A_1448 = arith.constant 34 : i32
    %broadcast_in_dim3A_1449 = vector.broadcast %jit3A_1448 : i32 to vector<40x128xi32>
    %select_n3A_1450 = arith.select %gt3A_1446, %broadcast_in_dim3A_1449, %select_n3A_1409 : vector<40x128xi1>, vector<40x128xi32>
    %get3A_1451 = arith.constant 35 : index
    %get3A_1452 = arith.constant 0 : index
    %get3A_1453 = memref.load %arg2[%get3A_1451, %get3A_1452] : memref<64x4xf32, #tpu.memory_space<smem>>
    %get3A_1454 = arith.constant 35 : index
    %get3A_1455 = arith.constant 1 : index
    %get3A_1456 = memref.load %arg2[%get3A_1454, %get3A_1455] : memref<64x4xf32, #tpu.memory_space<smem>>
    %get3A_1457 = arith.constant 35 : index
    %get3A_1458 = arith.constant 2 : index
    %get3A_1459 = memref.load %arg2[%get3A_1457, %get3A_1458] : memref<64x4xf32, #tpu.memory_space<smem>>
    %get3A_1460 = arith.constant 35 : index
    %get3A_1461 = arith.constant 3 : index
    %get3A_1462 = memref.load %arg2[%get3A_1460, %get3A_1461] : memref<64x4xf32, #tpu.memory_space<smem>>
    %sub3A_1463 = arith.subf %get3A_1459, %get3A_1453 : f32
    %sub3A_1464 = arith.subf %get3A_1462, %get3A_1456 : f32
    %mul3A_1465 = arith.mulf %sub3A_1463, %sub3A_1464 : f32
    %min3A_1466 = vector.broadcast %get3A_1459 : f32 to vector<40x128xf32>
    %min3A_1467 = arith.minimumf %min3A_1466, %get3A_13 : vector<40x128xf32>
    %max3A_1468 = vector.broadcast %get3A_1453 : f32 to vector<40x128xf32>
    %max3A_1469 = arith.maximumf %max3A_1468, %get3A_3 : vector<40x128xf32>
    %sub3A_1470 = arith.subf %min3A_1467, %max3A_1469 : vector<40x128xf32>
    %max3A_1471 = arith.constant 0.000000e+00 : f32
    %max3A_1472 = vector.broadcast %max3A_1471 : f32 to vector<40x128xf32>
    %max3A_1473 = arith.maximumf %sub3A_1470, %max3A_1472 : vector<40x128xf32>
    %min3A_1474 = vector.broadcast %get3A_1462 : f32 to vector<40x128xf32>
    %min3A_1475 = arith.minimumf %min3A_1474, %get3A_18 : vector<40x128xf32>
    %max3A_1476 = vector.broadcast %get3A_1456 : f32 to vector<40x128xf32>
    %max3A_1477 = arith.maximumf %max3A_1476, %get3A_8 : vector<40x128xf32>
    %sub3A_1478 = arith.subf %min3A_1475, %max3A_1477 : vector<40x128xf32>
    %max3A_1479 = arith.constant 0.000000e+00 : f32
    %max3A_1480 = vector.broadcast %max3A_1479 : f32 to vector<40x128xf32>
    %max3A_1481 = arith.maximumf %sub3A_1478, %max3A_1480 : vector<40x128xf32>
    %mul3A_1482 = arith.mulf %max3A_1473, %max3A_1481 : vector<40x128xf32>
    %add3A_1483 = vector.broadcast %mul3A_1465 : f32 to vector<40x128xf32>
    %add3A_1484 = arith.addf %add3A_1483, %mul3A : vector<40x128xf32>
    %sub3A_1485 = arith.subf %add3A_1484, %mul3A_1482 : vector<40x128xf32>
    %div3A_1486 = arith.divf %mul3A_1482, %sub3A_1485 : vector<40x128xf32>
    %gt3A_1487 = arith.cmpf ogt, %div3A_1486, %select_n3A_1447 : vector<40x128xf32>
    %select_n3A_1488 = arith.select %gt3A_1487, %div3A_1486, %select_n3A_1447 : vector<40x128xi1>, vector<40x128xf32>
    %jit3A_1489 = arith.constant 35 : i32
    %broadcast_in_dim3A_1490 = vector.broadcast %jit3A_1489 : i32 to vector<40x128xi32>
    %select_n3A_1491 = arith.select %gt3A_1487, %broadcast_in_dim3A_1490, %select_n3A_1450 : vector<40x128xi1>, vector<40x128xi32>
    %get3A_1492 = arith.constant 36 : index
    %get3A_1493 = arith.constant 0 : index
    %get3A_1494 = memref.load %arg2[%get3A_1492, %get3A_1493] : memref<64x4xf32, #tpu.memory_space<smem>>
    %get3A_1495 = arith.constant 36 : index
    %get3A_1496 = arith.constant 1 : index
    %get3A_1497 = memref.load %arg2[%get3A_1495, %get3A_1496] : memref<64x4xf32, #tpu.memory_space<smem>>
    %get3A_1498 = arith.constant 36 : index
    %get3A_1499 = arith.constant 2 : index
    %get3A_1500 = memref.load %arg2[%get3A_1498, %get3A_1499] : memref<64x4xf32, #tpu.memory_space<smem>>
    %get3A_1501 = arith.constant 36 : index
    %get3A_1502 = arith.constant 3 : index
    %get3A_1503 = memref.load %arg2[%get3A_1501, %get3A_1502] : memref<64x4xf32, #tpu.memory_space<smem>>
    %sub3A_1504 = arith.subf %get3A_1500, %get3A_1494 : f32
    %sub3A_1505 = arith.subf %get3A_1503, %get3A_1497 : f32
    %mul3A_1506 = arith.mulf %sub3A_1504, %sub3A_1505 : f32
    %min3A_1507 = vector.broadcast %get3A_1500 : f32 to vector<40x128xf32>
    %min3A_1508 = arith.minimumf %min3A_1507, %get3A_13 : vector<40x128xf32>
    %max3A_1509 = vector.broadcast %get3A_1494 : f32 to vector<40x128xf32>
    %max3A_1510 = arith.maximumf %max3A_1509, %get3A_3 : vector<40x128xf32>
    %sub3A_1511 = arith.subf %min3A_1508, %max3A_1510 : vector<40x128xf32>
    %max3A_1512 = arith.constant 0.000000e+00 : f32
    %max3A_1513 = vector.broadcast %max3A_1512 : f32 to vector<40x128xf32>
    %max3A_1514 = arith.maximumf %sub3A_1511, %max3A_1513 : vector<40x128xf32>
    %min3A_1515 = vector.broadcast %get3A_1503 : f32 to vector<40x128xf32>
    %min3A_1516 = arith.minimumf %min3A_1515, %get3A_18 : vector<40x128xf32>
    %max3A_1517 = vector.broadcast %get3A_1497 : f32 to vector<40x128xf32>
    %max3A_1518 = arith.maximumf %max3A_1517, %get3A_8 : vector<40x128xf32>
    %sub3A_1519 = arith.subf %min3A_1516, %max3A_1518 : vector<40x128xf32>
    %max3A_1520 = arith.constant 0.000000e+00 : f32
    %max3A_1521 = vector.broadcast %max3A_1520 : f32 to vector<40x128xf32>
    %max3A_1522 = arith.maximumf %sub3A_1519, %max3A_1521 : vector<40x128xf32>
    %mul3A_1523 = arith.mulf %max3A_1514, %max3A_1522 : vector<40x128xf32>
    %add3A_1524 = vector.broadcast %mul3A_1506 : f32 to vector<40x128xf32>
    %add3A_1525 = arith.addf %add3A_1524, %mul3A : vector<40x128xf32>
    %sub3A_1526 = arith.subf %add3A_1525, %mul3A_1523 : vector<40x128xf32>
    %div3A_1527 = arith.divf %mul3A_1523, %sub3A_1526 : vector<40x128xf32>
    %gt3A_1528 = arith.cmpf ogt, %div3A_1527, %select_n3A_1488 : vector<40x128xf32>
    %select_n3A_1529 = arith.select %gt3A_1528, %div3A_1527, %select_n3A_1488 : vector<40x128xi1>, vector<40x128xf32>
    %jit3A_1530 = arith.constant 36 : i32
    %broadcast_in_dim3A_1531 = vector.broadcast %jit3A_1530 : i32 to vector<40x128xi32>
    %select_n3A_1532 = arith.select %gt3A_1528, %broadcast_in_dim3A_1531, %select_n3A_1491 : vector<40x128xi1>, vector<40x128xi32>
    %get3A_1533 = arith.constant 37 : index
    %get3A_1534 = arith.constant 0 : index
    %get3A_1535 = memref.load %arg2[%get3A_1533, %get3A_1534] : memref<64x4xf32, #tpu.memory_space<smem>>
    %get3A_1536 = arith.constant 37 : index
    %get3A_1537 = arith.constant 1 : index
    %get3A_1538 = memref.load %arg2[%get3A_1536, %get3A_1537] : memref<64x4xf32, #tpu.memory_space<smem>>
    %get3A_1539 = arith.constant 37 : index
    %get3A_1540 = arith.constant 2 : index
    %get3A_1541 = memref.load %arg2[%get3A_1539, %get3A_1540] : memref<64x4xf32, #tpu.memory_space<smem>>
    %get3A_1542 = arith.constant 37 : index
    %get3A_1543 = arith.constant 3 : index
    %get3A_1544 = memref.load %arg2[%get3A_1542, %get3A_1543] : memref<64x4xf32, #tpu.memory_space<smem>>
    %sub3A_1545 = arith.subf %get3A_1541, %get3A_1535 : f32
    %sub3A_1546 = arith.subf %get3A_1544, %get3A_1538 : f32
    %mul3A_1547 = arith.mulf %sub3A_1545, %sub3A_1546 : f32
    %min3A_1548 = vector.broadcast %get3A_1541 : f32 to vector<40x128xf32>
    %min3A_1549 = arith.minimumf %min3A_1548, %get3A_13 : vector<40x128xf32>
    %max3A_1550 = vector.broadcast %get3A_1535 : f32 to vector<40x128xf32>
    %max3A_1551 = arith.maximumf %max3A_1550, %get3A_3 : vector<40x128xf32>
    %sub3A_1552 = arith.subf %min3A_1549, %max3A_1551 : vector<40x128xf32>
    %max3A_1553 = arith.constant 0.000000e+00 : f32
    %max3A_1554 = vector.broadcast %max3A_1553 : f32 to vector<40x128xf32>
    %max3A_1555 = arith.maximumf %sub3A_1552, %max3A_1554 : vector<40x128xf32>
    %min3A_1556 = vector.broadcast %get3A_1544 : f32 to vector<40x128xf32>
    %min3A_1557 = arith.minimumf %min3A_1556, %get3A_18 : vector<40x128xf32>
    %max3A_1558 = vector.broadcast %get3A_1538 : f32 to vector<40x128xf32>
    %max3A_1559 = arith.maximumf %max3A_1558, %get3A_8 : vector<40x128xf32>
    %sub3A_1560 = arith.subf %min3A_1557, %max3A_1559 : vector<40x128xf32>
    %max3A_1561 = arith.constant 0.000000e+00 : f32
    %max3A_1562 = vector.broadcast %max3A_1561 : f32 to vector<40x128xf32>
    %max3A_1563 = arith.maximumf %sub3A_1560, %max3A_1562 : vector<40x128xf32>
    %mul3A_1564 = arith.mulf %max3A_1555, %max3A_1563 : vector<40x128xf32>
    %add3A_1565 = vector.broadcast %mul3A_1547 : f32 to vector<40x128xf32>
    %add3A_1566 = arith.addf %add3A_1565, %mul3A : vector<40x128xf32>
    %sub3A_1567 = arith.subf %add3A_1566, %mul3A_1564 : vector<40x128xf32>
    %div3A_1568 = arith.divf %mul3A_1564, %sub3A_1567 : vector<40x128xf32>
    %gt3A_1569 = arith.cmpf ogt, %div3A_1568, %select_n3A_1529 : vector<40x128xf32>
    %select_n3A_1570 = arith.select %gt3A_1569, %div3A_1568, %select_n3A_1529 : vector<40x128xi1>, vector<40x128xf32>
    %jit3A_1571 = arith.constant 37 : i32
    %broadcast_in_dim3A_1572 = vector.broadcast %jit3A_1571 : i32 to vector<40x128xi32>
    %select_n3A_1573 = arith.select %gt3A_1569, %broadcast_in_dim3A_1572, %select_n3A_1532 : vector<40x128xi1>, vector<40x128xi32>
    %get3A_1574 = arith.constant 38 : index
    %get3A_1575 = arith.constant 0 : index
    %get3A_1576 = memref.load %arg2[%get3A_1574, %get3A_1575] : memref<64x4xf32, #tpu.memory_space<smem>>
    %get3A_1577 = arith.constant 38 : index
    %get3A_1578 = arith.constant 1 : index
    %get3A_1579 = memref.load %arg2[%get3A_1577, %get3A_1578] : memref<64x4xf32, #tpu.memory_space<smem>>
    %get3A_1580 = arith.constant 38 : index
    %get3A_1581 = arith.constant 2 : index
    %get3A_1582 = memref.load %arg2[%get3A_1580, %get3A_1581] : memref<64x4xf32, #tpu.memory_space<smem>>
    %get3A_1583 = arith.constant 38 : index
    %get3A_1584 = arith.constant 3 : index
    %get3A_1585 = memref.load %arg2[%get3A_1583, %get3A_1584] : memref<64x4xf32, #tpu.memory_space<smem>>
    %sub3A_1586 = arith.subf %get3A_1582, %get3A_1576 : f32
    %sub3A_1587 = arith.subf %get3A_1585, %get3A_1579 : f32
    %mul3A_1588 = arith.mulf %sub3A_1586, %sub3A_1587 : f32
    %min3A_1589 = vector.broadcast %get3A_1582 : f32 to vector<40x128xf32>
    %min3A_1590 = arith.minimumf %min3A_1589, %get3A_13 : vector<40x128xf32>
    %max3A_1591 = vector.broadcast %get3A_1576 : f32 to vector<40x128xf32>
    %max3A_1592 = arith.maximumf %max3A_1591, %get3A_3 : vector<40x128xf32>
    %sub3A_1593 = arith.subf %min3A_1590, %max3A_1592 : vector<40x128xf32>
    %max3A_1594 = arith.constant 0.000000e+00 : f32
    %max3A_1595 = vector.broadcast %max3A_1594 : f32 to vector<40x128xf32>
    %max3A_1596 = arith.maximumf %sub3A_1593, %max3A_1595 : vector<40x128xf32>
    %min3A_1597 = vector.broadcast %get3A_1585 : f32 to vector<40x128xf32>
    %min3A_1598 = arith.minimumf %min3A_1597, %get3A_18 : vector<40x128xf32>
    %max3A_1599 = vector.broadcast %get3A_1579 : f32 to vector<40x128xf32>
    %max3A_1600 = arith.maximumf %max3A_1599, %get3A_8 : vector<40x128xf32>
    %sub3A_1601 = arith.subf %min3A_1598, %max3A_1600 : vector<40x128xf32>
    %max3A_1602 = arith.constant 0.000000e+00 : f32
    %max3A_1603 = vector.broadcast %max3A_1602 : f32 to vector<40x128xf32>
    %max3A_1604 = arith.maximumf %sub3A_1601, %max3A_1603 : vector<40x128xf32>
    %mul3A_1605 = arith.mulf %max3A_1596, %max3A_1604 : vector<40x128xf32>
    %add3A_1606 = vector.broadcast %mul3A_1588 : f32 to vector<40x128xf32>
    %add3A_1607 = arith.addf %add3A_1606, %mul3A : vector<40x128xf32>
    %sub3A_1608 = arith.subf %add3A_1607, %mul3A_1605 : vector<40x128xf32>
    %div3A_1609 = arith.divf %mul3A_1605, %sub3A_1608 : vector<40x128xf32>
    %gt3A_1610 = arith.cmpf ogt, %div3A_1609, %select_n3A_1570 : vector<40x128xf32>
    %select_n3A_1611 = arith.select %gt3A_1610, %div3A_1609, %select_n3A_1570 : vector<40x128xi1>, vector<40x128xf32>
    %jit3A_1612 = arith.constant 38 : i32
    %broadcast_in_dim3A_1613 = vector.broadcast %jit3A_1612 : i32 to vector<40x128xi32>
    %select_n3A_1614 = arith.select %gt3A_1610, %broadcast_in_dim3A_1613, %select_n3A_1573 : vector<40x128xi1>, vector<40x128xi32>
    %get3A_1615 = arith.constant 39 : index
    %get3A_1616 = arith.constant 0 : index
    %get3A_1617 = memref.load %arg2[%get3A_1615, %get3A_1616] : memref<64x4xf32, #tpu.memory_space<smem>>
    %get3A_1618 = arith.constant 39 : index
    %get3A_1619 = arith.constant 1 : index
    %get3A_1620 = memref.load %arg2[%get3A_1618, %get3A_1619] : memref<64x4xf32, #tpu.memory_space<smem>>
    %get3A_1621 = arith.constant 39 : index
    %get3A_1622 = arith.constant 2 : index
    %get3A_1623 = memref.load %arg2[%get3A_1621, %get3A_1622] : memref<64x4xf32, #tpu.memory_space<smem>>
    %get3A_1624 = arith.constant 39 : index
    %get3A_1625 = arith.constant 3 : index
    %get3A_1626 = memref.load %arg2[%get3A_1624, %get3A_1625] : memref<64x4xf32, #tpu.memory_space<smem>>
    %sub3A_1627 = arith.subf %get3A_1623, %get3A_1617 : f32
    %sub3A_1628 = arith.subf %get3A_1626, %get3A_1620 : f32
    %mul3A_1629 = arith.mulf %sub3A_1627, %sub3A_1628 : f32
    %min3A_1630 = vector.broadcast %get3A_1623 : f32 to vector<40x128xf32>
    %min3A_1631 = arith.minimumf %min3A_1630, %get3A_13 : vector<40x128xf32>
    %max3A_1632 = vector.broadcast %get3A_1617 : f32 to vector<40x128xf32>
    %max3A_1633 = arith.maximumf %max3A_1632, %get3A_3 : vector<40x128xf32>
    %sub3A_1634 = arith.subf %min3A_1631, %max3A_1633 : vector<40x128xf32>
    %max3A_1635 = arith.constant 0.000000e+00 : f32
    %max3A_1636 = vector.broadcast %max3A_1635 : f32 to vector<40x128xf32>
    %max3A_1637 = arith.maximumf %sub3A_1634, %max3A_1636 : vector<40x128xf32>
    %min3A_1638 = vector.broadcast %get3A_1626 : f32 to vector<40x128xf32>
    %min3A_1639 = arith.minimumf %min3A_1638, %get3A_18 : vector<40x128xf32>
    %max3A_1640 = vector.broadcast %get3A_1620 : f32 to vector<40x128xf32>
    %max3A_1641 = arith.maximumf %max3A_1640, %get3A_8 : vector<40x128xf32>
    %sub3A_1642 = arith.subf %min3A_1639, %max3A_1641 : vector<40x128xf32>
    %max3A_1643 = arith.constant 0.000000e+00 : f32
    %max3A_1644 = vector.broadcast %max3A_1643 : f32 to vector<40x128xf32>
    %max3A_1645 = arith.maximumf %sub3A_1642, %max3A_1644 : vector<40x128xf32>
    %mul3A_1646 = arith.mulf %max3A_1637, %max3A_1645 : vector<40x128xf32>
    %add3A_1647 = vector.broadcast %mul3A_1629 : f32 to vector<40x128xf32>
    %add3A_1648 = arith.addf %add3A_1647, %mul3A : vector<40x128xf32>
    %sub3A_1649 = arith.subf %add3A_1648, %mul3A_1646 : vector<40x128xf32>
    %div3A_1650 = arith.divf %mul3A_1646, %sub3A_1649 : vector<40x128xf32>
    %gt3A_1651 = arith.cmpf ogt, %div3A_1650, %select_n3A_1611 : vector<40x128xf32>
    %select_n3A_1652 = arith.select %gt3A_1651, %div3A_1650, %select_n3A_1611 : vector<40x128xi1>, vector<40x128xf32>
    %jit3A_1653 = arith.constant 39 : i32
    %broadcast_in_dim3A_1654 = vector.broadcast %jit3A_1653 : i32 to vector<40x128xi32>
    %select_n3A_1655 = arith.select %gt3A_1651, %broadcast_in_dim3A_1654, %select_n3A_1614 : vector<40x128xi1>, vector<40x128xi32>
    %get3A_1656 = arith.constant 40 : index
    %get3A_1657 = arith.constant 0 : index
    %get3A_1658 = memref.load %arg2[%get3A_1656, %get3A_1657] : memref<64x4xf32, #tpu.memory_space<smem>>
    %get3A_1659 = arith.constant 40 : index
    %get3A_1660 = arith.constant 1 : index
    %get3A_1661 = memref.load %arg2[%get3A_1659, %get3A_1660] : memref<64x4xf32, #tpu.memory_space<smem>>
    %get3A_1662 = arith.constant 40 : index
    %get3A_1663 = arith.constant 2 : index
    %get3A_1664 = memref.load %arg2[%get3A_1662, %get3A_1663] : memref<64x4xf32, #tpu.memory_space<smem>>
    %get3A_1665 = arith.constant 40 : index
    %get3A_1666 = arith.constant 3 : index
    %get3A_1667 = memref.load %arg2[%get3A_1665, %get3A_1666] : memref<64x4xf32, #tpu.memory_space<smem>>
    %sub3A_1668 = arith.subf %get3A_1664, %get3A_1658 : f32
    %sub3A_1669 = arith.subf %get3A_1667, %get3A_1661 : f32
    %mul3A_1670 = arith.mulf %sub3A_1668, %sub3A_1669 : f32
    %min3A_1671 = vector.broadcast %get3A_1664 : f32 to vector<40x128xf32>
    %min3A_1672 = arith.minimumf %min3A_1671, %get3A_13 : vector<40x128xf32>
    %max3A_1673 = vector.broadcast %get3A_1658 : f32 to vector<40x128xf32>
    %max3A_1674 = arith.maximumf %max3A_1673, %get3A_3 : vector<40x128xf32>
    %sub3A_1675 = arith.subf %min3A_1672, %max3A_1674 : vector<40x128xf32>
    %max3A_1676 = arith.constant 0.000000e+00 : f32
    %max3A_1677 = vector.broadcast %max3A_1676 : f32 to vector<40x128xf32>
    %max3A_1678 = arith.maximumf %sub3A_1675, %max3A_1677 : vector<40x128xf32>
    %min3A_1679 = vector.broadcast %get3A_1667 : f32 to vector<40x128xf32>
    %min3A_1680 = arith.minimumf %min3A_1679, %get3A_18 : vector<40x128xf32>
    %max3A_1681 = vector.broadcast %get3A_1661 : f32 to vector<40x128xf32>
    %max3A_1682 = arith.maximumf %max3A_1681, %get3A_8 : vector<40x128xf32>
    %sub3A_1683 = arith.subf %min3A_1680, %max3A_1682 : vector<40x128xf32>
    %max3A_1684 = arith.constant 0.000000e+00 : f32
    %max3A_1685 = vector.broadcast %max3A_1684 : f32 to vector<40x128xf32>
    %max3A_1686 = arith.maximumf %sub3A_1683, %max3A_1685 : vector<40x128xf32>
    %mul3A_1687 = arith.mulf %max3A_1678, %max3A_1686 : vector<40x128xf32>
    %add3A_1688 = vector.broadcast %mul3A_1670 : f32 to vector<40x128xf32>
    %add3A_1689 = arith.addf %add3A_1688, %mul3A : vector<40x128xf32>
    %sub3A_1690 = arith.subf %add3A_1689, %mul3A_1687 : vector<40x128xf32>
    %div3A_1691 = arith.divf %mul3A_1687, %sub3A_1690 : vector<40x128xf32>
    %gt3A_1692 = arith.cmpf ogt, %div3A_1691, %select_n3A_1652 : vector<40x128xf32>
    %select_n3A_1693 = arith.select %gt3A_1692, %div3A_1691, %select_n3A_1652 : vector<40x128xi1>, vector<40x128xf32>
    %jit3A_1694 = arith.constant 40 : i32
    %broadcast_in_dim3A_1695 = vector.broadcast %jit3A_1694 : i32 to vector<40x128xi32>
    %select_n3A_1696 = arith.select %gt3A_1692, %broadcast_in_dim3A_1695, %select_n3A_1655 : vector<40x128xi1>, vector<40x128xi32>
    %get3A_1697 = arith.constant 41 : index
    %get3A_1698 = arith.constant 0 : index
    %get3A_1699 = memref.load %arg2[%get3A_1697, %get3A_1698] : memref<64x4xf32, #tpu.memory_space<smem>>
    %get3A_1700 = arith.constant 41 : index
    %get3A_1701 = arith.constant 1 : index
    %get3A_1702 = memref.load %arg2[%get3A_1700, %get3A_1701] : memref<64x4xf32, #tpu.memory_space<smem>>
    %get3A_1703 = arith.constant 41 : index
    %get3A_1704 = arith.constant 2 : index
    %get3A_1705 = memref.load %arg2[%get3A_1703, %get3A_1704] : memref<64x4xf32, #tpu.memory_space<smem>>
    %get3A_1706 = arith.constant 41 : index
    %get3A_1707 = arith.constant 3 : index
    %get3A_1708 = memref.load %arg2[%get3A_1706, %get3A_1707] : memref<64x4xf32, #tpu.memory_space<smem>>
    %sub3A_1709 = arith.subf %get3A_1705, %get3A_1699 : f32
    %sub3A_1710 = arith.subf %get3A_1708, %get3A_1702 : f32
    %mul3A_1711 = arith.mulf %sub3A_1709, %sub3A_1710 : f32
    %min3A_1712 = vector.broadcast %get3A_1705 : f32 to vector<40x128xf32>
    %min3A_1713 = arith.minimumf %min3A_1712, %get3A_13 : vector<40x128xf32>
    %max3A_1714 = vector.broadcast %get3A_1699 : f32 to vector<40x128xf32>
    %max3A_1715 = arith.maximumf %max3A_1714, %get3A_3 : vector<40x128xf32>
    %sub3A_1716 = arith.subf %min3A_1713, %max3A_1715 : vector<40x128xf32>
    %max3A_1717 = arith.constant 0.000000e+00 : f32
    %max3A_1718 = vector.broadcast %max3A_1717 : f32 to vector<40x128xf32>
    %max3A_1719 = arith.maximumf %sub3A_1716, %max3A_1718 : vector<40x128xf32>
    %min3A_1720 = vector.broadcast %get3A_1708 : f32 to vector<40x128xf32>
    %min3A_1721 = arith.minimumf %min3A_1720, %get3A_18 : vector<40x128xf32>
    %max3A_1722 = vector.broadcast %get3A_1702 : f32 to vector<40x128xf32>
    %max3A_1723 = arith.maximumf %max3A_1722, %get3A_8 : vector<40x128xf32>
    %sub3A_1724 = arith.subf %min3A_1721, %max3A_1723 : vector<40x128xf32>
    %max3A_1725 = arith.constant 0.000000e+00 : f32
    %max3A_1726 = vector.broadcast %max3A_1725 : f32 to vector<40x128xf32>
    %max3A_1727 = arith.maximumf %sub3A_1724, %max3A_1726 : vector<40x128xf32>
    %mul3A_1728 = arith.mulf %max3A_1719, %max3A_1727 : vector<40x128xf32>
    %add3A_1729 = vector.broadcast %mul3A_1711 : f32 to vector<40x128xf32>
    %add3A_1730 = arith.addf %add3A_1729, %mul3A : vector<40x128xf32>
    %sub3A_1731 = arith.subf %add3A_1730, %mul3A_1728 : vector<40x128xf32>
    %div3A_1732 = arith.divf %mul3A_1728, %sub3A_1731 : vector<40x128xf32>
    %gt3A_1733 = arith.cmpf ogt, %div3A_1732, %select_n3A_1693 : vector<40x128xf32>
    %select_n3A_1734 = arith.select %gt3A_1733, %div3A_1732, %select_n3A_1693 : vector<40x128xi1>, vector<40x128xf32>
    %jit3A_1735 = arith.constant 41 : i32
    %broadcast_in_dim3A_1736 = vector.broadcast %jit3A_1735 : i32 to vector<40x128xi32>
    %select_n3A_1737 = arith.select %gt3A_1733, %broadcast_in_dim3A_1736, %select_n3A_1696 : vector<40x128xi1>, vector<40x128xi32>
    %get3A_1738 = arith.constant 42 : index
    %get3A_1739 = arith.constant 0 : index
    %get3A_1740 = memref.load %arg2[%get3A_1738, %get3A_1739] : memref<64x4xf32, #tpu.memory_space<smem>>
    %get3A_1741 = arith.constant 42 : index
    %get3A_1742 = arith.constant 1 : index
    %get3A_1743 = memref.load %arg2[%get3A_1741, %get3A_1742] : memref<64x4xf32, #tpu.memory_space<smem>>
    %get3A_1744 = arith.constant 42 : index
    %get3A_1745 = arith.constant 2 : index
    %get3A_1746 = memref.load %arg2[%get3A_1744, %get3A_1745] : memref<64x4xf32, #tpu.memory_space<smem>>
    %get3A_1747 = arith.constant 42 : index
    %get3A_1748 = arith.constant 3 : index
    %get3A_1749 = memref.load %arg2[%get3A_1747, %get3A_1748] : memref<64x4xf32, #tpu.memory_space<smem>>
    %sub3A_1750 = arith.subf %get3A_1746, %get3A_1740 : f32
    %sub3A_1751 = arith.subf %get3A_1749, %get3A_1743 : f32
    %mul3A_1752 = arith.mulf %sub3A_1750, %sub3A_1751 : f32
    %min3A_1753 = vector.broadcast %get3A_1746 : f32 to vector<40x128xf32>
    %min3A_1754 = arith.minimumf %min3A_1753, %get3A_13 : vector<40x128xf32>
    %max3A_1755 = vector.broadcast %get3A_1740 : f32 to vector<40x128xf32>
    %max3A_1756 = arith.maximumf %max3A_1755, %get3A_3 : vector<40x128xf32>
    %sub3A_1757 = arith.subf %min3A_1754, %max3A_1756 : vector<40x128xf32>
    %max3A_1758 = arith.constant 0.000000e+00 : f32
    %max3A_1759 = vector.broadcast %max3A_1758 : f32 to vector<40x128xf32>
    %max3A_1760 = arith.maximumf %sub3A_1757, %max3A_1759 : vector<40x128xf32>
    %min3A_1761 = vector.broadcast %get3A_1749 : f32 to vector<40x128xf32>
    %min3A_1762 = arith.minimumf %min3A_1761, %get3A_18 : vector<40x128xf32>
    %max3A_1763 = vector.broadcast %get3A_1743 : f32 to vector<40x128xf32>
    %max3A_1764 = arith.maximumf %max3A_1763, %get3A_8 : vector<40x128xf32>
    %sub3A_1765 = arith.subf %min3A_1762, %max3A_1764 : vector<40x128xf32>
    %max3A_1766 = arith.constant 0.000000e+00 : f32
    %max3A_1767 = vector.broadcast %max3A_1766 : f32 to vector<40x128xf32>
    %max3A_1768 = arith.maximumf %sub3A_1765, %max3A_1767 : vector<40x128xf32>
    %mul3A_1769 = arith.mulf %max3A_1760, %max3A_1768 : vector<40x128xf32>
    %add3A_1770 = vector.broadcast %mul3A_1752 : f32 to vector<40x128xf32>
    %add3A_1771 = arith.addf %add3A_1770, %mul3A : vector<40x128xf32>
    %sub3A_1772 = arith.subf %add3A_1771, %mul3A_1769 : vector<40x128xf32>
    %div3A_1773 = arith.divf %mul3A_1769, %sub3A_1772 : vector<40x128xf32>
    %gt3A_1774 = arith.cmpf ogt, %div3A_1773, %select_n3A_1734 : vector<40x128xf32>
    %select_n3A_1775 = arith.select %gt3A_1774, %div3A_1773, %select_n3A_1734 : vector<40x128xi1>, vector<40x128xf32>
    %jit3A_1776 = arith.constant 42 : i32
    %broadcast_in_dim3A_1777 = vector.broadcast %jit3A_1776 : i32 to vector<40x128xi32>
    %select_n3A_1778 = arith.select %gt3A_1774, %broadcast_in_dim3A_1777, %select_n3A_1737 : vector<40x128xi1>, vector<40x128xi32>
    %get3A_1779 = arith.constant 43 : index
    %get3A_1780 = arith.constant 0 : index
    %get3A_1781 = memref.load %arg2[%get3A_1779, %get3A_1780] : memref<64x4xf32, #tpu.memory_space<smem>>
    %get3A_1782 = arith.constant 43 : index
    %get3A_1783 = arith.constant 1 : index
    %get3A_1784 = memref.load %arg2[%get3A_1782, %get3A_1783] : memref<64x4xf32, #tpu.memory_space<smem>>
    %get3A_1785 = arith.constant 43 : index
    %get3A_1786 = arith.constant 2 : index
    %get3A_1787 = memref.load %arg2[%get3A_1785, %get3A_1786] : memref<64x4xf32, #tpu.memory_space<smem>>
    %get3A_1788 = arith.constant 43 : index
    %get3A_1789 = arith.constant 3 : index
    %get3A_1790 = memref.load %arg2[%get3A_1788, %get3A_1789] : memref<64x4xf32, #tpu.memory_space<smem>>
    %sub3A_1791 = arith.subf %get3A_1787, %get3A_1781 : f32
    %sub3A_1792 = arith.subf %get3A_1790, %get3A_1784 : f32
    %mul3A_1793 = arith.mulf %sub3A_1791, %sub3A_1792 : f32
    %min3A_1794 = vector.broadcast %get3A_1787 : f32 to vector<40x128xf32>
    %min3A_1795 = arith.minimumf %min3A_1794, %get3A_13 : vector<40x128xf32>
    %max3A_1796 = vector.broadcast %get3A_1781 : f32 to vector<40x128xf32>
    %max3A_1797 = arith.maximumf %max3A_1796, %get3A_3 : vector<40x128xf32>
    %sub3A_1798 = arith.subf %min3A_1795, %max3A_1797 : vector<40x128xf32>
    %max3A_1799 = arith.constant 0.000000e+00 : f32
    %max3A_1800 = vector.broadcast %max3A_1799 : f32 to vector<40x128xf32>
    %max3A_1801 = arith.maximumf %sub3A_1798, %max3A_1800 : vector<40x128xf32>
    %min3A_1802 = vector.broadcast %get3A_1790 : f32 to vector<40x128xf32>
    %min3A_1803 = arith.minimumf %min3A_1802, %get3A_18 : vector<40x128xf32>
    %max3A_1804 = vector.broadcast %get3A_1784 : f32 to vector<40x128xf32>
    %max3A_1805 = arith.maximumf %max3A_1804, %get3A_8 : vector<40x128xf32>
    %sub3A_1806 = arith.subf %min3A_1803, %max3A_1805 : vector<40x128xf32>
    %max3A_1807 = arith.constant 0.000000e+00 : f32
    %max3A_1808 = vector.broadcast %max3A_1807 : f32 to vector<40x128xf32>
    %max3A_1809 = arith.maximumf %sub3A_1806, %max3A_1808 : vector<40x128xf32>
    %mul3A_1810 = arith.mulf %max3A_1801, %max3A_1809 : vector<40x128xf32>
    %add3A_1811 = vector.broadcast %mul3A_1793 : f32 to vector<40x128xf32>
    %add3A_1812 = arith.addf %add3A_1811, %mul3A : vector<40x128xf32>
    %sub3A_1813 = arith.subf %add3A_1812, %mul3A_1810 : vector<40x128xf32>
    %div3A_1814 = arith.divf %mul3A_1810, %sub3A_1813 : vector<40x128xf32>
    %gt3A_1815 = arith.cmpf ogt, %div3A_1814, %select_n3A_1775 : vector<40x128xf32>
    %select_n3A_1816 = arith.select %gt3A_1815, %div3A_1814, %select_n3A_1775 : vector<40x128xi1>, vector<40x128xf32>
    %jit3A_1817 = arith.constant 43 : i32
    %broadcast_in_dim3A_1818 = vector.broadcast %jit3A_1817 : i32 to vector<40x128xi32>
    %select_n3A_1819 = arith.select %gt3A_1815, %broadcast_in_dim3A_1818, %select_n3A_1778 : vector<40x128xi1>, vector<40x128xi32>
    %get3A_1820 = arith.constant 44 : index
    %get3A_1821 = arith.constant 0 : index
    %get3A_1822 = memref.load %arg2[%get3A_1820, %get3A_1821] : memref<64x4xf32, #tpu.memory_space<smem>>
    %get3A_1823 = arith.constant 44 : index
    %get3A_1824 = arith.constant 1 : index
    %get3A_1825 = memref.load %arg2[%get3A_1823, %get3A_1824] : memref<64x4xf32, #tpu.memory_space<smem>>
    %get3A_1826 = arith.constant 44 : index
    %get3A_1827 = arith.constant 2 : index
    %get3A_1828 = memref.load %arg2[%get3A_1826, %get3A_1827] : memref<64x4xf32, #tpu.memory_space<smem>>
    %get3A_1829 = arith.constant 44 : index
    %get3A_1830 = arith.constant 3 : index
    %get3A_1831 = memref.load %arg2[%get3A_1829, %get3A_1830] : memref<64x4xf32, #tpu.memory_space<smem>>
    %sub3A_1832 = arith.subf %get3A_1828, %get3A_1822 : f32
    %sub3A_1833 = arith.subf %get3A_1831, %get3A_1825 : f32
    %mul3A_1834 = arith.mulf %sub3A_1832, %sub3A_1833 : f32
    %min3A_1835 = vector.broadcast %get3A_1828 : f32 to vector<40x128xf32>
    %min3A_1836 = arith.minimumf %min3A_1835, %get3A_13 : vector<40x128xf32>
    %max3A_1837 = vector.broadcast %get3A_1822 : f32 to vector<40x128xf32>
    %max3A_1838 = arith.maximumf %max3A_1837, %get3A_3 : vector<40x128xf32>
    %sub3A_1839 = arith.subf %min3A_1836, %max3A_1838 : vector<40x128xf32>
    %max3A_1840 = arith.constant 0.000000e+00 : f32
    %max3A_1841 = vector.broadcast %max3A_1840 : f32 to vector<40x128xf32>
    %max3A_1842 = arith.maximumf %sub3A_1839, %max3A_1841 : vector<40x128xf32>
    %min3A_1843 = vector.broadcast %get3A_1831 : f32 to vector<40x128xf32>
    %min3A_1844 = arith.minimumf %min3A_1843, %get3A_18 : vector<40x128xf32>
    %max3A_1845 = vector.broadcast %get3A_1825 : f32 to vector<40x128xf32>
    %max3A_1846 = arith.maximumf %max3A_1845, %get3A_8 : vector<40x128xf32>
    %sub3A_1847 = arith.subf %min3A_1844, %max3A_1846 : vector<40x128xf32>
    %max3A_1848 = arith.constant 0.000000e+00 : f32
    %max3A_1849 = vector.broadcast %max3A_1848 : f32 to vector<40x128xf32>
    %max3A_1850 = arith.maximumf %sub3A_1847, %max3A_1849 : vector<40x128xf32>
    %mul3A_1851 = arith.mulf %max3A_1842, %max3A_1850 : vector<40x128xf32>
    %add3A_1852 = vector.broadcast %mul3A_1834 : f32 to vector<40x128xf32>
    %add3A_1853 = arith.addf %add3A_1852, %mul3A : vector<40x128xf32>
    %sub3A_1854 = arith.subf %add3A_1853, %mul3A_1851 : vector<40x128xf32>
    %div3A_1855 = arith.divf %mul3A_1851, %sub3A_1854 : vector<40x128xf32>
    %gt3A_1856 = arith.cmpf ogt, %div3A_1855, %select_n3A_1816 : vector<40x128xf32>
    %select_n3A_1857 = arith.select %gt3A_1856, %div3A_1855, %select_n3A_1816 : vector<40x128xi1>, vector<40x128xf32>
    %jit3A_1858 = arith.constant 44 : i32
    %broadcast_in_dim3A_1859 = vector.broadcast %jit3A_1858 : i32 to vector<40x128xi32>
    %select_n3A_1860 = arith.select %gt3A_1856, %broadcast_in_dim3A_1859, %select_n3A_1819 : vector<40x128xi1>, vector<40x128xi32>
    %get3A_1861 = arith.constant 45 : index
    %get3A_1862 = arith.constant 0 : index
    %get3A_1863 = memref.load %arg2[%get3A_1861, %get3A_1862] : memref<64x4xf32, #tpu.memory_space<smem>>
    %get3A_1864 = arith.constant 45 : index
    %get3A_1865 = arith.constant 1 : index
    %get3A_1866 = memref.load %arg2[%get3A_1864, %get3A_1865] : memref<64x4xf32, #tpu.memory_space<smem>>
    %get3A_1867 = arith.constant 45 : index
    %get3A_1868 = arith.constant 2 : index
    %get3A_1869 = memref.load %arg2[%get3A_1867, %get3A_1868] : memref<64x4xf32, #tpu.memory_space<smem>>
    %get3A_1870 = arith.constant 45 : index
    %get3A_1871 = arith.constant 3 : index
    %get3A_1872 = memref.load %arg2[%get3A_1870, %get3A_1871] : memref<64x4xf32, #tpu.memory_space<smem>>
    %sub3A_1873 = arith.subf %get3A_1869, %get3A_1863 : f32
    %sub3A_1874 = arith.subf %get3A_1872, %get3A_1866 : f32
    %mul3A_1875 = arith.mulf %sub3A_1873, %sub3A_1874 : f32
    %min3A_1876 = vector.broadcast %get3A_1869 : f32 to vector<40x128xf32>
    %min3A_1877 = arith.minimumf %min3A_1876, %get3A_13 : vector<40x128xf32>
    %max3A_1878 = vector.broadcast %get3A_1863 : f32 to vector<40x128xf32>
    %max3A_1879 = arith.maximumf %max3A_1878, %get3A_3 : vector<40x128xf32>
    %sub3A_1880 = arith.subf %min3A_1877, %max3A_1879 : vector<40x128xf32>
    %max3A_1881 = arith.constant 0.000000e+00 : f32
    %max3A_1882 = vector.broadcast %max3A_1881 : f32 to vector<40x128xf32>
    %max3A_1883 = arith.maximumf %sub3A_1880, %max3A_1882 : vector<40x128xf32>
    %min3A_1884 = vector.broadcast %get3A_1872 : f32 to vector<40x128xf32>
    %min3A_1885 = arith.minimumf %min3A_1884, %get3A_18 : vector<40x128xf32>
    %max3A_1886 = vector.broadcast %get3A_1866 : f32 to vector<40x128xf32>
    %max3A_1887 = arith.maximumf %max3A_1886, %get3A_8 : vector<40x128xf32>
    %sub3A_1888 = arith.subf %min3A_1885, %max3A_1887 : vector<40x128xf32>
    %max3A_1889 = arith.constant 0.000000e+00 : f32
    %max3A_1890 = vector.broadcast %max3A_1889 : f32 to vector<40x128xf32>
    %max3A_1891 = arith.maximumf %sub3A_1888, %max3A_1890 : vector<40x128xf32>
    %mul3A_1892 = arith.mulf %max3A_1883, %max3A_1891 : vector<40x128xf32>
    %add3A_1893 = vector.broadcast %mul3A_1875 : f32 to vector<40x128xf32>
    %add3A_1894 = arith.addf %add3A_1893, %mul3A : vector<40x128xf32>
    %sub3A_1895 = arith.subf %add3A_1894, %mul3A_1892 : vector<40x128xf32>
    %div3A_1896 = arith.divf %mul3A_1892, %sub3A_1895 : vector<40x128xf32>
    %gt3A_1897 = arith.cmpf ogt, %div3A_1896, %select_n3A_1857 : vector<40x128xf32>
    %select_n3A_1898 = arith.select %gt3A_1897, %div3A_1896, %select_n3A_1857 : vector<40x128xi1>, vector<40x128xf32>
    %jit3A_1899 = arith.constant 45 : i32
    %broadcast_in_dim3A_1900 = vector.broadcast %jit3A_1899 : i32 to vector<40x128xi32>
    %select_n3A_1901 = arith.select %gt3A_1897, %broadcast_in_dim3A_1900, %select_n3A_1860 : vector<40x128xi1>, vector<40x128xi32>
    %get3A_1902 = arith.constant 46 : index
    %get3A_1903 = arith.constant 0 : index
    %get3A_1904 = memref.load %arg2[%get3A_1902, %get3A_1903] : memref<64x4xf32, #tpu.memory_space<smem>>
    %get3A_1905 = arith.constant 46 : index
    %get3A_1906 = arith.constant 1 : index
    %get3A_1907 = memref.load %arg2[%get3A_1905, %get3A_1906] : memref<64x4xf32, #tpu.memory_space<smem>>
    %get3A_1908 = arith.constant 46 : index
    %get3A_1909 = arith.constant 2 : index
    %get3A_1910 = memref.load %arg2[%get3A_1908, %get3A_1909] : memref<64x4xf32, #tpu.memory_space<smem>>
    %get3A_1911 = arith.constant 46 : index
    %get3A_1912 = arith.constant 3 : index
    %get3A_1913 = memref.load %arg2[%get3A_1911, %get3A_1912] : memref<64x4xf32, #tpu.memory_space<smem>>
    %sub3A_1914 = arith.subf %get3A_1910, %get3A_1904 : f32
    %sub3A_1915 = arith.subf %get3A_1913, %get3A_1907 : f32
    %mul3A_1916 = arith.mulf %sub3A_1914, %sub3A_1915 : f32
    %min3A_1917 = vector.broadcast %get3A_1910 : f32 to vector<40x128xf32>
    %min3A_1918 = arith.minimumf %min3A_1917, %get3A_13 : vector<40x128xf32>
    %max3A_1919 = vector.broadcast %get3A_1904 : f32 to vector<40x128xf32>
    %max3A_1920 = arith.maximumf %max3A_1919, %get3A_3 : vector<40x128xf32>
    %sub3A_1921 = arith.subf %min3A_1918, %max3A_1920 : vector<40x128xf32>
    %max3A_1922 = arith.constant 0.000000e+00 : f32
    %max3A_1923 = vector.broadcast %max3A_1922 : f32 to vector<40x128xf32>
    %max3A_1924 = arith.maximumf %sub3A_1921, %max3A_1923 : vector<40x128xf32>
    %min3A_1925 = vector.broadcast %get3A_1913 : f32 to vector<40x128xf32>
    %min3A_1926 = arith.minimumf %min3A_1925, %get3A_18 : vector<40x128xf32>
    %max3A_1927 = vector.broadcast %get3A_1907 : f32 to vector<40x128xf32>
    %max3A_1928 = arith.maximumf %max3A_1927, %get3A_8 : vector<40x128xf32>
    %sub3A_1929 = arith.subf %min3A_1926, %max3A_1928 : vector<40x128xf32>
    %max3A_1930 = arith.constant 0.000000e+00 : f32
    %max3A_1931 = vector.broadcast %max3A_1930 : f32 to vector<40x128xf32>
    %max3A_1932 = arith.maximumf %sub3A_1929, %max3A_1931 : vector<40x128xf32>
    %mul3A_1933 = arith.mulf %max3A_1924, %max3A_1932 : vector<40x128xf32>
    %add3A_1934 = vector.broadcast %mul3A_1916 : f32 to vector<40x128xf32>
    %add3A_1935 = arith.addf %add3A_1934, %mul3A : vector<40x128xf32>
    %sub3A_1936 = arith.subf %add3A_1935, %mul3A_1933 : vector<40x128xf32>
    %div3A_1937 = arith.divf %mul3A_1933, %sub3A_1936 : vector<40x128xf32>
    %gt3A_1938 = arith.cmpf ogt, %div3A_1937, %select_n3A_1898 : vector<40x128xf32>
    %select_n3A_1939 = arith.select %gt3A_1938, %div3A_1937, %select_n3A_1898 : vector<40x128xi1>, vector<40x128xf32>
    %jit3A_1940 = arith.constant 46 : i32
    %broadcast_in_dim3A_1941 = vector.broadcast %jit3A_1940 : i32 to vector<40x128xi32>
    %select_n3A_1942 = arith.select %gt3A_1938, %broadcast_in_dim3A_1941, %select_n3A_1901 : vector<40x128xi1>, vector<40x128xi32>
    %get3A_1943 = arith.constant 47 : index
    %get3A_1944 = arith.constant 0 : index
    %get3A_1945 = memref.load %arg2[%get3A_1943, %get3A_1944] : memref<64x4xf32, #tpu.memory_space<smem>>
    %get3A_1946 = arith.constant 47 : index
    %get3A_1947 = arith.constant 1 : index
    %get3A_1948 = memref.load %arg2[%get3A_1946, %get3A_1947] : memref<64x4xf32, #tpu.memory_space<smem>>
    %get3A_1949 = arith.constant 47 : index
    %get3A_1950 = arith.constant 2 : index
    %get3A_1951 = memref.load %arg2[%get3A_1949, %get3A_1950] : memref<64x4xf32, #tpu.memory_space<smem>>
    %get3A_1952 = arith.constant 47 : index
    %get3A_1953 = arith.constant 3 : index
    %get3A_1954 = memref.load %arg2[%get3A_1952, %get3A_1953] : memref<64x4xf32, #tpu.memory_space<smem>>
    %sub3A_1955 = arith.subf %get3A_1951, %get3A_1945 : f32
    %sub3A_1956 = arith.subf %get3A_1954, %get3A_1948 : f32
    %mul3A_1957 = arith.mulf %sub3A_1955, %sub3A_1956 : f32
    %min3A_1958 = vector.broadcast %get3A_1951 : f32 to vector<40x128xf32>
    %min3A_1959 = arith.minimumf %min3A_1958, %get3A_13 : vector<40x128xf32>
    %max3A_1960 = vector.broadcast %get3A_1945 : f32 to vector<40x128xf32>
    %max3A_1961 = arith.maximumf %max3A_1960, %get3A_3 : vector<40x128xf32>
    %sub3A_1962 = arith.subf %min3A_1959, %max3A_1961 : vector<40x128xf32>
    %max3A_1963 = arith.constant 0.000000e+00 : f32
    %max3A_1964 = vector.broadcast %max3A_1963 : f32 to vector<40x128xf32>
    %max3A_1965 = arith.maximumf %sub3A_1962, %max3A_1964 : vector<40x128xf32>
    %min3A_1966 = vector.broadcast %get3A_1954 : f32 to vector<40x128xf32>
    %min3A_1967 = arith.minimumf %min3A_1966, %get3A_18 : vector<40x128xf32>
    %max3A_1968 = vector.broadcast %get3A_1948 : f32 to vector<40x128xf32>
    %max3A_1969 = arith.maximumf %max3A_1968, %get3A_8 : vector<40x128xf32>
    %sub3A_1970 = arith.subf %min3A_1967, %max3A_1969 : vector<40x128xf32>
    %max3A_1971 = arith.constant 0.000000e+00 : f32
    %max3A_1972 = vector.broadcast %max3A_1971 : f32 to vector<40x128xf32>
    %max3A_1973 = arith.maximumf %sub3A_1970, %max3A_1972 : vector<40x128xf32>
    %mul3A_1974 = arith.mulf %max3A_1965, %max3A_1973 : vector<40x128xf32>
    %add3A_1975 = vector.broadcast %mul3A_1957 : f32 to vector<40x128xf32>
    %add3A_1976 = arith.addf %add3A_1975, %mul3A : vector<40x128xf32>
    %sub3A_1977 = arith.subf %add3A_1976, %mul3A_1974 : vector<40x128xf32>
    %div3A_1978 = arith.divf %mul3A_1974, %sub3A_1977 : vector<40x128xf32>
    %gt3A_1979 = arith.cmpf ogt, %div3A_1978, %select_n3A_1939 : vector<40x128xf32>
    %select_n3A_1980 = arith.select %gt3A_1979, %div3A_1978, %select_n3A_1939 : vector<40x128xi1>, vector<40x128xf32>
    %jit3A_1981 = arith.constant 47 : i32
    %broadcast_in_dim3A_1982 = vector.broadcast %jit3A_1981 : i32 to vector<40x128xi32>
    %select_n3A_1983 = arith.select %gt3A_1979, %broadcast_in_dim3A_1982, %select_n3A_1942 : vector<40x128xi1>, vector<40x128xi32>
    %get3A_1984 = arith.constant 48 : index
    %get3A_1985 = arith.constant 0 : index
    %get3A_1986 = memref.load %arg2[%get3A_1984, %get3A_1985] : memref<64x4xf32, #tpu.memory_space<smem>>
    %get3A_1987 = arith.constant 48 : index
    %get3A_1988 = arith.constant 1 : index
    %get3A_1989 = memref.load %arg2[%get3A_1987, %get3A_1988] : memref<64x4xf32, #tpu.memory_space<smem>>
    %get3A_1990 = arith.constant 48 : index
    %get3A_1991 = arith.constant 2 : index
    %get3A_1992 = memref.load %arg2[%get3A_1990, %get3A_1991] : memref<64x4xf32, #tpu.memory_space<smem>>
    %get3A_1993 = arith.constant 48 : index
    %get3A_1994 = arith.constant 3 : index
    %get3A_1995 = memref.load %arg2[%get3A_1993, %get3A_1994] : memref<64x4xf32, #tpu.memory_space<smem>>
    %sub3A_1996 = arith.subf %get3A_1992, %get3A_1986 : f32
    %sub3A_1997 = arith.subf %get3A_1995, %get3A_1989 : f32
    %mul3A_1998 = arith.mulf %sub3A_1996, %sub3A_1997 : f32
    %min3A_1999 = vector.broadcast %get3A_1992 : f32 to vector<40x128xf32>
    %min3A_2000 = arith.minimumf %min3A_1999, %get3A_13 : vector<40x128xf32>
    %max3A_2001 = vector.broadcast %get3A_1986 : f32 to vector<40x128xf32>
    %max3A_2002 = arith.maximumf %max3A_2001, %get3A_3 : vector<40x128xf32>
    %sub3A_2003 = arith.subf %min3A_2000, %max3A_2002 : vector<40x128xf32>
    %max3A_2004 = arith.constant 0.000000e+00 : f32
    %max3A_2005 = vector.broadcast %max3A_2004 : f32 to vector<40x128xf32>
    %max3A_2006 = arith.maximumf %sub3A_2003, %max3A_2005 : vector<40x128xf32>
    %min3A_2007 = vector.broadcast %get3A_1995 : f32 to vector<40x128xf32>
    %min3A_2008 = arith.minimumf %min3A_2007, %get3A_18 : vector<40x128xf32>
    %max3A_2009 = vector.broadcast %get3A_1989 : f32 to vector<40x128xf32>
    %max3A_2010 = arith.maximumf %max3A_2009, %get3A_8 : vector<40x128xf32>
    %sub3A_2011 = arith.subf %min3A_2008, %max3A_2010 : vector<40x128xf32>
    %max3A_2012 = arith.constant 0.000000e+00 : f32
    %max3A_2013 = vector.broadcast %max3A_2012 : f32 to vector<40x128xf32>
    %max3A_2014 = arith.maximumf %sub3A_2011, %max3A_2013 : vector<40x128xf32>
    %mul3A_2015 = arith.mulf %max3A_2006, %max3A_2014 : vector<40x128xf32>
    %add3A_2016 = vector.broadcast %mul3A_1998 : f32 to vector<40x128xf32>
    %add3A_2017 = arith.addf %add3A_2016, %mul3A : vector<40x128xf32>
    %sub3A_2018 = arith.subf %add3A_2017, %mul3A_2015 : vector<40x128xf32>
    %div3A_2019 = arith.divf %mul3A_2015, %sub3A_2018 : vector<40x128xf32>
    %gt3A_2020 = arith.cmpf ogt, %div3A_2019, %select_n3A_1980 : vector<40x128xf32>
    %select_n3A_2021 = arith.select %gt3A_2020, %div3A_2019, %select_n3A_1980 : vector<40x128xi1>, vector<40x128xf32>
    %jit3A_2022 = arith.constant 48 : i32
    %broadcast_in_dim3A_2023 = vector.broadcast %jit3A_2022 : i32 to vector<40x128xi32>
    %select_n3A_2024 = arith.select %gt3A_2020, %broadcast_in_dim3A_2023, %select_n3A_1983 : vector<40x128xi1>, vector<40x128xi32>
    %get3A_2025 = arith.constant 49 : index
    %get3A_2026 = arith.constant 0 : index
    %get3A_2027 = memref.load %arg2[%get3A_2025, %get3A_2026] : memref<64x4xf32, #tpu.memory_space<smem>>
    %get3A_2028 = arith.constant 49 : index
    %get3A_2029 = arith.constant 1 : index
    %get3A_2030 = memref.load %arg2[%get3A_2028, %get3A_2029] : memref<64x4xf32, #tpu.memory_space<smem>>
    %get3A_2031 = arith.constant 49 : index
    %get3A_2032 = arith.constant 2 : index
    %get3A_2033 = memref.load %arg2[%get3A_2031, %get3A_2032] : memref<64x4xf32, #tpu.memory_space<smem>>
    %get3A_2034 = arith.constant 49 : index
    %get3A_2035 = arith.constant 3 : index
    %get3A_2036 = memref.load %arg2[%get3A_2034, %get3A_2035] : memref<64x4xf32, #tpu.memory_space<smem>>
    %sub3A_2037 = arith.subf %get3A_2033, %get3A_2027 : f32
    %sub3A_2038 = arith.subf %get3A_2036, %get3A_2030 : f32
    %mul3A_2039 = arith.mulf %sub3A_2037, %sub3A_2038 : f32
    %min3A_2040 = vector.broadcast %get3A_2033 : f32 to vector<40x128xf32>
    %min3A_2041 = arith.minimumf %min3A_2040, %get3A_13 : vector<40x128xf32>
    %max3A_2042 = vector.broadcast %get3A_2027 : f32 to vector<40x128xf32>
    %max3A_2043 = arith.maximumf %max3A_2042, %get3A_3 : vector<40x128xf32>
    %sub3A_2044 = arith.subf %min3A_2041, %max3A_2043 : vector<40x128xf32>
    %max3A_2045 = arith.constant 0.000000e+00 : f32
    %max3A_2046 = vector.broadcast %max3A_2045 : f32 to vector<40x128xf32>
    %max3A_2047 = arith.maximumf %sub3A_2044, %max3A_2046 : vector<40x128xf32>
    %min3A_2048 = vector.broadcast %get3A_2036 : f32 to vector<40x128xf32>
    %min3A_2049 = arith.minimumf %min3A_2048, %get3A_18 : vector<40x128xf32>
    %max3A_2050 = vector.broadcast %get3A_2030 : f32 to vector<40x128xf32>
    %max3A_2051 = arith.maximumf %max3A_2050, %get3A_8 : vector<40x128xf32>
    %sub3A_2052 = arith.subf %min3A_2049, %max3A_2051 : vector<40x128xf32>
    %max3A_2053 = arith.constant 0.000000e+00 : f32
    %max3A_2054 = vector.broadcast %max3A_2053 : f32 to vector<40x128xf32>
    %max3A_2055 = arith.maximumf %sub3A_2052, %max3A_2054 : vector<40x128xf32>
    %mul3A_2056 = arith.mulf %max3A_2047, %max3A_2055 : vector<40x128xf32>
    %add3A_2057 = vector.broadcast %mul3A_2039 : f32 to vector<40x128xf32>
    %add3A_2058 = arith.addf %add3A_2057, %mul3A : vector<40x128xf32>
    %sub3A_2059 = arith.subf %add3A_2058, %mul3A_2056 : vector<40x128xf32>
    %div3A_2060 = arith.divf %mul3A_2056, %sub3A_2059 : vector<40x128xf32>
    %gt3A_2061 = arith.cmpf ogt, %div3A_2060, %select_n3A_2021 : vector<40x128xf32>
    %select_n3A_2062 = arith.select %gt3A_2061, %div3A_2060, %select_n3A_2021 : vector<40x128xi1>, vector<40x128xf32>
    %jit3A_2063 = arith.constant 49 : i32
    %broadcast_in_dim3A_2064 = vector.broadcast %jit3A_2063 : i32 to vector<40x128xi32>
    %select_n3A_2065 = arith.select %gt3A_2061, %broadcast_in_dim3A_2064, %select_n3A_2024 : vector<40x128xi1>, vector<40x128xi32>
    %get3A_2066 = arith.constant 50 : index
    %get3A_2067 = arith.constant 0 : index
    %get3A_2068 = memref.load %arg2[%get3A_2066, %get3A_2067] : memref<64x4xf32, #tpu.memory_space<smem>>
    %get3A_2069 = arith.constant 50 : index
    %get3A_2070 = arith.constant 1 : index
    %get3A_2071 = memref.load %arg2[%get3A_2069, %get3A_2070] : memref<64x4xf32, #tpu.memory_space<smem>>
    %get3A_2072 = arith.constant 50 : index
    %get3A_2073 = arith.constant 2 : index
    %get3A_2074 = memref.load %arg2[%get3A_2072, %get3A_2073] : memref<64x4xf32, #tpu.memory_space<smem>>
    %get3A_2075 = arith.constant 50 : index
    %get3A_2076 = arith.constant 3 : index
    %get3A_2077 = memref.load %arg2[%get3A_2075, %get3A_2076] : memref<64x4xf32, #tpu.memory_space<smem>>
    %sub3A_2078 = arith.subf %get3A_2074, %get3A_2068 : f32
    %sub3A_2079 = arith.subf %get3A_2077, %get3A_2071 : f32
    %mul3A_2080 = arith.mulf %sub3A_2078, %sub3A_2079 : f32
    %min3A_2081 = vector.broadcast %get3A_2074 : f32 to vector<40x128xf32>
    %min3A_2082 = arith.minimumf %min3A_2081, %get3A_13 : vector<40x128xf32>
    %max3A_2083 = vector.broadcast %get3A_2068 : f32 to vector<40x128xf32>
    %max3A_2084 = arith.maximumf %max3A_2083, %get3A_3 : vector<40x128xf32>
    %sub3A_2085 = arith.subf %min3A_2082, %max3A_2084 : vector<40x128xf32>
    %max3A_2086 = arith.constant 0.000000e+00 : f32
    %max3A_2087 = vector.broadcast %max3A_2086 : f32 to vector<40x128xf32>
    %max3A_2088 = arith.maximumf %sub3A_2085, %max3A_2087 : vector<40x128xf32>
    %min3A_2089 = vector.broadcast %get3A_2077 : f32 to vector<40x128xf32>
    %min3A_2090 = arith.minimumf %min3A_2089, %get3A_18 : vector<40x128xf32>
    %max3A_2091 = vector.broadcast %get3A_2071 : f32 to vector<40x128xf32>
    %max3A_2092 = arith.maximumf %max3A_2091, %get3A_8 : vector<40x128xf32>
    %sub3A_2093 = arith.subf %min3A_2090, %max3A_2092 : vector<40x128xf32>
    %max3A_2094 = arith.constant 0.000000e+00 : f32
    %max3A_2095 = vector.broadcast %max3A_2094 : f32 to vector<40x128xf32>
    %max3A_2096 = arith.maximumf %sub3A_2093, %max3A_2095 : vector<40x128xf32>
    %mul3A_2097 = arith.mulf %max3A_2088, %max3A_2096 : vector<40x128xf32>
    %add3A_2098 = vector.broadcast %mul3A_2080 : f32 to vector<40x128xf32>
    %add3A_2099 = arith.addf %add3A_2098, %mul3A : vector<40x128xf32>
    %sub3A_2100 = arith.subf %add3A_2099, %mul3A_2097 : vector<40x128xf32>
    %div3A_2101 = arith.divf %mul3A_2097, %sub3A_2100 : vector<40x128xf32>
    %gt3A_2102 = arith.cmpf ogt, %div3A_2101, %select_n3A_2062 : vector<40x128xf32>
    %select_n3A_2103 = arith.select %gt3A_2102, %div3A_2101, %select_n3A_2062 : vector<40x128xi1>, vector<40x128xf32>
    %jit3A_2104 = arith.constant 50 : i32
    %broadcast_in_dim3A_2105 = vector.broadcast %jit3A_2104 : i32 to vector<40x128xi32>
    %select_n3A_2106 = arith.select %gt3A_2102, %broadcast_in_dim3A_2105, %select_n3A_2065 : vector<40x128xi1>, vector<40x128xi32>
    %get3A_2107 = arith.constant 51 : index
    %get3A_2108 = arith.constant 0 : index
    %get3A_2109 = memref.load %arg2[%get3A_2107, %get3A_2108] : memref<64x4xf32, #tpu.memory_space<smem>>
    %get3A_2110 = arith.constant 51 : index
    %get3A_2111 = arith.constant 1 : index
    %get3A_2112 = memref.load %arg2[%get3A_2110, %get3A_2111] : memref<64x4xf32, #tpu.memory_space<smem>>
    %get3A_2113 = arith.constant 51 : index
    %get3A_2114 = arith.constant 2 : index
    %get3A_2115 = memref.load %arg2[%get3A_2113, %get3A_2114] : memref<64x4xf32, #tpu.memory_space<smem>>
    %get3A_2116 = arith.constant 51 : index
    %get3A_2117 = arith.constant 3 : index
    %get3A_2118 = memref.load %arg2[%get3A_2116, %get3A_2117] : memref<64x4xf32, #tpu.memory_space<smem>>
    %sub3A_2119 = arith.subf %get3A_2115, %get3A_2109 : f32
    %sub3A_2120 = arith.subf %get3A_2118, %get3A_2112 : f32
    %mul3A_2121 = arith.mulf %sub3A_2119, %sub3A_2120 : f32
    %min3A_2122 = vector.broadcast %get3A_2115 : f32 to vector<40x128xf32>
    %min3A_2123 = arith.minimumf %min3A_2122, %get3A_13 : vector<40x128xf32>
    %max3A_2124 = vector.broadcast %get3A_2109 : f32 to vector<40x128xf32>
    %max3A_2125 = arith.maximumf %max3A_2124, %get3A_3 : vector<40x128xf32>
    %sub3A_2126 = arith.subf %min3A_2123, %max3A_2125 : vector<40x128xf32>
    %max3A_2127 = arith.constant 0.000000e+00 : f32
    %max3A_2128 = vector.broadcast %max3A_2127 : f32 to vector<40x128xf32>
    %max3A_2129 = arith.maximumf %sub3A_2126, %max3A_2128 : vector<40x128xf32>
    %min3A_2130 = vector.broadcast %get3A_2118 : f32 to vector<40x128xf32>
    %min3A_2131 = arith.minimumf %min3A_2130, %get3A_18 : vector<40x128xf32>
    %max3A_2132 = vector.broadcast %get3A_2112 : f32 to vector<40x128xf32>
    %max3A_2133 = arith.maximumf %max3A_2132, %get3A_8 : vector<40x128xf32>
    %sub3A_2134 = arith.subf %min3A_2131, %max3A_2133 : vector<40x128xf32>
    %max3A_2135 = arith.constant 0.000000e+00 : f32
    %max3A_2136 = vector.broadcast %max3A_2135 : f32 to vector<40x128xf32>
    %max3A_2137 = arith.maximumf %sub3A_2134, %max3A_2136 : vector<40x128xf32>
    %mul3A_2138 = arith.mulf %max3A_2129, %max3A_2137 : vector<40x128xf32>
    %add3A_2139 = vector.broadcast %mul3A_2121 : f32 to vector<40x128xf32>
    %add3A_2140 = arith.addf %add3A_2139, %mul3A : vector<40x128xf32>
    %sub3A_2141 = arith.subf %add3A_2140, %mul3A_2138 : vector<40x128xf32>
    %div3A_2142 = arith.divf %mul3A_2138, %sub3A_2141 : vector<40x128xf32>
    %gt3A_2143 = arith.cmpf ogt, %div3A_2142, %select_n3A_2103 : vector<40x128xf32>
    %select_n3A_2144 = arith.select %gt3A_2143, %div3A_2142, %select_n3A_2103 : vector<40x128xi1>, vector<40x128xf32>
    %jit3A_2145 = arith.constant 51 : i32
    %broadcast_in_dim3A_2146 = vector.broadcast %jit3A_2145 : i32 to vector<40x128xi32>
    %select_n3A_2147 = arith.select %gt3A_2143, %broadcast_in_dim3A_2146, %select_n3A_2106 : vector<40x128xi1>, vector<40x128xi32>
    %get3A_2148 = arith.constant 52 : index
    %get3A_2149 = arith.constant 0 : index
    %get3A_2150 = memref.load %arg2[%get3A_2148, %get3A_2149] : memref<64x4xf32, #tpu.memory_space<smem>>
    %get3A_2151 = arith.constant 52 : index
    %get3A_2152 = arith.constant 1 : index
    %get3A_2153 = memref.load %arg2[%get3A_2151, %get3A_2152] : memref<64x4xf32, #tpu.memory_space<smem>>
    %get3A_2154 = arith.constant 52 : index
    %get3A_2155 = arith.constant 2 : index
    %get3A_2156 = memref.load %arg2[%get3A_2154, %get3A_2155] : memref<64x4xf32, #tpu.memory_space<smem>>
    %get3A_2157 = arith.constant 52 : index
    %get3A_2158 = arith.constant 3 : index
    %get3A_2159 = memref.load %arg2[%get3A_2157, %get3A_2158] : memref<64x4xf32, #tpu.memory_space<smem>>
    %sub3A_2160 = arith.subf %get3A_2156, %get3A_2150 : f32
    %sub3A_2161 = arith.subf %get3A_2159, %get3A_2153 : f32
    %mul3A_2162 = arith.mulf %sub3A_2160, %sub3A_2161 : f32
    %min3A_2163 = vector.broadcast %get3A_2156 : f32 to vector<40x128xf32>
    %min3A_2164 = arith.minimumf %min3A_2163, %get3A_13 : vector<40x128xf32>
    %max3A_2165 = vector.broadcast %get3A_2150 : f32 to vector<40x128xf32>
    %max3A_2166 = arith.maximumf %max3A_2165, %get3A_3 : vector<40x128xf32>
    %sub3A_2167 = arith.subf %min3A_2164, %max3A_2166 : vector<40x128xf32>
    %max3A_2168 = arith.constant 0.000000e+00 : f32
    %max3A_2169 = vector.broadcast %max3A_2168 : f32 to vector<40x128xf32>
    %max3A_2170 = arith.maximumf %sub3A_2167, %max3A_2169 : vector<40x128xf32>
    %min3A_2171 = vector.broadcast %get3A_2159 : f32 to vector<40x128xf32>
    %min3A_2172 = arith.minimumf %min3A_2171, %get3A_18 : vector<40x128xf32>
    %max3A_2173 = vector.broadcast %get3A_2153 : f32 to vector<40x128xf32>
    %max3A_2174 = arith.maximumf %max3A_2173, %get3A_8 : vector<40x128xf32>
    %sub3A_2175 = arith.subf %min3A_2172, %max3A_2174 : vector<40x128xf32>
    %max3A_2176 = arith.constant 0.000000e+00 : f32
    %max3A_2177 = vector.broadcast %max3A_2176 : f32 to vector<40x128xf32>
    %max3A_2178 = arith.maximumf %sub3A_2175, %max3A_2177 : vector<40x128xf32>
    %mul3A_2179 = arith.mulf %max3A_2170, %max3A_2178 : vector<40x128xf32>
    %add3A_2180 = vector.broadcast %mul3A_2162 : f32 to vector<40x128xf32>
    %add3A_2181 = arith.addf %add3A_2180, %mul3A : vector<40x128xf32>
    %sub3A_2182 = arith.subf %add3A_2181, %mul3A_2179 : vector<40x128xf32>
    %div3A_2183 = arith.divf %mul3A_2179, %sub3A_2182 : vector<40x128xf32>
    %gt3A_2184 = arith.cmpf ogt, %div3A_2183, %select_n3A_2144 : vector<40x128xf32>
    %select_n3A_2185 = arith.select %gt3A_2184, %div3A_2183, %select_n3A_2144 : vector<40x128xi1>, vector<40x128xf32>
    %jit3A_2186 = arith.constant 52 : i32
    %broadcast_in_dim3A_2187 = vector.broadcast %jit3A_2186 : i32 to vector<40x128xi32>
    %select_n3A_2188 = arith.select %gt3A_2184, %broadcast_in_dim3A_2187, %select_n3A_2147 : vector<40x128xi1>, vector<40x128xi32>
    %get3A_2189 = arith.constant 53 : index
    %get3A_2190 = arith.constant 0 : index
    %get3A_2191 = memref.load %arg2[%get3A_2189, %get3A_2190] : memref<64x4xf32, #tpu.memory_space<smem>>
    %get3A_2192 = arith.constant 53 : index
    %get3A_2193 = arith.constant 1 : index
    %get3A_2194 = memref.load %arg2[%get3A_2192, %get3A_2193] : memref<64x4xf32, #tpu.memory_space<smem>>
    %get3A_2195 = arith.constant 53 : index
    %get3A_2196 = arith.constant 2 : index
    %get3A_2197 = memref.load %arg2[%get3A_2195, %get3A_2196] : memref<64x4xf32, #tpu.memory_space<smem>>
    %get3A_2198 = arith.constant 53 : index
    %get3A_2199 = arith.constant 3 : index
    %get3A_2200 = memref.load %arg2[%get3A_2198, %get3A_2199] : memref<64x4xf32, #tpu.memory_space<smem>>
    %sub3A_2201 = arith.subf %get3A_2197, %get3A_2191 : f32
    %sub3A_2202 = arith.subf %get3A_2200, %get3A_2194 : f32
    %mul3A_2203 = arith.mulf %sub3A_2201, %sub3A_2202 : f32
    %min3A_2204 = vector.broadcast %get3A_2197 : f32 to vector<40x128xf32>
    %min3A_2205 = arith.minimumf %min3A_2204, %get3A_13 : vector<40x128xf32>
    %max3A_2206 = vector.broadcast %get3A_2191 : f32 to vector<40x128xf32>
    %max3A_2207 = arith.maximumf %max3A_2206, %get3A_3 : vector<40x128xf32>
    %sub3A_2208 = arith.subf %min3A_2205, %max3A_2207 : vector<40x128xf32>
    %max3A_2209 = arith.constant 0.000000e+00 : f32
    %max3A_2210 = vector.broadcast %max3A_2209 : f32 to vector<40x128xf32>
    %max3A_2211 = arith.maximumf %sub3A_2208, %max3A_2210 : vector<40x128xf32>
    %min3A_2212 = vector.broadcast %get3A_2200 : f32 to vector<40x128xf32>
    %min3A_2213 = arith.minimumf %min3A_2212, %get3A_18 : vector<40x128xf32>
    %max3A_2214 = vector.broadcast %get3A_2194 : f32 to vector<40x128xf32>
    %max3A_2215 = arith.maximumf %max3A_2214, %get3A_8 : vector<40x128xf32>
    %sub3A_2216 = arith.subf %min3A_2213, %max3A_2215 : vector<40x128xf32>
    %max3A_2217 = arith.constant 0.000000e+00 : f32
    %max3A_2218 = vector.broadcast %max3A_2217 : f32 to vector<40x128xf32>
    %max3A_2219 = arith.maximumf %sub3A_2216, %max3A_2218 : vector<40x128xf32>
    %mul3A_2220 = arith.mulf %max3A_2211, %max3A_2219 : vector<40x128xf32>
    %add3A_2221 = vector.broadcast %mul3A_2203 : f32 to vector<40x128xf32>
    %add3A_2222 = arith.addf %add3A_2221, %mul3A : vector<40x128xf32>
    %sub3A_2223 = arith.subf %add3A_2222, %mul3A_2220 : vector<40x128xf32>
    %div3A_2224 = arith.divf %mul3A_2220, %sub3A_2223 : vector<40x128xf32>
    %gt3A_2225 = arith.cmpf ogt, %div3A_2224, %select_n3A_2185 : vector<40x128xf32>
    %select_n3A_2226 = arith.select %gt3A_2225, %div3A_2224, %select_n3A_2185 : vector<40x128xi1>, vector<40x128xf32>
    %jit3A_2227 = arith.constant 53 : i32
    %broadcast_in_dim3A_2228 = vector.broadcast %jit3A_2227 : i32 to vector<40x128xi32>
    %select_n3A_2229 = arith.select %gt3A_2225, %broadcast_in_dim3A_2228, %select_n3A_2188 : vector<40x128xi1>, vector<40x128xi32>
    %get3A_2230 = arith.constant 54 : index
    %get3A_2231 = arith.constant 0 : index
    %get3A_2232 = memref.load %arg2[%get3A_2230, %get3A_2231] : memref<64x4xf32, #tpu.memory_space<smem>>
    %get3A_2233 = arith.constant 54 : index
    %get3A_2234 = arith.constant 1 : index
    %get3A_2235 = memref.load %arg2[%get3A_2233, %get3A_2234] : memref<64x4xf32, #tpu.memory_space<smem>>
    %get3A_2236 = arith.constant 54 : index
    %get3A_2237 = arith.constant 2 : index
    %get3A_2238 = memref.load %arg2[%get3A_2236, %get3A_2237] : memref<64x4xf32, #tpu.memory_space<smem>>
    %get3A_2239 = arith.constant 54 : index
    %get3A_2240 = arith.constant 3 : index
    %get3A_2241 = memref.load %arg2[%get3A_2239, %get3A_2240] : memref<64x4xf32, #tpu.memory_space<smem>>
    %sub3A_2242 = arith.subf %get3A_2238, %get3A_2232 : f32
    %sub3A_2243 = arith.subf %get3A_2241, %get3A_2235 : f32
    %mul3A_2244 = arith.mulf %sub3A_2242, %sub3A_2243 : f32
    %min3A_2245 = vector.broadcast %get3A_2238 : f32 to vector<40x128xf32>
    %min3A_2246 = arith.minimumf %min3A_2245, %get3A_13 : vector<40x128xf32>
    %max3A_2247 = vector.broadcast %get3A_2232 : f32 to vector<40x128xf32>
    %max3A_2248 = arith.maximumf %max3A_2247, %get3A_3 : vector<40x128xf32>
    %sub3A_2249 = arith.subf %min3A_2246, %max3A_2248 : vector<40x128xf32>
    %max3A_2250 = arith.constant 0.000000e+00 : f32
    %max3A_2251 = vector.broadcast %max3A_2250 : f32 to vector<40x128xf32>
    %max3A_2252 = arith.maximumf %sub3A_2249, %max3A_2251 : vector<40x128xf32>
    %min3A_2253 = vector.broadcast %get3A_2241 : f32 to vector<40x128xf32>
    %min3A_2254 = arith.minimumf %min3A_2253, %get3A_18 : vector<40x128xf32>
    %max3A_2255 = vector.broadcast %get3A_2235 : f32 to vector<40x128xf32>
    %max3A_2256 = arith.maximumf %max3A_2255, %get3A_8 : vector<40x128xf32>
    %sub3A_2257 = arith.subf %min3A_2254, %max3A_2256 : vector<40x128xf32>
    %max3A_2258 = arith.constant 0.000000e+00 : f32
    %max3A_2259 = vector.broadcast %max3A_2258 : f32 to vector<40x128xf32>
    %max3A_2260 = arith.maximumf %sub3A_2257, %max3A_2259 : vector<40x128xf32>
    %mul3A_2261 = arith.mulf %max3A_2252, %max3A_2260 : vector<40x128xf32>
    %add3A_2262 = vector.broadcast %mul3A_2244 : f32 to vector<40x128xf32>
    %add3A_2263 = arith.addf %add3A_2262, %mul3A : vector<40x128xf32>
    %sub3A_2264 = arith.subf %add3A_2263, %mul3A_2261 : vector<40x128xf32>
    %div3A_2265 = arith.divf %mul3A_2261, %sub3A_2264 : vector<40x128xf32>
    %gt3A_2266 = arith.cmpf ogt, %div3A_2265, %select_n3A_2226 : vector<40x128xf32>
    %select_n3A_2267 = arith.select %gt3A_2266, %div3A_2265, %select_n3A_2226 : vector<40x128xi1>, vector<40x128xf32>
    %jit3A_2268 = arith.constant 54 : i32
    %broadcast_in_dim3A_2269 = vector.broadcast %jit3A_2268 : i32 to vector<40x128xi32>
    %select_n3A_2270 = arith.select %gt3A_2266, %broadcast_in_dim3A_2269, %select_n3A_2229 : vector<40x128xi1>, vector<40x128xi32>
    %get3A_2271 = arith.constant 55 : index
    %get3A_2272 = arith.constant 0 : index
    %get3A_2273 = memref.load %arg2[%get3A_2271, %get3A_2272] : memref<64x4xf32, #tpu.memory_space<smem>>
    %get3A_2274 = arith.constant 55 : index
    %get3A_2275 = arith.constant 1 : index
    %get3A_2276 = memref.load %arg2[%get3A_2274, %get3A_2275] : memref<64x4xf32, #tpu.memory_space<smem>>
    %get3A_2277 = arith.constant 55 : index
    %get3A_2278 = arith.constant 2 : index
    %get3A_2279 = memref.load %arg2[%get3A_2277, %get3A_2278] : memref<64x4xf32, #tpu.memory_space<smem>>
    %get3A_2280 = arith.constant 55 : index
    %get3A_2281 = arith.constant 3 : index
    %get3A_2282 = memref.load %arg2[%get3A_2280, %get3A_2281] : memref<64x4xf32, #tpu.memory_space<smem>>
    %sub3A_2283 = arith.subf %get3A_2279, %get3A_2273 : f32
    %sub3A_2284 = arith.subf %get3A_2282, %get3A_2276 : f32
    %mul3A_2285 = arith.mulf %sub3A_2283, %sub3A_2284 : f32
    %min3A_2286 = vector.broadcast %get3A_2279 : f32 to vector<40x128xf32>
    %min3A_2287 = arith.minimumf %min3A_2286, %get3A_13 : vector<40x128xf32>
    %max3A_2288 = vector.broadcast %get3A_2273 : f32 to vector<40x128xf32>
    %max3A_2289 = arith.maximumf %max3A_2288, %get3A_3 : vector<40x128xf32>
    %sub3A_2290 = arith.subf %min3A_2287, %max3A_2289 : vector<40x128xf32>
    %max3A_2291 = arith.constant 0.000000e+00 : f32
    %max3A_2292 = vector.broadcast %max3A_2291 : f32 to vector<40x128xf32>
    %max3A_2293 = arith.maximumf %sub3A_2290, %max3A_2292 : vector<40x128xf32>
    %min3A_2294 = vector.broadcast %get3A_2282 : f32 to vector<40x128xf32>
    %min3A_2295 = arith.minimumf %min3A_2294, %get3A_18 : vector<40x128xf32>
    %max3A_2296 = vector.broadcast %get3A_2276 : f32 to vector<40x128xf32>
    %max3A_2297 = arith.maximumf %max3A_2296, %get3A_8 : vector<40x128xf32>
    %sub3A_2298 = arith.subf %min3A_2295, %max3A_2297 : vector<40x128xf32>
    %max3A_2299 = arith.constant 0.000000e+00 : f32
    %max3A_2300 = vector.broadcast %max3A_2299 : f32 to vector<40x128xf32>
    %max3A_2301 = arith.maximumf %sub3A_2298, %max3A_2300 : vector<40x128xf32>
    %mul3A_2302 = arith.mulf %max3A_2293, %max3A_2301 : vector<40x128xf32>
    %add3A_2303 = vector.broadcast %mul3A_2285 : f32 to vector<40x128xf32>
    %add3A_2304 = arith.addf %add3A_2303, %mul3A : vector<40x128xf32>
    %sub3A_2305 = arith.subf %add3A_2304, %mul3A_2302 : vector<40x128xf32>
    %div3A_2306 = arith.divf %mul3A_2302, %sub3A_2305 : vector<40x128xf32>
    %gt3A_2307 = arith.cmpf ogt, %div3A_2306, %select_n3A_2267 : vector<40x128xf32>
    %select_n3A_2308 = arith.select %gt3A_2307, %div3A_2306, %select_n3A_2267 : vector<40x128xi1>, vector<40x128xf32>
    %jit3A_2309 = arith.constant 55 : i32
    %broadcast_in_dim3A_2310 = vector.broadcast %jit3A_2309 : i32 to vector<40x128xi32>
    %select_n3A_2311 = arith.select %gt3A_2307, %broadcast_in_dim3A_2310, %select_n3A_2270 : vector<40x128xi1>, vector<40x128xi32>
    %get3A_2312 = arith.constant 56 : index
    %get3A_2313 = arith.constant 0 : index
    %get3A_2314 = memref.load %arg2[%get3A_2312, %get3A_2313] : memref<64x4xf32, #tpu.memory_space<smem>>
    %get3A_2315 = arith.constant 56 : index
    %get3A_2316 = arith.constant 1 : index
    %get3A_2317 = memref.load %arg2[%get3A_2315, %get3A_2316] : memref<64x4xf32, #tpu.memory_space<smem>>
    %get3A_2318 = arith.constant 56 : index
    %get3A_2319 = arith.constant 2 : index
    %get3A_2320 = memref.load %arg2[%get3A_2318, %get3A_2319] : memref<64x4xf32, #tpu.memory_space<smem>>
    %get3A_2321 = arith.constant 56 : index
    %get3A_2322 = arith.constant 3 : index
    %get3A_2323 = memref.load %arg2[%get3A_2321, %get3A_2322] : memref<64x4xf32, #tpu.memory_space<smem>>
    %sub3A_2324 = arith.subf %get3A_2320, %get3A_2314 : f32
    %sub3A_2325 = arith.subf %get3A_2323, %get3A_2317 : f32
    %mul3A_2326 = arith.mulf %sub3A_2324, %sub3A_2325 : f32
    %min3A_2327 = vector.broadcast %get3A_2320 : f32 to vector<40x128xf32>
    %min3A_2328 = arith.minimumf %min3A_2327, %get3A_13 : vector<40x128xf32>
    %max3A_2329 = vector.broadcast %get3A_2314 : f32 to vector<40x128xf32>
    %max3A_2330 = arith.maximumf %max3A_2329, %get3A_3 : vector<40x128xf32>
    %sub3A_2331 = arith.subf %min3A_2328, %max3A_2330 : vector<40x128xf32>
    %max3A_2332 = arith.constant 0.000000e+00 : f32
    %max3A_2333 = vector.broadcast %max3A_2332 : f32 to vector<40x128xf32>
    %max3A_2334 = arith.maximumf %sub3A_2331, %max3A_2333 : vector<40x128xf32>
    %min3A_2335 = vector.broadcast %get3A_2323 : f32 to vector<40x128xf32>
    %min3A_2336 = arith.minimumf %min3A_2335, %get3A_18 : vector<40x128xf32>
    %max3A_2337 = vector.broadcast %get3A_2317 : f32 to vector<40x128xf32>
    %max3A_2338 = arith.maximumf %max3A_2337, %get3A_8 : vector<40x128xf32>
    %sub3A_2339 = arith.subf %min3A_2336, %max3A_2338 : vector<40x128xf32>
    %max3A_2340 = arith.constant 0.000000e+00 : f32
    %max3A_2341 = vector.broadcast %max3A_2340 : f32 to vector<40x128xf32>
    %max3A_2342 = arith.maximumf %sub3A_2339, %max3A_2341 : vector<40x128xf32>
    %mul3A_2343 = arith.mulf %max3A_2334, %max3A_2342 : vector<40x128xf32>
    %add3A_2344 = vector.broadcast %mul3A_2326 : f32 to vector<40x128xf32>
    %add3A_2345 = arith.addf %add3A_2344, %mul3A : vector<40x128xf32>
    %sub3A_2346 = arith.subf %add3A_2345, %mul3A_2343 : vector<40x128xf32>
    %div3A_2347 = arith.divf %mul3A_2343, %sub3A_2346 : vector<40x128xf32>
    %gt3A_2348 = arith.cmpf ogt, %div3A_2347, %select_n3A_2308 : vector<40x128xf32>
    %select_n3A_2349 = arith.select %gt3A_2348, %div3A_2347, %select_n3A_2308 : vector<40x128xi1>, vector<40x128xf32>
    %jit3A_2350 = arith.constant 56 : i32
    %broadcast_in_dim3A_2351 = vector.broadcast %jit3A_2350 : i32 to vector<40x128xi32>
    %select_n3A_2352 = arith.select %gt3A_2348, %broadcast_in_dim3A_2351, %select_n3A_2311 : vector<40x128xi1>, vector<40x128xi32>
    %get3A_2353 = arith.constant 57 : index
    %get3A_2354 = arith.constant 0 : index
    %get3A_2355 = memref.load %arg2[%get3A_2353, %get3A_2354] : memref<64x4xf32, #tpu.memory_space<smem>>
    %get3A_2356 = arith.constant 57 : index
    %get3A_2357 = arith.constant 1 : index
    %get3A_2358 = memref.load %arg2[%get3A_2356, %get3A_2357] : memref<64x4xf32, #tpu.memory_space<smem>>
    %get3A_2359 = arith.constant 57 : index
    %get3A_2360 = arith.constant 2 : index
    %get3A_2361 = memref.load %arg2[%get3A_2359, %get3A_2360] : memref<64x4xf32, #tpu.memory_space<smem>>
    %get3A_2362 = arith.constant 57 : index
    %get3A_2363 = arith.constant 3 : index
    %get3A_2364 = memref.load %arg2[%get3A_2362, %get3A_2363] : memref<64x4xf32, #tpu.memory_space<smem>>
    %sub3A_2365 = arith.subf %get3A_2361, %get3A_2355 : f32
    %sub3A_2366 = arith.subf %get3A_2364, %get3A_2358 : f32
    %mul3A_2367 = arith.mulf %sub3A_2365, %sub3A_2366 : f32
    %min3A_2368 = vector.broadcast %get3A_2361 : f32 to vector<40x128xf32>
    %min3A_2369 = arith.minimumf %min3A_2368, %get3A_13 : vector<40x128xf32>
    %max3A_2370 = vector.broadcast %get3A_2355 : f32 to vector<40x128xf32>
    %max3A_2371 = arith.maximumf %max3A_2370, %get3A_3 : vector<40x128xf32>
    %sub3A_2372 = arith.subf %min3A_2369, %max3A_2371 : vector<40x128xf32>
    %max3A_2373 = arith.constant 0.000000e+00 : f32
    %max3A_2374 = vector.broadcast %max3A_2373 : f32 to vector<40x128xf32>
    %max3A_2375 = arith.maximumf %sub3A_2372, %max3A_2374 : vector<40x128xf32>
    %min3A_2376 = vector.broadcast %get3A_2364 : f32 to vector<40x128xf32>
    %min3A_2377 = arith.minimumf %min3A_2376, %get3A_18 : vector<40x128xf32>
    %max3A_2378 = vector.broadcast %get3A_2358 : f32 to vector<40x128xf32>
    %max3A_2379 = arith.maximumf %max3A_2378, %get3A_8 : vector<40x128xf32>
    %sub3A_2380 = arith.subf %min3A_2377, %max3A_2379 : vector<40x128xf32>
    %max3A_2381 = arith.constant 0.000000e+00 : f32
    %max3A_2382 = vector.broadcast %max3A_2381 : f32 to vector<40x128xf32>
    %max3A_2383 = arith.maximumf %sub3A_2380, %max3A_2382 : vector<40x128xf32>
    %mul3A_2384 = arith.mulf %max3A_2375, %max3A_2383 : vector<40x128xf32>
    %add3A_2385 = vector.broadcast %mul3A_2367 : f32 to vector<40x128xf32>
    %add3A_2386 = arith.addf %add3A_2385, %mul3A : vector<40x128xf32>
    %sub3A_2387 = arith.subf %add3A_2386, %mul3A_2384 : vector<40x128xf32>
    %div3A_2388 = arith.divf %mul3A_2384, %sub3A_2387 : vector<40x128xf32>
    %gt3A_2389 = arith.cmpf ogt, %div3A_2388, %select_n3A_2349 : vector<40x128xf32>
    %select_n3A_2390 = arith.select %gt3A_2389, %div3A_2388, %select_n3A_2349 : vector<40x128xi1>, vector<40x128xf32>
    %jit3A_2391 = arith.constant 57 : i32
    %broadcast_in_dim3A_2392 = vector.broadcast %jit3A_2391 : i32 to vector<40x128xi32>
    %select_n3A_2393 = arith.select %gt3A_2389, %broadcast_in_dim3A_2392, %select_n3A_2352 : vector<40x128xi1>, vector<40x128xi32>
    %get3A_2394 = arith.constant 58 : index
    %get3A_2395 = arith.constant 0 : index
    %get3A_2396 = memref.load %arg2[%get3A_2394, %get3A_2395] : memref<64x4xf32, #tpu.memory_space<smem>>
    %get3A_2397 = arith.constant 58 : index
    %get3A_2398 = arith.constant 1 : index
    %get3A_2399 = memref.load %arg2[%get3A_2397, %get3A_2398] : memref<64x4xf32, #tpu.memory_space<smem>>
    %get3A_2400 = arith.constant 58 : index
    %get3A_2401 = arith.constant 2 : index
    %get3A_2402 = memref.load %arg2[%get3A_2400, %get3A_2401] : memref<64x4xf32, #tpu.memory_space<smem>>
    %get3A_2403 = arith.constant 58 : index
    %get3A_2404 = arith.constant 3 : index
    %get3A_2405 = memref.load %arg2[%get3A_2403, %get3A_2404] : memref<64x4xf32, #tpu.memory_space<smem>>
    %sub3A_2406 = arith.subf %get3A_2402, %get3A_2396 : f32
    %sub3A_2407 = arith.subf %get3A_2405, %get3A_2399 : f32
    %mul3A_2408 = arith.mulf %sub3A_2406, %sub3A_2407 : f32
    %min3A_2409 = vector.broadcast %get3A_2402 : f32 to vector<40x128xf32>
    %min3A_2410 = arith.minimumf %min3A_2409, %get3A_13 : vector<40x128xf32>
    %max3A_2411 = vector.broadcast %get3A_2396 : f32 to vector<40x128xf32>
    %max3A_2412 = arith.maximumf %max3A_2411, %get3A_3 : vector<40x128xf32>
    %sub3A_2413 = arith.subf %min3A_2410, %max3A_2412 : vector<40x128xf32>
    %max3A_2414 = arith.constant 0.000000e+00 : f32
    %max3A_2415 = vector.broadcast %max3A_2414 : f32 to vector<40x128xf32>
    %max3A_2416 = arith.maximumf %sub3A_2413, %max3A_2415 : vector<40x128xf32>
    %min3A_2417 = vector.broadcast %get3A_2405 : f32 to vector<40x128xf32>
    %min3A_2418 = arith.minimumf %min3A_2417, %get3A_18 : vector<40x128xf32>
    %max3A_2419 = vector.broadcast %get3A_2399 : f32 to vector<40x128xf32>
    %max3A_2420 = arith.maximumf %max3A_2419, %get3A_8 : vector<40x128xf32>
    %sub3A_2421 = arith.subf %min3A_2418, %max3A_2420 : vector<40x128xf32>
    %max3A_2422 = arith.constant 0.000000e+00 : f32
    %max3A_2423 = vector.broadcast %max3A_2422 : f32 to vector<40x128xf32>
    %max3A_2424 = arith.maximumf %sub3A_2421, %max3A_2423 : vector<40x128xf32>
    %mul3A_2425 = arith.mulf %max3A_2416, %max3A_2424 : vector<40x128xf32>
    %add3A_2426 = vector.broadcast %mul3A_2408 : f32 to vector<40x128xf32>
    %add3A_2427 = arith.addf %add3A_2426, %mul3A : vector<40x128xf32>
    %sub3A_2428 = arith.subf %add3A_2427, %mul3A_2425 : vector<40x128xf32>
    %div3A_2429 = arith.divf %mul3A_2425, %sub3A_2428 : vector<40x128xf32>
    %gt3A_2430 = arith.cmpf ogt, %div3A_2429, %select_n3A_2390 : vector<40x128xf32>
    %select_n3A_2431 = arith.select %gt3A_2430, %div3A_2429, %select_n3A_2390 : vector<40x128xi1>, vector<40x128xf32>
    %jit3A_2432 = arith.constant 58 : i32
    %broadcast_in_dim3A_2433 = vector.broadcast %jit3A_2432 : i32 to vector<40x128xi32>
    %select_n3A_2434 = arith.select %gt3A_2430, %broadcast_in_dim3A_2433, %select_n3A_2393 : vector<40x128xi1>, vector<40x128xi32>
    %get3A_2435 = arith.constant 59 : index
    %get3A_2436 = arith.constant 0 : index
    %get3A_2437 = memref.load %arg2[%get3A_2435, %get3A_2436] : memref<64x4xf32, #tpu.memory_space<smem>>
    %get3A_2438 = arith.constant 59 : index
    %get3A_2439 = arith.constant 1 : index
    %get3A_2440 = memref.load %arg2[%get3A_2438, %get3A_2439] : memref<64x4xf32, #tpu.memory_space<smem>>
    %get3A_2441 = arith.constant 59 : index
    %get3A_2442 = arith.constant 2 : index
    %get3A_2443 = memref.load %arg2[%get3A_2441, %get3A_2442] : memref<64x4xf32, #tpu.memory_space<smem>>
    %get3A_2444 = arith.constant 59 : index
    %get3A_2445 = arith.constant 3 : index
    %get3A_2446 = memref.load %arg2[%get3A_2444, %get3A_2445] : memref<64x4xf32, #tpu.memory_space<smem>>
    %sub3A_2447 = arith.subf %get3A_2443, %get3A_2437 : f32
    %sub3A_2448 = arith.subf %get3A_2446, %get3A_2440 : f32
    %mul3A_2449 = arith.mulf %sub3A_2447, %sub3A_2448 : f32
    %min3A_2450 = vector.broadcast %get3A_2443 : f32 to vector<40x128xf32>
    %min3A_2451 = arith.minimumf %min3A_2450, %get3A_13 : vector<40x128xf32>
    %max3A_2452 = vector.broadcast %get3A_2437 : f32 to vector<40x128xf32>
    %max3A_2453 = arith.maximumf %max3A_2452, %get3A_3 : vector<40x128xf32>
    %sub3A_2454 = arith.subf %min3A_2451, %max3A_2453 : vector<40x128xf32>
    %max3A_2455 = arith.constant 0.000000e+00 : f32
    %max3A_2456 = vector.broadcast %max3A_2455 : f32 to vector<40x128xf32>
    %max3A_2457 = arith.maximumf %sub3A_2454, %max3A_2456 : vector<40x128xf32>
    %min3A_2458 = vector.broadcast %get3A_2446 : f32 to vector<40x128xf32>
    %min3A_2459 = arith.minimumf %min3A_2458, %get3A_18 : vector<40x128xf32>
    %max3A_2460 = vector.broadcast %get3A_2440 : f32 to vector<40x128xf32>
    %max3A_2461 = arith.maximumf %max3A_2460, %get3A_8 : vector<40x128xf32>
    %sub3A_2462 = arith.subf %min3A_2459, %max3A_2461 : vector<40x128xf32>
    %max3A_2463 = arith.constant 0.000000e+00 : f32
    %max3A_2464 = vector.broadcast %max3A_2463 : f32 to vector<40x128xf32>
    %max3A_2465 = arith.maximumf %sub3A_2462, %max3A_2464 : vector<40x128xf32>
    %mul3A_2466 = arith.mulf %max3A_2457, %max3A_2465 : vector<40x128xf32>
    %add3A_2467 = vector.broadcast %mul3A_2449 : f32 to vector<40x128xf32>
    %add3A_2468 = arith.addf %add3A_2467, %mul3A : vector<40x128xf32>
    %sub3A_2469 = arith.subf %add3A_2468, %mul3A_2466 : vector<40x128xf32>
    %div3A_2470 = arith.divf %mul3A_2466, %sub3A_2469 : vector<40x128xf32>
    %gt3A_2471 = arith.cmpf ogt, %div3A_2470, %select_n3A_2431 : vector<40x128xf32>
    %select_n3A_2472 = arith.select %gt3A_2471, %div3A_2470, %select_n3A_2431 : vector<40x128xi1>, vector<40x128xf32>
    %jit3A_2473 = arith.constant 59 : i32
    %broadcast_in_dim3A_2474 = vector.broadcast %jit3A_2473 : i32 to vector<40x128xi32>
    %select_n3A_2475 = arith.select %gt3A_2471, %broadcast_in_dim3A_2474, %select_n3A_2434 : vector<40x128xi1>, vector<40x128xi32>
    %get3A_2476 = arith.constant 60 : index
    %get3A_2477 = arith.constant 0 : index
    %get3A_2478 = memref.load %arg2[%get3A_2476, %get3A_2477] : memref<64x4xf32, #tpu.memory_space<smem>>
    %get3A_2479 = arith.constant 60 : index
    %get3A_2480 = arith.constant 1 : index
    %get3A_2481 = memref.load %arg2[%get3A_2479, %get3A_2480] : memref<64x4xf32, #tpu.memory_space<smem>>
    %get3A_2482 = arith.constant 60 : index
    %get3A_2483 = arith.constant 2 : index
    %get3A_2484 = memref.load %arg2[%get3A_2482, %get3A_2483] : memref<64x4xf32, #tpu.memory_space<smem>>
    %get3A_2485 = arith.constant 60 : index
    %get3A_2486 = arith.constant 3 : index
    %get3A_2487 = memref.load %arg2[%get3A_2485, %get3A_2486] : memref<64x4xf32, #tpu.memory_space<smem>>
    %sub3A_2488 = arith.subf %get3A_2484, %get3A_2478 : f32
    %sub3A_2489 = arith.subf %get3A_2487, %get3A_2481 : f32
    %mul3A_2490 = arith.mulf %sub3A_2488, %sub3A_2489 : f32
    %min3A_2491 = vector.broadcast %get3A_2484 : f32 to vector<40x128xf32>
    %min3A_2492 = arith.minimumf %min3A_2491, %get3A_13 : vector<40x128xf32>
    %max3A_2493 = vector.broadcast %get3A_2478 : f32 to vector<40x128xf32>
    %max3A_2494 = arith.maximumf %max3A_2493, %get3A_3 : vector<40x128xf32>
    %sub3A_2495 = arith.subf %min3A_2492, %max3A_2494 : vector<40x128xf32>
    %max3A_2496 = arith.constant 0.000000e+00 : f32
    %max3A_2497 = vector.broadcast %max3A_2496 : f32 to vector<40x128xf32>
    %max3A_2498 = arith.maximumf %sub3A_2495, %max3A_2497 : vector<40x128xf32>
    %min3A_2499 = vector.broadcast %get3A_2487 : f32 to vector<40x128xf32>
    %min3A_2500 = arith.minimumf %min3A_2499, %get3A_18 : vector<40x128xf32>
    %max3A_2501 = vector.broadcast %get3A_2481 : f32 to vector<40x128xf32>
    %max3A_2502 = arith.maximumf %max3A_2501, %get3A_8 : vector<40x128xf32>
    %sub3A_2503 = arith.subf %min3A_2500, %max3A_2502 : vector<40x128xf32>
    %max3A_2504 = arith.constant 0.000000e+00 : f32
    %max3A_2505 = vector.broadcast %max3A_2504 : f32 to vector<40x128xf32>
    %max3A_2506 = arith.maximumf %sub3A_2503, %max3A_2505 : vector<40x128xf32>
    %mul3A_2507 = arith.mulf %max3A_2498, %max3A_2506 : vector<40x128xf32>
    %add3A_2508 = vector.broadcast %mul3A_2490 : f32 to vector<40x128xf32>
    %add3A_2509 = arith.addf %add3A_2508, %mul3A : vector<40x128xf32>
    %sub3A_2510 = arith.subf %add3A_2509, %mul3A_2507 : vector<40x128xf32>
    %div3A_2511 = arith.divf %mul3A_2507, %sub3A_2510 : vector<40x128xf32>
    %gt3A_2512 = arith.cmpf ogt, %div3A_2511, %select_n3A_2472 : vector<40x128xf32>
    %select_n3A_2513 = arith.select %gt3A_2512, %div3A_2511, %select_n3A_2472 : vector<40x128xi1>, vector<40x128xf32>
    %jit3A_2514 = arith.constant 60 : i32
    %broadcast_in_dim3A_2515 = vector.broadcast %jit3A_2514 : i32 to vector<40x128xi32>
    %select_n3A_2516 = arith.select %gt3A_2512, %broadcast_in_dim3A_2515, %select_n3A_2475 : vector<40x128xi1>, vector<40x128xi32>
    %get3A_2517 = arith.constant 61 : index
    %get3A_2518 = arith.constant 0 : index
    %get3A_2519 = memref.load %arg2[%get3A_2517, %get3A_2518] : memref<64x4xf32, #tpu.memory_space<smem>>
    %get3A_2520 = arith.constant 61 : index
    %get3A_2521 = arith.constant 1 : index
    %get3A_2522 = memref.load %arg2[%get3A_2520, %get3A_2521] : memref<64x4xf32, #tpu.memory_space<smem>>
    %get3A_2523 = arith.constant 61 : index
    %get3A_2524 = arith.constant 2 : index
    %get3A_2525 = memref.load %arg2[%get3A_2523, %get3A_2524] : memref<64x4xf32, #tpu.memory_space<smem>>
    %get3A_2526 = arith.constant 61 : index
    %get3A_2527 = arith.constant 3 : index
    %get3A_2528 = memref.load %arg2[%get3A_2526, %get3A_2527] : memref<64x4xf32, #tpu.memory_space<smem>>
    %sub3A_2529 = arith.subf %get3A_2525, %get3A_2519 : f32
    %sub3A_2530 = arith.subf %get3A_2528, %get3A_2522 : f32
    %mul3A_2531 = arith.mulf %sub3A_2529, %sub3A_2530 : f32
    %min3A_2532 = vector.broadcast %get3A_2525 : f32 to vector<40x128xf32>
    %min3A_2533 = arith.minimumf %min3A_2532, %get3A_13 : vector<40x128xf32>
    %max3A_2534 = vector.broadcast %get3A_2519 : f32 to vector<40x128xf32>
    %max3A_2535 = arith.maximumf %max3A_2534, %get3A_3 : vector<40x128xf32>
    %sub3A_2536 = arith.subf %min3A_2533, %max3A_2535 : vector<40x128xf32>
    %max3A_2537 = arith.constant 0.000000e+00 : f32
    %max3A_2538 = vector.broadcast %max3A_2537 : f32 to vector<40x128xf32>
    %max3A_2539 = arith.maximumf %sub3A_2536, %max3A_2538 : vector<40x128xf32>
    %min3A_2540 = vector.broadcast %get3A_2528 : f32 to vector<40x128xf32>
    %min3A_2541 = arith.minimumf %min3A_2540, %get3A_18 : vector<40x128xf32>
    %max3A_2542 = vector.broadcast %get3A_2522 : f32 to vector<40x128xf32>
    %max3A_2543 = arith.maximumf %max3A_2542, %get3A_8 : vector<40x128xf32>
    %sub3A_2544 = arith.subf %min3A_2541, %max3A_2543 : vector<40x128xf32>
    %max3A_2545 = arith.constant 0.000000e+00 : f32
    %max3A_2546 = vector.broadcast %max3A_2545 : f32 to vector<40x128xf32>
    %max3A_2547 = arith.maximumf %sub3A_2544, %max3A_2546 : vector<40x128xf32>
    %mul3A_2548 = arith.mulf %max3A_2539, %max3A_2547 : vector<40x128xf32>
    %add3A_2549 = vector.broadcast %mul3A_2531 : f32 to vector<40x128xf32>
    %add3A_2550 = arith.addf %add3A_2549, %mul3A : vector<40x128xf32>
    %sub3A_2551 = arith.subf %add3A_2550, %mul3A_2548 : vector<40x128xf32>
    %div3A_2552 = arith.divf %mul3A_2548, %sub3A_2551 : vector<40x128xf32>
    %gt3A_2553 = arith.cmpf ogt, %div3A_2552, %select_n3A_2513 : vector<40x128xf32>
    %select_n3A_2554 = arith.select %gt3A_2553, %div3A_2552, %select_n3A_2513 : vector<40x128xi1>, vector<40x128xf32>
    %jit3A_2555 = arith.constant 61 : i32
    %broadcast_in_dim3A_2556 = vector.broadcast %jit3A_2555 : i32 to vector<40x128xi32>
    %select_n3A_2557 = arith.select %gt3A_2553, %broadcast_in_dim3A_2556, %select_n3A_2516 : vector<40x128xi1>, vector<40x128xi32>
    %get3A_2558 = arith.constant 62 : index
    %get3A_2559 = arith.constant 0 : index
    %get3A_2560 = memref.load %arg2[%get3A_2558, %get3A_2559] : memref<64x4xf32, #tpu.memory_space<smem>>
    %get3A_2561 = arith.constant 62 : index
    %get3A_2562 = arith.constant 1 : index
    %get3A_2563 = memref.load %arg2[%get3A_2561, %get3A_2562] : memref<64x4xf32, #tpu.memory_space<smem>>
    %get3A_2564 = arith.constant 62 : index
    %get3A_2565 = arith.constant 2 : index
    %get3A_2566 = memref.load %arg2[%get3A_2564, %get3A_2565] : memref<64x4xf32, #tpu.memory_space<smem>>
    %get3A_2567 = arith.constant 62 : index
    %get3A_2568 = arith.constant 3 : index
    %get3A_2569 = memref.load %arg2[%get3A_2567, %get3A_2568] : memref<64x4xf32, #tpu.memory_space<smem>>
    %sub3A_2570 = arith.subf %get3A_2566, %get3A_2560 : f32
    %sub3A_2571 = arith.subf %get3A_2569, %get3A_2563 : f32
    %mul3A_2572 = arith.mulf %sub3A_2570, %sub3A_2571 : f32
    %min3A_2573 = vector.broadcast %get3A_2566 : f32 to vector<40x128xf32>
    %min3A_2574 = arith.minimumf %min3A_2573, %get3A_13 : vector<40x128xf32>
    %max3A_2575 = vector.broadcast %get3A_2560 : f32 to vector<40x128xf32>
    %max3A_2576 = arith.maximumf %max3A_2575, %get3A_3 : vector<40x128xf32>
    %sub3A_2577 = arith.subf %min3A_2574, %max3A_2576 : vector<40x128xf32>
    %max3A_2578 = arith.constant 0.000000e+00 : f32
    %max3A_2579 = vector.broadcast %max3A_2578 : f32 to vector<40x128xf32>
    %max3A_2580 = arith.maximumf %sub3A_2577, %max3A_2579 : vector<40x128xf32>
    %min3A_2581 = vector.broadcast %get3A_2569 : f32 to vector<40x128xf32>
    %min3A_2582 = arith.minimumf %min3A_2581, %get3A_18 : vector<40x128xf32>
    %max3A_2583 = vector.broadcast %get3A_2563 : f32 to vector<40x128xf32>
    %max3A_2584 = arith.maximumf %max3A_2583, %get3A_8 : vector<40x128xf32>
    %sub3A_2585 = arith.subf %min3A_2582, %max3A_2584 : vector<40x128xf32>
    %max3A_2586 = arith.constant 0.000000e+00 : f32
    %max3A_2587 = vector.broadcast %max3A_2586 : f32 to vector<40x128xf32>
    %max3A_2588 = arith.maximumf %sub3A_2585, %max3A_2587 : vector<40x128xf32>
    %mul3A_2589 = arith.mulf %max3A_2580, %max3A_2588 : vector<40x128xf32>
    %add3A_2590 = vector.broadcast %mul3A_2572 : f32 to vector<40x128xf32>
    %add3A_2591 = arith.addf %add3A_2590, %mul3A : vector<40x128xf32>
    %sub3A_2592 = arith.subf %add3A_2591, %mul3A_2589 : vector<40x128xf32>
    %div3A_2593 = arith.divf %mul3A_2589, %sub3A_2592 : vector<40x128xf32>
    %gt3A_2594 = arith.cmpf ogt, %div3A_2593, %select_n3A_2554 : vector<40x128xf32>
    %select_n3A_2595 = arith.select %gt3A_2594, %div3A_2593, %select_n3A_2554 : vector<40x128xi1>, vector<40x128xf32>
    %jit3A_2596 = arith.constant 62 : i32
    %broadcast_in_dim3A_2597 = vector.broadcast %jit3A_2596 : i32 to vector<40x128xi32>
    %select_n3A_2598 = arith.select %gt3A_2594, %broadcast_in_dim3A_2597, %select_n3A_2557 : vector<40x128xi1>, vector<40x128xi32>
    %get3A_2599 = arith.constant 63 : index
    %get3A_2600 = arith.constant 0 : index
    %get3A_2601 = memref.load %arg2[%get3A_2599, %get3A_2600] : memref<64x4xf32, #tpu.memory_space<smem>>
    %get3A_2602 = arith.constant 63 : index
    %get3A_2603 = arith.constant 1 : index
    %get3A_2604 = memref.load %arg2[%get3A_2602, %get3A_2603] : memref<64x4xf32, #tpu.memory_space<smem>>
    %get3A_2605 = arith.constant 63 : index
    %get3A_2606 = arith.constant 2 : index
    %get3A_2607 = memref.load %arg2[%get3A_2605, %get3A_2606] : memref<64x4xf32, #tpu.memory_space<smem>>
    %get3A_2608 = arith.constant 63 : index
    %get3A_2609 = arith.constant 3 : index
    %get3A_2610 = memref.load %arg2[%get3A_2608, %get3A_2609] : memref<64x4xf32, #tpu.memory_space<smem>>
    %sub3A_2611 = arith.subf %get3A_2607, %get3A_2601 : f32
    %sub3A_2612 = arith.subf %get3A_2610, %get3A_2604 : f32
    %mul3A_2613 = arith.mulf %sub3A_2611, %sub3A_2612 : f32
    %min3A_2614 = vector.broadcast %get3A_2607 : f32 to vector<40x128xf32>
    %min3A_2615 = arith.minimumf %min3A_2614, %get3A_13 : vector<40x128xf32>
    %max3A_2616 = vector.broadcast %get3A_2601 : f32 to vector<40x128xf32>
    %max3A_2617 = arith.maximumf %max3A_2616, %get3A_3 : vector<40x128xf32>
    %sub3A_2618 = arith.subf %min3A_2615, %max3A_2617 : vector<40x128xf32>
    %max3A_2619 = arith.constant 0.000000e+00 : f32
    %max3A_2620 = vector.broadcast %max3A_2619 : f32 to vector<40x128xf32>
    %max3A_2621 = arith.maximumf %sub3A_2618, %max3A_2620 : vector<40x128xf32>
    %min3A_2622 = vector.broadcast %get3A_2610 : f32 to vector<40x128xf32>
    %min3A_2623 = arith.minimumf %min3A_2622, %get3A_18 : vector<40x128xf32>
    %max3A_2624 = vector.broadcast %get3A_2604 : f32 to vector<40x128xf32>
    %max3A_2625 = arith.maximumf %max3A_2624, %get3A_8 : vector<40x128xf32>
    %sub3A_2626 = arith.subf %min3A_2623, %max3A_2625 : vector<40x128xf32>
    %max3A_2627 = arith.constant 0.000000e+00 : f32
    %max3A_2628 = vector.broadcast %max3A_2627 : f32 to vector<40x128xf32>
    %max3A_2629 = arith.maximumf %sub3A_2626, %max3A_2628 : vector<40x128xf32>
    %mul3A_2630 = arith.mulf %max3A_2621, %max3A_2629 : vector<40x128xf32>
    %add3A_2631 = vector.broadcast %mul3A_2613 : f32 to vector<40x128xf32>
    %add3A_2632 = arith.addf %add3A_2631, %mul3A : vector<40x128xf32>
    %sub3A_2633 = arith.subf %add3A_2632, %mul3A_2630 : vector<40x128xf32>
    %div3A_2634 = arith.divf %mul3A_2630, %sub3A_2633 : vector<40x128xf32>
    %gt3A_2635 = arith.cmpf ogt, %div3A_2634, %select_n3A_2595 : vector<40x128xf32>
    %select_n3A_2636 = arith.select %gt3A_2635, %div3A_2634, %select_n3A_2595 : vector<40x128xi1>, vector<40x128xf32>
    %jit3A_2637 = arith.constant 63 : i32
    %broadcast_in_dim3A_2638 = vector.broadcast %jit3A_2637 : i32 to vector<40x128xi32>
    %select_n3A_2639 = arith.select %gt3A_2635, %broadcast_in_dim3A_2638, %select_n3A_2598 : vector<40x128xi1>, vector<40x128xi32>
    %swap3A = arith.constant 0 : index
    %swap3A_2640 = arith.constant 0 : index
    %swap3A_2641 = vector.load %arg3[%swap3A, %swap3A_2640] : memref<40x128xf32, #tpu.memory_space<vmem>>, vector<40x128xf32>
    tpu.vector_store %arg3[%swap3A, %swap3A_2640], %select_n3A_2636 {strides = array<i32>} : memref<40x128xf32, #tpu.memory_space<vmem>>, vector<40x128xf32>,
    %swap3A_2642 = arith.constant 0 : index
    %swap3A_2643 = arith.constant 0 : index
    %swap3A_2644 = vector.load %arg4[%swap3A_2642, %swap3A_2643] : memref<40x128xi32, #tpu.memory_space<vmem>>, vector<40x128xi32>
    tpu.vector_store %arg4[%swap3A_2642, %swap3A_2643], %select_n3A_2639 {strides = array<i32>} : memref<40x128xi32, #tpu.memory_space<vmem>>, vector<40x128xi32>,
    %iota3A = tpu.iota {dimensions = array<i32: 0>} : vector<40x128xi32>
    %iota3A_2645 = tpu.iota {dimensions = array<i32: 1>} : vector<40x128xi32>
    %mul3A_2646 = arith.constant 40 : i32
    %mul3A_2647 = arith.muli %arg0, %mul3A_2646 : i32
    %add3A_2648 = vector.broadcast %mul3A_2647 : i32 to vector<40x128xi32>
    %add3A_2649 = arith.addi %add3A_2648, %iota3A : vector<40x128xi32>
    %mul3A_2650 = arith.constant 128 : i32
    %mul3A_2651 = vector.broadcast %mul3A_2650 : i32 to vector<40x128xi32>
    %mul3A_2652 = arith.muli %add3A_2649, %mul3A_2651 : vector<40x128xi32>
    %add3A_2653 = arith.addi %mul3A_2652, %iota3A_2645 : vector<40x128xi32>
    %ge3A = arith.constant 5.000000e-01 : f32
    %ge3A_2654 = vector.broadcast %ge3A : f32 to vector<40x128xf32>
    %ge3A_2655 = arith.cmpf oge, %select_n3A_2636, %ge3A_2654 : vector<40x128xf32>
    %convert_element_type3A = arith.extui %ge3A_2655 : vector<40x128xi1> to vector<40x128xi32>
    %lt3A = arith.constant 20000 : i32
    %lt3A_2656 = vector.broadcast %lt3A : i32 to vector<40x128xi32>
    %lt3A_2657 = arith.cmpi slt, %add3A_2653, %lt3A_2656 : vector<40x128xi32>
    %jit3A_2658 = arith.constant -1 : i32
    %broadcast_in_dim3A_2659 = vector.broadcast %jit3A_2658 : i32 to vector<40x128xi32>
    %select_n3A_2660 = arith.select %lt3A_2657, %convert_element_type3A, %broadcast_in_dim3A_2659 : vector<40x128xi1>, vector<40x128xi32>
    %swap3A_2661 = arith.constant 0 : index
    %swap3A_2662 = arith.constant 0 : index
    %swap3A_2663 = vector.load %arg5[%swap3A_2661, %swap3A_2662] : memref<40x128xi32, #tpu.memory_space<vmem>>, vector<40x128xi32>
    tpu.vector_store %arg5[%swap3A_2661, %swap3A_2662], %select_n3A_2660 {strides = array<i32>} : memref<40x128xi32, #tpu.memory_space<vmem>>, vector<40x128xi32>,
    return
  }
  func.func @transform_0(%arg0: i32) -> (i32, i32, i32) {
    %c0_i32 = arith.constant 0 : i32
    %c0_i32_0 = arith.constant 0 : i32
    %c0_i32_1 = arith.constant 0 : i32
    return %c0_i32, %arg0, %c0_i32_0 : i32, i32, i32
  }
  func.func @transform_1(%arg0: i32) -> (i32, i32) {
    %c0_i32 = arith.constant 0 : i32
    %c0_i32_0 = arith.constant 0 : i32
    %c0_i32_1 = arith.constant 0 : i32
    return %c0_i32, %c0_i32_0 : i32, i32
  }
  func.func @transform_2(%arg0: i32) -> (i32, i32) {
    %c0_i32 = arith.constant 0 : i32
    %c0_i32_0 = arith.constant 0 : i32
    return %arg0, %c0_i32 : i32, i32
  }
  func.func @transform_3(%arg0: i32) -> (i32, i32) {
    %c0_i32 = arith.constant 0 : i32
    %c0_i32_0 = arith.constant 0 : i32
    return %arg0, %c0_i32 : i32, i32
  }
  func.func @transform_4(%arg0: i32) -> (i32, i32) {
    %c0_i32 = arith.constant 0 : i32
    %c0_i32_0 = arith.constant 0 : i32
    return %arg0, %c0_i32 : i32, i32
  }
}

</mosaic_0001>

<sc_bundles>
// kernel: kernel.4.cloned.1.call-start
scs
__scs_entry_jumppad:
0x0: {  	(pc) =	sbr.rel $0x88, $3  }
0x1: {  	(tag) =	ssettag $0x0;
	lr =	simm.s32 $0x1  }
0x2: {  	[smem:$0x3F9E] =	sst lr;
	_ =	strace $0xD0000000  }
0x3: {  	_ = 	snop  }
0x4: {  	_ = 	snop  }
0x5: {  	_ = 	snop  }
0x6: {  	_ = 	snop  }
0x7: {  	_ = 	snop  }
__scs_overlays_trampoline_lowered:
0x8: {  	[smem:$0x3FAD] =	sst s0  }
0x9: {  	[smem:$0x3FAE] =	sst s1  }
0xa: {  	[smem:$0x3FAF] =	sst s2  }
0xb: {  	[smem:$0x3FB0] =	sst s3  }
0xc: {  	[smem:$0x3FB1] =	sst s4  }
0xd: {  	[smem:$0x3FB2] =	sst s5  }
0xe: {  	[smem:$0x3FB3] =	sst s6  }
0xf: {  	[smem:$0x3FB4] =	sst s7  }
0x10: {  	[smem:$0x3FB5] =	sst s8  }
0x11: {  	[smem:$0x3FB6] =	sst s9;
	s0 =	simm.s32 @!p0 $0x0  }
0x12: {  	s1 =	sld [smem:$0x3F9C];
	s0 =	simm.s32 @p0 $0x1  }
0x13: {  	[smem:$0x3FB7] =	sst s0;
	s0 =	simm.s32 @!p1 $0x0  }
0x14: {  	s2 =	sld [smem:$0x3F9B];
	s0 =	simm.s32 @p1 $0x1  }
0x15: {  	[smem:$0x3FB8] =	sst s0;
	s0 =	simm.s32 @!p2 $0x0  }
0x16: {  	s3 =	sld [smem:$0x3FDB];
	s0 =	simm.s32 @p2 $0x1  }
0x17: {  	s4 =	simm.s32 $0x1BF5;
	[smem:$0x3FBA] =	sst s0  }
0x18: {  	s0 =	sld [smem:$0x3F9D];
	_ =	swait.ge [sflag:s4], $0x0  }
0x19: {  	s7 =	sld [smem:$0x3F9E]  }
0x1a: {  	s8 =	sadd.s32 $0xFFFFE003, lr  }
0x1b: {  	s9 =	sadd.s32 $0xFFFFFEF7, lr;
	s5 =	simm.s32 $0xFFFFFFFF;
	p2 =	slt.u32 s8, $0xFFFFF086  }
0x1c: {  	p1 =	slt.u32 s9, $0xF7A;
	s5 =	simm.s32 @!p2 $0x0  }
0x1d: {  	s5 =	simm.s32 @p1 $0x1;
	p0 =	seq.s32 s7, s2  }
0x1e: {  	s7 =	smul.u32 @!p0 $0xF7A, s2;
	p2 =	seq.s32 @!p0 s5, $0x0  }
0x1f: {  	s9 =	smul.u32 $0xF7A, s1;
	s8 =	simm.s32 @!p0 $0x1BF5;
	p2 =	por !p2, p0  }
0x20: {  	[sflag:s8] =	ssyncset.s32 @!p0 $0xFFFFF086;
	s6 =	sadd.s32 @!p0 s3, s7;
	s7 =	simm.s32 @!p0 $0x108  }
0x21: {  	s3 =	sadd.s32 s3, s9;
	s6 =	sadd.s32 @!p0 $0x88, s6;
	s7 =	simm.s32 @p2 $0x1082  }
0x22: {  	[simem:s7], [sflag:s8] =	dma.local @!p0 [hbm:s6], $0xF7A  }
0x23: {  	s9 =	sor.u32 $0xD0000000, s2;
	s6 =	simm.s32 $0x108;
	_ =	swait.ge @!p0 [sflag:s8], $0x0  }
0x24: {  	s3 =	sadd.s32 $0x88, s3;
	s6 =	simm.s32 @!p1 $0x1082;
	[sflag:s4] =	ssyncset.s32 $0xFFFFF086  }
0x25: {  	[simem:s6], [sflag:s4] =	dma.local [hbm:s3], $0xF7A  }
0x26: {  	[smem:$0x3F9E] =	sst s1;
	(tag) =	ssettag s2;
	_ =	strace s9  }
0x27: {  	s1 =	sld [smem:$0x3FAE]  }
0x28: {  	s2 =	sld [smem:$0x3FAF]  }
0x29: {  	s4 =	sld [smem:$0x3FB1]  }
0x2a: {  	p0 =	seq.s32 s5, $0x0;
	s5 =	sld [smem:$0x3FB2]  }
0x2b: {  	s6 =	sld [smem:$0x3FB3]  }
0x2c: {  	s7 =	sld [smem:$0x3FB4]  }
0x2d: {  	s3 =	simm.s32 $0x108;
	s8 =	sld [smem:$0x3FB5]  }
0x2e: {  	s3 =	simm.s32 @!p0 $0x1082;
	s9 =	sld [smem:$0x3FB6]  }
0x2f: {  	lr =	sadd.s32 s0, s3;
	s0 =	sld [smem:$0x3FAD]  }
0x30: {  	s3 =	sld [smem:$0x3FB0]  }
0x31: {  	[smem:$0x3FB9] =	sst s10  }
0x32: {  	s10 =	sld [smem:$0x3FB7];
	_ =	sdelay $0x3  }
0x33: {  	p0 =	seq.s32 s10, $0x1;
	s10 =	sld [smem:$0x3FB9];
	_ =	sdelay $0x3  }
0x34: {  	[smem:$0x3FB9] =	sst s10  }
0x35: {  	s10 =	sld [smem:$0x3FB8];
	_ =	sdelay $0x3  }
0x36: {  	p1 =	seq.s32 s10, $0x1;
	s10 =	sld [smem:$0x3FB9];
	_ =	sdelay $0x3  }
0x37: {  	[smem:$0x3FB9] =	sst s10  }
0x38: {  	s10 =	sld [smem:$0x3FBA]  }
0x39: {  	_ = 	snop;
	(pc) =	sbr.ind lr, $3  }
0x3a: {  	_ = 	snop  }
0x3b: {  	_ = 	snop  }
0x3c: {  	p2 =	seq.s32 s10, $0x1;
	s10 =	sld [smem:$0x3FB9]  }
0x3d: {  	_ =	shalt  }
0x3e: {  	_ =	shalt  }
0x3f: {  	_ =	shalt  }
0x40: {  	_ =	shalt  }
0x41: {  	_ =	shalt  }
0x42: {  	_ =	shalt  }
0x43: {  	_ =	shalt  }
0x44: {  	_ =	shalt  }
0x45: {  	_ =	shalt  }
0x46: {  	_ =	shalt  }
0x47: {  	_ =	shalt  }
0x48: {  	_ =	shalt  }
0x49: {  	_ =	shalt  }
0x4a: {  	_ =	shalt  }
0x4b: {  	_ =	shalt  }
0x4c: {  	_ =	shalt  }
0x4d: {  	_ =	shalt  }
0x4e: {  	_ =	shalt  }
0x4f: {  	_ =	shalt  }
0x50: {  	_ =	shalt  }
0x51: {  	_ =	shalt  }
0x52: {  	_ =	shalt  }
0x53: {  	_ =	shalt  }
0x54: {  	_ =	shalt  }
0x55: {  	_ =	shalt  }
0x56: {  	_ =	shalt  }
0x57: {  	_ =	shalt  }
0x58: {  	_ =	shalt  }
0x59: {  	_ =	shalt  }
0x5a: {  	_ =	shalt  }
0x5b: {  	_ =	shalt  }
0x5c: {  	_ =	shalt  }
0x5d: {  	_ =	shalt  }
0x5e: {  	_ =	shalt  }
0x5f: {  	_ =	shalt  }
0x60: {  	_ =	shalt  }
0x61: {  	_ =	shalt  }
0x62: {  	_ =	shalt  }
0x63: {  	_ =	shalt  }
0x64: {  	_ =	shalt  }
0x65: {  	_ =	shalt  }
0x66: {  	_ =	shalt  }
0x67: {  	_ =	shalt  }
0x68: {  	_ =	shalt  }
0x69: {  	_ =	shalt  }
0x6a: {  	_ =	shalt  }
0x6b: {  	_ =	shalt  }
0x6c: {  	_ =	shalt  }
0x6d: {  	_ =	shalt  }
0x6e: {  	_ =	shalt  }
0x6f: {  	_ =	shalt  }
0x70: {  	_ =	shalt  }
0x71: {  	_ =	shalt  }
0x72: {  	_ =	shalt  }
0x73: {  	_ =	shalt  }
0x74: {  	_ =	shalt  }
0x75: {  	_ =	shalt  }
0x76: {  	_ =	shalt  }
0x77: {  	_ =	shalt  }
0x78: {  	_ =	shalt  }
0x79: {  	_ =	shalt  }
0x7a: {  	_ =	shalt  }
0x7b: {  	_ =	shalt  }
0x7c: {  	_ =	shalt  }
0x7d: {  	_ =	shalt  }
0x7e: {  	_ =	shalt  }
0x7f: {  	_ =	shalt  }
0x80: {  	_ =	shalt  }
0x81: {  	_ =	shalt  }
0x82: {  	_ =	shalt  }
0x83: {  	_ =	shalt  }
0x84: {  	_ =	shalt  }
0x85: {  	_ =	shalt  }
0x86: {  	_ =	shalt  }
0x87: {  	_ =	shalt  }
.Lfunc_end0:
.L_simem_size_0:
called_computation_lowered:
.L_overlay_start_0:
0x88: {  	s0 =	sld [smem:$0x3FD9]  }
0x89: {  	s1 =	sld [smem:$0x3FFE];
	_ =	sdelay $0x3  }
0x8a: {  	s0 =	sadd.s32 s1, s0  }
0x8b: {  	[smem:$0x3FC5] =	sst s0  }
0x8c: {  	_ = 	snop  }
0x8d: {  	s0 =	sld [smem:$0x3FD0];
	_ =	sdelay $0x2  }
0x8e: {  	s2 =	simm.s32 $0xA;
	s3 =	simm.s32 $0x10;
	s13 =	sld [smem:$0x3FC7]  }
0x8f: {  	[smem:s3], [sflag:s2] =	dma.local [hbm:s0], $0x1  }
0x90: {  	_ =	swait.eq [sflag:s2], $0x1  }
0x91: {  	[sflag:s2] =	ssyncset.done $0x0  }
0x92: {  	s14 =	sld [smem:$0x10];
	[sflag:s2] =	ssyncadd.s32 $0xFFFFFFFF  }
0x93: {  	s15 =	sld [smem:$0x11];
	(tm) =	ssettm $0x1  }
0x94: {  	s16 =	sld [smem:$0x3FFB];
	_ =	sdelay $0x3  }
0x95: {  	_ =	strace s16  }
0x96: {  	s3 =	sld [smem:$0x3FFC];
	_ =	sdelay $0x3  }
0x97: {  	_ =	strace s3  }
0x98: {  	s3 =	sld [smem:$0x3FFD];
	_ =	sdelay $0x3  }
0x99: {  	_ =	strace s3  }
0x9a: {  	_ =	strace $0x8FFFFFFF  }
0x9b: {  	s17 =	sld [smem:$0x3FDB];
	_ =	sdelay $0x1  }
0x9c: {  	s4 =	simm.s32 $_scs_section_size  }
0x9d: {  	s5 =	simm.s32 $_size__tile_overlayer_lowered;
	s6 =	simm.s32 $_tile_overlayer_lowered  }
0x9e: {  	s20 =	simm.s32 $0x1BFF;
	s19 =	sshll.u32 s6, $0x1;
	s3 =	sadd.s32 s4, s17  }
0x9f: {  	s7 =	simm.s32 $0x0;
	s18 =	sshll.u32 s5, $0x1;
	s5 =	sadd.s32 s19, s3  }
0xa0: {  	[timem:s7], [sflag:s20] =	dma.local [hbm:s5], s18  }
0xa1: {  	_ =	swait.ge [sflag:s20], s18  }
0xa2: {  	s4 =	ssub.s32 $0x0, s18;
	[sflag:s20] =	ssyncset.done $0x0  }
0xa3: {  	[sflag:s20] =	ssyncadd.s32 s4;
	_ =	sdelay $0x1  }
0xa4: {  	s21 =	simm.s32 $0x1B8B  }
0xa5: {  	_ =	swait.ge [sflag:s21], $0x1  }
0xa6: {  	[sflag:s21] =	ssyncset.done $0x0  }
0xa7: {  	s23 =	simm.s32 $0x1B8E;
	s22 =	sld [smem:$0x3FFE];
	[sflag:s21] =	ssyncadd.s32 $0xFFFFFFFF  }
0xa8: {  	s24 =	simm.s32 $execute0_lowered;
	[smem:$0x3FD2] =	sst s23  }
0xa9: {  	s5 =	sshll.u32 s24, $0x1;
	_ =	strace $0x80000046;
	[dreg:$0x1] =	wrdreg $0xFFFFFFFF  }
0xaa: {  	s25 =	simm.s32 $_size_execute0_lowered;
	s3 =	sadd.s32 s3, s5;
	[dreg:$0x0] =	wrdreg $0x0  }
0xab: {  	s5 =	sshll.u32 s25, $0x1;
	[dreg:$0x2] =	wrdreg s3  }
0xac: {  	[dreg:$0x3] =	wrdreg s5  }
0xad: {  	[dreg:$0x4] =	wrdreg $0xC0  }
0xae: {  	_ =	task [dreg:s7], $0x5FFFF  }
0xaf: {  	[dreg:$0x1] =	wrdreg $0xFFFFFFFF  }
0xb0: {  	[dreg:$0x0] =	wrdreg $0x60  }
0xb1: {  	[dreg:$0x2] =	wrdreg s22  }
0xb2: {  	[dreg:$0x3] =	wrdreg s13  }
0xb3: {  	[dreg:$0x4] =	wrdreg s14  }
0xb4: {  	[dreg:$0x5] =	wrdreg s15  }
0xb5: {  	[dreg:$0x6] =	wrdreg $0x70F00  }
0xb6: {  	[dreg:$0x7] =	wrdreg $0x71000  }
0xb7: {  	[dreg:$0x8] =	wrdreg $0x9  }
0xb8: {  	_ =	task.clear_ibuf [dreg:s7], $0x9FFFF;
	_ =	strace $0x90000046  }
0xb9: {  	s26 =	simm.s32 $0x9;
	_ =	strace $0x80000048  }
0xba: {  	_ =	swait.ge [sflag:s26], $0x1  }
0xbb: {  	[sflag:s26] =	ssyncadd.s32 $0xFFFFFFFF  }
0xbc: {  	_ =	strace $0x90000048  }
0xbd: {  	_ =	sfence  }
0xbe: {  	s28 =	sld [smem:$0x0];
	_ =	sdelay $0x1  }
0xbf: {  	s29 =	srdreg.scid  }
0xc0: {  	s30 =	sshll.u32 s29, $0xD;
	s31 =	sshrl.u32 s29, $0x2  }
0xc1: {  	s1 =	sand.u32 $0x1, s29;
	s2 =	sand.u32 $0x4000, s30;
	s0 =	sadd.s32 s31, s28  }
0xc2: {  	s1 =	sor.u32 s2, s1;
	s0 =	sshll.u32 s0, $0x11  }
0xc3: {  	s0 =	sor.u32 s0, s1  }
0xc4: {  	s0 =	sadd.s32 $0x8F2B, s0  }
0xc5: {  	[sflag:s0] =	ssyncadd.remote.s32 $0x1  }
0xc6: {  	_ =	sfence.sel $0xFFFF  }
0xc7: {  	[dreg:$0x0] =	wrdreg $0xFFFFFFFF;
	(pc) =	sbr.abs _section_cstart, $3  }
0xc8: {  	[dreg:$0x1] =	wrdreg $0xFFFFFFFF  }
0xc9: {  	_ =	task.clear_ibuf [dreg:s7], $0x2FFFF;
	_ =	strace $0x9FFFFFFF  }
0xca: {  	(tm) =	ssettm $0x7FFFFFFF  }
0xcb: {  	_ =	shalt  }
tec
execute0_lowered:
.L_overlay_start_1:
0x0: {  	(tag) =	ssettag $0x1  }
0x1: {  	s5 =	rddreg [dreg:$0x0]  }
0x2: {  	s2 =	rddreg [dreg:$0x1]  }
0x3: {  	s15 =	rddreg [dreg:$0x2]  }
0x4: {  	s16 =	rddreg [dreg:$0x3]  }
0x5: {  	s14 =	rddreg [dreg:$0x4]  }
0x6: {  	s1 =	stileid.u32;
	s3 =	rddreg [dreg:$0x5]  }
0x7: {  	s0 =	rddreg [dreg:$0x6];
	s17 =	simm.s32 $0x0;
	s4 =	smul.u32 $0x500, s1  }
0x8: {  	[smem:$0x7FF] =	sst s17  }
0x9: {  	s6 =	sadd.s32 $0x5E00, s5;
	_ =	strace $0x80000047;
	s4 =	sshrl.u32 s4, $0x3  }
0xa: {  	[tilespmem:s17], [sflag:$0x1] =	stream.linear.gather [hbm4b:s6+s17], $0x5000, $0x38;
	[tilespmem:$0x7128] =	vst v63  }
0xb: {  	s4 =	sadd.s32 s4, s5  }
0xc: {  	s7 =	simm.s32 $0x5000;
	s20 =	sadd.s32 $0x6800, s4  }
0xd: {  	[tilespmem:s7], [sflag:$0x1] =	stream.linear.gather [hbm4b:s20+s17], $0x500, $0x38;
	[tilespmem:$0x7128] =	vst v63  }
0xe: {  	s22 =	simm.s32 $0x5500;
	s21 =	sadd.s32 $0x7200, s4  }
0xf: {  	[tilespmem:s22], [sflag:$0x1] =	stream.linear.gather [hbm4b:s21+s17], $0x500, $0x38;
	[tilespmem:$0x7128] =	vst v63  }
0x10: {  	s24 =	simm.s32 $0x5A00;
	s23 =	sadd.s32 $0x7C00, s4  }
0x11: {  	[tilespmem:s24], [sflag:$0x1] =	stream.linear.gather [hbm4b:s23+s17], $0x500, $0x38;
	[tilespmem:$0x7128] =	vst v63  }
0x12: {  	s25 =	simm.s32 $0x5F00;
	s26 =	simm.s32 $0x1;
	s4 =	sadd.s32 $0x8600, s4  }
0x13: {  	[tilespmem:s25], [sflag:$0x1] =	stream.linear.gather [hbm4b:s4+s17], $0x500, $0x38;
	[tilespmem:$0x7128] =	vst v63  }
0x14: {  	_ =	swait.ge [sflag:s26], $0x5000  }
0x15: {  	[sflag:s26] =	ssyncset.done $0x0  }
0x16: {  	[sflag:s26] =	ssyncadd.s32 $0xFFFFB000  }
0x17: {  	_ =	swait.ge [sflag:s26], $0x500  }
0x18: {  	[sflag:s26] =	ssyncset.done $0x0  }
0x19: {  	[sflag:s26] =	ssyncadd.s32 $0xFFFFFB00  }
0x1a: {  	_ =	swait.ge [sflag:s26], $0x500  }
0x1b: {  	[sflag:s26] =	ssyncset.done $0x0  }
0x1c: {  	[sflag:s26] =	ssyncadd.s32 $0xFFFFFB00  }
0x1d: {  	_ =	swait.ge [sflag:s26], $0x500  }
0x1e: {  	[sflag:s26] =	ssyncset.done $0x0  }
0x1f: {  	[sflag:s26] =	ssyncadd.s32 $0xFFFFFB00  }
0x20: {  	_ =	swait.ge [sflag:s26], $0x500  }
0x21: {  	[sflag:s26] =	ssyncset.done $0x0  }
0x22: {  	s28 =	simm.s32 $0x0;
	[sflag:s26] =	ssyncadd.s32 $0xFFFFFB00  }
0x23: {  	v0 =	vld [tilespmem:s28+$0x5000];
	_ =	sdelay $0x7  }
0x24: {  	v1 =	vld.idx.msk [tilespmem:v0+s17+$0x0], $0xffff;
	_ =	sdelay $0x3  }
0x25: {  	p0 =	por $0x1, $0x1;
	s6 =	simm.s32 $0x0  }
0x26: {  	s6 =	simm.s32 @!p0 $0x80;
	vm0 =	veq.s32 v1, $0x1  }
0x27: {  	[tilespmem:s6+$0x6400] =	vst.msk vm0, v0  }
0x28: {  	v0 =	vld [tilespmem:s28+$0x5A00];
	_ =	sdelay $0x7  }
0x29: {  	v1 =	vmpcnt.ones.xlane vm0;
	v2 =	vld.idx.msk [tilespmem:v0+s17+$0x0], $0xffff;
	_ =	sdelay $0x1  }
0x2a: {  	(v2sf) =	vpush v1, $0x0;
	_ =	sdelay $0x1  }
0x2b: {  	p0 =	por $0x1, $0x1;
	s6 =	simm.s32 $0x0  }
0x2c: {  	s6 =	simm.s32 @!p0 $0x180;
	vm12 =	veq.s32 v2, $0x0  }
0x2d: {  	[tilespmem:s6+$0x6520] =	vst.msk vm12, v0  }
0x2e: {  	v0 =	vld [tilespmem:s28+$0x5010];
	_ =	sdelay $0x7  }
0x2f: {  	v1 =	vld.idx.msk [tilespmem:v0+s17+$0x0], $0xffff  }
0x30: {  	v2 =	vmpcnt.ones.xlane vm12  }
0x31: {  	s29 =	spop (v2sf)  }
0x32: {  	(v2sf) =	vpush v2, $0x0;
	s6 =	sadd.s32 $0x0, s29  }
0x33: {  	p0 =	slt.s32 s6, $0x80;
	s7 =	smov.u32 s6  }
0x34: {  	s7 =	simm.s32 @!p0 $0x80;
	vm13 =	veq.s32 v1, $0x1  }
0x35: {  	[tilespmem:s7+$0x6400] =	vst.msk vm13, v0  }
0x36: {  	v0 =	vld [tilespmem:s28+$0x5A10];
	_ =	sdelay $0x7  }
0x37: {  	v1 =	vld.idx.msk [tilespmem:v0+s17+$0x0], $0xffff  }
0x38: {  	v2 =	vmpcnt.ones.xlane vm13;
	_ =	sdelay $0x1  }
0x39: {  	s30 =	spop (v2sf);
	(v2sf) =	vpush v2, $0x0  }
0x3a: {  	s21 =	sadd.s32 $0x0, s30  }
0x3b: {  	p0 =	slt.s32 s21, $0x180;
	s4 =	smov.u32 s21;
	vm14 =	veq.s32 v1, $0x0  }
0x3c: {  	s4 =	simm.s32 @!p0 $0x180;
	v1 =	vmpcnt.ones.xlane vm14  }
0x3d: {  	s18 =	simm.s32 $0x20;
	[tilespmem:s4+$0x6520] =	vst.msk vm14, v0  }
0x3e: {  	v0 =	vld [tilespmem:s18+$0x5000];
	(v2sf) =	vpush v1, $0x0;
	_ =	sdelay $0x7  }
0x3f: {  	v1 =	vld.idx.msk [tilespmem:v0+s17+$0x0], $0xffff;
	_ =	sdelay $0x1  }
0x40: {  	s13 =	sadd.s32 $0x4A00, s5;
	s31 =	spop (v2sf)  }
0x41: {  	s10 =	sadd.s32 $0x5400, s5;
	s11 =	sadd.s32 $0x3800, s5;
	s20 =	sadd.s32 s6, s31  }
0x42: {  	s8 =	sadd.s32 $0x2E00, s5;
	p0 =	slt.s32 s20, $0x80;
	s19 =	smov.u32 s20  }
0x43: {  	s12 =	sadd.s32 $0x2400, s5;
	s9 =	sadd.s32 $0x1A00, s5;
	s19 =	simm.s32 @!p0 $0x80;
	vm15 =	veq.s32 v1, $0x1  }
0x44: {  	s7 =	sadd.s32 $0x4800, s5;
	s4 =	sadd.s32 $0x4400, s5;
	s6 =	sadd.s32 $0x4600, s5;
	[tilespmem:s19+$0x6400] =	vst.msk vm15, v0  }
0x45: {  	s5 =	sadd.s32 $0x4200, s5;
	s19 =	simm.s32 $0x100;
	v1 =	vmpcnt.ones.xlane vm15;
	v0 =	vld [tilespmem:s18+$0x5A00];
	s22 =	spop (v2sf)  }
.LBB2_1:
0x46: {  	p0 =	sne.s32 s19, $0x1380  }
0x47: {  	s21 =	sadd.s32 s21, s22;
	s22 =	smov.u32 s19;
	s19 =	sadd.s32 $0x80, s19  }
0x48: {  	p1 =	slt.s32 s21, $0x180;
	_ =	sdelay $0x5  }
0x49: {  	v2 =	vld.idx.msk [tilespmem:v0+s17+$0x0], $0xffff;
	_ =	sdelay $0x3  }
0x4a: {  	(v2sf) =	vpush v1, $0x0  }
0x4b: {  	s23 =	smov.u32 s21  }
0x4c: {  	s23 =	simm.s32 @!p1 $0x180;
	vm0 =	veq.s32 v2, $0x0  }
0x4d: {  	[tilespmem:s23+$0x6520] =	vst.msk vm0, v0;
	v0 =	vmpcnt.ones.xlane vm0  }
0x4e: {  	v1 =	vld [tilespmem:s18+$0x5010]  }
0x4f: {  	(v2sf) =	vpush v0, $0x0;
	_ =	sdelay $0x6  }
0x50: {  	v0 =	vld.idx.msk [tilespmem:v1+s17+$0x0], $0xffff;
	_ =	sdelay $0x2  }
0x51: {  	s23 =	spop (v2sf)  }
0x52: {  	s20 =	sadd.s32 s20, s23  }
0x53: {  	p1 =	slt.s32 s20, $0x80;
	s23 =	smov.u32 s20  }
0x54: {  	vm0 =	veq.s32 v0, $0x1;
	s23 =	simm.s32 @!p1 $0x80  }
0x55: {  	v0 =	vmpcnt.ones.xlane vm0;
	[tilespmem:s23+$0x6400] =	vst.msk vm0, v1  }
0x56: {  	v1 =	vld [tilespmem:s18+$0x5A10];
	s18 =	spop (v2sf)  }
0x57: {  	(v2sf) =	vpush v0, $0x0;
	_ =	sdelay $0x6  }
0x58: {  	v0 =	vld.idx.msk [tilespmem:v1+s17+$0x0], $0xffff;
	_ =	sdelay $0x3  }
0x59: {  	s21 =	sadd.s32 s21, s18  }
0x5a: {  	p1 =	slt.s32 s21, $0x180;
	s23 =	smov.u32 s21  }
0x5b: {  	s23 =	simm.s32 @!p1 $0x180;
	vm0 =	veq.s32 v0, $0x0  }
0x5c: {  	s18 =	sshra.s32 s22, $0x2;
	v0 =	vmpcnt.ones.xlane vm0;
	[tilespmem:s23+$0x6520] =	vst.msk vm0, v1  }
0x5d: {  	v1 =	vld [tilespmem:s18+$0x5000];
	s22 =	spop (v2sf)  }
0x5e: {  	s20 =	sadd.s32 s20, s22;
	(v2sf) =	vpush v0, $0x0  }
0x5f: {  	p1 =	slt.s32 s20, $0x80;
	_ =	sdelay $0x5  }
0x60: {  	v0 =	vld.idx.msk [tilespmem:v1+s17+$0x0], $0xffff;
	_ =	sdelay $0x3  }
.Ltmp0:
0x61: {  	(pc) =	sbr.rel @p0 .LBB2_1-.Ltmp0, $4  }
0x62: {  	s22 =	smov.u32 s20  }
0x63: {  	s22 =	simm.s32 @!p1 $0x80;
	vm0 =	veq.s32 v0, $0x1  }
0x64: {  	[tilespmem:s22+$0x6400] =	vst.msk vm0, v1;
	v1 =	vmpcnt.ones.xlane vm0  }
0x65: {  	v0 =	vld [tilespmem:s18+$0x5A00];
	s22 =	spop (v2sf)  }
0x66: {  	_ =	sdelay $0x7  }
0x67: {  	v2 =	vld.idx.msk [tilespmem:v0+s17+$0x0], $0xffff;
	_ =	sdelay $0x1  }
0x68: {  	(v2sf) =	vpush v1, $0x0  }
0x69: {  	s19 =	sadd.s32 s21, s22  }
0x6a: {  	p0 =	slt.s32 s19, $0x180;
	s21 =	smov.u32 s19  }
0x6b: {  	s21 =	simm.s32 @!p0 $0x180;
	vm0 =	veq.s32 v2, $0x0  }
0x6c: {  	[tilespmem:s21+$0x6520] =	vst.msk vm0, v0  }
0x6d: {  	v0 =	vld [tilespmem:s18+$0x5010];
	_ =	sdelay $0x7  }
0x6e: {  	v29 =	vld.idx.msk [tilespmem:v0+s17+$0x0], $0xffff;
	_ =	sdelay $0x1  }
0x6f: {  	s28 =	spop (v2sf)  }
0x70: {  	s20 =	sadd.s32 s20, s28  }
0x71: {  	p0 =	slt.s32 s20, $0x80;
	s21 =	smov.u32 s20  }
0x72: {  	s21 =	simm.s32 @!p0 $0x80;
	vm1 =	veq.s32 v29, $0x1  }
0x73: {  	[tilespmem:s21+$0x6400] =	vst.msk vm1, v0  }
0x74: {  	v30 =	vld [tilespmem:s18+$0x5A10];
	_ =	sdelay $0x7  }
0x75: {  	v0 =	vld.idx.msk [tilespmem:v30+s17+$0x0], $0xffff;
	_ =	sdelay $0x3  }
0x76: {  	v2 =	vmpcnt.ones.xlane vm0  }
0x77: {  	v3 =	vmpcnt.ones.xlane vm1;
	vm8 =	veq.s32 v0, $0x0  }
0x78: {  	(v2sf) =	vpush v2, $0x0;
	v0 =	vmpcnt.ones.xlane vm8  }
0x79: {  	(v2sf) =	vpush v3, $0x0  }
0x7a: {  	(v2sf) =	vpush v0, $0x0;
	_ =	sdelay $0xc  }
0x7b: {  	s29 =	spop (v2sf)  }
0x7c: {  	s30 =	spop (v2sf)  }
0x7d: {  	s17 =	sadd.s32 s19, s29;
	s31 =	spop (v2sf)  }
0x7e: {  	vm9 =	vcmask $0x300;
	s18 =	sadd.s32 s20, s30;
	s19 =	sadd.s32 s17, s31  }
0x7f: {  	vm2 =	vcmask $0xB08;
	p0 =	slt.s32 s17, $0x180;
	v31 =	vmov s18;
	v0 =	vmov s19  }
0x80: {  	s18 =	sshll.u32 s1, $0x6;
	v35 =	vnsel vm9, $0x0, v31;
	s17 =	simm.s32 @!p0 $0x180;
	v4 =	vnsel vm2, $0x0, v0  }
0x81: {  	[tilespmem:s17+$0x6520] =	vst.msk vm8, v30;
	s19 =	sshrl.u32 s18, $0x2;
	v36 =	vadd.s32 v35, v4  }
0x82: {  	s21 =	simm.s32 $0x2;
	s20 =	simm.s32 $0x6C40;
	s17 =	sadd.s32 s19, s14;
	[tilespmem:$0x6C40] =	vst v36  }
0x83: {  	[spmem:s17] =	stream.linear.scatter [tilespmem:s20], [sflag:$0x2], $0x10, $0x38;
	[tilespmem:$0x7128] =	vst v63  }
0x84: {  	_ =	swait.ge [sflag:s21], $0x10  }
0x85: {  	[sflag:s21] =	ssyncset.done $0x0  }
0x86: {  	[sflag:s21] =	ssyncadd.s32 $0xFFFFFFF0  }
0x87: {  	s22 =	simm.s32 $0x6C50;
	[bflag:$0x0] =	sbarrier.arrive $0xFFFF  }
0x88: {  	[tilespmem:s22], [sflag:$0x2] =	stream.linear.gather [spmem:s14], $0x100, $0x38;
	[tilespmem:$0x7128] =	vst v63  }
0x89: {  	_ =	swait.ge [sflag:s21], $0x100  }
0x8a: {  	[sflag:s21] =	ssyncset.done $0x0  }
0x8b: {  	p0 =	seq.s32 s1, $0x0;
	[sflag:s21] =	ssyncadd.s32 $0xFFFFFF00  }
0x8c: {  	s19 =	simm.s32 @!p0 $0x0;
	v37 =	vld [tilespmem:$0x6C50]  }
0x8d: {  	p1 =	sgt.u32 s1, $0x1;
	s19 =	simm.s32 @p0 $0x1  }
0x8e: {  	[smem:$0x7F4] =	sst s19;
	s19 =	simm.s32 @!p1 $0x0;
	v38 =	vld [tilespmem:$0x6C60]  }
0x8f: {  	p2 =	sgt.u32 s1, $0x2;
	s19 =	simm.s32 @p1 $0x1  }
0x90: {  	v5 =	vld [tilespmem:$0x6C80];
	[smem:$0x7F5] =	sst s19;
	s19 =	simm.s32 @!p2 $0x0  }
0x91: {  	v39 =	vld [tilespmem:$0x6C70];
	s19 =	simm.s32 @p2 $0x1;
	v8 =	vpsel p0, $0x0, v37;
	p0 =	sgt.u32 s1, $0x3  }
0x92: {  	v6 =	vld [tilespmem:$0x6C90];
	[smem:$0x7F6] =	sst s19;
	s19 =	simm.s32 @!p0 $0x0  }
0x93: {  	v9 =	vpsel !p1, $0x0, v38;
	p1 =	sgt.u32 s1, $0x4;
	s19 =	simm.s32 @p0 $0x1  }
0x94: {  	v7 =	vld [tilespmem:$0x6CA0];
	[smem:$0x7F7] =	sst s19;
	s19 =	simm.s32 @!p1 $0x0  }
0x95: {  	v10 =	vld [tilespmem:$0x6CB0];
	v41 =	vpsel !p0, $0x0, v5;
	p0 =	sgt.u32 s1, $0x5;
	s19 =	simm.s32 @p1 $0x1  }
0x96: {  	v11 =	vld [tilespmem:$0x6CC0];
	v40 =	vpsel !p2, $0x0, v39;
	[smem:$0x7F8] =	sst s19;
	s19 =	simm.s32 @!p0 $0x0  }
0x97: {  	v1 =	vadd.s32 v37, v38;
	v8 =	vadd.s32 v8, v9;
	v42 =	vpsel !p1, $0x0, v6;
	p1 =	sgt.u32 s1, $0x6;
	s19 =	simm.s32 @p0 $0x1  }
0x98: {  	v12 =	vld [tilespmem:$0x6CD0];
	v1 =	vadd.s32 v39, v1;
	v8 =	vadd.s32 v40, v8;
	[smem:$0x7F9] =	sst s19;
	s19 =	simm.s32 @!p1 $0x0  }
0x99: {  	v13 =	vld [tilespmem:$0x6CE0];
	v1 =	vadd.s32 v5, v1;
	v8 =	vadd.s32 v41, v8;
	v43 =	vpsel !p0, $0x0, v7;
	p0 =	sgt.u32 s1, $0x7;
	s19 =	simm.s32 @p1 $0x1  }
0x9a: {  	v14 =	vld [tilespmem:$0x6CF0];
	v1 =	vadd.s32 v6, v1;
	v8 =	vadd.s32 v42, v8;
	[smem:$0x7FA] =	sst s19;
	s19 =	simm.s32 @!p0 $0x0  }
0x9b: {  	v15 =	vld [tilespmem:$0x6D00];
	v8 =	vadd.s32 v43, v8;
	v44 =	vpsel !p1, $0x0, v10;
	v45 =	vpsel !p0, $0x0, v11;
	s19 =	simm.s32 @p0 $0x1;
	p0 =	sgt.u32 s1, $0x8  }
0x9c: {  	v16 =	vld [tilespmem:$0x6D10];
	v1 =	vadd.s32 v7, v1;
	v8 =	vadd.s32 v44, v8;
	[smem:$0x7FB] =	sst s19;
	s19 =	simm.s32 @!p0 $0x0  }
0x9d: {  	v17 =	vld [tilespmem:$0x6D20];
	v1 =	vadd.s32 v10, v1;
	v8 =	vadd.s32 v45, v8;
	v46 =	vpsel !p0, $0x0, v12;
	s19 =	simm.s32 @p0 $0x1;
	p0 =	sgt.u32 s1, $0x9  }
0x9e: {  	p3 =	sgt.u32 s1, $0xA;
	v18 =	vld [tilespmem:$0x6D30];
	v1 =	vadd.s32 v11, v1;
	v8 =	vadd.s32 v46, v8;
	v47 =	vpsel !p0, $0x0, v13  }
0x9f: {  	p4 =	sgt.u32 s1, $0xB;
	v48 =	vpsel !p3, $0x0, v14;
	v1 =	vadd.s32 v12, v1;
	v8 =	vadd.s32 v47, v8  }
0xa0: {  	p5 =	sgt.u32 s1, $0xC;
	v50 =	vpsel !p4, $0x0, v15;
	v1 =	vadd.s32 v13, v1;
	v49 =	vadd.s32 v48, v8  }
0xa1: {  	p6 =	sgt.u32 s1, $0xD;
	v54 =	vld [tilespmem:$0x6D40];
	v51 =	vpsel !p5, $0x0, v16;
	v1 =	vadd.s32 v14, v1;
	[smem:$0x7FC] =	sst s19;
	s19 =	simm.s32 @!p0 $0x0;
	v2 =	vadd.s32 v50, v49  }
0xa2: {  	v52 =	vpsel !p6, $0x0, v17;
	v1 =	vadd.s32 v15, v1;
	s19 =	simm.s32 @p0 $0x1;
	p0 =	seq.s32 s1, $0xF;
	v2 =	vadd.s32 v51, v2  }
0xa3: {  	v1 =	vadd.s32 v16, v1;
	v53 =	vpsel !p0, $0x0, v18;
	v2 =	vadd.s32 v52, v2  }
0xa4: {  	vm10 =	vmmov $0x1;
	v1 =	vadd.s32 v17, v1;
	v2 =	vadd.s32 v53, v2  }
0xa5: {  	vm11 =	vcmask $0x70C;
	v1 =	vadd.s32 v18, v1;
	v4 =	vnsel vm10, $0x0, v2  }
0xa6: {  	v2 =	vsel vm11, $0x0, v2;
	(xrf0) =	vadd.scan.msk.s32 $0xffff, v4;
	v4 =	vadd.s32 v54, v1;
	v1 =	vlaneseq.u32  }
0xa7: {  	v6 =	vnsel vm10, $0x0, v4;
	vm12 =	vgt.s32 v31, v1;
	v57 =	vor.u32 $0x10, v1  }
0xa8: {  	v4 =	vsel vm11, $0x0, v4;
	v59 =	vor.u32 $0x20, v1;
	v61 =	vor.u32 $0x30, v1;
	(xrf0) =	vadd.scan.msk.s32 $0xffff, v2  }
0xa9: {  	v63 =	vor.u32 $0x40, v1;
	v32 =	vor.u32 $0x50, v1;
	v36 =	vor.u32 $0x60, v1  }
0xaa: {  	v20 =	vor.u32 $0x70, v1;
	v40 =	vor.u32 $0x80, v1;
	v41 =	vor.u32 $0x90, v1  }
0xab: {  	v43 =	vor.u32 $0xA0, v1;
	v45 =	vor.u32 $0xB0, v1;
	v29 =	vor.u32 $0xC0, v1  }
0xac: {  	v50 =	vor.u32 $0xD0, v1;
	v53 =	vor.u32 $0xE0, v1;
	vm14 =	vgt.s32 v31, v57;
	v55, _, _ =	vpop (xrf0)  }
0xad: {  	vm5 =	vgt.s32 v31, v59;
	vm8 =	vgt.s32 v31, v61;
	v5 =	vbroadcast v55, $0xF  }
0xae: {  	vm10 =	vgt.s32 v31, v63;
	vm3 =	vgt.s32 v31, v32;
	v37, _, _ =	vpop (xrf0);
	v55 =	vor.u32 $0xF0, v1  }
0xaf: {  	v2 =	vbroadcast v37, $0xF;
	v56 =	vadd.s32 v1, v5;
	v58 =	vadd.s32 v57, v5  }
0xb0: {  	v60 =	vadd.s32 v59, v5;
	v62 =	vadd.s32 v61, v5;
	v33 =	vadd.s32 v63, v5  }
0xb1: {  	v34 =	vadd.s32 v32, v5;
	v19 =	vadd.s32 v36, v5;
	v5 =	vadd.s32 v20, v5  }
0xb2: {  	vm13 =	vlt.s32 v56, $0x80;
	vm15 =	vlt.s32 v58, $0x80;
	vm6 =	vlt.s32 v60, $0x80  }
0xb3: {  	vm9 =	vlt.s32 v62, $0x80;
	vm11 =	vlt.s32 v33, $0x80;
	v39 =	vadd.s32 v1, v2  }
0xb4: {  	v21 =	vadd.s32 v57, v2;
	v42 =	vadd.s32 v40, v2;
	v22 =	vadd.s32 v41, v2  }
0xb5: {  	v25 =	vadd.s32 v59, v2;
	v44 =	vadd.s32 v43, v2;
	v26 =	vadd.s32 v61, v2  }
0xb6: {  	v46 =	vadd.s32 v63, v2;
	v28 =	vadd.s32 v45, v2;
	v48 =	vadd.s32 v32, v2  }
0xb7: {  	v49 =	vadd.s32 v29, v2;
	v30 =	vadd.s32 v50, v2;
	v54 =	vadd.s32 v53, v2  }
0xb8: {  	vm0 =	vmand vm12, vm13;
	vm4 =	vmand vm14, vm15;
	vm7 =	vmand vm5, vm6  }
0xb9: {  	vm12 =	vmand vm10, vm11;
	vm14 =	vgt.s32 v31, v36;
	vm15 =	vlt.s32 v19, $0x80  }
0xba: {  	vm5 =	vlt.s32 v5, $0x80;
	vm10 =	vlt.s32 v21, $0x180;
	vm11 =	vgt.s32 v0, v59  }
0xbb: {  	v59 =	vor.u32 $0x100, v1;
	v7 =	vnsel vm0, $0x200, v56;
	v9 =	vnsel vm4, $0x200, v58  }
0xbc: {  	v11 =	vnsel vm7, $0x200, v60;
	vm0 =	vmand vm8, vm9;
	vm4 =	vlt.s32 v34, $0x80  }
0xbd: {  	v35 =	vnsel vm12, $0x200, v33;
	vm7 =	vgt.s32 v0, v1;
	vm8 =	vlt.s32 v39, $0x180  }
0xbe: {  	vm9 =	vgt.s32 v0, v57;
	vm12 =	vlt.s32 v25, $0x180;
	v56 =	vadd.s32 v55, v2  }
0xbf: {  	v60 =	vadd.s32 v59, v2;
	v13 =	vnsel vm0, $0x200, v62;
	vm13 =	vmand vm3, vm4  }
0xc0: {  	vm0 =	vmand vm14, vm15;
	vm4 =	vgt.s32 v31, v20;
	vm1 =	vmand vm9, vm10  }
0xc1: {  	vm14 =	vlt.s32 v26, $0x180;
	vm15 =	vgt.s32 v0, v63;
	v31 =	vadd.s32 v36, v2  }
0xc2: {  	vm10 =	vgt.s32 v0, v20;
	v20 =	vadd.s32 v20, v2;
	v16 =	vnsel vm13, $0x200, v34  }
0xc3: {  	v38 =	vnsel vm0, $0x200, v19;
	vm6 =	vmand vm4, vm5;
	vm0 =	vmand vm7, vm8  }
0xc4: {  	v24 =	vnsel vm1, $0x200, v22;
	vm13 =	vgt.s32 v0, v61;
	vm4 =	vlt.s32 v46, $0x180  }
0xc5: {  	vm7 =	vlt.s32 v48, $0x180;
	vm8 =	vgt.s32 v0, v36;
	vm9 =	vlt.s32 v31, $0x180  }
0xc6: {  	v61 =	vor.u32 $0x110, v1;
	v34 =	vor.u32 $0x130, v1;
	v46 =	vor.u32 $0x190, v1  }
0xc7: {  	v5 =	vnsel vm6, $0x200, v5;
	v23 =	vnsel vm0, $0x200, v42;
	vm0 =	vmand vm11, vm12  }
0xc8: {  	vm5 =	vmand vm15, vm4;
	vm6 =	vgt.s32 v0, v32;
	vm11 =	vlt.s32 v20, $0x180  }
0xc9: {  	[tilespmem:$0x6880] =	vst v35;
	vm12 =	vgt.s32 v0, v40;
	vm15 =	vlt.s32 v22, $0x180;
	v62 =	vadd.s32 v61, v2  }
0xca: {  	v32 =	vor.u32 $0x120, v1;
	v35 =	vadd.s32 v34, v2;
	[tilespmem:$0x68A0] =	vst v38;
	v38 =	vor.u32 $0x140, v1  }
0xcb: {  	v27 =	vnsel vm0, $0x200, v44;
	vm0 =	vmand vm13, vm14;
	vm1 =	vmand vm6, vm7  }
0xcc: {  	v51 =	vnsel vm5, $0x200, v49;
	vm13 =	vlt.s32 v42, $0x180;
	vm14 =	vgt.s32 v0, v41  }
0xcd: {  	(xrf0) =	vadd.scan.msk.s32 $0xffff, v6;
	v33 =	vadd.s32 v32, v2;
	v39 =	vadd.s32 v38, v2;
	v41 =	vor.u32 $0x150, v1  }
0xce: {  	(xrf0) =	vadd.scan.msk.s32 $0xffff, v4;
	vm4 =	vgt.s32 v0, v38;
	v47 =	vnsel vm0, $0x200, v28;
	v52 =	vnsel vm1, $0x200, v30  }
0xcf: {  	[tilespmem:$0x6840] =	vst v7;
	vm0 =	vmand vm8, vm9;
	vm1 =	vmand vm10, vm11;
	vm8 =	vmand vm12, vm13  }
0xd0: {  	[tilespmem:$0x6850] =	vst v9;
	vm9 =	vgt.s32 v0, v43;
	vm10 =	vlt.s32 v44, $0x180;
	vm11 =	vgt.s32 v0, v45  }
0xd1: {  	[tilespmem:$0x6860] =	vst v11;
	vm12 =	vlt.s32 v28, $0x180;
	v42 =	vadd.s32 v41, v2;
	v43 =	vor.u32 $0x180, v1  }
0xd2: {  	[tilespmem:$0x6870] =	vst v13;
	vm5 =	vlt.s32 v39, $0x180;
	vm7 =	vgt.s32 v0, v41;
	v57 =	vnsel vm0, $0x200, v54  }
0xd3: {  	[tilespmem:$0x6890] =	vst v16;
	v58 =	vnsel vm1, $0x200, v56;
	vm0 =	vmand vm14, vm15;
	v63 =	vnsel vm8, $0x200, v60  }
0xd4: {  	[tilespmem:$0x6950] =	vst v24;
	vm13 =	vmand vm9, vm10;
	vm14 =	vgt.s32 v0, v29;
	vm15 =	vlt.s32 v49, $0x180  }
0xd5: {  	[tilespmem:$0x68B0] =	vst v5;
	vm1 =	vmand vm11, vm12;
	vm8 =	vgt.s32 v0, v50;
	vm9 =	vlt.s32 v30, $0x180  }
0xd6: {  	[tilespmem:$0x6940] =	vst v23;
	vm11 =	vgt.s32 v0, v53;
	vm12 =	vlt.s32 v54, $0x180;
	v8 =	vadd.s32 v43, v2  }
0xd7: {  	[tilespmem:$0x6960] =	vst v27;
	v49 =	vor.u32 $0x160, v1;
	v50 =	vor.u32 $0x170, v1;
	v53 =	vor.u32 $0x1A0, v1  }
0xd8: {  	[tilespmem:$0x6980] =	vst v51;
	vm6 =	vmand vm4, vm5;
	v28 =	vnsel vm0, $0x200, v62;
	v36 =	vnsel vm13, $0x200, v33  }
0xd9: {  	[tilespmem:$0x6970] =	vst v47;
	v37 =	vnsel vm1, $0x200, v35;
	vm10 =	vmand vm14, vm15;
	vm2 =	vmand vm8, vm9  }
0xda: {  	[tilespmem:$0x6990] =	vst v52;
	vm13 =	vgt.s32 v0, v55;
	vm14 =	vlt.s32 v56, $0x180;
	vm0 =	vmand vm11, vm12  }
0xdb: {  	vm15 =	vgt.s32 v0, v59;
	vm8 =	vlt.s32 v60, $0x180;
	vm9 =	vgt.s32 v0, v61;
	[tilespmem:$0x69A0] =	vst v57  }
0xdc: {  	[tilespmem:$0x69B0] =	vst v58;
	vm11 =	vgt.s32 v0, v32;
	vm12 =	vlt.s32 v33, $0x180;
	v51 =	vadd.s32 v49, v2  }
0xdd: {  	[tilespmem:$0x69C0] =	vst v63;
	v52 =	vadd.s32 v50, v2;
	v13 =	vadd.s32 v53, v2;
	v56 =	vor.u32 $0x1B0, v1  }
0xde: {  	v59 =	vor.u32 $0x1C0, v1;
	v60 =	vor.u32 $0x1D0, v1;
	v61 =	vor.u32 $0x1E0, v1;
	[tilespmem:$0x69D0] =	vst v28  }
0xdf: {  	v40 =	vnsel vm10, $0x200, v39;
	vm1 =	vmand vm13, vm14;
	vm3 =	vmand vm15, vm8;
	[tilespmem:$0x69E0] =	vst v36  }
0xe0: {  	v44 =	vnsel vm2, $0x200, v42;
	vm10 =	vlt.s32 v62, $0x180;
	v47, _, _ =	vpop (xrf0);
	vm13 =	vmand vm11, vm12;
	[tilespmem:$0x69F0] =	vst v37  }
0xe1: {  	v54 =	vnsel vm0, $0x200, v51;
	vm14 =	vgt.s32 v0, v34;
	(v2sf) =	vpush v47, $0xF;
	[tilespmem:$0x6A00] =	vst v40  }
0xe2: {  	vm15 =	vlt.s32 v35, $0x180;
	v58 =	vadd.s32 v56, v2;
	v5 =	vadd.s32 v59, v2;
	[tilespmem:$0x6A10] =	vst v44  }
0xe3: {  	vm8 =	vlt.s32 v42, $0x180;
	v4 =	vadd.s32 v60, v2;
	v55 =	vnsel vm1, $0x200, v52;
	[tilespmem:$0x6A20] =	vst v54  }
0xe4: {  	vm11 =	vlt.s32 v51, $0x180;
	v3 =	vadd.s32 v61, v2;
	v45 =	vnsel vm3, $0x200, v8;
	[tilespmem:$0x6A30] =	vst v55  }
0xe5: {  	v62 =	vor.u32 $0x1F0, v1;
	vm2 =	vmand vm9, vm10;
	v57 =	vnsel vm13, $0x200, v13;
	[tilespmem:$0x6A40] =	vst v45  }
0xe6: {  	v8 =	vadd.s32 v46, v2;
	v48, _, _ =	vpop (xrf0);
	vm0 =	vmand vm14, vm15;
	v5 =	vnsel vm6, $0x200, v5;
	[tilespmem:$0x6A60] =	vst v57  }
0xe7: {  	vm9 =	vmand vm7, vm8;
	v8 =	vnsel vm2, $0x200, v8;
	(v2sf) =	vpush v48, $0xF;
	[tilespmem:$0x6A80] =	vst v5  }
0xe8: {  	vm10 =	vgt.s32 v0, v49;
	vm13 =	vgt.s32 v0, v50;
	v13 =	vnsel vm0, $0x200, v58;
	[tilespmem:$0x6A50] =	vst v8  }
0xe9: {  	vm14 =	vlt.s32 v52, $0x180;
	v4 =	vnsel vm9, $0x200, v4;
	vm12 =	vmand vm10, vm11;
	[tilespmem:$0x6A70] =	vst v13  }
0xea: {  	v0 =	vadd.s32 v62, v2;
	vm15 =	vmand vm13, vm14;
	v63 =	vnsel vm12, $0x200, v3;
	[tilespmem:$0x6A90] =	vst v4  }
0xeb: {  	s23 =	simm.s32 $0x6840;
	v0 =	vnsel vm15, $0x200, v0;
	[tilespmem:$0x6AA0] =	vst v63  }
0xec: {  	s24 =	simm.s32 $0x6400;
	[smem:$0x7FD] =	sst s19;
	s19 =	simm.s32 $0x80;
	[tilespmem:$0x6AB0] =	vst v0  }
0xed: {  	[spmem:s3] =	stream.indirect.scatter [tilespmem:s24], [sflag:$0x1], $0x1, s23, s19, $0xb8;
	[tilespmem:$0x7128] =	vst v63  }
0xee: {  	s25 =	simm.s32 $0x6940;
	s26 =	simm.s32 $0x6520  }
0xef: {  	[spmem:s3] =	stream.indirect.scatter [tilespmem:s26], [sflag:$0x1], $0x1, s25, s19, $0xb8;
	[tilespmem:$0x7128] =	vst v63  }
0xf0: {  	s22 =	spop (v2sf)  }
0xf1: {  	p1 =	sgt.s32 s22, $0x7F  }
.Ltmp1:
0xf2: {  	s28 =	simm.s32 $0x69C0;
	s29 =	simm.s32 $0x65A0;
	(pc) =	sbr.rel @p1 .LBB2_6-.Ltmp1, $4  }
0xf3: {  	[spmem:s3] =	stream.indirect.scatter [tilespmem:s29], [sflag:$0x1], $0x1, s28, s19, $0xb8;
	[tilespmem:$0x7128] =	vst v63  }
0xf4: {  	s30 =	simm.s32 $0x6A40;
	s31 =	simm.s32 $0x6620  }
0xf5: {  	[spmem:s3] =	stream.indirect.scatter [tilespmem:s31], [sflag:$0x1], $0x1, s30, s19, $0xb8;
	[tilespmem:$0x7128] =	vst v63  }
0xf6: {  	s21 =	sshll.u32 s1, $0x2;
	s19 =	sshll.u32 s1, $0x5;
	s20 =	spop (v2sf)  }
0xf7: {  	s23 =	simm.s32 $0x0  }
0xf8: {  	v0 =	vld [tilespmem:s23+$0x5500];
	_ =	sdelay $0x6  }
0xf9: {  	s23 =	simm.s32 $0x0  }
0xfa: {  	v1 =	vld.idx.msk [tilespmem:v0+s23+$0x0], $0xffff;
	_ =	sdelay $0x4  }
0xfb: {  	vm0 =	veq.s32 v1, $0x0  }
0xfc: {  	v1 =	vmpcnt.ones.xlane vm0  }
0xfd: {  	p1 =	por $0x1, $0x1;
	s24 =	simm.s32 $0x0  }
0xfe: {  	s24 =	simm.s32 @!p1 $0x80;
	(v2sf) =	vpush v1, $0x0  }
0xff: {  	s26 =	simm.s32 $0x10;
	s25 =	simm.s32 $0x80;
	[tilespmem:s24+$0x6490] =	vst.msk vm0, v0;
	s24 =	simm.s32 $0x0  }
.LBB2_4:
0x100: {  	p1 =	sne.s32 s25, $0x13C0;
	v0 =	vld [tilespmem:s26+$0x5500];
	_ =	sdelay $0x7  }
0x101: {  	v1 =	vld.idx.msk [tilespmem:v0+s23+$0x0], $0xffff;
	_ =	sdelay $0x4  }
0x102: {  	s26 =	spop (v2sf)  }
.Ltmp2:
0x103: {  	vm0 =	veq.s32 v1, $0x0;
	s24 =	sadd.s32 s24, s26;
	(pc) =	sbr.rel @p1 .LBB2_4-.Ltmp2, $4  }
0x104: {  	v1 =	vmpcnt.ones.xlane vm0;
	p2 =	slt.s32 s24, $0x80;
	s26 =	smov.u32 s24  }
0x105: {  	s26 =	simm.s32 @!p2 $0x80  }
0x106: {  	[tilespmem:s26+$0x6490] =	vst.msk vm0, v0;
	(v2sf) =	vpush v1, $0x0  }
0x107: {  	s26 =	sshra.s32 s25, $0x2;
	s25 =	sadd.s32 $0x40, s25  }
0x108: {  	v0 =	vld [tilespmem:s26+$0x5500];
	_ =	sdelay $0x7  }
0x109: {  	v1 =	vld.idx.msk [tilespmem:v0+s23+$0x0], $0xffff;
	_ =	sdelay $0x4  }
0x10a: {  	vm0 =	veq.s32 v1, $0x0  }
0x10b: {  	v1 =	vmpcnt.ones.xlane vm0;
	_ =	sdelay $0x1  }
0x10c: {  	(v2sf) =	vpush v1, $0x0;
	_ =	sdelay $0xc  }
0x10d: {  	s26 =	spop (v2sf)  }
0x10e: {  	s23 =	sadd.s32 s24, s26  }
0x10f: {  	p1 =	slt.s32 s23, $0x80;
	s24 =	smov.u32 s23;
	s25 =	spop (v2sf)  }
0x110: {  	s24 =	simm.s32 @!p1 $0x80;
	s23 =	sadd.s32 s23, s25  }
0x111: {  	vm8 =	vcmask $0x704;
	[tilespmem:s24+$0x6490] =	vst.msk vm0, v0;
	v22 =	vmov s23  }
0x112: {  	[bflag:$0x0] =	sbarrier.arrive $0xFFFF;
	v23 =	vnsel vm8, $0x0, v22  }
0x113: {  	s28 =	simm.s32 $0x6C40;
	s29 =	simm.s32 $0x2;
	[tilespmem:$0x6C40] =	vst v23  }
0x114: {  	[spmem:s17] =	stream.linear.scatter [tilespmem:s28], [sflag:$0x2], $0x10, $0x38;
	[tilespmem:$0x7128] =	vst v63  }
0x115: {  	_ =	swait.ge [sflag:s29], $0x10  }
0x116: {  	[sflag:s29] =	ssyncset.done $0x0  }
0x117: {  	[sflag:s29] =	ssyncadd.s32 $0xFFFFFFF0  }
0x118: {  	s30 =	simm.s32 $0x6C50;
	[bflag:$0x0] =	sbarrier.arrive $0xFFFF  }
0x119: {  	[tilespmem:s30], [sflag:$0x2] =	stream.linear.gather [spmem:s14], $0x100, $0x38;
	[tilespmem:$0x7128] =	vst v63  }
0x11a: {  	_ =	swait.ge [sflag:s29], $0x100  }
0x11b: {  	[sflag:s29] =	ssyncset.done $0x0  }
0x11c: {  	[sflag:s29] =	ssyncadd.s32 $0xFFFFFF00  }
0x11d: {  	v24 =	vld [tilespmem:$0x6C50]  }
0x11e: {  	s31 =	sld [smem:$0x7F4];
	v2 =	vld [tilespmem:$0x6C60]  }
0x11f: {  	s24 =	sld [smem:$0x7F5];
	v3 =	vld [tilespmem:$0x6C70]  }
0x120: {  	s25 =	sld [smem:$0x7F6];
	v4 =	vld [tilespmem:$0x6C80]  }
0x121: {  	s26 =	sld [smem:$0x7F7];
	v5 =	vld [tilespmem:$0x6C90];
	p2 =	seq.s32 s31, $0x1  }
0x122: {  	s28 =	sld [smem:$0x7F8];
	v6 =	vld [tilespmem:$0x6CA0];
	v1 =	vpsel p2, $0x0, v24;
	p2 =	seq.s32 s24, $0x1  }
0x123: {  	s29 =	sld [smem:$0x7F9];
	v7 =	vld [tilespmem:$0x6CB0];
	v2 =	vpsel !p2, $0x0, v2;
	p2 =	seq.s32 s25, $0x1  }
0x124: {  	s30 =	sld [smem:$0x7FA];
	v26 =	vld [tilespmem:$0x6CC0];
	v1 =	vadd.s32 v1, v2;
	v25 =	vpsel !p2, $0x0, v3;
	p2 =	seq.s32 s26, $0x1  }
0x125: {  	v28 =	vld [tilespmem:$0x6CD0];
	s31 =	sld [smem:$0x7FB];
	v1 =	vadd.s32 v25, v1;
	v27 =	vpsel !p2, $0x0, v4;
	p2 =	seq.s32 s28, $0x1  }
0x126: {  	v30 =	vld [tilespmem:$0x6CE0];
	s24 =	sld [smem:$0x7FC];
	v1 =	vadd.s32 v27, v1;
	v29 =	vpsel !p2, $0x0, v5;
	p2 =	seq.s32 s29, $0x1  }
0x127: {  	v32 =	vld [tilespmem:$0x6CF0];
	s25 =	sld [smem:$0x7FD];
	v1 =	vadd.s32 v29, v1;
	v31 =	vpsel !p2, $0x0, v6;
	p2 =	seq.s32 s30, $0x1  }
0x128: {  	v34 =	vld [tilespmem:$0x6D00];
	v1 =	vadd.s32 v31, v1;
	v33 =	vpsel !p2, $0x0, v7;
	p2 =	seq.s32 s31, $0x1  }
0x129: {  	v36 =	vld [tilespmem:$0x6D10];
	v1 =	vadd.s32 v33, v1;
	v35 =	vpsel !p2, $0x0, v26;
	p2 =	seq.s32 s24, $0x1  }
0x12a: {  	v38 =	vld [tilespmem:$0x6D20];
	v1 =	vadd.s32 v35, v1;
	v37 =	vpsel !p2, $0x0, v28;
	p2 =	seq.s32 s25, $0x1  }
0x12b: {  	v40 =	vld [tilespmem:$0x6D30];
	v1 =	vadd.s32 v37, v1;
	v39 =	vpsel !p2, $0x0, v30  }
0x12c: {  	v41 =	vpsel !p3, $0x0, v32;
	v1 =	vadd.s32 v39, v1  }
0x12d: {  	v42 =	vpsel !p4, $0x0, v34;
	v1 =	vadd.s32 v41, v1  }
0x12e: {  	v43 =	vpsel !p5, $0x0, v36;
	v1 =	vadd.s32 v42, v1  }
0x12f: {  	v44 =	vpsel !p6, $0x0, v38;
	v1 =	vadd.s32 v43, v1  }
0x130: {  	v45 =	vpsel !p0, $0x0, v40;
	v1 =	vadd.s32 v44, v1  }
0x131: {  	vm9 =	vcmask $0x308;
	v1 =	vadd.s32 v45, v1  }
0x132: {  	v1 =	vsel vm9, $0x0, v1  }
0x133: {  	(xrf0) =	vadd.scan.msk.s32 $0xffff, v1;
	_ =	sdelay $0x5  }
0x134: {  	v1, _, _ =	vpop (xrf0)  }
0x135: {  	(v2sf) =	vpush v1, $0xF;
	_ =	sdelay $0xb  }
0x136: {  	v46 =	vlaneseq.u32  }
0x137: {  	v48 =	vor.u32 $0x10, v46;
	v50 =	vor.u32 $0x20, v46  }
0x138: {  	v52 =	vor.u32 $0x30, v46;
	v54 =	vor.u32 $0x40, v46;
	v8 =	vor.u32 $0x50, v46  }
0x139: {  	v58 =	vor.u32 $0x60, v46;
	vm10 =	vgt.s32 v22, v46;
	vm11 =	vgt.s32 v22, v48;
	s26 =	spop (v2sf)  }
0x13a: {  	vm13 =	vgt.s32 v22, v50;
	vm15 =	vgt.s32 v22, v52;
	vm6 =	vgt.s32 v22, v54;
	s22 =	sadd.s32 s22, s26  }
0x13b: {  	vm8 =	vgt.s32 v22, v8;
	v1 =	vor.u32 $0x70, v46;
	v47 =	vadd.s32 s22, v46  }
0x13c: {  	v49 =	vadd.s32 s22, v48;
	v51 =	vadd.s32 s22, v50;
	v53 =	vadd.s32 s22, v52  }
0x13d: {  	v55 =	vadd.s32 s22, v54;
	v56 =	vadd.s32 s22, v8;
	v60 =	vadd.s32 s22, v58  }
0x13e: {  	v61 =	vadd.s32 s22, v1;
	vm1 =	vlt.s32 v47, $0x80;
	vm2 =	vlt.s32 v49, $0x80  }
0x13f: {  	vm14 =	vlt.s32 v51, $0x80;
	vm4 =	vlt.s32 v53, $0x80;
	vm0 =	vmand vm10, vm1  }
0x140: {  	vm7 =	vlt.s32 v55, $0x80;
	vm12 =	vmand vm11, vm2;
	v2 =	vnsel vm0, $0x200, v47  }
0x141: {  	vm9 =	vlt.s32 v56, $0x80;
	vm5 =	vmand vm15, vm4;
	v4 =	vnsel vm12, $0x200, v49;
	[tilespmem:$0x68C0] =	vst v2  }
0x142: {  	vm10 =	vmand vm8, vm9;
	vm11 =	vgt.s32 v22, v58;
	v3 =	vnsel vm5, $0x200, v53;
	[tilespmem:$0x68D0] =	vst v4  }
0x143: {  	vm0 =	vmand vm13, vm14;
	v59 =	vnsel vm10, $0x200, v56;
	vm13 =	vgt.s32 v22, v1;
	[tilespmem:$0x68F0] =	vst v3  }
0x144: {  	vm14 =	vlt.s32 v61, $0x80;
	v5 =	vnsel vm0, $0x200, v51;
	vm0 =	vmand vm6, vm7;
	[tilespmem:$0x6910] =	vst v59  }
0x145: {  	vm12 =	vlt.s32 v60, $0x80;
	vm15 =	vmand vm13, vm14;
	v57 =	vnsel vm0, $0x200, v55;
	[tilespmem:$0x68E0] =	vst v5  }
0x146: {  	vm0 =	vmand vm11, vm12;
	v63 =	vnsel vm15, $0x200, v61;
	[tilespmem:$0x6900] =	vst v57  }
0x147: {  	s28 =	simm.s32 $0x80;
	v62 =	vnsel vm0, $0x200, v60;
	[tilespmem:$0x6930] =	vst v63  }
0x148: {  	s29 =	simm.s32 $0x68C0;
	s30 =	simm.s32 $0x6490;
	s31 =	simm.s32 $0x1;
	[tilespmem:$0x6920] =	vst v62  }
0x149: {  	[spmem:s3] =	stream.indirect.scatter [tilespmem:s30], [sflag:$0x1], $0x1, s29, s28, $0xb8;
	[tilespmem:$0x7128] =	vst v63  }
0x14a: {  	_ =	swait.ge [sflag:s31], $0x80  }
0x14b: {  	[sflag:s31] =	ssyncset.done $0x0  }
0x14c: {  	[sflag:s31] =	ssyncadd.s32 $0xFFFFFF80  }
.LBB2_6:
0x14d: {  	p1 =	sgt.s32 s20, $0x17F  }
.Ltmp3:
0x14e: {  	_ = 	snop;
	(pc) =	sbr.rel @p1 .LBB2_10-.Ltmp3, $2  }
0x14f: {  	_ =	sdelay $0x2  }
0x150: {  	s19 =	sadd.s32 s19, s3;
	s18 =	sadd.s32 s15, s18;
	s15 =	sadd.s32 s16, s21  }
0x151: {  	s16 =	simm.s32 $0x0  }
0x152: {  	v0 =	vld [tilespmem:s16+$0x5F00];
	_ =	sdelay $0x6  }
0x153: {  	s16 =	simm.s32 $0x0  }
0x154: {  	v1 =	vld.idx.msk [tilespmem:v0+s16+$0x0], $0xffff;
	_ =	sdelay $0x4  }
0x155: {  	vm0 =	veq.s32 v1, $0x1  }
0x156: {  	v1 =	vmpcnt.ones.xlane vm0  }
0x157: {  	p1 =	por $0x1, $0x1;
	s21 =	simm.s32 $0x0  }
0x158: {  	s21 =	simm.s32 @!p1 $0x180;
	(v2sf) =	vpush v1, $0x0  }
0x159: {  	s23 =	simm.s32 $0x10;
	s22 =	simm.s32 $0x80;
	[tilespmem:s21+$0x66B0] =	vst.msk vm0, v0;
	s21 =	simm.s32 $0x0  }
.LBB2_8:
0x15a: {  	p1 =	sne.s32 s22, $0x13C0;
	v0 =	vld [tilespmem:s23+$0x5F00];
	_ =	sdelay $0x7  }
0x15b: {  	v1 =	vld.idx.msk [tilespmem:v0+s16+$0x0], $0xffff;
	_ =	sdelay $0x4  }
0x15c: {  	s23 =	spop (v2sf)  }
.Ltmp4:
0x15d: {  	vm0 =	veq.s32 v1, $0x1;
	s21 =	sadd.s32 s21, s23;
	(pc) =	sbr.rel @p1 .LBB2_8-.Ltmp4, $4  }
0x15e: {  	v1 =	vmpcnt.ones.xlane vm0;
	p2 =	slt.s32 s21, $0x180;
	s23 =	smov.u32 s21  }
0x15f: {  	s23 =	simm.s32 @!p2 $0x180  }
0x160: {  	[tilespmem:s23+$0x66B0] =	vst.msk vm0, v0;
	(v2sf) =	vpush v1, $0x0  }
0x161: {  	s23 =	sshra.s32 s22, $0x2;
	s22 =	sadd.s32 $0x40, s22  }
0x162: {  	v0 =	vld [tilespmem:s23+$0x5F00];
	_ =	sdelay $0x7  }
0x163: {  	v1 =	vld.idx.msk [tilespmem:v0+s16+$0x0], $0xffff;
	_ =	sdelay $0x4  }
0x164: {  	vm0 =	veq.s32 v1, $0x1  }
0x165: {  	v1 =	vmpcnt.ones.xlane vm0;
	_ =	sdelay $0x1  }
0x166: {  	(v2sf) =	vpush v1, $0x0;
	_ =	sdelay $0xc  }
0x167: {  	s31 =	spop (v2sf)  }
0x168: {  	s16 =	sadd.s32 s21, s31  }
0x169: {  	s21 =	smov.u32 s16;
	p1 =	slt.s32 s16, $0x180;
	s22 =	spop (v2sf)  }
0x16a: {  	s21 =	simm.s32 @!p1 $0x180;
	s16 =	sadd.s32 s16, s22  }
0x16b: {  	vm13 =	vcmask $0xF0C;
	[tilespmem:s21+$0x66B0] =	vst.msk vm0, v0;
	v0 =	vmov s16  }
0x16c: {  	[bflag:$0x0] =	sbarrier.arrive $0xFFFF;
	v31 =	vnsel vm13, $0x0, v0  }
0x16d: {  	s21 =	simm.s32 $0x6C40;
	s22 =	simm.s32 $0x2;
	[tilespmem:$0x6C40] =	vst v31  }
0x16e: {  	[spmem:s17] =	stream.linear.scatter [tilespmem:s21], [sflag:$0x2], $0x10, $0x38;
	[tilespmem:$0x7128] =	vst v63  }
0x16f: {  	_ =	swait.ge [sflag:s22], $0x10  }
0x170: {  	[sflag:s22] =	ssyncset.done $0x0  }
0x171: {  	[sflag:s22] =	ssyncadd.s32 $0xFFFFFFF0  }
0x172: {  	s23 =	simm.s32 $0x6C50;
	[bflag:$0x0] =	sbarrier.arrive $0xFFFF  }
0x173: {  	[tilespmem:s23], [sflag:$0x2] =	stream.linear.gather [spmem:s14], $0x100, $0x38;
	[tilespmem:$0x7128] =	vst v63  }
0x174: {  	_ =	swait.ge [sflag:s22], $0x100  }
0x175: {  	[sflag:s22] =	ssyncset.done $0x0  }
0x176: {  	[sflag:s22] =	ssyncadd.s32 $0xFFFFFF00  }
0x177: {  	v32 =	vld [tilespmem:$0x6C50]  }
0x178: {  	s24 =	sld [smem:$0x7F4];
	v2 =	vld [tilespmem:$0x6C60]  }
0x179: {  	s25 =	sld [smem:$0x7F5];
	v3 =	vld [tilespmem:$0x6C70]  }
0x17a: {  	s26 =	sld [smem:$0x7F6];
	v4 =	vld [tilespmem:$0x6C80]  }
0x17b: {  	s28 =	sld [smem:$0x7F7];
	v5 =	vld [tilespmem:$0x6C90];
	p2 =	seq.s32 s24, $0x1  }
0x17c: {  	s29 =	sld [smem:$0x7F8];
	v6 =	vld [tilespmem:$0x6CA0];
	v1 =	vpsel p2, $0x0, v32;
	p2 =	seq.s32 s25, $0x1  }
0x17d: {  	s30 =	sld [smem:$0x7F9];
	v7 =	vld [tilespmem:$0x6CB0];
	v2 =	vpsel !p2, $0x0, v2;
	p2 =	seq.s32 s26, $0x1  }
0x17e: {  	s31 =	sld [smem:$0x7FA];
	v33 =	vld [tilespmem:$0x6CC0];
	v3 =	vpsel !p2, $0x0, v3;
	v1 =	vadd.s32 v1, v2;
	p2 =	seq.s32 s28, $0x1  }
0x17f: {  	s16 =	sld [smem:$0x7FB];
	v34 =	vld [tilespmem:$0x6CD0];
	v4 =	vpsel !p2, $0x0, v4;
	v1 =	vadd.s32 v3, v1;
	p2 =	seq.s32 s29, $0x1  }
0x180: {  	s17 =	sld [smem:$0x7FC];
	v35 =	vld [tilespmem:$0x6CE0];
	v5 =	vpsel !p2, $0x0, v5;
	v1 =	vadd.s32 v4, v1;
	p2 =	seq.s32 s30, $0x1  }
0x181: {  	s21 =	sld [smem:$0x7FD];
	v36 =	vld [tilespmem:$0x6CF0];
	v6 =	vpsel !p2, $0x0, v6;
	v1 =	vadd.s32 v5, v1;
	p2 =	seq.s32 s31, $0x1  }
0x182: {  	v37 =	vld [tilespmem:$0x6D00];
	v7 =	vpsel !p2, $0x0, v7;
	v1 =	vadd.s32 v6, v1;
	p2 =	seq.s32 s16, $0x1  }
0x183: {  	v38 =	vld [tilespmem:$0x6D10];
	v2 =	vpsel !p2, $0x0, v33;
	v1 =	vadd.s32 v7, v1;
	p2 =	seq.s32 s17, $0x1  }
0x184: {  	v39 =	vld [tilespmem:$0x6D20];
	v3 =	vpsel !p2, $0x0, v34;
	v1 =	vadd.s32 v2, v1;
	p2 =	seq.s32 s21, $0x1  }
0x185: {  	v40 =	vld [tilespmem:$0x6D30];
	v4 =	vpsel !p2, $0x0, v35;
	v1 =	vadd.s32 v3, v1  }
0x186: {  	v5 =	vpsel !p3, $0x0, v36;
	v1 =	vadd.s32 v4, v1  }
0x187: {  	v41 =	vpsel !p4, $0x0, v37;
	v1 =	vadd.s32 v5, v1  }
0x188: {  	v42 =	vpsel !p5, $0x0, v38;
	v1 =	vadd.s32 v41, v1  }
0x189: {  	v2 =	vpsel !p6, $0x0, v39;
	v1 =	vadd.s32 v42, v1  }
0x18a: {  	v3 =	vpsel !p0, $0x0, v40;
	v1 =	vadd.s32 v2, v1  }
0x18b: {  	vm14 =	vcmask $0xB10;
	v1 =	vadd.s32 v3, v1  }
0x18c: {  	v1 =	vsel vm14, $0x0, v1  }
0x18d: {  	(xrf0) =	vadd.scan.msk.s32 $0xffff, v1;
	_ =	sdelay $0x5  }
0x18e: {  	v1, _, _ =	vpop (xrf0)  }
0x18f: {  	(v2sf) =	vpush v1, $0xF;
	_ =	sdelay $0x5  }
0x190: {  	v1 =	vlaneseq.u32  }
0x191: {  	vm15 =	vgt.s32 v0, v1;
	v44 =	vor.u32 $0x80, v1  }
0x192: {  	v45 =	vor.u32 $0x10, v1;
	v48 =	vor.u32 $0x90, v1;
	v50 =	vor.u32 $0x20, v1  }
0x193: {  	v52 =	vor.u32 $0xA0, v1;
	v10 =	vor.u32 $0x30, v1;
	v54 =	vor.u32 $0xB0, v1  }
0x194: {  	v55 =	vor.u32 $0x40, v1;
	v56 =	vor.u32 $0xC0, v1;
	v15 =	vor.u32 $0x50, v1  }
0x195: {  	v58 =	vor.u32 $0x60, v1;
	v59 =	vor.u32 $0xD0, v1;
	v61 =	vor.u32 $0x70, v1  }
0x196: {  	v21 =	vor.u32 $0xE0, v1;
	v24 =	vor.u32 $0xF0, v1;
	v26 =	vor.u32 $0x100, v1  }
0x197: {  	v30 =	vor.u32 $0x110, v1;
	v33 =	vor.u32 $0x120, v1;
	v35 =	vor.u32 $0x130, v1  }
0x198: {  	v39 =	vor.u32 $0x140, v1;
	v40 =	vor.u32 $0x180, v1;
	v42 =	vor.u32 $0x150, v1  }
0x199: {  	vm4 =	vgt.s32 v0, v45;
	vm5 =	vgt.s32 v0, v50;
	vm7 =	vgt.s32 v0, v10;
	s22 =	spop (v2sf)  }
0x19a: {  	vm9 =	vgt.s32 v0, v55;
	vm11 =	vgt.s32 v0, v15;
	vm13 =	vgt.s32 v0, v58;
	s14 =	sadd.s32 s20, s22  }
0x19b: {  	vm3 =	vgt.s32 v0, v44;
	v43 =	vadd.s32 s14, v1;
	v46 =	vadd.s32 s14, v44  }
0x19c: {  	v47 =	vadd.s32 s14, v45;
	v49 =	vadd.s32 s14, v48;
	v9 =	vadd.s32 s14, v50  }
0x19d: {  	v53 =	vadd.s32 s14, v52;
	v12 =	vadd.s32 s14, v10;
	v13 =	vadd.s32 s14, v54  }
0x19e: {  	v14 =	vadd.s32 s14, v55;
	v57 =	vadd.s32 s14, v56;
	v18 =	vadd.s32 s14, v15  }
0x19f: {  	v19 =	vadd.s32 s14, v58;
	v20 =	vadd.s32 s14, v59;
	v62 =	vadd.s32 s14, v21  }
0x1a0: {  	v25 =	vadd.s32 s14, v24;
	v27 =	vadd.s32 s14, v26;
	v31 =	vadd.s32 s14, v30  }
0x1a1: {  	v34 =	vadd.s32 s14, v33;
	v36 =	vadd.s32 s14, v35;
	v41 =	vadd.s32 s14, v39  }
0x1a2: {  	v6 =	vadd.s32 s14, v40;
	v44 =	vadd.s32 s14, v42;
	v45 =	vor.u32 $0x190, v1  }
0x1a3: {  	vm1 =	vlt.s32 v43, $0x180;
	vm2 =	vlt.s32 v47, $0x180;
	vm6 =	vlt.s32 v9, $0x180  }
0x1a4: {  	vm8 =	vlt.s32 v12, $0x180;
	vm10 =	vlt.s32 v14, $0x180;
	vm12 =	vlt.s32 v18, $0x180  }
0x1a5: {  	vm14 =	vlt.s32 v19, $0x180;
	v19 =	vadd.s32 s14, v61;
	v2 =	vadd.s32 s14, v45  }
0x1a6: {  	v47 =	vor.u32 $0x160, v1;
	vm0 =	vmand vm15, vm1;
	vm1 =	vmand vm4, vm2  }
0x1a7: {  	vm15 =	vmand vm13, vm14;
	vm4 =	vgt.s32 v0, v52;
	vm13 =	vlt.s32 v13, $0x180  }
0x1a8: {  	v51 =	vnsel vm0, $0x200, v46;
	v8 =	vnsel vm1, $0x200, v49;
	vm0 =	vmand vm5, vm6  }
0x1a9: {  	vm1 =	vmand vm9, vm10;
	vm6 =	vgt.s32 v0, v61;
	v63 =	vnsel vm15, $0x200, v62  }
0x1aa: {  	vm9 =	vgt.s32 v0, v48;
	vm10 =	vlt.s32 v49, $0x180;
	vm5 =	vlt.s32 v53, $0x180  }
0x1ab: {  	vm15 =	vgt.s32 v0, v56;
	v48 =	vor.u32 $0x170, v1;
	v49 =	vadd.s32 s14, v47  }
0x1ac: {  	v56 =	vor.u32 $0x1C0, v1;
	v11 =	vnsel vm0, $0x200, v53;
	vm0 =	vmand vm7, vm8  }
0x1ad: {  	v17 =	vnsel vm1, $0x200, v57;
	vm7 =	vlt.s32 v19, $0x180;
	vm8 =	vlt.s32 v46, $0x180  }
0x1ae: {  	vm14 =	vmand vm4, vm5;
	[tilespmem:$0x6AC0] =	vst v51;
	v50 =	vadd.s32 s14, v48;
	v51 =	vor.u32 $0x1A0, v1  }
0x1af: {  	vm5 =	vlt.s32 v41, $0x180;
	v3 =	vadd.s32 s14, v56;
	v16 =	vnsel vm0, $0x200, v13  }
0x1b0: {  	vm0 =	vmand vm11, vm12;
	vm1 =	vmand vm6, vm7;
	vm11 =	vgt.s32 v0, v54  }
0x1b1: {  	[tilespmem:$0x6AD0] =	vst v8;
	vm12 =	vmand vm9, vm10;
	vm9 =	vgt.s32 v0, v59;
	vm10 =	vlt.s32 v20, $0x180  }
0x1b2: {  	[tilespmem:$0x6B20] =	vst v63;
	v37 =	vnsel vm14, $0x200, v34;
	vm14 =	vlt.s32 v25, $0x180;
	v14 =	vadd.s32 s14, v51  }
0x1b3: {  	[tilespmem:$0x6AE0] =	vst v11;
	v54 =	vor.u32 $0x1B0, v1;
	vm7 =	vgt.s32 v0, v42;
	v60 =	vnsel vm0, $0x200, v20  }
0x1b4: {  	[tilespmem:$0x6B00] =	vst v17;
	vm0 =	vmand vm3, vm8;
	v28 =	vnsel vm1, $0x200, v25;
	vm8 =	vlt.s32 v57, $0x180  }
0x1b5: {  	v32 =	vnsel vm12, $0x200, v31;
	vm1 =	vmand vm11, vm13;
	vm11 =	vgt.s32 v0, v21;
	[tilespmem:$0x6AF0] =	vst v16  }
0x1b6: {  	vm2 =	vmand vm9, vm10;
	vm12 =	vlt.s32 v62, $0x180;
	vm13 =	vgt.s32 v0, v24;
	[tilespmem:$0x6B60] =	vst v37  }
0x1b7: {  	vm9 =	vlt.s32 v27, $0x180;
	vm10 =	vgt.s32 v0, v30;
	v4 =	vadd.s32 s14, v54;
	[tilespmem:$0x6B10] =	vst v60  }
0x1b8: {  	v57 =	vor.u32 $0x1D0, v1;
	v62 =	vor.u32 $0x1F0, v1;
	v29 =	vnsel vm0, $0x200, v27;
	[tilespmem:$0x6B30] =	vst v28  }
0x1b9: {  	vm4 =	vmand vm15, vm8;
	vm0 =	vmand vm11, vm12;
	v38 =	vnsel vm1, $0x200, v36;
	[tilespmem:$0x6B50] =	vst v32  }
0x1ba: {  	vm15 =	vmand vm13, vm14;
	vm8 =	vgt.s32 v0, v26;
	vm11 =	vlt.s32 v31, $0x180;
	[tilespmem:$0x6B40] =	vst v29  }
0x1bb: {  	v46 =	vnsel vm2, $0x200, v44;
	vm12 =	vgt.s32 v0, v33;
	vm13 =	vlt.s32 v34, $0x180;
	[tilespmem:$0x6B70] =	vst v38  }
0x1bc: {  	vm14 =	vgt.s32 v0, v35;
	v59 =	vadd.s32 s14, v57;
	v43 =	vnsel vm4, $0x200, v41;
	[tilespmem:$0x6B90] =	vst v46  }
0x1bd: {  	v60 =	vor.u32 $0x1E0, v1;
	vm3 =	vmand vm8, vm9;
	v52 =	vnsel vm0, $0x200, v49;
	[tilespmem:$0x6B80] =	vst v43  }
0x1be: {  	vm2 =	vmand vm12, vm13;
	v53 =	vnsel vm15, $0x200, v50;
	vm15 =	vlt.s32 v36, $0x180;
	[tilespmem:$0x6BA0] =	vst v52  }
0x1bf: {  	vm4 =	vgt.s32 v0, v39;
	vm8 =	vlt.s32 v44, $0x180;
	v6 =	vnsel vm3, $0x200, v6;
	[tilespmem:$0x6BB0] =	vst v53  }
0x1c0: {  	v61 =	vadd.s32 s14, v60;
	vm3 =	vmand vm10, vm11;
	v55 =	vnsel vm2, $0x200, v14;
	[tilespmem:$0x6BC0] =	vst v6  }
0x1c1: {  	vm13 =	vgt.s32 v0, v48;
	vm0 =	vmand vm14, vm15;
	v2 =	vnsel vm3, $0x200, v2;
	[tilespmem:$0x6BE0] =	vst v55  }
0x1c2: {  	vm6 =	vmand vm4, vm5;
	vm9 =	vmand vm7, vm8;
	v4 =	vnsel vm0, $0x200, v4;
	[tilespmem:$0x6BD0] =	vst v2  }
0x1c3: {  	vm10 =	vgt.s32 v0, v47;
	vm11 =	vlt.s32 v49, $0x180;
	v58 =	vnsel vm6, $0x200, v3;
	[tilespmem:$0x6BF0] =	vst v4  }
0x1c4: {  	vm14 =	vlt.s32 v50, $0x180;
	v3 =	vnsel vm9, $0x200, v59;
	vm12 =	vmand vm10, vm11;
	[tilespmem:$0x6C00] =	vst v58  }
0x1c5: {  	v0 =	vadd.s32 s14, v62;
	vm15 =	vmand vm13, vm14;
	v63 =	vnsel vm12, $0x200, v61;
	[tilespmem:$0x6C10] =	vst v3  }
0x1c6: {  	v0 =	vnsel vm15, $0x200, v0;
	[tilespmem:$0x6C20] =	vst v63  }
0x1c7: {  	s23 =	simm.s32 $0x80;
	s24 =	simm.s32 $0x6AC0;
	s25 =	simm.s32 $0x66B0;
	[tilespmem:$0x6C30] =	vst v0  }
0x1c8: {  	[spmem:s3] =	stream.indirect.scatter [tilespmem:s25], [sflag:$0x1], $0x1, s24, s23, $0xb8;
	[tilespmem:$0x7128] =	vst v63  }
0x1c9: {  	s26 =	simm.s32 $0x6B40;
	s28 =	simm.s32 $0x6730  }
0x1ca: {  	[spmem:s3] =	stream.indirect.scatter [tilespmem:s28], [sflag:$0x1], $0x1, s26, s23, $0xb8;
	[tilespmem:$0x7128] =	vst v63  }
0x1cb: {  	s29 =	simm.s32 $0x6BC0;
	s30 =	simm.s32 $0x67B0;
	s31 =	simm.s32 $0x1  }
0x1cc: {  	[spmem:s3] =	stream.indirect.scatter [tilespmem:s30], [sflag:$0x1], $0x1, s29, s23, $0xb8;
	[tilespmem:$0x7128] =	vst v63  }
0x1cd: {  	_ =	swait.ge [sflag:s31], $0x80  }
0x1ce: {  	[sflag:s31] =	ssyncset.done $0x0  }
0x1cf: {  	[sflag:s31] =	ssyncadd.s32 $0xFFFFFF80  }
0x1d0: {  	_ =	swait.ge [sflag:s31], $0x80  }
0x1d1: {  	[sflag:s31] =	ssyncset.done $0x0  }
0x1d2: {  	[sflag:s31] =	ssyncadd.s32 $0xFFFFFF80  }
0x1d3: {  	_ =	swait.ge [sflag:s31], $0x80  }
0x1d4: {  	[sflag:s31] =	ssyncset.done $0x0  }
0x1d5: {  	[sflag:s31] =	ssyncadd.s32 $0xFFFFFF80  }
.LBB2_10:
0x1d6: {  	s14 =	simm.s32 $0x1  }
0x1d7: {  	_ =	swait.ge [sflag:s14], $0x80  }
0x1d8: {  	[sflag:s14] =	ssyncset.done $0x0  }
0x1d9: {  	[sflag:s14] =	ssyncadd.s32 $0xFFFFFF80  }
0x1da: {  	_ =	swait.ge [sflag:s14], $0x80  }
0x1db: {  	[sflag:s14] =	ssyncset.done $0x0  }
0x1dc: {  	[sflag:s14] =	ssyncadd.s32 $0xFFFFFF80  }
0x1dd: {  	_ =	swait.ge [sflag:s14], $0x80  }
0x1de: {  	[sflag:s14] =	ssyncset.done $0x0  }
0x1df: {  	[sflag:s14] =	ssyncadd.s32 $0xFFFFFF80  }
0x1e0: {  	_ =	swait.ge [sflag:s14], $0x80  }
0x1e1: {  	[sflag:s14] =	ssyncset.done $0x0  }
0x1e2: {  	[sflag:s14] =	ssyncadd.s32 $0xFFFFFF80  }
0x1e3: {  	s16 =	simm.s32 $0x6D50;
	s3 =	simm.s32 $0x2;
	[bflag:$0x0] =	sbarrier.arrive $0xFFFF  }
0x1e4: {  	[tilespmem:s16], [sflag:$0x2] =	stream.linear.gather [spmem:s19], $0x20, $0x38;
	[tilespmem:$0x7128] =	vst v63  }
0x1e5: {  	_ =	swait.ge [sflag:s3], $0x20  }
0x1e6: {  	[sflag:s3] =	ssyncset.done $0x0  }
0x1e7: {  	s17 =	simm.s32 $0x20;
	s30 =	simm.s32 $0x6DF0;
	[sflag:s3] =	ssyncadd.s32 $0xFFFFFFE0  }
0x1e8: {  	[tilespmem:s30], [sflag:$0x1] =	stream.indirect.gather [hbm4b:s13+s17], $0x1, s16, s17, $0xb8;
	[tilespmem:$0x7128] =	vst v63  }
0x1e9: {  	s31 =	simm.s32 $0x6E10  }
0x1ea: {  	[tilespmem:s31], [sflag:$0x1] =	stream.indirect.gather [hbm4b:s10+s17], $0x1, s16, s17, $0xb8;
	[tilespmem:$0x7128] =	vst v63  }
0x1eb: {  	s19 =	simm.s32 $0x6D70  }
0x1ec: {  	[tilespmem:s19], [sflag:$0x1] =	stream.indirect.gather [hbm4b:s11+s17], $0x1, s16, s17, $0xb8;
	[tilespmem:$0x7128] =	vst v63  }
0x1ed: {  	s20 =	simm.s32 $0x6D90  }
0x1ee: {  	[tilespmem:s20], [sflag:$0x1] =	stream.indirect.gather [hbm4b:s8+s17], $0x1, s16, s17, $0xb8;
	[tilespmem:$0x7128] =	vst v63  }
0x1ef: {  	s21 =	simm.s32 $0x6DB0  }
0x1f0: {  	[tilespmem:s21], [sflag:$0x1] =	stream.indirect.gather [hbm4b:s12+s17], $0x1, s16, s17, $0xb8;
	[tilespmem:$0x7128] =	vst v63  }
0x1f1: {  	s22 =	simm.s32 $0x6DD0  }
0x1f2: {  	[tilespmem:s22], [sflag:$0x1] =	stream.indirect.gather [hbm4b:s9+s17], $0x1, s16, s17, $0xb8;
	[tilespmem:$0x7128] =	vst v63  }
0x1f3: {  	_ =	swait.ge [sflag:s14], $0x20  }
0x1f4: {  	[sflag:s14] =	ssyncset.done $0x0  }
0x1f5: {  	[sflag:s14] =	ssyncadd.s32 $0xFFFFFFE0  }
0x1f6: {  	_ =	swait.ge [sflag:s14], $0x20  }
0x1f7: {  	[sflag:s14] =	ssyncset.done $0x0  }
0x1f8: {  	[sflag:s14] =	ssyncadd.s32 $0xFFFFFFE0  }
0x1f9: {  	_ =	swait.ge [sflag:s14], $0x20  }
0x1fa: {  	[sflag:s14] =	ssyncset.done $0x0  }
0x1fb: {  	[sflag:s14] =	ssyncadd.s32 $0xFFFFFFE0  }
0x1fc: {  	_ =	swait.ge [sflag:s14], $0x20  }
0x1fd: {  	[sflag:s14] =	ssyncset.done $0x0  }
0x1fe: {  	[sflag:s14] =	ssyncadd.s32 $0xFFFFFFE0  }
0x1ff: {  	_ =	swait.ge [sflag:s14], $0x20  }
0x200: {  	[sflag:s14] =	ssyncset.done $0x0  }
0x201: {  	[sflag:s14] =	ssyncadd.s32 $0xFFFFFFE0  }
0x202: {  	_ =	swait.ge [sflag:s14], $0x20  }
0x203: {  	[sflag:s14] =	ssyncset.done $0x0  }
0x204: {  	s23 =	simm.s32 $0x6EB0;
	[sflag:s14] =	ssyncadd.s32 $0xFFFFFFE0  }
0x205: {  	[tilespmem:s23], [sflag:$0x1] =	stream.indirect.gather [hbm4b:s2+s17], $0x1, s31, s17, $0xb8;
	[tilespmem:$0x7128] =	vst v63  }
0x206: {  	s24 =	simm.s32 $0x6E30  }
0x207: {  	[tilespmem:s24], [sflag:$0x1] =	stream.indirect.gather [hbm4b:s7+s17], $0x1, s31, s17, $0xb8;
	[tilespmem:$0x7128] =	vst v63  }
0x208: {  	s25 =	simm.s32 $0x6E50  }
0x209: {  	[tilespmem:s25], [sflag:$0x1] =	stream.indirect.gather [hbm4b:s6+s17], $0x1, s31, s17, $0xb8;
	[tilespmem:$0x7128] =	vst v63  }
0x20a: {  	s26 =	simm.s32 $0x6E70  }
0x20b: {  	[tilespmem:s26], [sflag:$0x1] =	stream.indirect.gather [hbm4b:s4+s17], $0x1, s31, s17, $0xb8;
	[tilespmem:$0x7128] =	vst v63  }
0x20c: {  	s28 =	simm.s32 $0x6E90  }
0x20d: {  	[tilespmem:s28], [sflag:$0x1] =	stream.indirect.gather [hbm4b:s5+s17], $0x1, s31, s17, $0xb8;
	[tilespmem:$0x7128] =	vst v63  }
0x20e: {  	_ =	swait.ge [sflag:s14], $0x20  }
0x20f: {  	[sflag:s14] =	ssyncset.done $0x0  }
0x210: {  	[sflag:s14] =	ssyncadd.s32 $0xFFFFFFE0  }
0x211: {  	_ =	swait.ge [sflag:s14], $0x20  }
0x212: {  	[sflag:s14] =	ssyncset.done $0x0  }
0x213: {  	[sflag:s14] =	ssyncadd.s32 $0xFFFFFFE0  }
0x214: {  	_ =	swait.ge [sflag:s14], $0x20  }
0x215: {  	[sflag:s14] =	ssyncset.done $0x0  }
0x216: {  	[sflag:s14] =	ssyncadd.s32 $0xFFFFFFE0  }
0x217: {  	_ =	swait.ge [sflag:s14], $0x20  }
0x218: {  	[sflag:s14] =	ssyncset.done $0x0  }
0x219: {  	[sflag:s14] =	ssyncadd.s32 $0xFFFFFFE0  }
0x21a: {  	_ =	swait.ge [sflag:s14], $0x20  }
0x21b: {  	v0 =	vlaneseq.u32;
	[sflag:s14] =	ssyncset.done $0x0  }
0x21c: {  	v0 =	vmul.u32 $0x10, v0;
	[sflag:s14] =	ssyncadd.s32 $0xFFFFFFE0  }
0x21d: {  	v1 =	vld [tilespmem:$0x6D70];
	_ =	sdelay $0x3  }
0x21e: {  	s29 =	simm.s32 $0x6ED0  }
0x21f: {  	[tilespmem:v0+s29+$0x0] =	vst.idx.msk $0xffff, v1  }
0x220: {  	v2 =	vor.u32 $0x4, v0;
	v1 =	vld [tilespmem:$0x6E30];
	_ =	sdelay $0x4  }
0x221: {  	[tilespmem:v2+s29+$0x0] =	vst.idx.msk $0xffff, v1  }
0x222: {  	v49 =	vor.u32 $0x1, v0;
	v1 =	vld [tilespmem:$0x6D90];
	_ =	sdelay $0x4  }
0x223: {  	[tilespmem:v49+s29+$0x0] =	vst.idx.msk $0xffff, v1  }
0x224: {  	v50 =	vor.u32 $0x5, v0;
	v1 =	vld [tilespmem:$0x6E50];
	_ =	sdelay $0x4  }
0x225: {  	[tilespmem:v50+s29+$0x0] =	vst.idx.msk $0xffff, v1  }
0x226: {  	v51 =	vor.u32 $0x2, v0;
	v1 =	vld [tilespmem:$0x6DB0];
	_ =	sdelay $0x4  }
0x227: {  	[tilespmem:v51+s29+$0x0] =	vst.idx.msk $0xffff, v1  }
0x228: {  	v52 =	vor.u32 $0x6, v0;
	v1 =	vld [tilespmem:$0x6E70];
	_ =	sdelay $0x4  }
0x229: {  	[tilespmem:v52+s29+$0x0] =	vst.idx.msk $0xffff, v1  }
0x22a: {  	v53 =	vor.u32 $0x3, v0;
	v1 =	vld [tilespmem:$0x6DD0];
	_ =	sdelay $0x4  }
0x22b: {  	[tilespmem:v53+s29+$0x0] =	vst.idx.msk $0xffff, v1  }
0x22c: {  	v54 =	vor.u32 $0x7, v0;
	v1 =	vld [tilespmem:$0x6E90];
	_ =	sdelay $0x4  }
0x22d: {  	[tilespmem:v54+s29+$0x0] =	vst.idx.msk $0xffff, v1  }
0x22e: {  	v55 =	vor.u32 $0x8, v0;
	v1 =	vld [tilespmem:$0x6DF0];
	_ =	sdelay $0x4  }
0x22f: {  	[tilespmem:v55+s29+$0x0] =	vst.idx.msk $0xffff, v1  }
0x230: {  	v2 =	vld [tilespmem:$0x6EB0];
	_ =	sdelay $0x1  }
0x231: {  	v4 =	vor.u32 $0x100, v0;
	v3 =	vld [tilespmem:$0x6D80];
	_ =	sdelay $0x1  }
0x232: {  	vm0 =	vge.f32 v1, $5.000000000e-01  }
0x233: {  	v1 =	vnsel vm0, $0x50, v2  }
0x234: {  	[tilespmem:$0x70D0] =	vst v1  }
0x235: {  	[tilespmem:v4+s29+$0x0] =	vst.idx.msk $0xffff, v3  }
0x236: {  	v57 =	vor.u32 $0x104, v0;
	v56 =	vld [tilespmem:$0x6E40];
	_ =	sdelay $0x4  }
0x237: {  	[tilespmem:v57+s29+$0x0] =	vst.idx.msk $0xffff, v56  }
0x238: {  	v58 =	vor.u32 $0x101, v0;
	v1 =	vld [tilespmem:$0x6DA0];
	_ =	sdelay $0x4  }
0x239: {  	[tilespmem:v58+s29+$0x0] =	vst.idx.msk $0xffff, v1  }
0x23a: {  	v59 =	vor.u32 $0x105, v0;
	v1 =	vld [tilespmem:$0x6E60];
	_ =	sdelay $0x4  }
0x23b: {  	[tilespmem:v59+s29+$0x0] =	vst.idx.msk $0xffff, v1  }
0x23c: {  	v60 =	vor.u32 $0x102, v0;
	v1 =	vld [tilespmem:$0x6DC0];
	_ =	sdelay $0x4  }
0x23d: {  	[tilespmem:v60+s29+$0x0] =	vst.idx.msk $0xffff, v1  }
0x23e: {  	v61 =	vor.u32 $0x106, v0;
	v1 =	vld [tilespmem:$0x6E80];
	_ =	sdelay $0x4  }
0x23f: {  	[tilespmem:v61+s29+$0x0] =	vst.idx.msk $0xffff, v1  }
0x240: {  	v62 =	vor.u32 $0x103, v0;
	v1 =	vld [tilespmem:$0x6DE0];
	_ =	sdelay $0x4  }
0x241: {  	[tilespmem:v62+s29+$0x0] =	vst.idx.msk $0xffff, v1  }
0x242: {  	v63 =	vor.u32 $0x107, v0;
	v1 =	vld [tilespmem:$0x6EA0];
	_ =	sdelay $0x4  }
0x243: {  	[tilespmem:v63+s29+$0x0] =	vst.idx.msk $0xffff, v1  }
0x244: {  	v0 =	vor.u32 $0x108, v0;
	v1 =	vld [tilespmem:$0x6E00];
	_ =	sdelay $0x4  }
0x245: {  	[tilespmem:v0+s29+$0x0] =	vst.idx.msk $0xffff, v1  }
0x246: {  	v0 =	vld [tilespmem:$0x6EC0];
	_ =	sdelay $0x3  }
0x247: {  	vm15 =	vge.f32 v1, $5.000000000e-01  }
0x248: {  	v0 =	vnsel vm15, $0x50, v0  }
0x249: {  	s30 =	simm.s32 $0x0;
	[tilespmem:$0x70E0] =	vst v0  }
0x24a: {  	[hbm4b:s18+s30] =	stream.linear.scatter [tilespmem:s29], [sflag:$0x2], $0x200, $0x38;
	[tilespmem:$0x7128] =	vst v63  }
0x24b: {  	_ =	swait.ge [sflag:s3], $0x200  }
0x24c: {  	[sflag:s3] =	ssyncset.done $0x0  }
0x24d: {  	s31 =	simm.s32 $0x70D0;
	[sflag:s3] =	ssyncadd.s32 $0xFFFFFE00  }
0x24e: {  	[hbm4b:s15+s30] =	stream.linear.scatter [tilespmem:s31], [sflag:$0x2], $0x20, $0x38;
	[tilespmem:$0x7128] =	vst v63  }
0x24f: {  	_ =	swait.ge [sflag:s3], $0x20  }
0x250: {  	[sflag:s3] =	ssyncset.done $0x0  }
0x251: {  	[sflag:s3] =	ssyncadd.s32 $0xFFFFFFE0  }
0x252: {  	_ =	sfence.sel $0x180000  }
0x253: {  	[bflag:$0x0] =	sbarrier.arrive $0xFFFF  }
0x254: {  	p0 =	sne.s32 s1, $0x0;
	_ =	strace $0x90000047  }
0x255: {  	s0 =	sadd.s32 @!p0 $0x100000, s0;
	[bflag:$0x2] =	sbarrier.arrive $0xFFFF  }
0x256: {  	[sflag:s0] =	ssyncadd.tile.s32 @!p0 $0x1;
	_ =	shalt  }
.Lfunc_end2:
_tile_overlayer_lowered:
.L_overlay_start_2:
0x257: {  	(tag) =	ssettag $0x2  }
0x258: {  	s0 =	rddreg [dreg:$0x0];
	s2 =	stileid.u32  }
0x259: {  	s1 =	rddreg [dreg:$0x1];
	p0 =	sne.s32 s2, $0x0  }
0x25a: {  	s3 =	rddreg [dreg:$0x2];
	[bflag:$0x3] =	sbarrier.arrive $0xFFFF;
	s2 =	simm.s32 @!p0 $0x1C02  }
0x25b: {  	[timem:s3], [sflag:s2] =	dma.local @!p0 [hbm:s0], s1  }
0x25c: {  	s0 =	simm.s32 @!p0 $0x2  }
0x25d: {  	_ =	swait.ge @!p0 [sflag:s0], s1  }
0x25e: {  	s1 =	ssub.s32 @!p0 $0x0, s1;
	[sflag:s0] =	ssyncset.done @!p0 $0x0  }
0x25f: {  	[sflag:s0] =	ssyncadd.s32 @!p0 s1  }
0x260: {  	[bflag:$0x3] =	sbarrier.arrive $0xFFFF  }
0x261: {  	_ =	shalt  }

</sc_bundles>
